<compile_context>
chip_gen: v7x
topology: tpu7x:2x2x1
jax: 0.10.2.dev20260603
libtpu: 0.0.44.dev20260713+nightly
codegen_flags: <defaults>
</compile_context>

<pallas_src>
import functools

import jax
import jax.numpy as jnp
from jax import lax
from jax.experimental import pallas as pl
from jax.experimental.pallas import tpu as pltpu
from jax.experimental.pallas import tpu_sc as plsc

N = 10000
E = 320000
H = 128

NUM_TILES = 16
CHUNK = 40
EDGE_ROWS = E // CHUNK
ROWS_PER_TILE = EDGE_ROWS // NUM_TILES
N_PAD = 10240
OUT_ROWS_PER_TILE = N_PAD // NUM_TILES
ZCHUNK = 128
NBUF = 4
STEPS = ROWS_PER_TILE // NBUF


def _seg_body(h_hbm, c_hbm, ei_hbm, hout_hbm, cout_hbm,
              sbuf, dbuf, rows, acc, sem_i, sem_g, sem_s):
    cid = lax.axis_index("c")
    sid = lax.axis_index("s")
    tile_row0 = sid * ROWS_PER_TILE

    zero = jnp.zeros((16,), jnp.float32)

    def _zrow(i, carry):
        for j in range(H // 16):
            rows[NBUF, i, pl.ds(j * 16, 16)] = zero
        return carry

    lax.fori_loop(0, CHUNK, _zrow, 0)

    pltpu.sync_copy(ei_hbm.at[0, pl.ds(tile_row0, NBUF)], sbuf.at[0])
    pltpu.sync_copy(ei_hbm.at[1, pl.ds(tile_row0, NBUF)], dbuf.at[0])

    def _run(table_hbm, out_hbm):
        for b in range(NBUF):
            pltpu.async_copy(table_hbm.at[sbuf.at[0, b]],
                             rows.at[b], sem_g.at[b])

        r0 = sid * OUT_ROWS_PER_TILE
        for z in range(OUT_ROWS_PER_TILE // CHUNK):
            pltpu.sync_copy(rows.at[NBUF], acc.at[pl.ds(r0 + z * CHUNK, CHUNK)])
        rem = OUT_ROWS_PER_TILE % CHUNK
        if rem:
            pltpu.sync_copy(rows.at[NBUF, pl.ds(0, rem)],
                            acc.at[pl.ds(r0 + OUT_ROWS_PER_TILE - rem, rem)])
        plsc.subcore_barrier()

        def _one_turn(j, u, tail):
            un = 1 - u
            def _drain_prev():
                for b in range(NBUF):
                    pltpu.make_async_copy(
                        rows.at[un * NBUF + b], acc.at[dbuf.at[0, 0]],
                        sem_s.at[un * NBUF + b]).wait()

            if tail:
                _drain_prev()
            else:
                @pl.when(j > 0)
                def _():
                    _drain_prev()

            if not tail:
                @pl.when(j < STEPS - 1)
                def _():
                    nxt = tile_row0 + (j + 1) * NBUF
                    pltpu.async_copy(ei_hbm.at[0, pl.ds(nxt, NBUF)],
                                     sbuf.at[un], sem_i.at[0])
                    pltpu.async_copy(ei_hbm.at[1, pl.ds(nxt, NBUF)],
                                     dbuf.at[un], sem_i.at[1])

            for b in range(NBUF):
                pltpu.make_async_copy(table_hbm.at[sbuf.at[0, 0]],
                                      rows.at[u * NBUF + b],
                                      sem_g.at[u * NBUF + b]).wait()
                pltpu.async_copy(rows.at[u * NBUF + b],
                                 acc.at[dbuf.at[u, b]],
                                 sem_s.at[u * NBUF + b], add=True)

            if not tail:
                @pl.when(j < STEPS - 1)
                def _():
                    pltpu.make_async_copy(ei_hbm.at[0, pl.ds(0, NBUF)],
                                          sbuf.at[0], sem_i.at[0]).wait()
                    pltpu.make_async_copy(ei_hbm.at[1, pl.ds(0, NBUF)],
                                          dbuf.at[0], sem_i.at[1]).wait()
                    for b in range(NBUF):
                        pltpu.async_copy(table_hbm.at[sbuf.at[un, b]],
                                         rows.at[un * NBUF + b],
                                         sem_g.at[un * NBUF + b])

        def _turn2(t, carry):
            _one_turn(2 * t, 0, False)
            _one_turn(2 * t + 1, 1, False)
            return carry

        lax.fori_loop(0, STEPS // 2, _turn2, 0)
        _one_turn(STEPS - 1, 0, True)
        for b in range(NBUF):
            pltpu.make_async_copy(rows.at[b], acc.at[dbuf.at[0, 0]],
                                  sem_s.at[b]).wait()
        plsc.subcore_barrier()
        for z in range(OUT_ROWS_PER_TILE // ZCHUNK):
            w0 = sid * OUT_ROWS_PER_TILE + z * ZCHUNK
            pltpu.sync_copy(acc.at[pl.ds(w0, ZCHUNK)],
                            out_hbm.at[pl.ds(w0, ZCHUNK)])

    @pl.when(cid == 0)
    def _():
        _run(h_hbm, hout_hbm)

    @pl.when(cid == 1)
    def _():
        _run(c_hbm, cout_hbm)


def _segment_sums(h, c, ei3):
    full = jax.ShapeDtypeStruct((N_PAD, H), jnp.float32)
    kfn = functools.partial(
        pl.kernel,
        out_type=[full, full],
        mesh=plsc.VectorSubcoreMesh(core_axis_name="c", subcore_axis_name="s"),
        compiler_params=pltpu.CompilerParams(use_tc_tiling_on_sc=False),
        scratch_types=[
            pltpu.VMEM((2, NBUF, CHUNK), jnp.int32),
            pltpu.VMEM((2, NBUF, CHUNK), jnp.int32),
            pltpu.VMEM((2 * NBUF, CHUNK, H), jnp.float32),
            pltpu.VMEM_SHARED((N_PAD, H), jnp.float32),
            pltpu.SemaphoreType.DMA((2,)),
            pltpu.SemaphoreType.DMA((2 * NBUF,)),
            pltpu.SemaphoreType.DMA((2 * NBUF,)),
        ],
    )(_seg_body)
    return kfn(h, c, ei3)


RB = 2000


def _dense_body(x_ref, hin_ref, cin_ref, w_ref, u_ref, b1_ref, b2_ref,
                hout_ref, cout_ref):
    dn = (((1,), (1,)), ((), ()))
    g = (lax.dot_general(x_ref[...], w_ref[...], dn,
                         preferred_element_type=jnp.float32)
         + lax.dot_general(hin_ref[...], u_ref[...], dn,
                           preferred_element_type=jnp.float32)
         + (b1_ref[...] + b2_ref[...]))
    i = jax.nn.sigmoid(g[:, 0:H])
    o = jax.nn.sigmoid(g[:, H:2 * H])
    u = jnp.tanh(g[:, 2 * H:3 * H])
    f = jax.nn.sigmoid(g[:, 3 * H:4 * H])
    c_new = i * u + f * cin_ref[...]
    hout_ref[...] = o * jnp.tanh(c_new)
    cout_ref[...] = c_new


def _dense(x, h_in, c_in, W, U, b1, b2):
    grid = (N // RB,)
    row_spec = pl.BlockSpec((RB, H), lambda i: (i, 0))
    full_w = pl.BlockSpec((4 * H, H), lambda i: (0, 0))
    bias_spec = pl.BlockSpec((1, 4 * H), lambda i: (0, 0))
    return pl.pallas_call(
        _dense_body,
        grid=grid,
        in_specs=[row_spec, row_spec, row_spec, full_w, full_w,
                  bias_spec, bias_spec],
        out_specs=[row_spec, row_spec],
        out_shape=[jax.ShapeDtypeStruct((N, H), jnp.float32),
                   jax.ShapeDtypeStruct((N, H), jnp.float32)],
    )(x, h_in, c_in, W, U, b1, b2)


def kernel(x, h, c, edge_index, W_iouf_w, W_iouf_b, U_iouf_w, U_iouf_b):
    ei3 = edge_index.reshape(2, EDGE_ROWS, CHUNK)
    h_in, c_in = _segment_sums(h, c, ei3)
    return _dense(x, h_in, c_in, W_iouf_w, U_iouf_w,
                  W_iouf_b.reshape(1, 4 * H), U_iouf_b.reshape(1, 4 * H))

# --- scband reference (transcript-rebuilt; emitter-appended) ---
"""Pipeline reference for scband-tree-lstmcellv2-25254407701045 (READ-ONLY COPY).

The authoritative reference and input builder live on the scoring server;
editing this copy changes nothing except your own understanding.
"""

import jax, jax.numpy as jnp
import numpy as np

N = 10000
E = 320000
X_SIZE = 128
H_SIZE = 128


def setup_inputs(seed: int = 0) -> dict:
    key = jax.random.key(seed)
    ks = jax.random.split(key, 8)
    x = jax.random.normal(ks[0], (N, X_SIZE), dtype=jnp.float32)
    h = jax.random.normal(ks[1], (N, H_SIZE), dtype=jnp.float32)
    c = jax.random.normal(ks[2], (N, H_SIZE), dtype=jnp.float32)
    edge_index = jax.random.randint(ks[3], (2, E), 0, N, dtype=jnp.int32)
    sw = 1.0 / np.sqrt(X_SIZE)
    su = 1.0 / np.sqrt(H_SIZE)
    W_iouf_w = jax.random.uniform(ks[4], (4 * H_SIZE, X_SIZE), dtype=jnp.float32, minval=-sw, maxval=sw)
    W_iouf_b = jax.random.uniform(ks[5], (4 * H_SIZE,), dtype=jnp.float32, minval=-sw, maxval=sw)
    U_iouf_w = jax.random.uniform(ks[6], (4 * H_SIZE, H_SIZE), dtype=jnp.float32, minval=-su, maxval=su)
    U_iouf_b = jax.random.uniform(ks[7], (4 * H_SIZE,), dtype=jnp.float32, minval=-su, maxval=su)
    return {"x": x, "h": h, "c": c, "edge_index": edge_index,
            "W_iouf_w": W_iouf_w, "W_iouf_b": W_iouf_b,
            "U_iouf_w": U_iouf_w, "U_iouf_b": U_iouf_b}


def reference(x, h, c, edge_index, W_iouf_w, W_iouf_b, U_iouf_w, U_iouf_b):
    # One tree-LSTM message-passing step (mode='sum'):
    # message_func: send src h, c along edges
    # reduce_func : sum incoming h, c per dst node, then gated update
    src = edge_index[0]
    dst = edge_index[1]
    n = x.shape[0]
    # x_iouf precomputed on node data (W_iouf applied to x)
    iouf = x @ W_iouf_w.T + W_iouf_b
    # gather src states and scatter-add into dst (sum reduction over mailbox)
    h_in = jax.ops.segment_sum(h[src], dst, num_segments=n)
    c_in = jax.ops.segment_sum(c[src], dst, num_segments=n)
    h_iouf = h_in @ U_iouf_w.T + U_iouf_b
    xi, xo, xu, xf = jnp.split(iouf, 4, axis=1)
    hi, ho, hu, hf = jnp.split(h_iouf, 4, axis=1)
    i = jax.nn.sigmoid(xi + hi)
    f = jax.nn.sigmoid(xf + hf)
    o = jax.nn.sigmoid(xo + ho)
    u = jnp.tanh(xu + hu)
    c_new = i * u + f * c_in
    h_new = o * jnp.tanh(c_new)
    return h_new, c_new

if __name__ == "__main__":
    import jax
    _d = setup_inputs()
    print(jax.jit(kernel)(*tuple(_d.values())))

</pallas_src>

<mosaic_0001>
#map = affine_map<(d0, d1) -> (0, 0)>
#map1 = affine_map<(d0, d1) -> (0, 0, 0)>
module attributes {stable_mosaic.version = 14 : i64} {
  func.func @_seg_body(%arg0: i32, %arg1: i32, %arg2: memref<10000x128xf32, #tpu.memory_space<hbm>>, %arg3: memref<10000x128xf32, #tpu.memory_space<hbm>>, %arg4: memref<2x8000x40xi32, #tpu.memory_space<hbm>>, %arg5: memref<10240x128xf32, #tpu.memory_space<hbm>>, %arg6: memref<10240x128xf32, #tpu.memory_space<hbm>>, %arg7: memref<2x4x40xi32, #tpu.memory_space<vmem>>, %arg8: memref<2x4x40xi32, #tpu.memory_space<vmem>>, %arg9: memref<8x40x128xf32, #tpu.memory_space<vmem>>, %arg10: memref<10240x128xf32, #tpu.memory_space<vmem_shared>>, %arg11: memref<2x!tpu.dma_semaphore, #tpu.memory_space<semaphore_mem>>, %arg12: memref<8x!tpu.dma_semaphore, #tpu.memory_space<semaphore_mem>>, %arg13: memref<8x!tpu.dma_semaphore, #tpu.memory_space<semaphore_mem>>) attributes {dimension_semantics = [#tpu.dimension_semantics<core_parallel>, #tpu.dimension_semantics<subcore_parallel>], iteration_bounds = array<i64: 2, 16>, scalar_prefetch = 0 : i64, scratch_operands = 7 : i64, tpu.core_type = #tpu.core_type<sc_vector_subcore>, window_params = [{transform_indices = #map}, {transform_indices = #map}, {transform_indices = #map1}, {transform_indices = #map}, {transform_indices = #map}]} {
    %mul3A = arith.constant 500 : i32
    %mul3A_0 = arith.muli %arg1, %mul3A : i32
    %broadcast_in_dim3A = arith.constant 0.000000e+00 : f32
    %broadcast_in_dim3A_1 = vector.broadcast %broadcast_in_dim3A : f32 to vector<16xf32>
    %scan3A = arith.constant 0 : i32
    %scan3A_2 = arith.constant 0 : i32
    %scan3A_3 = arith.constant 40 : i32
    %scan3A_4 = arith.addi %scan3A_2, %scan3A_3 : i32
    %scan3A_5 = arith.constant 1 : i32
    scf.for %scan3A_17 = %scan3A_2 to %scan3A_4 step %scan3A_5  : i32 {
      %swap3A = arith.constant 4 : i32
      %swap3A_18 = arith.index_cast %swap3A : i32 to index
      %swap3A_19 = arith.index_cast %scan3A_17 : i32 to index
      %swap3A_20 = arith.constant 0 : index
      %swap3A_21 = tpu.vector_load %arg9[%swap3A_18, %swap3A_19, %swap3A_20] {strides = array<i32>} : memref<8x40x128xf32, #tpu.memory_space<vmem>>, vector<1x1x16xf32>,
      %swap3A_22 = vector.shape_cast %swap3A_21 : vector<1x1x16xf32> to vector<16xf32>
      %swap3A_23 = vector.shape_cast %broadcast_in_dim3A_1 : vector<16xf32> to vector<1x1x16xf32>
      tpu.vector_store %arg9[%swap3A_18, %swap3A_19, %swap3A_20], %swap3A_23 {strides = array<i32>} : memref<8x40x128xf32, #tpu.memory_space<vmem>>, vector<1x1x16xf32>,
      %swap3A_24 = arith.constant 4 : i32
      %swap3A_25 = arith.index_cast %swap3A_24 : i32 to index
      %swap3A_26 = arith.index_cast %scan3A_17 : i32 to index
      %swap3A_27 = arith.constant 16 : index
      %swap3A_28 = tpu.vector_load %arg9[%swap3A_25, %swap3A_26, %swap3A_27] {strides = array<i32>} : memref<8x40x128xf32, #tpu.memory_space<vmem>>, vector<1x1x16xf32>,
      %swap3A_29 = vector.shape_cast %swap3A_28 : vector<1x1x16xf32> to vector<16xf32>
      %swap3A_30 = vector.shape_cast %broadcast_in_dim3A_1 : vector<16xf32> to vector<1x1x16xf32>
      tpu.vector_store %arg9[%swap3A_25, %swap3A_26, %swap3A_27], %swap3A_30 {strides = array<i32>} : memref<8x40x128xf32, #tpu.memory_space<vmem>>, vector<1x1x16xf32>,
      %swap3A_31 = arith.constant 4 : i32
      %swap3A_32 = arith.index_cast %swap3A_31 : i32 to index
      %swap3A_33 = arith.index_cast %scan3A_17 : i32 to index
      %swap3A_34 = arith.constant 32 : index
      %swap3A_35 = tpu.vector_load %arg9[%swap3A_32, %swap3A_33, %swap3A_34] {strides = array<i32>} : memref<8x40x128xf32, #tpu.memory_space<vmem>>, vector<1x1x16xf32>,
      %swap3A_36 = vector.shape_cast %swap3A_35 : vector<1x1x16xf32> to vector<16xf32>
      %swap3A_37 = vector.shape_cast %broadcast_in_dim3A_1 : vector<16xf32> to vector<1x1x16xf32>
      tpu.vector_store %arg9[%swap3A_32, %swap3A_33, %swap3A_34], %swap3A_37 {strides = array<i32>} : memref<8x40x128xf32, #tpu.memory_space<vmem>>, vector<1x1x16xf32>,
      %swap3A_38 = arith.constant 4 : i32
      %swap3A_39 = arith.index_cast %swap3A_38 : i32 to index
      %swap3A_40 = arith.index_cast %scan3A_17 : i32 to index
      %swap3A_41 = arith.constant 48 : index
      %swap3A_42 = tpu.vector_load %arg9[%swap3A_39, %swap3A_40, %swap3A_41] {strides = array<i32>} : memref<8x40x128xf32, #tpu.memory_space<vmem>>, vector<1x1x16xf32>,
      %swap3A_43 = vector.shape_cast %swap3A_42 : vector<1x1x16xf32> to vector<16xf32>
      %swap3A_44 = vector.shape_cast %broadcast_in_dim3A_1 : vector<16xf32> to vector<1x1x16xf32>
      tpu.vector_store %arg9[%swap3A_39, %swap3A_40, %swap3A_41], %swap3A_44 {strides = array<i32>} : memref<8x40x128xf32, #tpu.memory_space<vmem>>, vector<1x1x16xf32>,
      %swap3A_45 = arith.constant 4 : i32
      %swap3A_46 = arith.index_cast %swap3A_45 : i32 to index
      %swap3A_47 = arith.index_cast %scan3A_17 : i32 to index
      %swap3A_48 = arith.constant 64 : index
      %swap3A_49 = tpu.vector_load %arg9[%swap3A_46, %swap3A_47, %swap3A_48] {strides = array<i32>} : memref<8x40x128xf32, #tpu.memory_space<vmem>>, vector<1x1x16xf32>,
      %swap3A_50 = vector.shape_cast %swap3A_49 : vector<1x1x16xf32> to vector<16xf32>
      %swap3A_51 = vector.shape_cast %broadcast_in_dim3A_1 : vector<16xf32> to vector<1x1x16xf32>
      tpu.vector_store %arg9[%swap3A_46, %swap3A_47, %swap3A_48], %swap3A_51 {strides = array<i32>} : memref<8x40x128xf32, #tpu.memory_space<vmem>>, vector<1x1x16xf32>,
      %swap3A_52 = arith.constant 4 : i32
      %swap3A_53 = arith.index_cast %swap3A_52 : i32 to index
      %swap3A_54 = arith.index_cast %scan3A_17 : i32 to index
      %swap3A_55 = arith.constant 80 : index
      %swap3A_56 = tpu.vector_load %arg9[%swap3A_53, %swap3A_54, %swap3A_55] {strides = array<i32>} : memref<8x40x128xf32, #tpu.memory_space<vmem>>, vector<1x1x16xf32>,
      %swap3A_57 = vector.shape_cast %swap3A_56 : vector<1x1x16xf32> to vector<16xf32>
      %swap3A_58 = vector.shape_cast %broadcast_in_dim3A_1 : vector<16xf32> to vector<1x1x16xf32>
      tpu.vector_store %arg9[%swap3A_53, %swap3A_54, %swap3A_55], %swap3A_58 {strides = array<i32>} : memref<8x40x128xf32, #tpu.memory_space<vmem>>, vector<1x1x16xf32>,
      %swap3A_59 = arith.constant 4 : i32
      %swap3A_60 = arith.index_cast %swap3A_59 : i32 to index
      %swap3A_61 = arith.index_cast %scan3A_17 : i32 to index
      %swap3A_62 = arith.constant 96 : index
      %swap3A_63 = tpu.vector_load %arg9[%swap3A_60, %swap3A_61, %swap3A_62] {strides = array<i32>} : memref<8x40x128xf32, #tpu.memory_space<vmem>>, vector<1x1x16xf32>,
      %swap3A_64 = vector.shape_cast %swap3A_63 : vector<1x1x16xf32> to vector<16xf32>
      %swap3A_65 = vector.shape_cast %broadcast_in_dim3A_1 : vector<16xf32> to vector<1x1x16xf32>
      tpu.vector_store %arg9[%swap3A_60, %swap3A_61, %swap3A_62], %swap3A_65 {strides = array<i32>} : memref<8x40x128xf32, #tpu.memory_space<vmem>>, vector<1x1x16xf32>,
      %swap3A_66 = arith.constant 4 : i32
      %swap3A_67 = arith.index_cast %swap3A_66 : i32 to index
      %swap3A_68 = arith.index_cast %scan3A_17 : i32 to index
      %swap3A_69 = arith.constant 112 : index
      %swap3A_70 = tpu.vector_load %arg9[%swap3A_67, %swap3A_68, %swap3A_69] {strides = array<i32>} : memref<8x40x128xf32, #tpu.memory_space<vmem>>, vector<1x1x16xf32>,
      %swap3A_71 = vector.shape_cast %swap3A_70 : vector<1x1x16xf32> to vector<16xf32>
      %swap3A_72 = vector.shape_cast %broadcast_in_dim3A_1 : vector<16xf32> to vector<1x1x16xf32>
      tpu.vector_store %arg9[%swap3A_67, %swap3A_68, %swap3A_69], %swap3A_72 {strides = array<i32>} : memref<8x40x128xf32, #tpu.memory_space<vmem>>, vector<1x1x16xf32>,
    }
    %scan3A_6 = arith.constant 40 : i32
    %run_scoped3A = arith.constant 0 : i32
    %run_scoped3A_7 = arith.constant 0 : i32
    "tpu.region"() ({
      %run_scoped3A_17 = tpu.sem_alloc : memref<!tpu.dma_semaphore, #tpu.memory_space<semaphore_mem>>
      %dma_start3A = arith.constant 0 : i32
      %dma_start3A_18 = arith.constant 0 : i32
      %dma_start3A_19 = tpu.memref_slice %arg7[%run_scoped3A_7, %dma_start3A, %dma_start3A_18] : memref<2x4x40xi32, #tpu.memory_space<vmem>> -> memref<1x4x40xi32, #tpu.memory_space<vmem>>
      %dma_start3A_20 = tpu.memref_squeeze %dma_start3A_19 : memref<1x4x40xi32, #tpu.memory_space<vmem>> -> memref<4x40xi32, #tpu.memory_space<vmem>>
      %dma_start3A_21 = arith.constant 0 : i32
      %dma_start3A_22 = tpu.memref_slice %arg4[%run_scoped3A, %mul3A_0, %dma_start3A_21] : memref<2x8000x40xi32, #tpu.memory_space<hbm>> -> memref<1x4x40xi32, #tpu.memory_space<hbm>>
      %dma_start3A_23 = tpu.memref_squeeze %dma_start3A_22 : memref<1x4x40xi32, #tpu.memory_space<hbm>> -> memref<4x40xi32, #tpu.memory_space<hbm>>
      %dma_start3A_24 = arith.constant 0 : i32
      %dma_start3A_25 = arith.constant 0 : i32
      %dma_start3A_26 = tpu.memref_slice %arg7[%run_scoped3A_7, %dma_start3A_24, %dma_start3A_25] : memref<2x4x40xi32, #tpu.memory_space<vmem>> -> memref<1x4x40xi32, #tpu.memory_space<vmem>>
      %dma_start3A_27 = tpu.memref_squeeze %dma_start3A_26 : memref<1x4x40xi32, #tpu.memory_space<vmem>> -> memref<4x40xi32, #tpu.memory_space<vmem>>
      %dma_start3A_28 = arith.constant 0 : i32
      %dma_start3A_29 = tpu.memref_slice %arg4[%run_scoped3A, %mul3A_0, %dma_start3A_28] : memref<2x8000x40xi32, #tpu.memory_space<hbm>> -> memref<1x4x40xi32, #tpu.memory_space<hbm>>
      %dma_start3A_30 = tpu.memref_squeeze %dma_start3A_29 : memref<1x4x40xi32, #tpu.memory_space<hbm>> -> memref<4x40xi32, #tpu.memory_space<hbm>>
      tpu.enqueue_dma source(%dma_start3A_30 : memref<4x40xi32, #tpu.memory_space<hbm>>) target(%dma_start3A_27 : memref<4x40xi32, #tpu.memory_space<vmem>>) target_semaphore(%run_scoped3A_17 : memref<!tpu.dma_semaphore, #tpu.memory_space<semaphore_mem>>)
      %dma_wait3A = arith.constant 0 : i32
      %dma_wait3A_31 = arith.constant 0 : i32
      %dma_wait3A_32 = tpu.memref_slice %arg7[%run_scoped3A_7, %dma_wait3A, %dma_wait3A_31] : memref<2x4x40xi32, #tpu.memory_space<vmem>> -> memref<1x4x40xi32, #tpu.memory_space<vmem>>
      %dma_wait3A_33 = tpu.memref_squeeze %dma_wait3A_32 : memref<1x4x40xi32, #tpu.memory_space<vmem>> -> memref<4x40xi32, #tpu.memory_space<vmem>>
      %dma_wait3A_34 = arith.constant 0 : i32
      %dma_wait3A_35 = tpu.memref_slice %arg4[%run_scoped3A, %mul3A_0, %dma_wait3A_34] : memref<2x8000x40xi32, #tpu.memory_space<hbm>> -> memref<1x4x40xi32, #tpu.memory_space<hbm>>
      %dma_wait3A_36 = tpu.memref_squeeze %dma_wait3A_35 : memref<1x4x40xi32, #tpu.memory_space<hbm>> -> memref<4x40xi32, #tpu.memory_space<hbm>>
      %dma_wait3A_37 = arith.constant 0 : i32
      %dma_wait3A_38 = arith.constant 0 : i32
      %dma_wait3A_39 = tpu.memref_slice %arg7[%run_scoped3A_7, %dma_wait3A_37, %dma_wait3A_38] : memref<2x4x40xi32, #tpu.memory_space<vmem>> -> memref<1x4x40xi32, #tpu.memory_space<vmem>>
      %dma_wait3A_40 = tpu.memref_squeeze %dma_wait3A_39 : memref<1x4x40xi32, #tpu.memory_space<vmem>> -> memref<4x40xi32, #tpu.memory_space<vmem>>
      %dma_wait3A_41 = arith.constant 0 : i32
      %dma_wait3A_42 = tpu.memref_slice %arg4[%run_scoped3A, %mul3A_0, %dma_wait3A_41] : memref<2x8000x40xi32, #tpu.memory_space<hbm>> -> memref<1x4x40xi32, #tpu.memory_space<hbm>>
      %dma_wait3A_43 = tpu.memref_squeeze %dma_wait3A_42 : memref<1x4x40xi32, #tpu.memory_space<hbm>> -> memref<4x40xi32, #tpu.memory_space<hbm>>
      tpu.wait_dma2 semaphore(%run_scoped3A_17 : memref<!tpu.dma_semaphore, #tpu.memory_space<semaphore_mem>>) src(%dma_wait3A_43 : memref<4x40xi32, #tpu.memory_space<hbm>>) dst(%dma_wait3A_40 : memref<4x40xi32, #tpu.memory_space<vmem>>)
      tpu.yield
    }) : () -> ()
    %run_scoped3A_8 = arith.constant 1 : i32
    %run_scoped3A_9 = arith.constant 0 : i32
    "tpu.region"() ({
      %run_scoped3A_17 = tpu.sem_alloc : memref<!tpu.dma_semaphore, #tpu.memory_space<semaphore_mem>>
      %dma_start3A = arith.constant 0 : i32
      %dma_start3A_18 = arith.constant 0 : i32
      %dma_start3A_19 = tpu.memref_slice %arg8[%run_scoped3A_9, %dma_start3A, %dma_start3A_18] : memref<2x4x40xi32, #tpu.memory_space<vmem>> -> memref<1x4x40xi32, #tpu.memory_space<vmem>>
      %dma_start3A_20 = tpu.memref_squeeze %dma_start3A_19 : memref<1x4x40xi32, #tpu.memory_space<vmem>> -> memref<4x40xi32, #tpu.memory_space<vmem>>
      %dma_start3A_21 = arith.constant 0 : i32
      %dma_start3A_22 = tpu.memref_slice %arg4[%run_scoped3A_8, %mul3A_0, %dma_start3A_21] : memref<2x8000x40xi32, #tpu.memory_space<hbm>> -> memref<1x4x40xi32, #tpu.memory_space<hbm>>
      %dma_start3A_23 = tpu.memref_squeeze %dma_start3A_22 : memref<1x4x40xi32, #tpu.memory_space<hbm>> -> memref<4x40xi32, #tpu.memory_space<hbm>>
      %dma_start3A_24 = arith.constant 0 : i32
      %dma_start3A_25 = arith.constant 0 : i32
      %dma_start3A_26 = tpu.memref_slice %arg8[%run_scoped3A_9, %dma_start3A_24, %dma_start3A_25] : memref<2x4x40xi32, #tpu.memory_space<vmem>> -> memref<1x4x40xi32, #tpu.memory_space<vmem>>
      %dma_start3A_27 = tpu.memref_squeeze %dma_start3A_26 : memref<1x4x40xi32, #tpu.memory_space<vmem>> -> memref<4x40xi32, #tpu.memory_space<vmem>>
      %dma_start3A_28 = arith.constant 0 : i32
      %dma_start3A_29 = tpu.memref_slice %arg4[%run_scoped3A_8, %mul3A_0, %dma_start3A_28] : memref<2x8000x40xi32, #tpu.memory_space<hbm>> -> memref<1x4x40xi32, #tpu.memory_space<hbm>>
      %dma_start3A_30 = tpu.memref_squeeze %dma_start3A_29 : memref<1x4x40xi32, #tpu.memory_space<hbm>> -> memref<4x40xi32, #tpu.memory_space<hbm>>
      tpu.enqueue_dma source(%dma_start3A_30 : memref<4x40xi32, #tpu.memory_space<hbm>>) target(%dma_start3A_27 : memref<4x40xi32, #tpu.memory_space<vmem>>) target_semaphore(%run_scoped3A_17 : memref<!tpu.dma_semaphore, #tpu.memory_space<semaphore_mem>>)
      %dma_wait3A = arith.constant 0 : i32
      %dma_wait3A_31 = arith.constant 0 : i32
      %dma_wait3A_32 = tpu.memref_slice %arg8[%run_scoped3A_9, %dma_wait3A, %dma_wait3A_31] : memref<2x4x40xi32, #tpu.memory_space<vmem>> -> memref<1x4x40xi32, #tpu.memory_space<vmem>>
      %dma_wait3A_33 = tpu.memref_squeeze %dma_wait3A_32 : memref<1x4x40xi32, #tpu.memory_space<vmem>> -> memref<4x40xi32, #tpu.memory_space<vmem>>
      %dma_wait3A_34 = arith.constant 0 : i32
      %dma_wait3A_35 = tpu.memref_slice %arg4[%run_scoped3A_8, %mul3A_0, %dma_wait3A_34] : memref<2x8000x40xi32, #tpu.memory_space<hbm>> -> memref<1x4x40xi32, #tpu.memory_space<hbm>>
      %dma_wait3A_36 = tpu.memref_squeeze %dma_wait3A_35 : memref<1x4x40xi32, #tpu.memory_space<hbm>> -> memref<4x40xi32, #tpu.memory_space<hbm>>
      %dma_wait3A_37 = arith.constant 0 : i32
      %dma_wait3A_38 = arith.constant 0 : i32
      %dma_wait3A_39 = tpu.memref_slice %arg8[%run_scoped3A_9, %dma_wait3A_37, %dma_wait3A_38] : memref<2x4x40xi32, #tpu.memory_space<vmem>> -> memref<1x4x40xi32, #tpu.memory_space<vmem>>
      %dma_wait3A_40 = tpu.memref_squeeze %dma_wait3A_39 : memref<1x4x40xi32, #tpu.memory_space<vmem>> -> memref<4x40xi32, #tpu.memory_space<vmem>>
      %dma_wait3A_41 = arith.constant 0 : i32
      %dma_wait3A_42 = tpu.memref_slice %arg4[%run_scoped3A_8, %mul3A_0, %dma_wait3A_41] : memref<2x8000x40xi32, #tpu.memory_space<hbm>> -> memref<1x4x40xi32, #tpu.memory_space<hbm>>
      %dma_wait3A_43 = tpu.memref_squeeze %dma_wait3A_42 : memref<1x4x40xi32, #tpu.memory_space<hbm>> -> memref<4x40xi32, #tpu.memory_space<hbm>>
      tpu.wait_dma2 semaphore(%run_scoped3A_17 : memref<!tpu.dma_semaphore, #tpu.memory_space<semaphore_mem>>) src(%dma_wait3A_43 : memref<4x40xi32, #tpu.memory_space<hbm>>) dst(%dma_wait3A_40 : memref<4x40xi32, #tpu.memory_space<vmem>>)
      tpu.yield
    }) : () -> ()
    %eq3A = arith.constant 0 : i32
    %eq3A_10 = arith.cmpi eq, %arg0, %eq3A : i32
    %convert_element_type3A = arith.extui %eq3A_10 : i1 to i32
    %cond3A = arith.constant 0 : i32
    %cond3A_11 = arith.cmpi ne, %convert_element_type3A, %cond3A : i32
    scf.if %cond3A_11 {
      %dma_start3A = arith.constant 0 : i32
      %dma_start3A_17 = arith.constant 0 : i32
      %dma_start3A_18 = arith.constant 0 : i32
      %dma_start3A_19 = arith.constant 0 : i32
      %dma_start3A_20 = arith.constant 0 : i32
      %dma_start3A_21 = arith.constant 0 : i32
      %dma_start3A_22 = tpu.memref_slice %arg9[%dma_start3A_18, %dma_start3A_20, %dma_start3A_21] : memref<8x40x128xf32, #tpu.memory_space<vmem>> -> memref<1x40x128xf32, #tpu.memory_space<vmem>>
      %dma_start3A_23 = tpu.memref_squeeze %dma_start3A_22 : memref<1x40x128xf32, #tpu.memory_space<vmem>> -> memref<40x128xf32, #tpu.memory_space<vmem>>
      %dma_start3A_24 = arith.constant 0 : i32
      %dma_start3A_25 = tpu.memref_slice %arg7[%dma_start3A, %dma_start3A_17, %dma_start3A_24] : memref<2x4x40xi32, #tpu.memory_space<vmem>> -> memref<1x1x40xi32, #tpu.memory_space<vmem>>
      %dma_start3A_26 = tpu.memref_squeeze %dma_start3A_25 : memref<1x1x40xi32, #tpu.memory_space<vmem>> -> memref<40xi32, #tpu.memory_space<vmem>>
      %dma_start3A_27 = arith.constant 0 : i32
      %dma_start3A_28 = arith.constant 0 : i32
      %dma_start3A_29 = tpu.memref_slice %arg2[%dma_start3A_27, %dma_start3A_28] : memref<10000x128xf32, #tpu.memory_space<hbm>> -> memref<10000x128xf32, #tpu.memory_space<hbm>>
      %dma_start3A_30 = tpu.memref_slice %arg12[%dma_start3A_19] : memref<8x!tpu.dma_semaphore, #tpu.memory_space<semaphore_mem>> -> memref<1x!tpu.dma_semaphore, #tpu.memory_space<semaphore_mem>>
      %dma_start3A_31 = tpu.memref_squeeze %dma_start3A_30 : memref<1x!tpu.dma_semaphore, #tpu.memory_space<semaphore_mem>> -> memref<!tpu.dma_semaphore, #tpu.memory_space<semaphore_mem>>
      tpu.enqueue_indirect_dma source(%dma_start3A_29 : memref<10000x128xf32, #tpu.memory_space<hbm>>) target(%dma_start3A_23 : memref<40x128xf32, #tpu.memory_space<vmem>>) offsets(%dma_start3A_26 : memref<40xi32, #tpu.memory_space<vmem>>) semaphore(%dma_start3A_31 : memref<!tpu.dma_semaphore, #tpu.memory_space<semaphore_mem>>)
      %dma_start3A_32 = arith.constant 0 : i32
      %dma_start3A_33 = arith.constant 1 : i32
      %dma_start3A_34 = arith.constant 1 : i32
      %dma_start3A_35 = arith.constant 1 : i32
      %dma_start3A_36 = arith.constant 0 : i32
      %dma_start3A_37 = arith.constant 0 : i32
      %dma_start3A_38 = tpu.memref_slice %arg9[%dma_start3A_34, %dma_start3A_36, %dma_start3A_37] : memref<8x40x128xf32, #tpu.memory_space<vmem>> -> memref<1x40x128xf32, #tpu.memory_space<vmem>>
      %dma_start3A_39 = tpu.memref_squeeze %dma_start3A_38 : memref<1x40x128xf32, #tpu.memory_space<vmem>> -> memref<40x128xf32, #tpu.memory_space<vmem>>
      %dma_start3A_40 = arith.constant 0 : i32
      %dma_start3A_41 = tpu.memref_slice %arg7[%dma_start3A_32, %dma_start3A_33, %dma_start3A_40] : memref<2x4x40xi32, #tpu.memory_space<vmem>> -> memref<1x1x40xi32, #tpu.memory_space<vmem>>
      %dma_start3A_42 = tpu.memref_squeeze %dma_start3A_41 : memref<1x1x40xi32, #tpu.memory_space<vmem>> -> memref<40xi32, #tpu.memory_space<vmem>>
      %dma_start3A_43 = arith.constant 0 : i32
      %dma_start3A_44 = arith.constant 0 : i32
      %dma_start3A_45 = tpu.memref_slice %arg2[%dma_start3A_43, %dma_start3A_44] : memref<10000x128xf32, #tpu.memory_space<hbm>> -> memref<10000x128xf32, #tpu.memory_space<hbm>>
      %dma_start3A_46 = tpu.memref_slice %arg12[%dma_start3A_35] : memref<8x!tpu.dma_semaphore, #tpu.memory_space<semaphore_mem>> -> memref<1x!tpu.dma_semaphore, #tpu.memory_space<semaphore_mem>>
      %dma_start3A_47 = tpu.memref_squeeze %dma_start3A_46 : memref<1x!tpu.dma_semaphore, #tpu.memory_space<semaphore_mem>> -> memref<!tpu.dma_semaphore, #tpu.memory_space<semaphore_mem>>
      tpu.enqueue_indirect_dma source(%dma_start3A_45 : memref<10000x128xf32, #tpu.memory_space<hbm>>) target(%dma_start3A_39 : memref<40x128xf32, #tpu.memory_space<vmem>>) offsets(%dma_start3A_42 : memref<40xi32, #tpu.memory_space<vmem>>) semaphore(%dma_start3A_47 : memref<!tpu.dma_semaphore, #tpu.memory_space<semaphore_mem>>)
      %dma_start3A_48 = arith.constant 0 : i32
      %dma_start3A_49 = arith.constant 2 : i32
      %dma_start3A_50 = arith.constant 2 : i32
      %dma_start3A_51 = arith.constant 2 : i32
      %dma_start3A_52 = arith.constant 0 : i32
      %dma_start3A_53 = arith.constant 0 : i32
      %dma_start3A_54 = tpu.memref_slice %arg9[%dma_start3A_50, %dma_start3A_52, %dma_start3A_53] : memref<8x40x128xf32, #tpu.memory_space<vmem>> -> memref<1x40x128xf32, #tpu.memory_space<vmem>>
      %dma_start3A_55 = tpu.memref_squeeze %dma_start3A_54 : memref<1x40x128xf32, #tpu.memory_space<vmem>> -> memref<40x128xf32, #tpu.memory_space<vmem>>
      %dma_start3A_56 = arith.constant 0 : i32
      %dma_start3A_57 = tpu.memref_slice %arg7[%dma_start3A_48, %dma_start3A_49, %dma_start3A_56] : memref<2x4x40xi32, #tpu.memory_space<vmem>> -> memref<1x1x40xi32, #tpu.memory_space<vmem>>
      %dma_start3A_58 = tpu.memref_squeeze %dma_start3A_57 : memref<1x1x40xi32, #tpu.memory_space<vmem>> -> memref<40xi32, #tpu.memory_space<vmem>>
      %dma_start3A_59 = arith.constant 0 : i32
      %dma_start3A_60 = arith.constant 0 : i32
      %dma_start3A_61 = tpu.memref_slice %arg2[%dma_start3A_59, %dma_start3A_60] : memref<10000x128xf32, #tpu.memory_space<hbm>> -> memref<10000x128xf32, #tpu.memory_space<hbm>>
      %dma_start3A_62 = tpu.memref_slice %arg12[%dma_start3A_51] : memref<8x!tpu.dma_semaphore, #tpu.memory_space<semaphore_mem>> -> memref<1x!tpu.dma_semaphore, #tpu.memory_space<semaphore_mem>>
      %dma_start3A_63 = tpu.memref_squeeze %dma_start3A_62 : memref<1x!tpu.dma_semaphore, #tpu.memory_space<semaphore_mem>> -> memref<!tpu.dma_semaphore, #tpu.memory_space<semaphore_mem>>
      tpu.enqueue_indirect_dma source(%dma_start3A_61 : memref<10000x128xf32, #tpu.memory_space<hbm>>) target(%dma_start3A_55 : memref<40x128xf32, #tpu.memory_space<vmem>>) offsets(%dma_start3A_58 : memref<40xi32, #tpu.memory_space<vmem>>) semaphore(%dma_start3A_63 : memref<!tpu.dma_semaphore, #tpu.memory_space<semaphore_mem>>)
      %dma_start3A_64 = arith.constant 0 : i32
      %dma_start3A_65 = arith.constant 3 : i32
      %dma_start3A_66 = arith.constant 3 : i32
      %dma_start3A_67 = arith.constant 3 : i32
      %dma_start3A_68 = arith.constant 0 : i32
      %dma_start3A_69 = arith.constant 0 : i32
      %dma_start3A_70 = tpu.memref_slice %arg9[%dma_start3A_66, %dma_start3A_68, %dma_start3A_69] : memref<8x40x128xf32, #tpu.memory_space<vmem>> -> memref<1x40x128xf32, #tpu.memory_space<vmem>>
      %dma_start3A_71 = tpu.memref_squeeze %dma_start3A_70 : memref<1x40x128xf32, #tpu.memory_space<vmem>> -> memref<40x128xf32, #tpu.memory_space<vmem>>
      %dma_start3A_72 = arith.constant 0 : i32
      %dma_start3A_73 = tpu.memref_slice %arg7[%dma_start3A_64, %dma_start3A_65, %dma_start3A_72] : memref<2x4x40xi32, #tpu.memory_space<vmem>> -> memref<1x1x40xi32, #tpu.memory_space<vmem>>
      %dma_start3A_74 = tpu.memref_squeeze %dma_start3A_73 : memref<1x1x40xi32, #tpu.memory_space<vmem>> -> memref<40xi32, #tpu.memory_space<vmem>>
      %dma_start3A_75 = arith.constant 0 : i32
      %dma_start3A_76 = arith.constant 0 : i32
      %dma_start3A_77 = tpu.memref_slice %arg2[%dma_start3A_75, %dma_start3A_76] : memref<10000x128xf32, #tpu.memory_space<hbm>> -> memref<10000x128xf32, #tpu.memory_space<hbm>>
      %dma_start3A_78 = tpu.memref_slice %arg12[%dma_start3A_67] : memref<8x!tpu.dma_semaphore, #tpu.memory_space<semaphore_mem>> -> memref<1x!tpu.dma_semaphore, #tpu.memory_space<semaphore_mem>>
      %dma_start3A_79 = tpu.memref_squeeze %dma_start3A_78 : memref<1x!tpu.dma_semaphore, #tpu.memory_space<semaphore_mem>> -> memref<!tpu.dma_semaphore, #tpu.memory_space<semaphore_mem>>
      tpu.enqueue_indirect_dma source(%dma_start3A_77 : memref<10000x128xf32, #tpu.memory_space<hbm>>) target(%dma_start3A_71 : memref<40x128xf32, #tpu.memory_space<vmem>>) offsets(%dma_start3A_74 : memref<40xi32, #tpu.memory_space<vmem>>) semaphore(%dma_start3A_79 : memref<!tpu.dma_semaphore, #tpu.memory_space<semaphore_mem>>)
      %mul3A_80 = arith.constant 640 : i32
      %mul3A_81 = arith.muli %arg1, %mul3A_80 : i32
      %add3A = arith.constant 0 : i32
      %add3A_82 = arith.addi %mul3A_81, %add3A : i32
      %run_scoped3A_83 = arith.constant 4 : i32
      "tpu.region"() ({
        %run_scoped3A_411 = tpu.sem_alloc : memref<!tpu.dma_semaphore, #tpu.memory_space<semaphore_mem>>
        %dma_start3A_412 = arith.constant 0 : i32
        %dma_start3A_413 = arith.constant 0 : i32
        %dma_start3A_414 = tpu.memref_slice %arg9[%run_scoped3A_83, %dma_start3A_412, %dma_start3A_413] : memref<8x40x128xf32, #tpu.memory_space<vmem>> -> memref<1x40x128xf32, #tpu.memory_space<vmem>>
        %dma_start3A_415 = tpu.memref_squeeze %dma_start3A_414 : memref<1x40x128xf32, #tpu.memory_space<vmem>> -> memref<40x128xf32, #tpu.memory_space<vmem>>
        %dma_start3A_416 = arith.constant 0 : i32
        %dma_start3A_417 = tpu.memref_slice %arg10[%add3A_82, %dma_start3A_416] : memref<10240x128xf32, #tpu.memory_space<vmem_shared>> -> memref<40x128xf32, #tpu.memory_space<vmem_shared>>
        %dma_start3A_418 = arith.constant 0 : i32
        %dma_start3A_419 = tpu.memref_slice %arg10[%add3A_82, %dma_start3A_418] : memref<10240x128xf32, #tpu.memory_space<vmem_shared>> -> memref<40x128xf32, #tpu.memory_space<vmem_shared>>
        %dma_start3A_420 = arith.constant 0 : i32
        %dma_start3A_421 = arith.constant 0 : i32
        %dma_start3A_422 = tpu.memref_slice %arg9[%run_scoped3A_83, %dma_start3A_420, %dma_start3A_421] : memref<8x40x128xf32, #tpu.memory_space<vmem>> -> memref<1x40x128xf32, #tpu.memory_space<vmem>>
        %dma_start3A_423 = tpu.memref_squeeze %dma_start3A_422 : memref<1x40x128xf32, #tpu.memory_space<vmem>> -> memref<40x128xf32, #tpu.memory_space<vmem>>
        tpu.enqueue_dma source(%dma_start3A_423 : memref<40x128xf32, #tpu.memory_space<vmem>>) target(%dma_start3A_419 : memref<40x128xf32, #tpu.memory_space<vmem_shared>>) target_semaphore(%run_scoped3A_411 : memref<!tpu.dma_semaphore, #tpu.memory_space<semaphore_mem>>)
        %dma_wait3A_424 = arith.constant 0 : i32
        %dma_wait3A_425 = arith.constant 0 : i32
        %dma_wait3A_426 = tpu.memref_slice %arg9[%run_scoped3A_83, %dma_wait3A_424, %dma_wait3A_425] : memref<8x40x128xf32, #tpu.memory_space<vmem>> -> memref<1x40x128xf32, #tpu.memory_space<vmem>>
        %dma_wait3A_427 = tpu.memref_squeeze %dma_wait3A_426 : memref<1x40x128xf32, #tpu.memory_space<vmem>> -> memref<40x128xf32, #tpu.memory_space<vmem>>
        %dma_wait3A_428 = arith.constant 0 : i32
        %dma_wait3A_429 = tpu.memref_slice %arg10[%add3A_82, %dma_wait3A_428] : memref<10240x128xf32, #tpu.memory_space<vmem_shared>> -> memref<40x128xf32, #tpu.memory_space<vmem_shared>>
        %dma_wait3A_430 = arith.constant 0 : i32
        %dma_wait3A_431 = tpu.memref_slice %arg10[%add3A_82, %dma_wait3A_430] : memref<10240x128xf32, #tpu.memory_space<vmem_shared>> -> memref<40x128xf32, #tpu.memory_space<vmem_shared>>
        %dma_wait3A_432 = arith.constant 0 : i32
        %dma_wait3A_433 = arith.constant 0 : i32
        %dma_wait3A_434 = tpu.memref_slice %arg9[%run_scoped3A_83, %dma_wait3A_432, %dma_wait3A_433] : memref<8x40x128xf32, #tpu.memory_space<vmem>> -> memref<1x40x128xf32, #tpu.memory_space<vmem>>
        %dma_wait3A_435 = tpu.memref_squeeze %dma_wait3A_434 : memref<1x40x128xf32, #tpu.memory_space<vmem>> -> memref<40x128xf32, #tpu.memory_space<vmem>>
        tpu.wait_dma2 semaphore(%run_scoped3A_411 : memref<!tpu.dma_semaphore, #tpu.memory_space<semaphore_mem>>) src(%dma_wait3A_435 : memref<40x128xf32, #tpu.memory_space<vmem>>) dst(%dma_wait3A_431 : memref<40x128xf32, #tpu.memory_space<vmem_shared>>)
        tpu.yield
      }) : () -> ()
      %add3A_84 = arith.constant 40 : i32
      %add3A_85 = arith.addi %mul3A_81, %add3A_84 : i32
      %run_scoped3A_86 = arith.constant 4 : i32
      "tpu.region"() ({
        %run_scoped3A_411 = tpu.sem_alloc : memref<!tpu.dma_semaphore, #tpu.memory_space<semaphore_mem>>
        %dma_start3A_412 = arith.constant 0 : i32
        %dma_start3A_413 = arith.constant 0 : i32
        %dma_start3A_414 = tpu.memref_slice %arg9[%run_scoped3A_86, %dma_start3A_412, %dma_start3A_413] : memref<8x40x128xf32, #tpu.memory_space<vmem>> -> memref<1x40x128xf32, #tpu.memory_space<vmem>>
        %dma_start3A_415 = tpu.memref_squeeze %dma_start3A_414 : memref<1x40x128xf32, #tpu.memory_space<vmem>> -> memref<40x128xf32, #tpu.memory_space<vmem>>
        %dma_start3A_416 = arith.constant 0 : i32
        %dma_start3A_417 = tpu.memref_slice %arg10[%add3A_85, %dma_start3A_416] : memref<10240x128xf32, #tpu.memory_space<vmem_shared>> -> memref<40x128xf32, #tpu.memory_space<vmem_shared>>
        %dma_start3A_418 = arith.constant 0 : i32
        %dma_start3A_419 = tpu.memref_slice %arg10[%add3A_85, %dma_start3A_418] : memref<10240x128xf32, #tpu.memory_space<vmem_shared>> -> memref<40x128xf32, #tpu.memory_space<vmem_shared>>
        %dma_start3A_420 = arith.constant 0 : i32
        %dma_start3A_421 = arith.constant 0 : i32
        %dma_start3A_422 = tpu.memref_slice %arg9[%run_scoped3A_86, %dma_start3A_420, %dma_start3A_421] : memref<8x40x128xf32, #tpu.memory_space<vmem>> -> memref<1x40x128xf32, #tpu.memory_space<vmem>>
        %dma_start3A_423 = tpu.memref_squeeze %dma_start3A_422 : memref<1x40x128xf32, #tpu.memory_space<vmem>> -> memref<40x128xf32, #tpu.memory_space<vmem>>
        tpu.enqueue_dma source(%dma_start3A_423 : memref<40x128xf32, #tpu.memory_space<vmem>>) target(%dma_start3A_419 : memref<40x128xf32, #tpu.memory_space<vmem_shared>>) target_semaphore(%run_scoped3A_411 : memref<!tpu.dma_semaphore, #tpu.memory_space<semaphore_mem>>)
        %dma_wait3A_424 = arith.constant 0 : i32
        %dma_wait3A_425 = arith.constant 0 : i32
        %dma_wait3A_426 = tpu.memref_slice %arg9[%run_scoped3A_86, %dma_wait3A_424, %dma_wait3A_425] : memref<8x40x128xf32, #tpu.memory_space<vmem>> -> memref<1x40x128xf32, #tpu.memory_space<vmem>>
        %dma_wait3A_427 = tpu.memref_squeeze %dma_wait3A_426 : memref<1x40x128xf32, #tpu.memory_space<vmem>> -> memref<40x128xf32, #tpu.memory_space<vmem>>
        %dma_wait3A_428 = arith.constant 0 : i32
        %dma_wait3A_429 = tpu.memref_slice %arg10[%add3A_85, %dma_wait3A_428] : memref<10240x128xf32, #tpu.memory_space<vmem_shared>> -> memref<40x128xf32, #tpu.memory_space<vmem_shared>>
        %dma_wait3A_430 = arith.constant 0 : i32
        %dma_wait3A_431 = tpu.memref_slice %arg10[%add3A_85, %dma_wait3A_430] : memref<10240x128xf32, #tpu.memory_space<vmem_shared>> -> memref<40x128xf32, #tpu.memory_space<vmem_shared>>
        %dma_wait3A_432 = arith.constant 0 : i32
        %dma_wait3A_433 = arith.constant 0 : i32
        %dma_wait3A_434 = tpu.memref_slice %arg9[%run_scoped3A_86, %dma_wait3A_432, %dma_wait3A_433] : memref<8x40x128xf32, #tpu.memory_space<vmem>> -> memref<1x40x128xf32, #tpu.memory_space<vmem>>
        %dma_wait3A_435 = tpu.memref_squeeze %dma_wait3A_434 : memref<1x40x128xf32, #tpu.memory_space<vmem>> -> memref<40x128xf32, #tpu.memory_space<vmem>>
        tpu.wait_dma2 semaphore(%run_scoped3A_411 : memref<!tpu.dma_semaphore, #tpu.memory_space<semaphore_mem>>) src(%dma_wait3A_435 : memref<40x128xf32, #tpu.memory_space<vmem>>) dst(%dma_wait3A_431 : memref<40x128xf32, #tpu.memory_space<vmem_shared>>)
        tpu.yield
      }) : () -> ()
      %add3A_87 = arith.constant 80 : i32
      %add3A_88 = arith.addi %mul3A_81, %add3A_87 : i32
      %run_scoped3A_89 = arith.constant 4 : i32
      "tpu.region"() ({
        %run_scoped3A_411 = tpu.sem_alloc : memref<!tpu.dma_semaphore, #tpu.memory_space<semaphore_mem>>
        %dma_start3A_412 = arith.constant 0 : i32
        %dma_start3A_413 = arith.constant 0 : i32
        %dma_start3A_414 = tpu.memref_slice %arg9[%run_scoped3A_89, %dma_start3A_412, %dma_start3A_413] : memref<8x40x128xf32, #tpu.memory_space<vmem>> -> memref<1x40x128xf32, #tpu.memory_space<vmem>>
        %dma_start3A_415 = tpu.memref_squeeze %dma_start3A_414 : memref<1x40x128xf32, #tpu.memory_space<vmem>> -> memref<40x128xf32, #tpu.memory_space<vmem>>
        %dma_start3A_416 = arith.constant 0 : i32
        %dma_start3A_417 = tpu.memref_slice %arg10[%add3A_88, %dma_start3A_416] : memref<10240x128xf32, #tpu.memory_space<vmem_shared>> -> memref<40x128xf32, #tpu.memory_space<vmem_shared>>
        %dma_start3A_418 = arith.constant 0 : i32
        %dma_start3A_419 = tpu.memref_slice %arg10[%add3A_88, %dma_start3A_418] : memref<10240x128xf32, #tpu.memory_space<vmem_shared>> -> memref<40x128xf32, #tpu.memory_space<vmem_shared>>
        %dma_start3A_420 = arith.constant 0 : i32
        %dma_start3A_421 = arith.constant 0 : i32
        %dma_start3A_422 = tpu.memref_slice %arg9[%run_scoped3A_89, %dma_start3A_420, %dma_start3A_421] : memref<8x40x128xf32, #tpu.memory_space<vmem>> -> memref<1x40x128xf32, #tpu.memory_space<vmem>>
        %dma_start3A_423 = tpu.memref_squeeze %dma_start3A_422 : memref<1x40x128xf32, #tpu.memory_space<vmem>> -> memref<40x128xf32, #tpu.memory_space<vmem>>
        tpu.enqueue_dma source(%dma_start3A_423 : memref<40x128xf32, #tpu.memory_space<vmem>>) target(%dma_start3A_419 : memref<40x128xf32, #tpu.memory_space<vmem_shared>>) target_semaphore(%run_scoped3A_411 : memref<!tpu.dma_semaphore, #tpu.memory_space<semaphore_mem>>)
        %dma_wait3A_424 = arith.constant 0 : i32
        %dma_wait3A_425 = arith.constant 0 : i32
        %dma_wait3A_426 = tpu.memref_slice %arg9[%run_scoped3A_89, %dma_wait3A_424, %dma_wait3A_425] : memref<8x40x128xf32, #tpu.memory_space<vmem>> -> memref<1x40x128xf32, #tpu.memory_space<vmem>>
        %dma_wait3A_427 = tpu.memref_squeeze %dma_wait3A_426 : memref<1x40x128xf32, #tpu.memory_space<vmem>> -> memref<40x128xf32, #tpu.memory_space<vmem>>
        %dma_wait3A_428 = arith.constant 0 : i32
        %dma_wait3A_429 = tpu.memref_slice %arg10[%add3A_88, %dma_wait3A_428] : memref<10240x128xf32, #tpu.memory_space<vmem_shared>> -> memref<40x128xf32, #tpu.memory_space<vmem_shared>>
        %dma_wait3A_430 = arith.constant 0 : i32
        %dma_wait3A_431 = tpu.memref_slice %arg10[%add3A_88, %dma_wait3A_430] : memref<10240x128xf32, #tpu.memory_space<vmem_shared>> -> memref<40x128xf32, #tpu.memory_space<vmem_shared>>
        %dma_wait3A_432 = arith.constant 0 : i32
        %dma_wait3A_433 = arith.constant 0 : i32
        %dma_wait3A_434 = tpu.memref_slice %arg9[%run_scoped3A_89, %dma_wait3A_432, %dma_wait3A_433] : memref<8x40x128xf32, #tpu.memory_space<vmem>> -> memref<1x40x128xf32, #tpu.memory_space<vmem>>
        %dma_wait3A_435 = tpu.memref_squeeze %dma_wait3A_434 : memref<1x40x128xf32, #tpu.memory_space<vmem>> -> memref<40x128xf32, #tpu.memory_space<vmem>>
        tpu.wait_dma2 semaphore(%run_scoped3A_411 : memref<!tpu.dma_semaphore, #tpu.memory_space<semaphore_mem>>) src(%dma_wait3A_435 : memref<40x128xf32, #tpu.memory_space<vmem>>) dst(%dma_wait3A_431 : memref<40x128xf32, #tpu.memory_space<vmem_shared>>)
        tpu.yield
      }) : () -> ()
      %add3A_90 = arith.constant 120 : i32
      %add3A_91 = arith.addi %mul3A_81, %add3A_90 : i32
      %run_scoped3A_92 = arith.constant 4 : i32
      "tpu.region"() ({
        %run_scoped3A_411 = tpu.sem_alloc : memref<!tpu.dma_semaphore, #tpu.memory_space<semaphore_mem>>
        %dma_start3A_412 = arith.constant 0 : i32
        %dma_start3A_413 = arith.constant 0 : i32
        %dma_start3A_414 = tpu.memref_slice %arg9[%run_scoped3A_92, %dma_start3A_412, %dma_start3A_413] : memref<8x40x128xf32, #tpu.memory_space<vmem>> -> memref<1x40x128xf32, #tpu.memory_space<vmem>>
        %dma_start3A_415 = tpu.memref_squeeze %dma_start3A_414 : memref<1x40x128xf32, #tpu.memory_space<vmem>> -> memref<40x128xf32, #tpu.memory_space<vmem>>
        %dma_start3A_416 = arith.constant 0 : i32
        %dma_start3A_417 = tpu.memref_slice %arg10[%add3A_91, %dma_start3A_416] : memref<10240x128xf32, #tpu.memory_space<vmem_shared>> -> memref<40x128xf32, #tpu.memory_space<vmem_shared>>
        %dma_start3A_418 = arith.constant 0 : i32
        %dma_start3A_419 = tpu.memref_slice %arg10[%add3A_91, %dma_start3A_418] : memref<10240x128xf32, #tpu.memory_space<vmem_shared>> -> memref<40x128xf32, #tpu.memory_space<vmem_shared>>
        %dma_start3A_420 = arith.constant 0 : i32
        %dma_start3A_421 = arith.constant 0 : i32
        %dma_start3A_422 = tpu.memref_slice %arg9[%run_scoped3A_92, %dma_start3A_420, %dma_start3A_421] : memref<8x40x128xf32, #tpu.memory_space<vmem>> -> memref<1x40x128xf32, #tpu.memory_space<vmem>>
        %dma_start3A_423 = tpu.memref_squeeze %dma_start3A_422 : memref<1x40x128xf32, #tpu.memory_space<vmem>> -> memref<40x128xf32, #tpu.memory_space<vmem>>
        tpu.enqueue_dma source(%dma_start3A_423 : memref<40x128xf32, #tpu.memory_space<vmem>>) target(%dma_start3A_419 : memref<40x128xf32, #tpu.memory_space<vmem_shared>>) target_semaphore(%run_scoped3A_411 : memref<!tpu.dma_semaphore, #tpu.memory_space<semaphore_mem>>)
        %dma_wait3A_424 = arith.constant 0 : i32
        %dma_wait3A_425 = arith.constant 0 : i32
        %dma_wait3A_426 = tpu.memref_slice %arg9[%run_scoped3A_92, %dma_wait3A_424, %dma_wait3A_425] : memref<8x40x128xf32, #tpu.memory_space<vmem>> -> memref<1x40x128xf32, #tpu.memory_space<vmem>>
        %dma_wait3A_427 = tpu.memref_squeeze %dma_wait3A_426 : memref<1x40x128xf32, #tpu.memory_space<vmem>> -> memref<40x128xf32, #tpu.memory_space<vmem>>
        %dma_wait3A_428 = arith.constant 0 : i32
        %dma_wait3A_429 = tpu.memref_slice %arg10[%add3A_91, %dma_wait3A_428] : memref<10240x128xf32, #tpu.memory_space<vmem_shared>> -> memref<40x128xf32, #tpu.memory_space<vmem_shared>>
        %dma_wait3A_430 = arith.constant 0 : i32
        %dma_wait3A_431 = tpu.memref_slice %arg10[%add3A_91, %dma_wait3A_430] : memref<10240x128xf32, #tpu.memory_space<vmem_shared>> -> memref<40x128xf32, #tpu.memory_space<vmem_shared>>
        %dma_wait3A_432 = arith.constant 0 : i32
        %dma_wait3A_433 = arith.constant 0 : i32
        %dma_wait3A_434 = tpu.memref_slice %arg9[%run_scoped3A_92, %dma_wait3A_432, %dma_wait3A_433] : memref<8x40x128xf32, #tpu.memory_space<vmem>> -> memref<1x40x128xf32, #tpu.memory_space<vmem>>
        %dma_wait3A_435 = tpu.memref_squeeze %dma_wait3A_434 : memref<1x40x128xf32, #tpu.memory_space<vmem>> -> memref<40x128xf32, #tpu.memory_space<vmem>>
        tpu.wait_dma2 semaphore(%run_scoped3A_411 : memref<!tpu.dma_semaphore, #tpu.memory_space<semaphore_mem>>) src(%dma_wait3A_435 : memref<40x128xf32, #tpu.memory_space<vmem>>) dst(%dma_wait3A_431 : memref<40x128xf32, #tpu.memory_space<vmem_shared>>)
        tpu.yield
      }) : () -> ()
      %add3A_93 = arith.constant 160 : i32
      %add3A_94 = arith.addi %mul3A_81, %add3A_93 : i32
      %run_scoped3A_95 = arith.constant 4 : i32
      "tpu.region"() ({
        %run_scoped3A_411 = tpu.sem_alloc : memref<!tpu.dma_semaphore, #tpu.memory_space<semaphore_mem>>
        %dma_start3A_412 = arith.constant 0 : i32
        %dma_start3A_413 = arith.constant 0 : i32
        %dma_start3A_414 = tpu.memref_slice %arg9[%run_scoped3A_95, %dma_start3A_412, %dma_start3A_413] : memref<8x40x128xf32, #tpu.memory_space<vmem>> -> memref<1x40x128xf32, #tpu.memory_space<vmem>>
        %dma_start3A_415 = tpu.memref_squeeze %dma_start3A_414 : memref<1x40x128xf32, #tpu.memory_space<vmem>> -> memref<40x128xf32, #tpu.memory_space<vmem>>
        %dma_start3A_416 = arith.constant 0 : i32
        %dma_start3A_417 = tpu.memref_slice %arg10[%add3A_94, %dma_start3A_416] : memref<10240x128xf32, #tpu.memory_space<vmem_shared>> -> memref<40x128xf32, #tpu.memory_space<vmem_shared>>
        %dma_start3A_418 = arith.constant 0 : i32
        %dma_start3A_419 = tpu.memref_slice %arg10[%add3A_94, %dma_start3A_418] : memref<10240x128xf32, #tpu.memory_space<vmem_shared>> -> memref<40x128xf32, #tpu.memory_space<vmem_shared>>
        %dma_start3A_420 = arith.constant 0 : i32
        %dma_start3A_421 = arith.constant 0 : i32
        %dma_start3A_422 = tpu.memref_slice %arg9[%run_scoped3A_95, %dma_start3A_420, %dma_start3A_421] : memref<8x40x128xf32, #tpu.memory_space<vmem>> -> memref<1x40x128xf32, #tpu.memory_space<vmem>>
        %dma_start3A_423 = tpu.memref_squeeze %dma_start3A_422 : memref<1x40x128xf32, #tpu.memory_space<vmem>> -> memref<40x128xf32, #tpu.memory_space<vmem>>
        tpu.enqueue_dma source(%dma_start3A_423 : memref<40x128xf32, #tpu.memory_space<vmem>>) target(%dma_start3A_419 : memref<40x128xf32, #tpu.memory_space<vmem_shared>>) target_semaphore(%run_scoped3A_411 : memref<!tpu.dma_semaphore, #tpu.memory_space<semaphore_mem>>)
        %dma_wait3A_424 = arith.constant 0 : i32
        %dma_wait3A_425 = arith.constant 0 : i32
        %dma_wait3A_426 = tpu.memref_slice %arg9[%run_scoped3A_95, %dma_wait3A_424, %dma_wait3A_425] : memref<8x40x128xf32, #tpu.memory_space<vmem>> -> memref<1x40x128xf32, #tpu.memory_space<vmem>>
        %dma_wait3A_427 = tpu.memref_squeeze %dma_wait3A_426 : memref<1x40x128xf32, #tpu.memory_space<vmem>> -> memref<40x128xf32, #tpu.memory_space<vmem>>
        %dma_wait3A_428 = arith.constant 0 : i32
        %dma_wait3A_429 = tpu.memref_slice %arg10[%add3A_94, %dma_wait3A_428] : memref<10240x128xf32, #tpu.memory_space<vmem_shared>> -> memref<40x128xf32, #tpu.memory_space<vmem_shared>>
        %dma_wait3A_430 = arith.constant 0 : i32
        %dma_wait3A_431 = tpu.memref_slice %arg10[%add3A_94, %dma_wait3A_430] : memref<10240x128xf32, #tpu.memory_space<vmem_shared>> -> memref<40x128xf32, #tpu.memory_space<vmem_shared>>
        %dma_wait3A_432 = arith.constant 0 : i32
        %dma_wait3A_433 = arith.constant 0 : i32
        %dma_wait3A_434 = tpu.memref_slice %arg9[%run_scoped3A_95, %dma_wait3A_432, %dma_wait3A_433] : memref<8x40x128xf32, #tpu.memory_space<vmem>> -> memref<1x40x128xf32, #tpu.memory_space<vmem>>
        %dma_wait3A_435 = tpu.memref_squeeze %dma_wait3A_434 : memref<1x40x128xf32, #tpu.memory_space<vmem>> -> memref<40x128xf32, #tpu.memory_space<vmem>>
        tpu.wait_dma2 semaphore(%run_scoped3A_411 : memref<!tpu.dma_semaphore, #tpu.memory_space<semaphore_mem>>) src(%dma_wait3A_435 : memref<40x128xf32, #tpu.memory_space<vmem>>) dst(%dma_wait3A_431 : memref<40x128xf32, #tpu.memory_space<vmem_shared>>)
        tpu.yield
      }) : () -> ()
      %add3A_96 = arith.constant 200 : i32
      %add3A_97 = arith.addi %mul3A_81, %add3A_96 : i32
      %run_scoped3A_98 = arith.constant 4 : i32
      "tpu.region"() ({
        %run_scoped3A_411 = tpu.sem_alloc : memref<!tpu.dma_semaphore, #tpu.memory_space<semaphore_mem>>
        %dma_start3A_412 = arith.constant 0 : i32
        %dma_start3A_413 = arith.constant 0 : i32
        %dma_start3A_414 = tpu.memref_slice %arg9[%run_scoped3A_98, %dma_start3A_412, %dma_start3A_413] : memref<8x40x128xf32, #tpu.memory_space<vmem>> -> memref<1x40x128xf32, #tpu.memory_space<vmem>>
        %dma_start3A_415 = tpu.memref_squeeze %dma_start3A_414 : memref<1x40x128xf32, #tpu.memory_space<vmem>> -> memref<40x128xf32, #tpu.memory_space<vmem>>
        %dma_start3A_416 = arith.constant 0 : i32
        %dma_start3A_417 = tpu.memref_slice %arg10[%add3A_97, %dma_start3A_416] : memref<10240x128xf32, #tpu.memory_space<vmem_shared>> -> memref<40x128xf32, #tpu.memory_space<vmem_shared>>
        %dma_start3A_418 = arith.constant 0 : i32
        %dma_start3A_419 = tpu.memref_slice %arg10[%add3A_97, %dma_start3A_418] : memref<10240x128xf32, #tpu.memory_space<vmem_shared>> -> memref<40x128xf32, #tpu.memory_space<vmem_shared>>
        %dma_start3A_420 = arith.constant 0 : i32
        %dma_start3A_421 = arith.constant 0 : i32
        %dma_start3A_422 = tpu.memref_slice %arg9[%run_scoped3A_98, %dma_start3A_420, %dma_start3A_421] : memref<8x40x128xf32, #tpu.memory_space<vmem>> -> memref<1x40x128xf32, #tpu.memory_space<vmem>>
        %dma_start3A_423 = tpu.memref_squeeze %dma_start3A_422 : memref<1x40x128xf32, #tpu.memory_space<vmem>> -> memref<40x128xf32, #tpu.memory_space<vmem>>
        tpu.enqueue_dma source(%dma_start3A_423 : memref<40x128xf32, #tpu.memory_space<vmem>>) target(%dma_start3A_419 : memref<40x128xf32, #tpu.memory_space<vmem_shared>>) target_semaphore(%run_scoped3A_411 : memref<!tpu.dma_semaphore, #tpu.memory_space<semaphore_mem>>)
        %dma_wait3A_424 = arith.constant 0 : i32
        %dma_wait3A_425 = arith.constant 0 : i32
        %dma_wait3A_426 = tpu.memref_slice %arg9[%run_scoped3A_98, %dma_wait3A_424, %dma_wait3A_425] : memref<8x40x128xf32, #tpu.memory_space<vmem>> -> memref<1x40x128xf32, #tpu.memory_space<vmem>>
        %dma_wait3A_427 = tpu.memref_squeeze %dma_wait3A_426 : memref<1x40x128xf32, #tpu.memory_space<vmem>> -> memref<40x128xf32, #tpu.memory_space<vmem>>
        %dma_wait3A_428 = arith.constant 0 : i32
        %dma_wait3A_429 = tpu.memref_slice %arg10[%add3A_97, %dma_wait3A_428] : memref<10240x128xf32, #tpu.memory_space<vmem_shared>> -> memref<40x128xf32, #tpu.memory_space<vmem_shared>>
        %dma_wait3A_430 = arith.constant 0 : i32
        %dma_wait3A_431 = tpu.memref_slice %arg10[%add3A_97, %dma_wait3A_430] : memref<10240x128xf32, #tpu.memory_space<vmem_shared>> -> memref<40x128xf32, #tpu.memory_space<vmem_shared>>
        %dma_wait3A_432 = arith.constant 0 : i32
        %dma_wait3A_433 = arith.constant 0 : i32
        %dma_wait3A_434 = tpu.memref_slice %arg9[%run_scoped3A_98, %dma_wait3A_432, %dma_wait3A_433] : memref<8x40x128xf32, #tpu.memory_space<vmem>> -> memref<1x40x128xf32, #tpu.memory_space<vmem>>
        %dma_wait3A_435 = tpu.memref_squeeze %dma_wait3A_434 : memref<1x40x128xf32, #tpu.memory_space<vmem>> -> memref<40x128xf32, #tpu.memory_space<vmem>>
        tpu.wait_dma2 semaphore(%run_scoped3A_411 : memref<!tpu.dma_semaphore, #tpu.memory_space<semaphore_mem>>) src(%dma_wait3A_435 : memref<40x128xf32, #tpu.memory_space<vmem>>) dst(%dma_wait3A_431 : memref<40x128xf32, #tpu.memory_space<vmem_shared>>)
        tpu.yield
      }) : () -> ()
      %add3A_99 = arith.constant 240 : i32
      %add3A_100 = arith.addi %mul3A_81, %add3A_99 : i32
      %run_scoped3A_101 = arith.constant 4 : i32
      "tpu.region"() ({
        %run_scoped3A_411 = tpu.sem_alloc : memref<!tpu.dma_semaphore, #tpu.memory_space<semaphore_mem>>
        %dma_start3A_412 = arith.constant 0 : i32
        %dma_start3A_413 = arith.constant 0 : i32
        %dma_start3A_414 = tpu.memref_slice %arg9[%run_scoped3A_101, %dma_start3A_412, %dma_start3A_413] : memref<8x40x128xf32, #tpu.memory_space<vmem>> -> memref<1x40x128xf32, #tpu.memory_space<vmem>>
        %dma_start3A_415 = tpu.memref_squeeze %dma_start3A_414 : memref<1x40x128xf32, #tpu.memory_space<vmem>> -> memref<40x128xf32, #tpu.memory_space<vmem>>
        %dma_start3A_416 = arith.constant 0 : i32
        %dma_start3A_417 = tpu.memref_slice %arg10[%add3A_100, %dma_start3A_416] : memref<10240x128xf32, #tpu.memory_space<vmem_shared>> -> memref<40x128xf32, #tpu.memory_space<vmem_shared>>
        %dma_start3A_418 = arith.constant 0 : i32
        %dma_start3A_419 = tpu.memref_slice %arg10[%add3A_100, %dma_start3A_418] : memref<10240x128xf32, #tpu.memory_space<vmem_shared>> -> memref<40x128xf32, #tpu.memory_space<vmem_shared>>
        %dma_start3A_420 = arith.constant 0 : i32
        %dma_start3A_421 = arith.constant 0 : i32
        %dma_start3A_422 = tpu.memref_slice %arg9[%run_scoped3A_101, %dma_start3A_420, %dma_start3A_421] : memref<8x40x128xf32, #tpu.memory_space<vmem>> -> memref<1x40x128xf32, #tpu.memory_space<vmem>>
        %dma_start3A_423 = tpu.memref_squeeze %dma_start3A_422 : memref<1x40x128xf32, #tpu.memory_space<vmem>> -> memref<40x128xf32, #tpu.memory_space<vmem>>
        tpu.enqueue_dma source(%dma_start3A_423 : memref<40x128xf32, #tpu.memory_space<vmem>>) target(%dma_start3A_419 : memref<40x128xf32, #tpu.memory_space<vmem_shared>>) target_semaphore(%run_scoped3A_411 : memref<!tpu.dma_semaphore, #tpu.memory_space<semaphore_mem>>)
        %dma_wait3A_424 = arith.constant 0 : i32
        %dma_wait3A_425 = arith.constant 0 : i32
        %dma_wait3A_426 = tpu.memref_slice %arg9[%run_scoped3A_101, %dma_wait3A_424, %dma_wait3A_425] : memref<8x40x128xf32, #tpu.memory_space<vmem>> -> memref<1x40x128xf32, #tpu.memory_space<vmem>>
        %dma_wait3A_427 = tpu.memref_squeeze %dma_wait3A_426 : memref<1x40x128xf32, #tpu.memory_space<vmem>> -> memref<40x128xf32, #tpu.memory_space<vmem>>
        %dma_wait3A_428 = arith.constant 0 : i32
        %dma_wait3A_429 = tpu.memref_slice %arg10[%add3A_100, %dma_wait3A_428] : memref<10240x128xf32, #tpu.memory_space<vmem_shared>> -> memref<40x128xf32, #tpu.memory_space<vmem_shared>>
        %dma_wait3A_430 = arith.constant 0 : i32
        %dma_wait3A_431 = tpu.memref_slice %arg10[%add3A_100, %dma_wait3A_430] : memref<10240x128xf32, #tpu.memory_space<vmem_shared>> -> memref<40x128xf32, #tpu.memory_space<vmem_shared>>
        %dma_wait3A_432 = arith.constant 0 : i32
        %dma_wait3A_433 = arith.constant 0 : i32
        %dma_wait3A_434 = tpu.memref_slice %arg9[%run_scoped3A_101, %dma_wait3A_432, %dma_wait3A_433] : memref<8x40x128xf32, #tpu.memory_space<vmem>> -> memref<1x40x128xf32, #tpu.memory_space<vmem>>
        %dma_wait3A_435 = tpu.memref_squeeze %dma_wait3A_434 : memref<1x40x128xf32, #tpu.memory_space<vmem>> -> memref<40x128xf32, #tpu.memory_space<vmem>>
        tpu.wait_dma2 semaphore(%run_scoped3A_411 : memref<!tpu.dma_semaphore, #tpu.memory_space<semaphore_mem>>) src(%dma_wait3A_435 : memref<40x128xf32, #tpu.memory_space<vmem>>) dst(%dma_wait3A_431 : memref<40x128xf32, #tpu.memory_space<vmem_shared>>)
        tpu.yield
      }) : () -> ()
      %add3A_102 = arith.constant 280 : i32
      %add3A_103 = arith.addi %mul3A_81, %add3A_102 : i32
      %run_scoped3A_104 = arith.constant 4 : i32
      "tpu.region"() ({
        %run_scoped3A_411 = tpu.sem_alloc : memref<!tpu.dma_semaphore, #tpu.memory_space<semaphore_mem>>
        %dma_start3A_412 = arith.constant 0 : i32
        %dma_start3A_413 = arith.constant 0 : i32
        %dma_start3A_414 = tpu.memref_slice %arg9[%run_scoped3A_104, %dma_start3A_412, %dma_start3A_413] : memref<8x40x128xf32, #tpu.memory_space<vmem>> -> memref<1x40x128xf32, #tpu.memory_space<vmem>>
        %dma_start3A_415 = tpu.memref_squeeze %dma_start3A_414 : memref<1x40x128xf32, #tpu.memory_space<vmem>> -> memref<40x128xf32, #tpu.memory_space<vmem>>
        %dma_start3A_416 = arith.constant 0 : i32
        %dma_start3A_417 = tpu.memref_slice %arg10[%add3A_103, %dma_start3A_416] : memref<10240x128xf32, #tpu.memory_space<vmem_shared>> -> memref<40x128xf32, #tpu.memory_space<vmem_shared>>
        %dma_start3A_418 = arith.constant 0 : i32
        %dma_start3A_419 = tpu.memref_slice %arg10[%add3A_103, %dma_start3A_418] : memref<10240x128xf32, #tpu.memory_space<vmem_shared>> -> memref<40x128xf32, #tpu.memory_space<vmem_shared>>
        %dma_start3A_420 = arith.constant 0 : i32
        %dma_start3A_421 = arith.constant 0 : i32
        %dma_start3A_422 = tpu.memref_slice %arg9[%run_scoped3A_104, %dma_start3A_420, %dma_start3A_421] : memref<8x40x128xf32, #tpu.memory_space<vmem>> -> memref<1x40x128xf32, #tpu.memory_space<vmem>>
        %dma_start3A_423 = tpu.memref_squeeze %dma_start3A_422 : memref<1x40x128xf32, #tpu.memory_space<vmem>> -> memref<40x128xf32, #tpu.memory_space<vmem>>
        tpu.enqueue_dma source(%dma_start3A_423 : memref<40x128xf32, #tpu.memory_space<vmem>>) target(%dma_start3A_419 : memref<40x128xf32, #tpu.memory_space<vmem_shared>>) target_semaphore(%run_scoped3A_411 : memref<!tpu.dma_semaphore, #tpu.memory_space<semaphore_mem>>)
        %dma_wait3A_424 = arith.constant 0 : i32
        %dma_wait3A_425 = arith.constant 0 : i32
        %dma_wait3A_426 = tpu.memref_slice %arg9[%run_scoped3A_104, %dma_wait3A_424, %dma_wait3A_425] : memref<8x40x128xf32, #tpu.memory_space<vmem>> -> memref<1x40x128xf32, #tpu.memory_space<vmem>>
        %dma_wait3A_427 = tpu.memref_squeeze %dma_wait3A_426 : memref<1x40x128xf32, #tpu.memory_space<vmem>> -> memref<40x128xf32, #tpu.memory_space<vmem>>
        %dma_wait3A_428 = arith.constant 0 : i32
        %dma_wait3A_429 = tpu.memref_slice %arg10[%add3A_103, %dma_wait3A_428] : memref<10240x128xf32, #tpu.memory_space<vmem_shared>> -> memref<40x128xf32, #tpu.memory_space<vmem_shared>>
        %dma_wait3A_430 = arith.constant 0 : i32
        %dma_wait3A_431 = tpu.memref_slice %arg10[%add3A_103, %dma_wait3A_430] : memref<10240x128xf32, #tpu.memory_space<vmem_shared>> -> memref<40x128xf32, #tpu.memory_space<vmem_shared>>
        %dma_wait3A_432 = arith.constant 0 : i32
        %dma_wait3A_433 = arith.constant 0 : i32
        %dma_wait3A_434 = tpu.memref_slice %arg9[%run_scoped3A_104, %dma_wait3A_432, %dma_wait3A_433] : memref<8x40x128xf32, #tpu.memory_space<vmem>> -> memref<1x40x128xf32, #tpu.memory_space<vmem>>
        %dma_wait3A_435 = tpu.memref_squeeze %dma_wait3A_434 : memref<1x40x128xf32, #tpu.memory_space<vmem>> -> memref<40x128xf32, #tpu.memory_space<vmem>>
        tpu.wait_dma2 semaphore(%run_scoped3A_411 : memref<!tpu.dma_semaphore, #tpu.memory_space<semaphore_mem>>) src(%dma_wait3A_435 : memref<40x128xf32, #tpu.memory_space<vmem>>) dst(%dma_wait3A_431 : memref<40x128xf32, #tpu.memory_space<vmem_shared>>)
        tpu.yield
      }) : () -> ()
      %add3A_105 = arith.constant 320 : i32
      %add3A_106 = arith.addi %mul3A_81, %add3A_105 : i32
      %run_scoped3A_107 = arith.constant 4 : i32
      "tpu.region"() ({
        %run_scoped3A_411 = tpu.sem_alloc : memref<!tpu.dma_semaphore, #tpu.memory_space<semaphore_mem>>
        %dma_start3A_412 = arith.constant 0 : i32
        %dma_start3A_413 = arith.constant 0 : i32
        %dma_start3A_414 = tpu.memref_slice %arg9[%run_scoped3A_107, %dma_start3A_412, %dma_start3A_413] : memref<8x40x128xf32, #tpu.memory_space<vmem>> -> memref<1x40x128xf32, #tpu.memory_space<vmem>>
        %dma_start3A_415 = tpu.memref_squeeze %dma_start3A_414 : memref<1x40x128xf32, #tpu.memory_space<vmem>> -> memref<40x128xf32, #tpu.memory_space<vmem>>
        %dma_start3A_416 = arith.constant 0 : i32
        %dma_start3A_417 = tpu.memref_slice %arg10[%add3A_106, %dma_start3A_416] : memref<10240x128xf32, #tpu.memory_space<vmem_shared>> -> memref<40x128xf32, #tpu.memory_space<vmem_shared>>
        %dma_start3A_418 = arith.constant 0 : i32
        %dma_start3A_419 = tpu.memref_slice %arg10[%add3A_106, %dma_start3A_418] : memref<10240x128xf32, #tpu.memory_space<vmem_shared>> -> memref<40x128xf32, #tpu.memory_space<vmem_shared>>
        %dma_start3A_420 = arith.constant 0 : i32
        %dma_start3A_421 = arith.constant 0 : i32
        %dma_start3A_422 = tpu.memref_slice %arg9[%run_scoped3A_107, %dma_start3A_420, %dma_start3A_421] : memref<8x40x128xf32, #tpu.memory_space<vmem>> -> memref<1x40x128xf32, #tpu.memory_space<vmem>>
        %dma_start3A_423 = tpu.memref_squeeze %dma_start3A_422 : memref<1x40x128xf32, #tpu.memory_space<vmem>> -> memref<40x128xf32, #tpu.memory_space<vmem>>
        tpu.enqueue_dma source(%dma_start3A_423 : memref<40x128xf32, #tpu.memory_space<vmem>>) target(%dma_start3A_419 : memref<40x128xf32, #tpu.memory_space<vmem_shared>>) target_semaphore(%run_scoped3A_411 : memref<!tpu.dma_semaphore, #tpu.memory_space<semaphore_mem>>)
        %dma_wait3A_424 = arith.constant 0 : i32
        %dma_wait3A_425 = arith.constant 0 : i32
        %dma_wait3A_426 = tpu.memref_slice %arg9[%run_scoped3A_107, %dma_wait3A_424, %dma_wait3A_425] : memref<8x40x128xf32, #tpu.memory_space<vmem>> -> memref<1x40x128xf32, #tpu.memory_space<vmem>>
        %dma_wait3A_427 = tpu.memref_squeeze %dma_wait3A_426 : memref<1x40x128xf32, #tpu.memory_space<vmem>> -> memref<40x128xf32, #tpu.memory_space<vmem>>
        %dma_wait3A_428 = arith.constant 0 : i32
        %dma_wait3A_429 = tpu.memref_slice %arg10[%add3A_106, %dma_wait3A_428] : memref<10240x128xf32, #tpu.memory_space<vmem_shared>> -> memref<40x128xf32, #tpu.memory_space<vmem_shared>>
        %dma_wait3A_430 = arith.constant 0 : i32
        %dma_wait3A_431 = tpu.memref_slice %arg10[%add3A_106, %dma_wait3A_430] : memref<10240x128xf32, #tpu.memory_space<vmem_shared>> -> memref<40x128xf32, #tpu.memory_space<vmem_shared>>
        %dma_wait3A_432 = arith.constant 0 : i32
        %dma_wait3A_433 = arith.constant 0 : i32
        %dma_wait3A_434 = tpu.memref_slice %arg9[%run_scoped3A_107, %dma_wait3A_432, %dma_wait3A_433] : memref<8x40x128xf32, #tpu.memory_space<vmem>> -> memref<1x40x128xf32, #tpu.memory_space<vmem>>
        %dma_wait3A_435 = tpu.memref_squeeze %dma_wait3A_434 : memref<1x40x128xf32, #tpu.memory_space<vmem>> -> memref<40x128xf32, #tpu.memory_space<vmem>>
        tpu.wait_dma2 semaphore(%run_scoped3A_411 : memref<!tpu.dma_semaphore, #tpu.memory_space<semaphore_mem>>) src(%dma_wait3A_435 : memref<40x128xf32, #tpu.memory_space<vmem>>) dst(%dma_wait3A_431 : memref<40x128xf32, #tpu.memory_space<vmem_shared>>)
        tpu.yield
      }) : () -> ()
      %add3A_108 = arith.constant 360 : i32
      %add3A_109 = arith.addi %mul3A_81, %add3A_108 : i32
      %run_scoped3A_110 = arith.constant 4 : i32
      "tpu.region"() ({
        %run_scoped3A_411 = tpu.sem_alloc : memref<!tpu.dma_semaphore, #tpu.memory_space<semaphore_mem>>
        %dma_start3A_412 = arith.constant 0 : i32
        %dma_start3A_413 = arith.constant 0 : i32
        %dma_start3A_414 = tpu.memref_slice %arg9[%run_scoped3A_110, %dma_start3A_412, %dma_start3A_413] : memref<8x40x128xf32, #tpu.memory_space<vmem>> -> memref<1x40x128xf32, #tpu.memory_space<vmem>>
        %dma_start3A_415 = tpu.memref_squeeze %dma_start3A_414 : memref<1x40x128xf32, #tpu.memory_space<vmem>> -> memref<40x128xf32, #tpu.memory_space<vmem>>
        %dma_start3A_416 = arith.constant 0 : i32
        %dma_start3A_417 = tpu.memref_slice %arg10[%add3A_109, %dma_start3A_416] : memref<10240x128xf32, #tpu.memory_space<vmem_shared>> -> memref<40x128xf32, #tpu.memory_space<vmem_shared>>
        %dma_start3A_418 = arith.constant 0 : i32
        %dma_start3A_419 = tpu.memref_slice %arg10[%add3A_109, %dma_start3A_418] : memref<10240x128xf32, #tpu.memory_space<vmem_shared>> -> memref<40x128xf32, #tpu.memory_space<vmem_shared>>
        %dma_start3A_420 = arith.constant 0 : i32
        %dma_start3A_421 = arith.constant 0 : i32
        %dma_start3A_422 = tpu.memref_slice %arg9[%run_scoped3A_110, %dma_start3A_420, %dma_start3A_421] : memref<8x40x128xf32, #tpu.memory_space<vmem>> -> memref<1x40x128xf32, #tpu.memory_space<vmem>>
        %dma_start3A_423 = tpu.memref_squeeze %dma_start3A_422 : memref<1x40x128xf32, #tpu.memory_space<vmem>> -> memref<40x128xf32, #tpu.memory_space<vmem>>
        tpu.enqueue_dma source(%dma_start3A_423 : memref<40x128xf32, #tpu.memory_space<vmem>>) target(%dma_start3A_419 : memref<40x128xf32, #tpu.memory_space<vmem_shared>>) target_semaphore(%run_scoped3A_411 : memref<!tpu.dma_semaphore, #tpu.memory_space<semaphore_mem>>)
        %dma_wait3A_424 = arith.constant 0 : i32
        %dma_wait3A_425 = arith.constant 0 : i32
        %dma_wait3A_426 = tpu.memref_slice %arg9[%run_scoped3A_110, %dma_wait3A_424, %dma_wait3A_425] : memref<8x40x128xf32, #tpu.memory_space<vmem>> -> memref<1x40x128xf32, #tpu.memory_space<vmem>>
        %dma_wait3A_427 = tpu.memref_squeeze %dma_wait3A_426 : memref<1x40x128xf32, #tpu.memory_space<vmem>> -> memref<40x128xf32, #tpu.memory_space<vmem>>
        %dma_wait3A_428 = arith.constant 0 : i32
        %dma_wait3A_429 = tpu.memref_slice %arg10[%add3A_109, %dma_wait3A_428] : memref<10240x128xf32, #tpu.memory_space<vmem_shared>> -> memref<40x128xf32, #tpu.memory_space<vmem_shared>>
        %dma_wait3A_430 = arith.constant 0 : i32
        %dma_wait3A_431 = tpu.memref_slice %arg10[%add3A_109, %dma_wait3A_430] : memref<10240x128xf32, #tpu.memory_space<vmem_shared>> -> memref<40x128xf32, #tpu.memory_space<vmem_shared>>
        %dma_wait3A_432 = arith.constant 0 : i32
        %dma_wait3A_433 = arith.constant 0 : i32
        %dma_wait3A_434 = tpu.memref_slice %arg9[%run_scoped3A_110, %dma_wait3A_432, %dma_wait3A_433] : memref<8x40x128xf32, #tpu.memory_space<vmem>> -> memref<1x40x128xf32, #tpu.memory_space<vmem>>
        %dma_wait3A_435 = tpu.memref_squeeze %dma_wait3A_434 : memref<1x40x128xf32, #tpu.memory_space<vmem>> -> memref<40x128xf32, #tpu.memory_space<vmem>>
        tpu.wait_dma2 semaphore(%run_scoped3A_411 : memref<!tpu.dma_semaphore, #tpu.memory_space<semaphore_mem>>) src(%dma_wait3A_435 : memref<40x128xf32, #tpu.memory_space<vmem>>) dst(%dma_wait3A_431 : memref<40x128xf32, #tpu.memory_space<vmem_shared>>)
        tpu.yield
      }) : () -> ()
      %add3A_111 = arith.constant 400 : i32
      %add3A_112 = arith.addi %mul3A_81, %add3A_111 : i32
      %run_scoped3A_113 = arith.constant 4 : i32
      "tpu.region"() ({
        %run_scoped3A_411 = tpu.sem_alloc : memref<!tpu.dma_semaphore, #tpu.memory_space<semaphore_mem>>
        %dma_start3A_412 = arith.constant 0 : i32
        %dma_start3A_413 = arith.constant 0 : i32
        %dma_start3A_414 = tpu.memref_slice %arg9[%run_scoped3A_113, %dma_start3A_412, %dma_start3A_413] : memref<8x40x128xf32, #tpu.memory_space<vmem>> -> memref<1x40x128xf32, #tpu.memory_space<vmem>>
        %dma_start3A_415 = tpu.memref_squeeze %dma_start3A_414 : memref<1x40x128xf32, #tpu.memory_space<vmem>> -> memref<40x128xf32, #tpu.memory_space<vmem>>
        %dma_start3A_416 = arith.constant 0 : i32
        %dma_start3A_417 = tpu.memref_slice %arg10[%add3A_112, %dma_start3A_416] : memref<10240x128xf32, #tpu.memory_space<vmem_shared>> -> memref<40x128xf32, #tpu.memory_space<vmem_shared>>
        %dma_start3A_418 = arith.constant 0 : i32
        %dma_start3A_419 = tpu.memref_slice %arg10[%add3A_112, %dma_start3A_418] : memref<10240x128xf32, #tpu.memory_space<vmem_shared>> -> memref<40x128xf32, #tpu.memory_space<vmem_shared>>
        %dma_start3A_420 = arith.constant 0 : i32
        %dma_start3A_421 = arith.constant 0 : i32
        %dma_start3A_422 = tpu.memref_slice %arg9[%run_scoped3A_113, %dma_start3A_420, %dma_start3A_421] : memref<8x40x128xf32, #tpu.memory_space<vmem>> -> memref<1x40x128xf32, #tpu.memory_space<vmem>>
        %dma_start3A_423 = tpu.memref_squeeze %dma_start3A_422 : memref<1x40x128xf32, #tpu.memory_space<vmem>> -> memref<40x128xf32, #tpu.memory_space<vmem>>
        tpu.enqueue_dma source(%dma_start3A_423 : memref<40x128xf32, #tpu.memory_space<vmem>>) target(%dma_start3A_419 : memref<40x128xf32, #tpu.memory_space<vmem_shared>>) target_semaphore(%run_scoped3A_411 : memref<!tpu.dma_semaphore, #tpu.memory_space<semaphore_mem>>)
        %dma_wait3A_424 = arith.constant 0 : i32
        %dma_wait3A_425 = arith.constant 0 : i32
        %dma_wait3A_426 = tpu.memref_slice %arg9[%run_scoped3A_113, %dma_wait3A_424, %dma_wait3A_425] : memref<8x40x128xf32, #tpu.memory_space<vmem>> -> memref<1x40x128xf32, #tpu.memory_space<vmem>>
        %dma_wait3A_427 = tpu.memref_squeeze %dma_wait3A_426 : memref<1x40x128xf32, #tpu.memory_space<vmem>> -> memref<40x128xf32, #tpu.memory_space<vmem>>
        %dma_wait3A_428 = arith.constant 0 : i32
        %dma_wait3A_429 = tpu.memref_slice %arg10[%add3A_112, %dma_wait3A_428] : memref<10240x128xf32, #tpu.memory_space<vmem_shared>> -> memref<40x128xf32, #tpu.memory_space<vmem_shared>>
        %dma_wait3A_430 = arith.constant 0 : i32
        %dma_wait3A_431 = tpu.memref_slice %arg10[%add3A_112, %dma_wait3A_430] : memref<10240x128xf32, #tpu.memory_space<vmem_shared>> -> memref<40x128xf32, #tpu.memory_space<vmem_shared>>
        %dma_wait3A_432 = arith.constant 0 : i32
        %dma_wait3A_433 = arith.constant 0 : i32
        %dma_wait3A_434 = tpu.memref_slice %arg9[%run_scoped3A_113, %dma_wait3A_432, %dma_wait3A_433] : memref<8x40x128xf32, #tpu.memory_space<vmem>> -> memref<1x40x128xf32, #tpu.memory_space<vmem>>
        %dma_wait3A_435 = tpu.memref_squeeze %dma_wait3A_434 : memref<1x40x128xf32, #tpu.memory_space<vmem>> -> memref<40x128xf32, #tpu.memory_space<vmem>>
        tpu.wait_dma2 semaphore(%run_scoped3A_411 : memref<!tpu.dma_semaphore, #tpu.memory_space<semaphore_mem>>) src(%dma_wait3A_435 : memref<40x128xf32, #tpu.memory_space<vmem>>) dst(%dma_wait3A_431 : memref<40x128xf32, #tpu.memory_space<vmem_shared>>)
        tpu.yield
      }) : () -> ()
      %add3A_114 = arith.constant 440 : i32
      %add3A_115 = arith.addi %mul3A_81, %add3A_114 : i32
      %run_scoped3A_116 = arith.constant 4 : i32
      "tpu.region"() ({
        %run_scoped3A_411 = tpu.sem_alloc : memref<!tpu.dma_semaphore, #tpu.memory_space<semaphore_mem>>
        %dma_start3A_412 = arith.constant 0 : i32
        %dma_start3A_413 = arith.constant 0 : i32
        %dma_start3A_414 = tpu.memref_slice %arg9[%run_scoped3A_116, %dma_start3A_412, %dma_start3A_413] : memref<8x40x128xf32, #tpu.memory_space<vmem>> -> memref<1x40x128xf32, #tpu.memory_space<vmem>>
        %dma_start3A_415 = tpu.memref_squeeze %dma_start3A_414 : memref<1x40x128xf32, #tpu.memory_space<vmem>> -> memref<40x128xf32, #tpu.memory_space<vmem>>
        %dma_start3A_416 = arith.constant 0 : i32
        %dma_start3A_417 = tpu.memref_slice %arg10[%add3A_115, %dma_start3A_416] : memref<10240x128xf32, #tpu.memory_space<vmem_shared>> -> memref<40x128xf32, #tpu.memory_space<vmem_shared>>
        %dma_start3A_418 = arith.constant 0 : i32
        %dma_start3A_419 = tpu.memref_slice %arg10[%add3A_115, %dma_start3A_418] : memref<10240x128xf32, #tpu.memory_space<vmem_shared>> -> memref<40x128xf32, #tpu.memory_space<vmem_shared>>
        %dma_start3A_420 = arith.constant 0 : i32
        %dma_start3A_421 = arith.constant 0 : i32
        %dma_start3A_422 = tpu.memref_slice %arg9[%run_scoped3A_116, %dma_start3A_420, %dma_start3A_421] : memref<8x40x128xf32, #tpu.memory_space<vmem>> -> memref<1x40x128xf32, #tpu.memory_space<vmem>>
        %dma_start3A_423 = tpu.memref_squeeze %dma_start3A_422 : memref<1x40x128xf32, #tpu.memory_space<vmem>> -> memref<40x128xf32, #tpu.memory_space<vmem>>
        tpu.enqueue_dma source(%dma_start3A_423 : memref<40x128xf32, #tpu.memory_space<vmem>>) target(%dma_start3A_419 : memref<40x128xf32, #tpu.memory_space<vmem_shared>>) target_semaphore(%run_scoped3A_411 : memref<!tpu.dma_semaphore, #tpu.memory_space<semaphore_mem>>)
        %dma_wait3A_424 = arith.constant 0 : i32
        %dma_wait3A_425 = arith.constant 0 : i32
        %dma_wait3A_426 = tpu.memref_slice %arg9[%run_scoped3A_116, %dma_wait3A_424, %dma_wait3A_425] : memref<8x40x128xf32, #tpu.memory_space<vmem>> -> memref<1x40x128xf32, #tpu.memory_space<vmem>>
        %dma_wait3A_427 = tpu.memref_squeeze %dma_wait3A_426 : memref<1x40x128xf32, #tpu.memory_space<vmem>> -> memref<40x128xf32, #tpu.memory_space<vmem>>
        %dma_wait3A_428 = arith.constant 0 : i32
        %dma_wait3A_429 = tpu.memref_slice %arg10[%add3A_115, %dma_wait3A_428] : memref<10240x128xf32, #tpu.memory_space<vmem_shared>> -> memref<40x128xf32, #tpu.memory_space<vmem_shared>>
        %dma_wait3A_430 = arith.constant 0 : i32
        %dma_wait3A_431 = tpu.memref_slice %arg10[%add3A_115, %dma_wait3A_430] : memref<10240x128xf32, #tpu.memory_space<vmem_shared>> -> memref<40x128xf32, #tpu.memory_space<vmem_shared>>
        %dma_wait3A_432 = arith.constant 0 : i32
        %dma_wait3A_433 = arith.constant 0 : i32
        %dma_wait3A_434 = tpu.memref_slice %arg9[%run_scoped3A_116, %dma_wait3A_432, %dma_wait3A_433] : memref<8x40x128xf32, #tpu.memory_space<vmem>> -> memref<1x40x128xf32, #tpu.memory_space<vmem>>
        %dma_wait3A_435 = tpu.memref_squeeze %dma_wait3A_434 : memref<1x40x128xf32, #tpu.memory_space<vmem>> -> memref<40x128xf32, #tpu.memory_space<vmem>>
        tpu.wait_dma2 semaphore(%run_scoped3A_411 : memref<!tpu.dma_semaphore, #tpu.memory_space<semaphore_mem>>) src(%dma_wait3A_435 : memref<40x128xf32, #tpu.memory_space<vmem>>) dst(%dma_wait3A_431 : memref<40x128xf32, #tpu.memory_space<vmem_shared>>)
        tpu.yield
      }) : () -> ()
      %add3A_117 = arith.constant 480 : i32
      %add3A_118 = arith.addi %mul3A_81, %add3A_117 : i32
      %run_scoped3A_119 = arith.constant 4 : i32
      "tpu.region"() ({
        %run_scoped3A_411 = tpu.sem_alloc : memref<!tpu.dma_semaphore, #tpu.memory_space<semaphore_mem>>
        %dma_start3A_412 = arith.constant 0 : i32
        %dma_start3A_413 = arith.constant 0 : i32
        %dma_start3A_414 = tpu.memref_slice %arg9[%run_scoped3A_119, %dma_start3A_412, %dma_start3A_413] : memref<8x40x128xf32, #tpu.memory_space<vmem>> -> memref<1x40x128xf32, #tpu.memory_space<vmem>>
        %dma_start3A_415 = tpu.memref_squeeze %dma_start3A_414 : memref<1x40x128xf32, #tpu.memory_space<vmem>> -> memref<40x128xf32, #tpu.memory_space<vmem>>
        %dma_start3A_416 = arith.constant 0 : i32
        %dma_start3A_417 = tpu.memref_slice %arg10[%add3A_118, %dma_start3A_416] : memref<10240x128xf32, #tpu.memory_space<vmem_shared>> -> memref<40x128xf32, #tpu.memory_space<vmem_shared>>
        %dma_start3A_418 = arith.constant 0 : i32
        %dma_start3A_419 = tpu.memref_slice %arg10[%add3A_118, %dma_start3A_418] : memref<10240x128xf32, #tpu.memory_space<vmem_shared>> -> memref<40x128xf32, #tpu.memory_space<vmem_shared>>
        %dma_start3A_420 = arith.constant 0 : i32
        %dma_start3A_421 = arith.constant 0 : i32
        %dma_start3A_422 = tpu.memref_slice %arg9[%run_scoped3A_119, %dma_start3A_420, %dma_start3A_421] : memref<8x40x128xf32, #tpu.memory_space<vmem>> -> memref<1x40x128xf32, #tpu.memory_space<vmem>>
        %dma_start3A_423 = tpu.memref_squeeze %dma_start3A_422 : memref<1x40x128xf32, #tpu.memory_space<vmem>> -> memref<40x128xf32, #tpu.memory_space<vmem>>
        tpu.enqueue_dma source(%dma_start3A_423 : memref<40x128xf32, #tpu.memory_space<vmem>>) target(%dma_start3A_419 : memref<40x128xf32, #tpu.memory_space<vmem_shared>>) target_semaphore(%run_scoped3A_411 : memref<!tpu.dma_semaphore, #tpu.memory_space<semaphore_mem>>)
        %dma_wait3A_424 = arith.constant 0 : i32
        %dma_wait3A_425 = arith.constant 0 : i32
        %dma_wait3A_426 = tpu.memref_slice %arg9[%run_scoped3A_119, %dma_wait3A_424, %dma_wait3A_425] : memref<8x40x128xf32, #tpu.memory_space<vmem>> -> memref<1x40x128xf32, #tpu.memory_space<vmem>>
        %dma_wait3A_427 = tpu.memref_squeeze %dma_wait3A_426 : memref<1x40x128xf32, #tpu.memory_space<vmem>> -> memref<40x128xf32, #tpu.memory_space<vmem>>
        %dma_wait3A_428 = arith.constant 0 : i32
        %dma_wait3A_429 = tpu.memref_slice %arg10[%add3A_118, %dma_wait3A_428] : memref<10240x128xf32, #tpu.memory_space<vmem_shared>> -> memref<40x128xf32, #tpu.memory_space<vmem_shared>>
        %dma_wait3A_430 = arith.constant 0 : i32
        %dma_wait3A_431 = tpu.memref_slice %arg10[%add3A_118, %dma_wait3A_430] : memref<10240x128xf32, #tpu.memory_space<vmem_shared>> -> memref<40x128xf32, #tpu.memory_space<vmem_shared>>
        %dma_wait3A_432 = arith.constant 0 : i32
        %dma_wait3A_433 = arith.constant 0 : i32
        %dma_wait3A_434 = tpu.memref_slice %arg9[%run_scoped3A_119, %dma_wait3A_432, %dma_wait3A_433] : memref<8x40x128xf32, #tpu.memory_space<vmem>> -> memref<1x40x128xf32, #tpu.memory_space<vmem>>
        %dma_wait3A_435 = tpu.memref_squeeze %dma_wait3A_434 : memref<1x40x128xf32, #tpu.memory_space<vmem>> -> memref<40x128xf32, #tpu.memory_space<vmem>>
        tpu.wait_dma2 semaphore(%run_scoped3A_411 : memref<!tpu.dma_semaphore, #tpu.memory_space<semaphore_mem>>) src(%dma_wait3A_435 : memref<40x128xf32, #tpu.memory_space<vmem>>) dst(%dma_wait3A_431 : memref<40x128xf32, #tpu.memory_space<vmem_shared>>)
        tpu.yield
      }) : () -> ()
      %add3A_120 = arith.constant 520 : i32
      %add3A_121 = arith.addi %mul3A_81, %add3A_120 : i32
      %run_scoped3A_122 = arith.constant 4 : i32
      "tpu.region"() ({
        %run_scoped3A_411 = tpu.sem_alloc : memref<!tpu.dma_semaphore, #tpu.memory_space<semaphore_mem>>
        %dma_start3A_412 = arith.constant 0 : i32
        %dma_start3A_413 = arith.constant 0 : i32
        %dma_start3A_414 = tpu.memref_slice %arg9[%run_scoped3A_122, %dma_start3A_412, %dma_start3A_413] : memref<8x40x128xf32, #tpu.memory_space<vmem>> -> memref<1x40x128xf32, #tpu.memory_space<vmem>>
        %dma_start3A_415 = tpu.memref_squeeze %dma_start3A_414 : memref<1x40x128xf32, #tpu.memory_space<vmem>> -> memref<40x128xf32, #tpu.memory_space<vmem>>
        %dma_start3A_416 = arith.constant 0 : i32
        %dma_start3A_417 = tpu.memref_slice %arg10[%add3A_121, %dma_start3A_416] : memref<10240x128xf32, #tpu.memory_space<vmem_shared>> -> memref<40x128xf32, #tpu.memory_space<vmem_shared>>
        %dma_start3A_418 = arith.constant 0 : i32
        %dma_start3A_419 = tpu.memref_slice %arg10[%add3A_121, %dma_start3A_418] : memref<10240x128xf32, #tpu.memory_space<vmem_shared>> -> memref<40x128xf32, #tpu.memory_space<vmem_shared>>
        %dma_start3A_420 = arith.constant 0 : i32
        %dma_start3A_421 = arith.constant 0 : i32
        %dma_start3A_422 = tpu.memref_slice %arg9[%run_scoped3A_122, %dma_start3A_420, %dma_start3A_421] : memref<8x40x128xf32, #tpu.memory_space<vmem>> -> memref<1x40x128xf32, #tpu.memory_space<vmem>>
        %dma_start3A_423 = tpu.memref_squeeze %dma_start3A_422 : memref<1x40x128xf32, #tpu.memory_space<vmem>> -> memref<40x128xf32, #tpu.memory_space<vmem>>
        tpu.enqueue_dma source(%dma_start3A_423 : memref<40x128xf32, #tpu.memory_space<vmem>>) target(%dma_start3A_419 : memref<40x128xf32, #tpu.memory_space<vmem_shared>>) target_semaphore(%run_scoped3A_411 : memref<!tpu.dma_semaphore, #tpu.memory_space<semaphore_mem>>)
        %dma_wait3A_424 = arith.constant 0 : i32
        %dma_wait3A_425 = arith.constant 0 : i32
        %dma_wait3A_426 = tpu.memref_slice %arg9[%run_scoped3A_122, %dma_wait3A_424, %dma_wait3A_425] : memref<8x40x128xf32, #tpu.memory_space<vmem>> -> memref<1x40x128xf32, #tpu.memory_space<vmem>>
        %dma_wait3A_427 = tpu.memref_squeeze %dma_wait3A_426 : memref<1x40x128xf32, #tpu.memory_space<vmem>> -> memref<40x128xf32, #tpu.memory_space<vmem>>
        %dma_wait3A_428 = arith.constant 0 : i32
        %dma_wait3A_429 = tpu.memref_slice %arg10[%add3A_121, %dma_wait3A_428] : memref<10240x128xf32, #tpu.memory_space<vmem_shared>> -> memref<40x128xf32, #tpu.memory_space<vmem_shared>>
        %dma_wait3A_430 = arith.constant 0 : i32
        %dma_wait3A_431 = tpu.memref_slice %arg10[%add3A_121, %dma_wait3A_430] : memref<10240x128xf32, #tpu.memory_space<vmem_shared>> -> memref<40x128xf32, #tpu.memory_space<vmem_shared>>
        %dma_wait3A_432 = arith.constant 0 : i32
        %dma_wait3A_433 = arith.constant 0 : i32
        %dma_wait3A_434 = tpu.memref_slice %arg9[%run_scoped3A_122, %dma_wait3A_432, %dma_wait3A_433] : memref<8x40x128xf32, #tpu.memory_space<vmem>> -> memref<1x40x128xf32, #tpu.memory_space<vmem>>
        %dma_wait3A_435 = tpu.memref_squeeze %dma_wait3A_434 : memref<1x40x128xf32, #tpu.memory_space<vmem>> -> memref<40x128xf32, #tpu.memory_space<vmem>>
        tpu.wait_dma2 semaphore(%run_scoped3A_411 : memref<!tpu.dma_semaphore, #tpu.memory_space<semaphore_mem>>) src(%dma_wait3A_435 : memref<40x128xf32, #tpu.memory_space<vmem>>) dst(%dma_wait3A_431 : memref<40x128xf32, #tpu.memory_space<vmem_shared>>)
        tpu.yield
      }) : () -> ()
      %add3A_123 = arith.constant 560 : i32
      %add3A_124 = arith.addi %mul3A_81, %add3A_123 : i32
      %run_scoped3A_125 = arith.constant 4 : i32
      "tpu.region"() ({
        %run_scoped3A_411 = tpu.sem_alloc : memref<!tpu.dma_semaphore, #tpu.memory_space<semaphore_mem>>
        %dma_start3A_412 = arith.constant 0 : i32
        %dma_start3A_413 = arith.constant 0 : i32
        %dma_start3A_414 = tpu.memref_slice %arg9[%run_scoped3A_125, %dma_start3A_412, %dma_start3A_413] : memref<8x40x128xf32, #tpu.memory_space<vmem>> -> memref<1x40x128xf32, #tpu.memory_space<vmem>>
        %dma_start3A_415 = tpu.memref_squeeze %dma_start3A_414 : memref<1x40x128xf32, #tpu.memory_space<vmem>> -> memref<40x128xf32, #tpu.memory_space<vmem>>
        %dma_start3A_416 = arith.constant 0 : i32
        %dma_start3A_417 = tpu.memref_slice %arg10[%add3A_124, %dma_start3A_416] : memref<10240x128xf32, #tpu.memory_space<vmem_shared>> -> memref<40x128xf32, #tpu.memory_space<vmem_shared>>
        %dma_start3A_418 = arith.constant 0 : i32
        %dma_start3A_419 = tpu.memref_slice %arg10[%add3A_124, %dma_start3A_418] : memref<10240x128xf32, #tpu.memory_space<vmem_shared>> -> memref<40x128xf32, #tpu.memory_space<vmem_shared>>
        %dma_start3A_420 = arith.constant 0 : i32
        %dma_start3A_421 = arith.constant 0 : i32
        %dma_start3A_422 = tpu.memref_slice %arg9[%run_scoped3A_125, %dma_start3A_420, %dma_start3A_421] : memref<8x40x128xf32, #tpu.memory_space<vmem>> -> memref<1x40x128xf32, #tpu.memory_space<vmem>>
        %dma_start3A_423 = tpu.memref_squeeze %dma_start3A_422 : memref<1x40x128xf32, #tpu.memory_space<vmem>> -> memref<40x128xf32, #tpu.memory_space<vmem>>
        tpu.enqueue_dma source(%dma_start3A_423 : memref<40x128xf32, #tpu.memory_space<vmem>>) target(%dma_start3A_419 : memref<40x128xf32, #tpu.memory_space<vmem_shared>>) target_semaphore(%run_scoped3A_411 : memref<!tpu.dma_semaphore, #tpu.memory_space<semaphore_mem>>)
        %dma_wait3A_424 = arith.constant 0 : i32
        %dma_wait3A_425 = arith.constant 0 : i32
        %dma_wait3A_426 = tpu.memref_slice %arg9[%run_scoped3A_125, %dma_wait3A_424, %dma_wait3A_425] : memref<8x40x128xf32, #tpu.memory_space<vmem>> -> memref<1x40x128xf32, #tpu.memory_space<vmem>>
        %dma_wait3A_427 = tpu.memref_squeeze %dma_wait3A_426 : memref<1x40x128xf32, #tpu.memory_space<vmem>> -> memref<40x128xf32, #tpu.memory_space<vmem>>
        %dma_wait3A_428 = arith.constant 0 : i32
        %dma_wait3A_429 = tpu.memref_slice %arg10[%add3A_124, %dma_wait3A_428] : memref<10240x128xf32, #tpu.memory_space<vmem_shared>> -> memref<40x128xf32, #tpu.memory_space<vmem_shared>>
        %dma_wait3A_430 = arith.constant 0 : i32
        %dma_wait3A_431 = tpu.memref_slice %arg10[%add3A_124, %dma_wait3A_430] : memref<10240x128xf32, #tpu.memory_space<vmem_shared>> -> memref<40x128xf32, #tpu.memory_space<vmem_shared>>
        %dma_wait3A_432 = arith.constant 0 : i32
        %dma_wait3A_433 = arith.constant 0 : i32
        %dma_wait3A_434 = tpu.memref_slice %arg9[%run_scoped3A_125, %dma_wait3A_432, %dma_wait3A_433] : memref<8x40x128xf32, #tpu.memory_space<vmem>> -> memref<1x40x128xf32, #tpu.memory_space<vmem>>
        %dma_wait3A_435 = tpu.memref_squeeze %dma_wait3A_434 : memref<1x40x128xf32, #tpu.memory_space<vmem>> -> memref<40x128xf32, #tpu.memory_space<vmem>>
        tpu.wait_dma2 semaphore(%run_scoped3A_411 : memref<!tpu.dma_semaphore, #tpu.memory_space<semaphore_mem>>) src(%dma_wait3A_435 : memref<40x128xf32, #tpu.memory_space<vmem>>) dst(%dma_wait3A_431 : memref<40x128xf32, #tpu.memory_space<vmem_shared>>)
        tpu.yield
      }) : () -> ()
      %add3A_126 = arith.constant 600 : i32
      %add3A_127 = arith.addi %mul3A_81, %add3A_126 : i32
      %run_scoped3A_128 = arith.constant 4 : i32
      "tpu.region"() ({
        %run_scoped3A_411 = tpu.sem_alloc : memref<!tpu.dma_semaphore, #tpu.memory_space<semaphore_mem>>
        %dma_start3A_412 = arith.constant 0 : i32
        %dma_start3A_413 = arith.constant 0 : i32
        %dma_start3A_414 = tpu.memref_slice %arg9[%run_scoped3A_128, %dma_start3A_412, %dma_start3A_413] : memref<8x40x128xf32, #tpu.memory_space<vmem>> -> memref<1x40x128xf32, #tpu.memory_space<vmem>>
        %dma_start3A_415 = tpu.memref_squeeze %dma_start3A_414 : memref<1x40x128xf32, #tpu.memory_space<vmem>> -> memref<40x128xf32, #tpu.memory_space<vmem>>
        %dma_start3A_416 = arith.constant 0 : i32
        %dma_start3A_417 = tpu.memref_slice %arg10[%add3A_127, %dma_start3A_416] : memref<10240x128xf32, #tpu.memory_space<vmem_shared>> -> memref<40x128xf32, #tpu.memory_space<vmem_shared>>
        %dma_start3A_418 = arith.constant 0 : i32
        %dma_start3A_419 = tpu.memref_slice %arg10[%add3A_127, %dma_start3A_418] : memref<10240x128xf32, #tpu.memory_space<vmem_shared>> -> memref<40x128xf32, #tpu.memory_space<vmem_shared>>
        %dma_start3A_420 = arith.constant 0 : i32
        %dma_start3A_421 = arith.constant 0 : i32
        %dma_start3A_422 = tpu.memref_slice %arg9[%run_scoped3A_128, %dma_start3A_420, %dma_start3A_421] : memref<8x40x128xf32, #tpu.memory_space<vmem>> -> memref<1x40x128xf32, #tpu.memory_space<vmem>>
        %dma_start3A_423 = tpu.memref_squeeze %dma_start3A_422 : memref<1x40x128xf32, #tpu.memory_space<vmem>> -> memref<40x128xf32, #tpu.memory_space<vmem>>
        tpu.enqueue_dma source(%dma_start3A_423 : memref<40x128xf32, #tpu.memory_space<vmem>>) target(%dma_start3A_419 : memref<40x128xf32, #tpu.memory_space<vmem_shared>>) target_semaphore(%run_scoped3A_411 : memref<!tpu.dma_semaphore, #tpu.memory_space<semaphore_mem>>)
        %dma_wait3A_424 = arith.constant 0 : i32
        %dma_wait3A_425 = arith.constant 0 : i32
        %dma_wait3A_426 = tpu.memref_slice %arg9[%run_scoped3A_128, %dma_wait3A_424, %dma_wait3A_425] : memref<8x40x128xf32, #tpu.memory_space<vmem>> -> memref<1x40x128xf32, #tpu.memory_space<vmem>>
        %dma_wait3A_427 = tpu.memref_squeeze %dma_wait3A_426 : memref<1x40x128xf32, #tpu.memory_space<vmem>> -> memref<40x128xf32, #tpu.memory_space<vmem>>
        %dma_wait3A_428 = arith.constant 0 : i32
        %dma_wait3A_429 = tpu.memref_slice %arg10[%add3A_127, %dma_wait3A_428] : memref<10240x128xf32, #tpu.memory_space<vmem_shared>> -> memref<40x128xf32, #tpu.memory_space<vmem_shared>>
        %dma_wait3A_430 = arith.constant 0 : i32
        %dma_wait3A_431 = tpu.memref_slice %arg10[%add3A_127, %dma_wait3A_430] : memref<10240x128xf32, #tpu.memory_space<vmem_shared>> -> memref<40x128xf32, #tpu.memory_space<vmem_shared>>
        %dma_wait3A_432 = arith.constant 0 : i32
        %dma_wait3A_433 = arith.constant 0 : i32
        %dma_wait3A_434 = tpu.memref_slice %arg9[%run_scoped3A_128, %dma_wait3A_432, %dma_wait3A_433] : memref<8x40x128xf32, #tpu.memory_space<vmem>> -> memref<1x40x128xf32, #tpu.memory_space<vmem>>
        %dma_wait3A_435 = tpu.memref_squeeze %dma_wait3A_434 : memref<1x40x128xf32, #tpu.memory_space<vmem>> -> memref<40x128xf32, #tpu.memory_space<vmem>>
        tpu.wait_dma2 semaphore(%run_scoped3A_411 : memref<!tpu.dma_semaphore, #tpu.memory_space<semaphore_mem>>) src(%dma_wait3A_435 : memref<40x128xf32, #tpu.memory_space<vmem>>) dst(%dma_wait3A_431 : memref<40x128xf32, #tpu.memory_space<vmem_shared>>)
        tpu.yield
      }) : () -> ()
      %barrier3A = arith.constant 0 : index
      tpu.barrier barrier_id(%barrier3A)
      %scan3A_129 = arith.constant 0 : i32
      %scan3A_130 = arith.constant 0 : i32
      %scan3A_131 = arith.constant 62 : i32
      %scan3A_132 = arith.addi %scan3A_130, %scan3A_131 : i32
      %scan3A_133 = arith.constant 1 : i32
      scf.for %scan3A_411 = %scan3A_130 to %scan3A_132 step %scan3A_133  : i32 {
        %mul3A_412 = arith.constant 2 : i32
        %mul3A_413 = arith.muli %mul3A_412, %scan3A_411 : i32
        %gt3A = arith.constant 0 : i32
        %gt3A_414 = arith.cmpi sgt, %mul3A_413, %gt3A : i32
        %convert_element_type3A_415 = arith.extui %gt3A_414 : i1 to i32
        %cond3A_416 = arith.constant 0 : i32
        %cond3A_417 = arith.cmpi ne, %convert_element_type3A_415, %cond3A_416 : i32
        scf.if %cond3A_417 {
          %dma_wait3A_702 = arith.constant 4 : i32
          %dma_wait3A_703 = arith.constant 0 : i32
          %dma_wait3A_704 = arith.constant 0 : i32
          %dma_wait3A_705 = arith.constant 4 : i32
          %dma_wait3A_706 = arith.constant 0 : i32
          %dma_wait3A_707 = arith.constant 0 : i32
          %dma_wait3A_708 = tpu.memref_slice %arg9[%dma_wait3A_702, %dma_wait3A_706, %dma_wait3A_707] : memref<8x40x128xf32, #tpu.memory_space<vmem>> -> memref<1x40x128xf32, #tpu.memory_space<vmem>>
          %dma_wait3A_709 = tpu.memref_squeeze %dma_wait3A_708 : memref<1x40x128xf32, #tpu.memory_space<vmem>> -> memref<40x128xf32, #tpu.memory_space<vmem>>
          %dma_wait3A_710 = arith.constant 0 : i32
          %dma_wait3A_711 = tpu.memref_slice %arg8[%dma_wait3A_703, %dma_wait3A_704, %dma_wait3A_710] : memref<2x4x40xi32, #tpu.memory_space<vmem>> -> memref<1x1x40xi32, #tpu.memory_space<vmem>>
          %dma_wait3A_712 = tpu.memref_squeeze %dma_wait3A_711 : memref<1x1x40xi32, #tpu.memory_space<vmem>> -> memref<40xi32, #tpu.memory_space<vmem>>
          %dma_wait3A_713 = arith.constant 0 : i32
          %dma_wait3A_714 = arith.constant 0 : i32
          %dma_wait3A_715 = tpu.memref_slice %arg10[%dma_wait3A_713, %dma_wait3A_714] : memref<10240x128xf32, #tpu.memory_space<vmem_shared>> -> memref<10240x128xf32, #tpu.memory_space<vmem_shared>>
          %dma_wait3A_716 = tpu.memref_slice %arg13[%dma_wait3A_705] : memref<8x!tpu.dma_semaphore, #tpu.memory_space<semaphore_mem>> -> memref<1x!tpu.dma_semaphore, #tpu.memory_space<semaphore_mem>>
          %dma_wait3A_717 = tpu.memref_squeeze %dma_wait3A_716 : memref<1x!tpu.dma_semaphore, #tpu.memory_space<semaphore_mem>> -> memref<!tpu.dma_semaphore, #tpu.memory_space<semaphore_mem>>
          tpu.wait_indirect_dma semaphore(%dma_wait3A_717 : memref<!tpu.dma_semaphore, #tpu.memory_space<semaphore_mem>>) src(%dma_wait3A_709 : memref<40x128xf32, #tpu.memory_space<vmem>>) dst(%dma_wait3A_715 : memref<10240x128xf32, #tpu.memory_space<vmem_shared>>)
          %dma_wait3A_718 = arith.constant 5 : i32
          %dma_wait3A_719 = arith.constant 0 : i32
          %dma_wait3A_720 = arith.constant 0 : i32
          %dma_wait3A_721 = arith.constant 5 : i32
          %dma_wait3A_722 = arith.constant 0 : i32
          %dma_wait3A_723 = arith.constant 0 : i32
          %dma_wait3A_724 = tpu.memref_slice %arg9[%dma_wait3A_718, %dma_wait3A_722, %dma_wait3A_723] : memref<8x40x128xf32, #tpu.memory_space<vmem>> -> memref<1x40x128xf32, #tpu.memory_space<vmem>>
          %dma_wait3A_725 = tpu.memref_squeeze %dma_wait3A_724 : memref<1x40x128xf32, #tpu.memory_space<vmem>> -> memref<40x128xf32, #tpu.memory_space<vmem>>
          %dma_wait3A_726 = arith.constant 0 : i32
          %dma_wait3A_727 = tpu.memref_slice %arg8[%dma_wait3A_719, %dma_wait3A_720, %dma_wait3A_726] : memref<2x4x40xi32, #tpu.memory_space<vmem>> -> memref<1x1x40xi32, #tpu.memory_space<vmem>>
          %dma_wait3A_728 = tpu.memref_squeeze %dma_wait3A_727 : memref<1x1x40xi32, #tpu.memory_space<vmem>> -> memref<40xi32, #tpu.memory_space<vmem>>
          %dma_wait3A_729 = arith.constant 0 : i32
          %dma_wait3A_730 = arith.constant 0 : i32
          %dma_wait3A_731 = tpu.memref_slice %arg10[%dma_wait3A_729, %dma_wait3A_730] : memref<10240x128xf32, #tpu.memory_space<vmem_shared>> -> memref<10240x128xf32, #tpu.memory_space<vmem_shared>>
          %dma_wait3A_732 = tpu.memref_slice %arg13[%dma_wait3A_721] : memref<8x!tpu.dma_semaphore, #tpu.memory_space<semaphore_mem>> -> memref<1x!tpu.dma_semaphore, #tpu.memory_space<semaphore_mem>>
          %dma_wait3A_733 = tpu.memref_squeeze %dma_wait3A_732 : memref<1x!tpu.dma_semaphore, #tpu.memory_space<semaphore_mem>> -> memref<!tpu.dma_semaphore, #tpu.memory_space<semaphore_mem>>
          tpu.wait_indirect_dma semaphore(%dma_wait3A_733 : memref<!tpu.dma_semaphore, #tpu.memory_space<semaphore_mem>>) src(%dma_wait3A_725 : memref<40x128xf32, #tpu.memory_space<vmem>>) dst(%dma_wait3A_731 : memref<10240x128xf32, #tpu.memory_space<vmem_shared>>)
          %dma_wait3A_734 = arith.constant 6 : i32
          %dma_wait3A_735 = arith.constant 0 : i32
          %dma_wait3A_736 = arith.constant 0 : i32
          %dma_wait3A_737 = arith.constant 6 : i32
          %dma_wait3A_738 = arith.constant 0 : i32
          %dma_wait3A_739 = arith.constant 0 : i32
          %dma_wait3A_740 = tpu.memref_slice %arg9[%dma_wait3A_734, %dma_wait3A_738, %dma_wait3A_739] : memref<8x40x128xf32, #tpu.memory_space<vmem>> -> memref<1x40x128xf32, #tpu.memory_space<vmem>>
          %dma_wait3A_741 = tpu.memref_squeeze %dma_wait3A_740 : memref<1x40x128xf32, #tpu.memory_space<vmem>> -> memref<40x128xf32, #tpu.memory_space<vmem>>
          %dma_wait3A_742 = arith.constant 0 : i32
          %dma_wait3A_743 = tpu.memref_slice %arg8[%dma_wait3A_735, %dma_wait3A_736, %dma_wait3A_742] : memref<2x4x40xi32, #tpu.memory_space<vmem>> -> memref<1x1x40xi32, #tpu.memory_space<vmem>>
          %dma_wait3A_744 = tpu.memref_squeeze %dma_wait3A_743 : memref<1x1x40xi32, #tpu.memory_space<vmem>> -> memref<40xi32, #tpu.memory_space<vmem>>
          %dma_wait3A_745 = arith.constant 0 : i32
          %dma_wait3A_746 = arith.constant 0 : i32
          %dma_wait3A_747 = tpu.memref_slice %arg10[%dma_wait3A_745, %dma_wait3A_746] : memref<10240x128xf32, #tpu.memory_space<vmem_shared>> -> memref<10240x128xf32, #tpu.memory_space<vmem_shared>>
          %dma_wait3A_748 = tpu.memref_slice %arg13[%dma_wait3A_737] : memref<8x!tpu.dma_semaphore, #tpu.memory_space<semaphore_mem>> -> memref<1x!tpu.dma_semaphore, #tpu.memory_space<semaphore_mem>>
          %dma_wait3A_749 = tpu.memref_squeeze %dma_wait3A_748 : memref<1x!tpu.dma_semaphore, #tpu.memory_space<semaphore_mem>> -> memref<!tpu.dma_semaphore, #tpu.memory_space<semaphore_mem>>
          tpu.wait_indirect_dma semaphore(%dma_wait3A_749 : memref<!tpu.dma_semaphore, #tpu.memory_space<semaphore_mem>>) src(%dma_wait3A_741 : memref<40x128xf32, #tpu.memory_space<vmem>>) dst(%dma_wait3A_747 : memref<10240x128xf32, #tpu.memory_space<vmem_shared>>)
          %dma_wait3A_750 = arith.constant 7 : i32
          %dma_wait3A_751 = arith.constant 0 : i32
          %dma_wait3A_752 = arith.constant 0 : i32
          %dma_wait3A_753 = arith.constant 7 : i32
          %dma_wait3A_754 = arith.constant 0 : i32
          %dma_wait3A_755 = arith.constant 0 : i32
          %dma_wait3A_756 = tpu.memref_slice %arg9[%dma_wait3A_750, %dma_wait3A_754, %dma_wait3A_755] : memref<8x40x128xf32, #tpu.memory_space<vmem>> -> memref<1x40x128xf32, #tpu.memory_space<vmem>>
          %dma_wait3A_757 = tpu.memref_squeeze %dma_wait3A_756 : memref<1x40x128xf32, #tpu.memory_space<vmem>> -> memref<40x128xf32, #tpu.memory_space<vmem>>
          %dma_wait3A_758 = arith.constant 0 : i32
          %dma_wait3A_759 = tpu.memref_slice %arg8[%dma_wait3A_751, %dma_wait3A_752, %dma_wait3A_758] : memref<2x4x40xi32, #tpu.memory_space<vmem>> -> memref<1x1x40xi32, #tpu.memory_space<vmem>>
          %dma_wait3A_760 = tpu.memref_squeeze %dma_wait3A_759 : memref<1x1x40xi32, #tpu.memory_space<vmem>> -> memref<40xi32, #tpu.memory_space<vmem>>
          %dma_wait3A_761 = arith.constant 0 : i32
          %dma_wait3A_762 = arith.constant 0 : i32
          %dma_wait3A_763 = tpu.memref_slice %arg10[%dma_wait3A_761, %dma_wait3A_762] : memref<10240x128xf32, #tpu.memory_space<vmem_shared>> -> memref<10240x128xf32, #tpu.memory_space<vmem_shared>>
          %dma_wait3A_764 = tpu.memref_slice %arg13[%dma_wait3A_753] : memref<8x!tpu.dma_semaphore, #tpu.memory_space<semaphore_mem>> -> memref<1x!tpu.dma_semaphore, #tpu.memory_space<semaphore_mem>>
          %dma_wait3A_765 = tpu.memref_squeeze %dma_wait3A_764 : memref<1x!tpu.dma_semaphore, #tpu.memory_space<semaphore_mem>> -> memref<!tpu.dma_semaphore, #tpu.memory_space<semaphore_mem>>
          tpu.wait_indirect_dma semaphore(%dma_wait3A_765 : memref<!tpu.dma_semaphore, #tpu.memory_space<semaphore_mem>>) src(%dma_wait3A_757 : memref<40x128xf32, #tpu.memory_space<vmem>>) dst(%dma_wait3A_763 : memref<10240x128xf32, #tpu.memory_space<vmem_shared>>)
        } else {
        }
        %lt3A = arith.constant 124 : i32
        %lt3A_418 = arith.cmpi slt, %mul3A_413, %lt3A : i32
        %convert_element_type3A_419 = arith.extui %lt3A_418 : i1 to i32
        %cond3A_420 = arith.constant 0 : i32
        %cond3A_421 = arith.cmpi ne, %convert_element_type3A_419, %cond3A_420 : i32
        scf.if %cond3A_421 {
          %add3A_702 = arith.constant 1 : i32
          %add3A_703 = arith.addi %mul3A_413, %add3A_702 : i32
          %mul3A_704 = arith.constant 4 : i32
          %mul3A_705 = arith.muli %add3A_703, %mul3A_704 : i32
          %add3A_706 = arith.addi %mul3A_0, %mul3A_705 : i32
          %dma_start3A_707 = arith.constant 0 : i32
          %dma_start3A_708 = arith.constant 1 : i32
          %dma_start3A_709 = arith.constant 0 : i32
          %dma_start3A_710 = arith.constant 0 : i32
          %dma_start3A_711 = arith.constant 0 : i32
          %dma_start3A_712 = tpu.memref_slice %arg7[%dma_start3A_708, %dma_start3A_710, %dma_start3A_711] : memref<2x4x40xi32, #tpu.memory_space<vmem>> -> memref<1x4x40xi32, #tpu.memory_space<vmem>>
          %dma_start3A_713 = tpu.memref_squeeze %dma_start3A_712 : memref<1x4x40xi32, #tpu.memory_space<vmem>> -> memref<4x40xi32, #tpu.memory_space<vmem>>
          %dma_start3A_714 = arith.constant 0 : i32
          %dma_start3A_715 = tpu.memref_slice %arg4[%dma_start3A_707, %add3A_706, %dma_start3A_714] : memref<2x8000x40xi32, #tpu.memory_space<hbm>> -> memref<1x4x40xi32, #tpu.memory_space<hbm>>
          %dma_start3A_716 = tpu.memref_squeeze %dma_start3A_715 : memref<1x4x40xi32, #tpu.memory_space<hbm>> -> memref<4x40xi32, #tpu.memory_space<hbm>>
          %dma_start3A_717 = tpu.memref_slice %arg11[%dma_start3A_709] : memref<2x!tpu.dma_semaphore, #tpu.memory_space<semaphore_mem>> -> memref<1x!tpu.dma_semaphore, #tpu.memory_space<semaphore_mem>>
          %dma_start3A_718 = tpu.memref_squeeze %dma_start3A_717 : memref<1x!tpu.dma_semaphore, #tpu.memory_space<semaphore_mem>> -> memref<!tpu.dma_semaphore, #tpu.memory_space<semaphore_mem>>
          %dma_start3A_719 = arith.constant 0 : i32
          %dma_start3A_720 = arith.constant 0 : i32
          %dma_start3A_721 = tpu.memref_slice %arg7[%dma_start3A_708, %dma_start3A_719, %dma_start3A_720] : memref<2x4x40xi32, #tpu.memory_space<vmem>> -> memref<1x4x40xi32, #tpu.memory_space<vmem>>
          %dma_start3A_722 = tpu.memref_squeeze %dma_start3A_721 : memref<1x4x40xi32, #tpu.memory_space<vmem>> -> memref<4x40xi32, #tpu.memory_space<vmem>>
          %dma_start3A_723 = arith.constant 0 : i32
          %dma_start3A_724 = tpu.memref_slice %arg4[%dma_start3A_707, %add3A_706, %dma_start3A_723] : memref<2x8000x40xi32, #tpu.memory_space<hbm>> -> memref<1x4x40xi32, #tpu.memory_space<hbm>>
          %dma_start3A_725 = tpu.memref_squeeze %dma_start3A_724 : memref<1x4x40xi32, #tpu.memory_space<hbm>> -> memref<4x40xi32, #tpu.memory_space<hbm>>
          tpu.enqueue_dma source(%dma_start3A_725 : memref<4x40xi32, #tpu.memory_space<hbm>>) target(%dma_start3A_722 : memref<4x40xi32, #tpu.memory_space<vmem>>) target_semaphore(%dma_start3A_718 : memref<!tpu.dma_semaphore, #tpu.memory_space<semaphore_mem>>)
          %dma_start3A_726 = arith.constant 1 : i32
          %dma_start3A_727 = arith.constant 1 : i32
          %dma_start3A_728 = arith.constant 1 : i32
          %dma_start3A_729 = arith.constant 0 : i32
          %dma_start3A_730 = arith.constant 0 : i32
          %dma_start3A_731 = tpu.memref_slice %arg8[%dma_start3A_727, %dma_start3A_729, %dma_start3A_730] : memref<2x4x40xi32, #tpu.memory_space<vmem>> -> memref<1x4x40xi32, #tpu.memory_space<vmem>>
          %dma_start3A_732 = tpu.memref_squeeze %dma_start3A_731 : memref<1x4x40xi32, #tpu.memory_space<vmem>> -> memref<4x40xi32, #tpu.memory_space<vmem>>
          %dma_start3A_733 = arith.constant 0 : i32
          %dma_start3A_734 = tpu.memref_slice %arg4[%dma_start3A_726, %add3A_706, %dma_start3A_733] : memref<2x8000x40xi32, #tpu.memory_space<hbm>> -> memref<1x4x40xi32, #tpu.memory_space<hbm>>
          %dma_start3A_735 = tpu.memref_squeeze %dma_start3A_734 : memref<1x4x40xi32, #tpu.memory_space<hbm>> -> memref<4x40xi32, #tpu.memory_space<hbm>>
          %dma_start3A_736 = tpu.memref_slice %arg11[%dma_start3A_728] : memref<2x!tpu.dma_semaphore, #tpu.memory_space<semaphore_mem>> -> memref<1x!tpu.dma_semaphore, #tpu.memory_space<semaphore_mem>>
          %dma_start3A_737 = tpu.memref_squeeze %dma_start3A_736 : memref<1x!tpu.dma_semaphore, #tpu.memory_space<semaphore_mem>> -> memref<!tpu.dma_semaphore, #tpu.memory_space<semaphore_mem>>
          %dma_start3A_738 = arith.constant 0 : i32
          %dma_start3A_739 = arith.constant 0 : i32
          %dma_start3A_740 = tpu.memref_slice %arg8[%dma_start3A_727, %dma_start3A_738, %dma_start3A_739] : memref<2x4x40xi32, #tpu.memory_space<vmem>> -> memref<1x4x40xi32, #tpu.memory_space<vmem>>
          %dma_start3A_741 = tpu.memref_squeeze %dma_start3A_740 : memref<1x4x40xi32, #tpu.memory_space<vmem>> -> memref<4x40xi32, #tpu.memory_space<vmem>>
          %dma_start3A_742 = arith.constant 0 : i32
          %dma_start3A_743 = tpu.memref_slice %arg4[%dma_start3A_726, %add3A_706, %dma_start3A_742] : memref<2x8000x40xi32, #tpu.memory_space<hbm>> -> memref<1x4x40xi32, #tpu.memory_space<hbm>>
          %dma_start3A_744 = tpu.memref_squeeze %dma_start3A_743 : memref<1x4x40xi32, #tpu.memory_space<hbm>> -> memref<4x40xi32, #tpu.memory_space<hbm>>
          tpu.enqueue_dma source(%dma_start3A_744 : memref<4x40xi32, #tpu.memory_space<hbm>>) target(%dma_start3A_741 : memref<4x40xi32, #tpu.memory_space<vmem>>) target_semaphore(%dma_start3A_737 : memref<!tpu.dma_semaphore, #tpu.memory_space<semaphore_mem>>)
        } else {
        }
        %dma_wait3A_422 = arith.constant 0 : i32
        %dma_wait3A_423 = arith.constant 0 : i32
        %dma_wait3A_424 = arith.constant 0 : i32
        %dma_wait3A_425 = arith.constant 0 : i32
        %dma_wait3A_426 = arith.constant 0 : i32
        %dma_wait3A_427 = arith.constant 0 : i32
        %dma_wait3A_428 = tpu.memref_slice %arg9[%dma_wait3A_424, %dma_wait3A_426, %dma_wait3A_427] : memref<8x40x128xf32, #tpu.memory_space<vmem>> -> memref<1x40x128xf32, #tpu.memory_space<vmem>>
        %dma_wait3A_429 = tpu.memref_squeeze %dma_wait3A_428 : memref<1x40x128xf32, #tpu.memory_space<vmem>> -> memref<40x128xf32, #tpu.memory_space<vmem>>
        %dma_wait3A_430 = arith.constant 0 : i32
        %dma_wait3A_431 = tpu.memref_slice %arg7[%dma_wait3A_422, %dma_wait3A_423, %dma_wait3A_430] : memref<2x4x40xi32, #tpu.memory_space<vmem>> -> memref<1x1x40xi32, #tpu.memory_space<vmem>>
        %dma_wait3A_432 = tpu.memref_squeeze %dma_wait3A_431 : memref<1x1x40xi32, #tpu.memory_space<vmem>> -> memref<40xi32, #tpu.memory_space<vmem>>
        %dma_wait3A_433 = arith.constant 0 : i32
        %dma_wait3A_434 = arith.constant 0 : i32
        %dma_wait3A_435 = tpu.memref_slice %arg2[%dma_wait3A_433, %dma_wait3A_434] : memref<10000x128xf32, #tpu.memory_space<hbm>> -> memref<10000x128xf32, #tpu.memory_space<hbm>>
        %dma_wait3A_436 = tpu.memref_slice %arg12[%dma_wait3A_425] : memref<8x!tpu.dma_semaphore, #tpu.memory_space<semaphore_mem>> -> memref<1x!tpu.dma_semaphore, #tpu.memory_space<semaphore_mem>>
        %dma_wait3A_437 = tpu.memref_squeeze %dma_wait3A_436 : memref<1x!tpu.dma_semaphore, #tpu.memory_space<semaphore_mem>> -> memref<!tpu.dma_semaphore, #tpu.memory_space<semaphore_mem>>
        tpu.wait_indirect_dma semaphore(%dma_wait3A_437 : memref<!tpu.dma_semaphore, #tpu.memory_space<semaphore_mem>>) src(%dma_wait3A_435 : memref<10000x128xf32, #tpu.memory_space<hbm>>) dst(%dma_wait3A_429 : memref<40x128xf32, #tpu.memory_space<vmem>>)
        %dma_start3A_438 = arith.constant 0 : i32
        %dma_start3A_439 = arith.constant 0 : i32
        %dma_start3A_440 = arith.constant 0 : i32
        %dma_start3A_441 = arith.constant 0 : i32
        %dma_start3A_442 = arith.constant 0 : i32
        %dma_start3A_443 = arith.constant 0 : i32
        %dma_start3A_444 = tpu.memref_slice %arg9[%dma_start3A_438, %dma_start3A_442, %dma_start3A_443] : memref<8x40x128xf32, #tpu.memory_space<vmem>> -> memref<1x40x128xf32, #tpu.memory_space<vmem>>
        %dma_start3A_445 = tpu.memref_squeeze %dma_start3A_444 : memref<1x40x128xf32, #tpu.memory_space<vmem>> -> memref<40x128xf32, #tpu.memory_space<vmem>>
        %dma_start3A_446 = arith.constant 0 : i32
        %dma_start3A_447 = tpu.memref_slice %arg8[%dma_start3A_439, %dma_start3A_440, %dma_start3A_446] : memref<2x4x40xi32, #tpu.memory_space<vmem>> -> memref<1x1x40xi32, #tpu.memory_space<vmem>>
        %dma_start3A_448 = tpu.memref_squeeze %dma_start3A_447 : memref<1x1x40xi32, #tpu.memory_space<vmem>> -> memref<40xi32, #tpu.memory_space<vmem>>
        %dma_start3A_449 = arith.constant 0 : i32
        %dma_start3A_450 = arith.constant 0 : i32
        %dma_start3A_451 = tpu.memref_slice %arg10[%dma_start3A_449, %dma_start3A_450] : memref<10240x128xf32, #tpu.memory_space<vmem_shared>> -> memref<10240x128xf32, #tpu.memory_space<vmem_shared>>
        %dma_start3A_452 = tpu.memref_slice %arg13[%dma_start3A_441] : memref<8x!tpu.dma_semaphore, #tpu.memory_space<semaphore_mem>> -> memref<1x!tpu.dma_semaphore, #tpu.memory_space<semaphore_mem>>
        %dma_start3A_453 = tpu.memref_squeeze %dma_start3A_452 : memref<1x!tpu.dma_semaphore, #tpu.memory_space<semaphore_mem>> -> memref<!tpu.dma_semaphore, #tpu.memory_space<semaphore_mem>>
        tpu.enqueue_indirect_dma source(%dma_start3A_445 : memref<40x128xf32, #tpu.memory_space<vmem>>) target(%dma_start3A_451 : memref<10240x128xf32, #tpu.memory_space<vmem_shared>>) offsets(%dma_start3A_448 : memref<40xi32, #tpu.memory_space<vmem>>) semaphore(%dma_start3A_453 : memref<!tpu.dma_semaphore, #tpu.memory_space<semaphore_mem>>) {add = true}
        %dma_wait3A_454 = arith.constant 0 : i32
        %dma_wait3A_455 = arith.constant 0 : i32
        %dma_wait3A_456 = arith.constant 1 : i32
        %dma_wait3A_457 = arith.constant 1 : i32
        %dma_wait3A_458 = arith.constant 0 : i32
        %dma_wait3A_459 = arith.constant 0 : i32
        %dma_wait3A_460 = tpu.memref_slice %arg9[%dma_wait3A_456, %dma_wait3A_458, %dma_wait3A_459] : memref<8x40x128xf32, #tpu.memory_space<vmem>> -> memref<1x40x128xf32, #tpu.memory_space<vmem>>
        %dma_wait3A_461 = tpu.memref_squeeze %dma_wait3A_460 : memref<1x40x128xf32, #tpu.memory_space<vmem>> -> memref<40x128xf32, #tpu.memory_space<vmem>>
        %dma_wait3A_462 = arith.constant 0 : i32
        %dma_wait3A_463 = tpu.memref_slice %arg7[%dma_wait3A_454, %dma_wait3A_455, %dma_wait3A_462] : memref<2x4x40xi32, #tpu.memory_space<vmem>> -> memref<1x1x40xi32, #tpu.memory_space<vmem>>
        %dma_wait3A_464 = tpu.memref_squeeze %dma_wait3A_463 : memref<1x1x40xi32, #tpu.memory_space<vmem>> -> memref<40xi32, #tpu.memory_space<vmem>>
        %dma_wait3A_465 = arith.constant 0 : i32
        %dma_wait3A_466 = arith.constant 0 : i32
        %dma_wait3A_467 = tpu.memref_slice %arg2[%dma_wait3A_465, %dma_wait3A_466] : memref<10000x128xf32, #tpu.memory_space<hbm>> -> memref<10000x128xf32, #tpu.memory_space<hbm>>
        %dma_wait3A_468 = tpu.memref_slice %arg12[%dma_wait3A_457] : memref<8x!tpu.dma_semaphore, #tpu.memory_space<semaphore_mem>> -> memref<1x!tpu.dma_semaphore, #tpu.memory_space<semaphore_mem>>
        %dma_wait3A_469 = tpu.memref_squeeze %dma_wait3A_468 : memref<1x!tpu.dma_semaphore, #tpu.memory_space<semaphore_mem>> -> memref<!tpu.dma_semaphore, #tpu.memory_space<semaphore_mem>>
        tpu.wait_indirect_dma semaphore(%dma_wait3A_469 : memref<!tpu.dma_semaphore, #tpu.memory_space<semaphore_mem>>) src(%dma_wait3A_467 : memref<10000x128xf32, #tpu.memory_space<hbm>>) dst(%dma_wait3A_461 : memref<40x128xf32, #tpu.memory_space<vmem>>)
        %dma_start3A_470 = arith.constant 1 : i32
        %dma_start3A_471 = arith.constant 0 : i32
        %dma_start3A_472 = arith.constant 1 : i32
        %dma_start3A_473 = arith.constant 1 : i32
        %dma_start3A_474 = arith.constant 0 : i32
        %dma_start3A_475 = arith.constant 0 : i32
        %dma_start3A_476 = tpu.memref_slice %arg9[%dma_start3A_470, %dma_start3A_474, %dma_start3A_475] : memref<8x40x128xf32, #tpu.memory_space<vmem>> -> memref<1x40x128xf32, #tpu.memory_space<vmem>>
        %dma_start3A_477 = tpu.memref_squeeze %dma_start3A_476 : memref<1x40x128xf32, #tpu.memory_space<vmem>> -> memref<40x128xf32, #tpu.memory_space<vmem>>
        %dma_start3A_478 = arith.constant 0 : i32
        %dma_start3A_479 = tpu.memref_slice %arg8[%dma_start3A_471, %dma_start3A_472, %dma_start3A_478] : memref<2x4x40xi32, #tpu.memory_space<vmem>> -> memref<1x1x40xi32, #tpu.memory_space<vmem>>
        %dma_start3A_480 = tpu.memref_squeeze %dma_start3A_479 : memref<1x1x40xi32, #tpu.memory_space<vmem>> -> memref<40xi32, #tpu.memory_space<vmem>>
        %dma_start3A_481 = arith.constant 0 : i32
        %dma_start3A_482 = arith.constant 0 : i32
        %dma_start3A_483 = tpu.memref_slice %arg10[%dma_start3A_481, %dma_start3A_482] : memref<10240x128xf32, #tpu.memory_space<vmem_shared>> -> memref<10240x128xf32, #tpu.memory_space<vmem_shared>>
        %dma_start3A_484 = tpu.memref_slice %arg13[%dma_start3A_473] : memref<8x!tpu.dma_semaphore, #tpu.memory_space<semaphore_mem>> -> memref<1x!tpu.dma_semaphore, #tpu.memory_space<semaphore_mem>>
        %dma_start3A_485 = tpu.memref_squeeze %dma_start3A_484 : memref<1x!tpu.dma_semaphore, #tpu.memory_space<semaphore_mem>> -> memref<!tpu.dma_semaphore, #tpu.memory_space<semaphore_mem>>
        tpu.enqueue_indirect_dma source(%dma_start3A_477 : memref<40x128xf32, #tpu.memory_space<vmem>>) target(%dma_start3A_483 : memref<10240x128xf32, #tpu.memory_space<vmem_shared>>) offsets(%dma_start3A_480 : memref<40xi32, #tpu.memory_space<vmem>>) semaphore(%dma_start3A_485 : memref<!tpu.dma_semaphore, #tpu.memory_space<semaphore_mem>>) {add = true}
        %dma_wait3A_486 = arith.constant 0 : i32
        %dma_wait3A_487 = arith.constant 0 : i32
        %dma_wait3A_488 = arith.constant 2 : i32
        %dma_wait3A_489 = arith.constant 2 : i32
        %dma_wait3A_490 = arith.constant 0 : i32
        %dma_wait3A_491 = arith.constant 0 : i32
        %dma_wait3A_492 = tpu.memref_slice %arg9[%dma_wait3A_488, %dma_wait3A_490, %dma_wait3A_491] : memref<8x40x128xf32, #tpu.memory_space<vmem>> -> memref<1x40x128xf32, #tpu.memory_space<vmem>>
        %dma_wait3A_493 = tpu.memref_squeeze %dma_wait3A_492 : memref<1x40x128xf32, #tpu.memory_space<vmem>> -> memref<40x128xf32, #tpu.memory_space<vmem>>
        %dma_wait3A_494 = arith.constant 0 : i32
        %dma_wait3A_495 = tpu.memref_slice %arg7[%dma_wait3A_486, %dma_wait3A_487, %dma_wait3A_494] : memref<2x4x40xi32, #tpu.memory_space<vmem>> -> memref<1x1x40xi32, #tpu.memory_space<vmem>>
        %dma_wait3A_496 = tpu.memref_squeeze %dma_wait3A_495 : memref<1x1x40xi32, #tpu.memory_space<vmem>> -> memref<40xi32, #tpu.memory_space<vmem>>
        %dma_wait3A_497 = arith.constant 0 : i32
        %dma_wait3A_498 = arith.constant 0 : i32
        %dma_wait3A_499 = tpu.memref_slice %arg2[%dma_wait3A_497, %dma_wait3A_498] : memref<10000x128xf32, #tpu.memory_space<hbm>> -> memref<10000x128xf32, #tpu.memory_space<hbm>>
        %dma_wait3A_500 = tpu.memref_slice %arg12[%dma_wait3A_489] : memref<8x!tpu.dma_semaphore, #tpu.memory_space<semaphore_mem>> -> memref<1x!tpu.dma_semaphore, #tpu.memory_space<semaphore_mem>>
        %dma_wait3A_501 = tpu.memref_squeeze %dma_wait3A_500 : memref<1x!tpu.dma_semaphore, #tpu.memory_space<semaphore_mem>> -> memref<!tpu.dma_semaphore, #tpu.memory_space<semaphore_mem>>
        tpu.wait_indirect_dma semaphore(%dma_wait3A_501 : memref<!tpu.dma_semaphore, #tpu.memory_space<semaphore_mem>>) src(%dma_wait3A_499 : memref<10000x128xf32, #tpu.memory_space<hbm>>) dst(%dma_wait3A_493 : memref<40x128xf32, #tpu.memory_space<vmem>>)
        %dma_start3A_502 = arith.constant 2 : i32
        %dma_start3A_503 = arith.constant 0 : i32
        %dma_start3A_504 = arith.constant 2 : i32
        %dma_start3A_505 = arith.constant 2 : i32
        %dma_start3A_506 = arith.constant 0 : i32
        %dma_start3A_507 = arith.constant 0 : i32
        %dma_start3A_508 = tpu.memref_slice %arg9[%dma_start3A_502, %dma_start3A_506, %dma_start3A_507] : memref<8x40x128xf32, #tpu.memory_space<vmem>> -> memref<1x40x128xf32, #tpu.memory_space<vmem>>
        %dma_start3A_509 = tpu.memref_squeeze %dma_start3A_508 : memref<1x40x128xf32, #tpu.memory_space<vmem>> -> memref<40x128xf32, #tpu.memory_space<vmem>>
        %dma_start3A_510 = arith.constant 0 : i32
        %dma_start3A_511 = tpu.memref_slice %arg8[%dma_start3A_503, %dma_start3A_504, %dma_start3A_510] : memref<2x4x40xi32, #tpu.memory_space<vmem>> -> memref<1x1x40xi32, #tpu.memory_space<vmem>>
        %dma_start3A_512 = tpu.memref_squeeze %dma_start3A_511 : memref<1x1x40xi32, #tpu.memory_space<vmem>> -> memref<40xi32, #tpu.memory_space<vmem>>
        %dma_start3A_513 = arith.constant 0 : i32
        %dma_start3A_514 = arith.constant 0 : i32
        %dma_start3A_515 = tpu.memref_slice %arg10[%dma_start3A_513, %dma_start3A_514] : memref<10240x128xf32, #tpu.memory_space<vmem_shared>> -> memref<10240x128xf32, #tpu.memory_space<vmem_shared>>
        %dma_start3A_516 = tpu.memref_slice %arg13[%dma_start3A_505] : memref<8x!tpu.dma_semaphore, #tpu.memory_space<semaphore_mem>> -> memref<1x!tpu.dma_semaphore, #tpu.memory_space<semaphore_mem>>
        %dma_start3A_517 = tpu.memref_squeeze %dma_start3A_516 : memref<1x!tpu.dma_semaphore, #tpu.memory_space<semaphore_mem>> -> memref<!tpu.dma_semaphore, #tpu.memory_space<semaphore_mem>>
        tpu.enqueue_indirect_dma source(%dma_start3A_509 : memref<40x128xf32, #tpu.memory_space<vmem>>) target(%dma_start3A_515 : memref<10240x128xf32, #tpu.memory_space<vmem_shared>>) offsets(%dma_start3A_512 : memref<40xi32, #tpu.memory_space<vmem>>) semaphore(%dma_start3A_517 : memref<!tpu.dma_semaphore, #tpu.memory_space<semaphore_mem>>) {add = true}
        %dma_wait3A_518 = arith.constant 0 : i32
        %dma_wait3A_519 = arith.constant 0 : i32
        %dma_wait3A_520 = arith.constant 3 : i32
        %dma_wait3A_521 = arith.constant 3 : i32
        %dma_wait3A_522 = arith.constant 0 : i32
        %dma_wait3A_523 = arith.constant 0 : i32
        %dma_wait3A_524 = tpu.memref_slice %arg9[%dma_wait3A_520, %dma_wait3A_522, %dma_wait3A_523] : memref<8x40x128xf32, #tpu.memory_space<vmem>> -> memref<1x40x128xf32, #tpu.memory_space<vmem>>
        %dma_wait3A_525 = tpu.memref_squeeze %dma_wait3A_524 : memref<1x40x128xf32, #tpu.memory_space<vmem>> -> memref<40x128xf32, #tpu.memory_space<vmem>>
        %dma_wait3A_526 = arith.constant 0 : i32
        %dma_wait3A_527 = tpu.memref_slice %arg7[%dma_wait3A_518, %dma_wait3A_519, %dma_wait3A_526] : memref<2x4x40xi32, #tpu.memory_space<vmem>> -> memref<1x1x40xi32, #tpu.memory_space<vmem>>
        %dma_wait3A_528 = tpu.memref_squeeze %dma_wait3A_527 : memref<1x1x40xi32, #tpu.memory_space<vmem>> -> memref<40xi32, #tpu.memory_space<vmem>>
        %dma_wait3A_529 = arith.constant 0 : i32
        %dma_wait3A_530 = arith.constant 0 : i32
        %dma_wait3A_531 = tpu.memref_slice %arg2[%dma_wait3A_529, %dma_wait3A_530] : memref<10000x128xf32, #tpu.memory_space<hbm>> -> memref<10000x128xf32, #tpu.memory_space<hbm>>
        %dma_wait3A_532 = tpu.memref_slice %arg12[%dma_wait3A_521] : memref<8x!tpu.dma_semaphore, #tpu.memory_space<semaphore_mem>> -> memref<1x!tpu.dma_semaphore, #tpu.memory_space<semaphore_mem>>
        %dma_wait3A_533 = tpu.memref_squeeze %dma_wait3A_532 : memref<1x!tpu.dma_semaphore, #tpu.memory_space<semaphore_mem>> -> memref<!tpu.dma_semaphore, #tpu.memory_space<semaphore_mem>>
        tpu.wait_indirect_dma semaphore(%dma_wait3A_533 : memref<!tpu.dma_semaphore, #tpu.memory_space<semaphore_mem>>) src(%dma_wait3A_531 : memref<10000x128xf32, #tpu.memory_space<hbm>>) dst(%dma_wait3A_525 : memref<40x128xf32, #tpu.memory_space<vmem>>)
        %dma_start3A_534 = arith.constant 3 : i32
        %dma_start3A_535 = arith.constant 0 : i32
        %dma_start3A_536 = arith.constant 3 : i32
        %dma_start3A_537 = arith.constant 3 : i32
        %dma_start3A_538 = arith.constant 0 : i32
        %dma_start3A_539 = arith.constant 0 : i32
        %dma_start3A_540 = tpu.memref_slice %arg9[%dma_start3A_534, %dma_start3A_538, %dma_start3A_539] : memref<8x40x128xf32, #tpu.memory_space<vmem>> -> memref<1x40x128xf32, #tpu.memory_space<vmem>>
        %dma_start3A_541 = tpu.memref_squeeze %dma_start3A_540 : memref<1x40x128xf32, #tpu.memory_space<vmem>> -> memref<40x128xf32, #tpu.memory_space<vmem>>
        %dma_start3A_542 = arith.constant 0 : i32
        %dma_start3A_543 = tpu.memref_slice %arg8[%dma_start3A_535, %dma_start3A_536, %dma_start3A_542] : memref<2x4x40xi32, #tpu.memory_space<vmem>> -> memref<1x1x40xi32, #tpu.memory_space<vmem>>
        %dma_start3A_544 = tpu.memref_squeeze %dma_start3A_543 : memref<1x1x40xi32, #tpu.memory_space<vmem>> -> memref<40xi32, #tpu.memory_space<vmem>>
        %dma_start3A_545 = arith.constant 0 : i32
        %dma_start3A_546 = arith.constant 0 : i32
        %dma_start3A_547 = tpu.memref_slice %arg10[%dma_start3A_545, %dma_start3A_546] : memref<10240x128xf32, #tpu.memory_space<vmem_shared>> -> memref<10240x128xf32, #tpu.memory_space<vmem_shared>>
        %dma_start3A_548 = tpu.memref_slice %arg13[%dma_start3A_537] : memref<8x!tpu.dma_semaphore, #tpu.memory_space<semaphore_mem>> -> memref<1x!tpu.dma_semaphore, #tpu.memory_space<semaphore_mem>>
        %dma_start3A_549 = tpu.memref_squeeze %dma_start3A_548 : memref<1x!tpu.dma_semaphore, #tpu.memory_space<semaphore_mem>> -> memref<!tpu.dma_semaphore, #tpu.memory_space<semaphore_mem>>
        tpu.enqueue_indirect_dma source(%dma_start3A_541 : memref<40x128xf32, #tpu.memory_space<vmem>>) target(%dma_start3A_547 : memref<10240x128xf32, #tpu.memory_space<vmem_shared>>) offsets(%dma_start3A_544 : memref<40xi32, #tpu.memory_space<vmem>>) semaphore(%dma_start3A_549 : memref<!tpu.dma_semaphore, #tpu.memory_space<semaphore_mem>>) {add = true}
        %lt3A_550 = arith.constant 124 : i32
        %lt3A_551 = arith.cmpi slt, %mul3A_413, %lt3A_550 : i32
        %convert_element_type3A_552 = arith.extui %lt3A_551 : i1 to i32
        %cond3A_553 = arith.constant 0 : i32
        %cond3A_554 = arith.cmpi ne, %convert_element_type3A_552, %cond3A_553 : i32
        scf.if %cond3A_554 {
          %dma_wait3A_702 = arith.constant 0 : i32
          %dma_wait3A_703 = arith.constant 0 : i32
          %dma_wait3A_704 = arith.constant 0 : i32
          %dma_wait3A_705 = arith.constant 0 : i32
          %dma_wait3A_706 = arith.constant 0 : i32
          %dma_wait3A_707 = tpu.memref_slice %arg7[%dma_wait3A_703, %dma_wait3A_705, %dma_wait3A_706] : memref<2x4x40xi32, #tpu.memory_space<vmem>> -> memref<1x4x40xi32, #tpu.memory_space<vmem>>
          %dma_wait3A_708 = tpu.memref_squeeze %dma_wait3A_707 : memref<1x4x40xi32, #tpu.memory_space<vmem>> -> memref<4x40xi32, #tpu.memory_space<vmem>>
          %dma_wait3A_709 = arith.constant 0 : i32
          %dma_wait3A_710 = arith.constant 0 : i32
          %dma_wait3A_711 = tpu.memref_slice %arg4[%dma_wait3A_702, %dma_wait3A_709, %dma_wait3A_710] : memref<2x8000x40xi32, #tpu.memory_space<hbm>> -> memref<1x4x40xi32, #tpu.memory_space<hbm>>
          %dma_wait3A_712 = tpu.memref_squeeze %dma_wait3A_711 : memref<1x4x40xi32, #tpu.memory_space<hbm>> -> memref<4x40xi32, #tpu.memory_space<hbm>>
          %dma_wait3A_713 = tpu.memref_slice %arg11[%dma_wait3A_704] : memref<2x!tpu.dma_semaphore, #tpu.memory_space<semaphore_mem>> -> memref<1x!tpu.dma_semaphore, #tpu.memory_space<semaphore_mem>>
          %dma_wait3A_714 = tpu.memref_squeeze %dma_wait3A_713 : memref<1x!tpu.dma_semaphore, #tpu.memory_space<semaphore_mem>> -> memref<!tpu.dma_semaphore, #tpu.memory_space<semaphore_mem>>
          %dma_wait3A_715 = arith.constant 0 : i32
          %dma_wait3A_716 = arith.constant 0 : i32
          %dma_wait3A_717 = tpu.memref_slice %arg7[%dma_wait3A_703, %dma_wait3A_715, %dma_wait3A_716] : memref<2x4x40xi32, #tpu.memory_space<vmem>> -> memref<1x4x40xi32, #tpu.memory_space<vmem>>
          %dma_wait3A_718 = tpu.memref_squeeze %dma_wait3A_717 : memref<1x4x40xi32, #tpu.memory_space<vmem>> -> memref<4x40xi32, #tpu.memory_space<vmem>>
          %dma_wait3A_719 = arith.constant 0 : i32
          %dma_wait3A_720 = arith.constant 0 : i32
          %dma_wait3A_721 = tpu.memref_slice %arg4[%dma_wait3A_702, %dma_wait3A_719, %dma_wait3A_720] : memref<2x8000x40xi32, #tpu.memory_space<hbm>> -> memref<1x4x40xi32, #tpu.memory_space<hbm>>
          %dma_wait3A_722 = tpu.memref_squeeze %dma_wait3A_721 : memref<1x4x40xi32, #tpu.memory_space<hbm>> -> memref<4x40xi32, #tpu.memory_space<hbm>>
          tpu.wait_dma2 semaphore(%dma_wait3A_714 : memref<!tpu.dma_semaphore, #tpu.memory_space<semaphore_mem>>) src(%dma_wait3A_722 : memref<4x40xi32, #tpu.memory_space<hbm>>) dst(%dma_wait3A_718 : memref<4x40xi32, #tpu.memory_space<vmem>>)
          %dma_wait3A_723 = arith.constant 1 : i32
          %dma_wait3A_724 = arith.constant 0 : i32
          %dma_wait3A_725 = arith.constant 1 : i32
          %dma_wait3A_726 = arith.constant 0 : i32
          %dma_wait3A_727 = arith.constant 0 : i32
          %dma_wait3A_728 = tpu.memref_slice %arg8[%dma_wait3A_724, %dma_wait3A_726, %dma_wait3A_727] : memref<2x4x40xi32, #tpu.memory_space<vmem>> -> memref<1x4x40xi32, #tpu.memory_space<vmem>>
          %dma_wait3A_729 = tpu.memref_squeeze %dma_wait3A_728 : memref<1x4x40xi32, #tpu.memory_space<vmem>> -> memref<4x40xi32, #tpu.memory_space<vmem>>
          %dma_wait3A_730 = arith.constant 0 : i32
          %dma_wait3A_731 = arith.constant 0 : i32
          %dma_wait3A_732 = tpu.memref_slice %arg4[%dma_wait3A_723, %dma_wait3A_730, %dma_wait3A_731] : memref<2x8000x40xi32, #tpu.memory_space<hbm>> -> memref<1x4x40xi32, #tpu.memory_space<hbm>>
          %dma_wait3A_733 = tpu.memref_squeeze %dma_wait3A_732 : memref<1x4x40xi32, #tpu.memory_space<hbm>> -> memref<4x40xi32, #tpu.memory_space<hbm>>
          %dma_wait3A_734 = tpu.memref_slice %arg11[%dma_wait3A_725] : memref<2x!tpu.dma_semaphore, #tpu.memory_space<semaphore_mem>> -> memref<1x!tpu.dma_semaphore, #tpu.memory_space<semaphore_mem>>
          %dma_wait3A_735 = tpu.memref_squeeze %dma_wait3A_734 : memref<1x!tpu.dma_semaphore, #tpu.memory_space<semaphore_mem>> -> memref<!tpu.dma_semaphore, #tpu.memory_space<semaphore_mem>>
          %dma_wait3A_736 = arith.constant 0 : i32
          %dma_wait3A_737 = arith.constant 0 : i32
          %dma_wait3A_738 = tpu.memref_slice %arg8[%dma_wait3A_724, %dma_wait3A_736, %dma_wait3A_737] : memref<2x4x40xi32, #tpu.memory_space<vmem>> -> memref<1x4x40xi32, #tpu.memory_space<vmem>>
          %dma_wait3A_739 = tpu.memref_squeeze %dma_wait3A_738 : memref<1x4x40xi32, #tpu.memory_space<vmem>> -> memref<4x40xi32, #tpu.memory_space<vmem>>
          %dma_wait3A_740 = arith.constant 0 : i32
          %dma_wait3A_741 = arith.constant 0 : i32
          %dma_wait3A_742 = tpu.memref_slice %arg4[%dma_wait3A_723, %dma_wait3A_740, %dma_wait3A_741] : memref<2x8000x40xi32, #tpu.memory_space<hbm>> -> memref<1x4x40xi32, #tpu.memory_space<hbm>>
          %dma_wait3A_743 = tpu.memref_squeeze %dma_wait3A_742 : memref<1x4x40xi32, #tpu.memory_space<hbm>> -> memref<4x40xi32, #tpu.memory_space<hbm>>
          tpu.wait_dma2 semaphore(%dma_wait3A_735 : memref<!tpu.dma_semaphore, #tpu.memory_space<semaphore_mem>>) src(%dma_wait3A_743 : memref<4x40xi32, #tpu.memory_space<hbm>>) dst(%dma_wait3A_739 : memref<4x40xi32, #tpu.memory_space<vmem>>)
          %dma_start3A_744 = arith.constant 1 : i32
          %dma_start3A_745 = arith.constant 0 : i32
          %dma_start3A_746 = arith.constant 4 : i32
          %dma_start3A_747 = arith.constant 4 : i32
          %dma_start3A_748 = arith.constant 0 : i32
          %dma_start3A_749 = arith.constant 0 : i32
          %dma_start3A_750 = tpu.memref_slice %arg9[%dma_start3A_746, %dma_start3A_748, %dma_start3A_749] : memref<8x40x128xf32, #tpu.memory_space<vmem>> -> memref<1x40x128xf32, #tpu.memory_space<vmem>>
          %dma_start3A_751 = tpu.memref_squeeze %dma_start3A_750 : memref<1x40x128xf32, #tpu.memory_space<vmem>> -> memref<40x128xf32, #tpu.memory_space<vmem>>
          %dma_start3A_752 = arith.constant 0 : i32
          %dma_start3A_753 = tpu.memref_slice %arg7[%dma_start3A_744, %dma_start3A_745, %dma_start3A_752] : memref<2x4x40xi32, #tpu.memory_space<vmem>> -> memref<1x1x40xi32, #tpu.memory_space<vmem>>
          %dma_start3A_754 = tpu.memref_squeeze %dma_start3A_753 : memref<1x1x40xi32, #tpu.memory_space<vmem>> -> memref<40xi32, #tpu.memory_space<vmem>>
          %dma_start3A_755 = arith.constant 0 : i32
          %dma_start3A_756 = arith.constant 0 : i32
          %dma_start3A_757 = tpu.memref_slice %arg2[%dma_start3A_755, %dma_start3A_756] : memref<10000x128xf32, #tpu.memory_space<hbm>> -> memref<10000x128xf32, #tpu.memory_space<hbm>>
          %dma_start3A_758 = tpu.memref_slice %arg12[%dma_start3A_747] : memref<8x!tpu.dma_semaphore, #tpu.memory_space<semaphore_mem>> -> memref<1x!tpu.dma_semaphore, #tpu.memory_space<semaphore_mem>>
          %dma_start3A_759 = tpu.memref_squeeze %dma_start3A_758 : memref<1x!tpu.dma_semaphore, #tpu.memory_space<semaphore_mem>> -> memref<!tpu.dma_semaphore, #tpu.memory_space<semaphore_mem>>
          tpu.enqueue_indirect_dma source(%dma_start3A_757 : memref<10000x128xf32, #tpu.memory_space<hbm>>) target(%dma_start3A_751 : memref<40x128xf32, #tpu.memory_space<vmem>>) offsets(%dma_start3A_754 : memref<40xi32, #tpu.memory_space<vmem>>) semaphore(%dma_start3A_759 : memref<!tpu.dma_semaphore, #tpu.memory_space<semaphore_mem>>)
          %dma_start3A_760 = arith.constant 1 : i32
          %dma_start3A_761 = arith.constant 1 : i32
          %dma_start3A_762 = arith.constant 5 : i32
          %dma_start3A_763 = arith.constant 5 : i32
          %dma_start3A_764 = arith.constant 0 : i32
          %dma_start3A_765 = arith.constant 0 : i32
          %dma_start3A_766 = tpu.memref_slice %arg9[%dma_start3A_762, %dma_start3A_764, %dma_start3A_765] : memref<8x40x128xf32, #tpu.memory_space<vmem>> -> memref<1x40x128xf32, #tpu.memory_space<vmem>>
          %dma_start3A_767 = tpu.memref_squeeze %dma_start3A_766 : memref<1x40x128xf32, #tpu.memory_space<vmem>> -> memref<40x128xf32, #tpu.memory_space<vmem>>
          %dma_start3A_768 = arith.constant 0 : i32
          %dma_start3A_769 = tpu.memref_slice %arg7[%dma_start3A_760, %dma_start3A_761, %dma_start3A_768] : memref<2x4x40xi32, #tpu.memory_space<vmem>> -> memref<1x1x40xi32, #tpu.memory_space<vmem>>
          %dma_start3A_770 = tpu.memref_squeeze %dma_start3A_769 : memref<1x1x40xi32, #tpu.memory_space<vmem>> -> memref<40xi32, #tpu.memory_space<vmem>>
          %dma_start3A_771 = arith.constant 0 : i32
          %dma_start3A_772 = arith.constant 0 : i32
          %dma_start3A_773 = tpu.memref_slice %arg2[%dma_start3A_771, %dma_start3A_772] : memref<10000x128xf32, #tpu.memory_space<hbm>> -> memref<10000x128xf32, #tpu.memory_space<hbm>>
          %dma_start3A_774 = tpu.memref_slice %arg12[%dma_start3A_763] : memref<8x!tpu.dma_semaphore, #tpu.memory_space<semaphore_mem>> -> memref<1x!tpu.dma_semaphore, #tpu.memory_space<semaphore_mem>>
          %dma_start3A_775 = tpu.memref_squeeze %dma_start3A_774 : memref<1x!tpu.dma_semaphore, #tpu.memory_space<semaphore_mem>> -> memref<!tpu.dma_semaphore, #tpu.memory_space<semaphore_mem>>
          tpu.enqueue_indirect_dma source(%dma_start3A_773 : memref<10000x128xf32, #tpu.memory_space<hbm>>) target(%dma_start3A_767 : memref<40x128xf32, #tpu.memory_space<vmem>>) offsets(%dma_start3A_770 : memref<40xi32, #tpu.memory_space<vmem>>) semaphore(%dma_start3A_775 : memref<!tpu.dma_semaphore, #tpu.memory_space<semaphore_mem>>)
          %dma_start3A_776 = arith.constant 1 : i32
          %dma_start3A_777 = arith.constant 2 : i32
          %dma_start3A_778 = arith.constant 6 : i32
          %dma_start3A_779 = arith.constant 6 : i32
          %dma_start3A_780 = arith.constant 0 : i32
          %dma_start3A_781 = arith.constant 0 : i32
          %dma_start3A_782 = tpu.memref_slice %arg9[%dma_start3A_778, %dma_start3A_780, %dma_start3A_781] : memref<8x40x128xf32, #tpu.memory_space<vmem>> -> memref<1x40x128xf32, #tpu.memory_space<vmem>>
          %dma_start3A_783 = tpu.memref_squeeze %dma_start3A_782 : memref<1x40x128xf32, #tpu.memory_space<vmem>> -> memref<40x128xf32, #tpu.memory_space<vmem>>
          %dma_start3A_784 = arith.constant 0 : i32
          %dma_start3A_785 = tpu.memref_slice %arg7[%dma_start3A_776, %dma_start3A_777, %dma_start3A_784] : memref<2x4x40xi32, #tpu.memory_space<vmem>> -> memref<1x1x40xi32, #tpu.memory_space<vmem>>
          %dma_start3A_786 = tpu.memref_squeeze %dma_start3A_785 : memref<1x1x40xi32, #tpu.memory_space<vmem>> -> memref<40xi32, #tpu.memory_space<vmem>>
          %dma_start3A_787 = arith.constant 0 : i32
          %dma_start3A_788 = arith.constant 0 : i32
          %dma_start3A_789 = tpu.memref_slice %arg2[%dma_start3A_787, %dma_start3A_788] : memref<10000x128xf32, #tpu.memory_space<hbm>> -> memref<10000x128xf32, #tpu.memory_space<hbm>>
          %dma_start3A_790 = tpu.memref_slice %arg12[%dma_start3A_779] : memref<8x!tpu.dma_semaphore, #tpu.memory_space<semaphore_mem>> -> memref<1x!tpu.dma_semaphore, #tpu.memory_space<semaphore_mem>>
          %dma_start3A_791 = tpu.memref_squeeze %dma_start3A_790 : memref<1x!tpu.dma_semaphore, #tpu.memory_space<semaphore_mem>> -> memref<!tpu.dma_semaphore, #tpu.memory_space<semaphore_mem>>
          tpu.enqueue_indirect_dma source(%dma_start3A_789 : memref<10000x128xf32, #tpu.memory_space<hbm>>) target(%dma_start3A_783 : memref<40x128xf32, #tpu.memory_space<vmem>>) offsets(%dma_start3A_786 : memref<40xi32, #tpu.memory_space<vmem>>) semaphore(%dma_start3A_791 : memref<!tpu.dma_semaphore, #tpu.memory_space<semaphore_mem>>)
          %dma_start3A_792 = arith.constant 1 : i32
          %dma_start3A_793 = arith.constant 3 : i32
          %dma_start3A_794 = arith.constant 7 : i32
          %dma_start3A_795 = arith.constant 7 : i32
          %dma_start3A_796 = arith.constant 0 : i32
          %dma_start3A_797 = arith.constant 0 : i32
          %dma_start3A_798 = tpu.memref_slice %arg9[%dma_start3A_794, %dma_start3A_796, %dma_start3A_797] : memref<8x40x128xf32, #tpu.memory_space<vmem>> -> memref<1x40x128xf32, #tpu.memory_space<vmem>>
          %dma_start3A_799 = tpu.memref_squeeze %dma_start3A_798 : memref<1x40x128xf32, #tpu.memory_space<vmem>> -> memref<40x128xf32, #tpu.memory_space<vmem>>
          %dma_start3A_800 = arith.constant 0 : i32
          %dma_start3A_801 = tpu.memref_slice %arg7[%dma_start3A_792, %dma_start3A_793, %dma_start3A_800] : memref<2x4x40xi32, #tpu.memory_space<vmem>> -> memref<1x1x40xi32, #tpu.memory_space<vmem>>
          %dma_start3A_802 = tpu.memref_squeeze %dma_start3A_801 : memref<1x1x40xi32, #tpu.memory_space<vmem>> -> memref<40xi32, #tpu.memory_space<vmem>>
          %dma_start3A_803 = arith.constant 0 : i32
          %dma_start3A_804 = arith.constant 0 : i32
          %dma_start3A_805 = tpu.memref_slice %arg2[%dma_start3A_803, %dma_start3A_804] : memref<10000x128xf32, #tpu.memory_space<hbm>> -> memref<10000x128xf32, #tpu.memory_space<hbm>>
          %dma_start3A_806 = tpu.memref_slice %arg12[%dma_start3A_795] : memref<8x!tpu.dma_semaphore, #tpu.memory_space<semaphore_mem>> -> memref<1x!tpu.dma_semaphore, #tpu.memory_space<semaphore_mem>>
          %dma_start3A_807 = tpu.memref_squeeze %dma_start3A_806 : memref<1x!tpu.dma_semaphore, #tpu.memory_space<semaphore_mem>> -> memref<!tpu.dma_semaphore, #tpu.memory_space<semaphore_mem>>
          tpu.enqueue_indirect_dma source(%dma_start3A_805 : memref<10000x128xf32, #tpu.memory_space<hbm>>) target(%dma_start3A_799 : memref<40x128xf32, #tpu.memory_space<vmem>>) offsets(%dma_start3A_802 : memref<40xi32, #tpu.memory_space<vmem>>) semaphore(%dma_start3A_807 : memref<!tpu.dma_semaphore, #tpu.memory_space<semaphore_mem>>)
        } else {
        }
        %mul3A_555 = arith.constant 2 : i32
        %mul3A_556 = arith.muli %mul3A_555, %scan3A_411 : i32
        %add3A_557 = arith.constant 1 : i32
        %add3A_558 = arith.addi %mul3A_556, %add3A_557 : i32
        %gt3A_559 = arith.constant 0 : i32
        %gt3A_560 = arith.cmpi sgt, %add3A_558, %gt3A_559 : i32
        %convert_element_type3A_561 = arith.extui %gt3A_560 : i1 to i32
        %cond3A_562 = arith.constant 0 : i32
        %cond3A_563 = arith.cmpi ne, %convert_element_type3A_561, %cond3A_562 : i32
        scf.if %cond3A_563 {
          %dma_wait3A_702 = arith.constant 0 : i32
          %dma_wait3A_703 = arith.constant 0 : i32
          %dma_wait3A_704 = arith.constant 0 : i32
          %dma_wait3A_705 = arith.constant 0 : i32
          %dma_wait3A_706 = arith.constant 0 : i32
          %dma_wait3A_707 = arith.constant 0 : i32
          %dma_wait3A_708 = tpu.memref_slice %arg9[%dma_wait3A_702, %dma_wait3A_706, %dma_wait3A_707] : memref<8x40x128xf32, #tpu.memory_space<vmem>> -> memref<1x40x128xf32, #tpu.memory_space<vmem>>
          %dma_wait3A_709 = tpu.memref_squeeze %dma_wait3A_708 : memref<1x40x128xf32, #tpu.memory_space<vmem>> -> memref<40x128xf32, #tpu.memory_space<vmem>>
          %dma_wait3A_710 = arith.constant 0 : i32
          %dma_wait3A_711 = tpu.memref_slice %arg8[%dma_wait3A_703, %dma_wait3A_704, %dma_wait3A_710] : memref<2x4x40xi32, #tpu.memory_space<vmem>> -> memref<1x1x40xi32, #tpu.memory_space<vmem>>
          %dma_wait3A_712 = tpu.memref_squeeze %dma_wait3A_711 : memref<1x1x40xi32, #tpu.memory_space<vmem>> -> memref<40xi32, #tpu.memory_space<vmem>>
          %dma_wait3A_713 = arith.constant 0 : i32
          %dma_wait3A_714 = arith.constant 0 : i32
          %dma_wait3A_715 = tpu.memref_slice %arg10[%dma_wait3A_713, %dma_wait3A_714] : memref<10240x128xf32, #tpu.memory_space<vmem_shared>> -> memref<10240x128xf32, #tpu.memory_space<vmem_shared>>
          %dma_wait3A_716 = tpu.memref_slice %arg13[%dma_wait3A_705] : memref<8x!tpu.dma_semaphore, #tpu.memory_space<semaphore_mem>> -> memref<1x!tpu.dma_semaphore, #tpu.memory_space<semaphore_mem>>
          %dma_wait3A_717 = tpu.memref_squeeze %dma_wait3A_716 : memref<1x!tpu.dma_semaphore, #tpu.memory_space<semaphore_mem>> -> memref<!tpu.dma_semaphore, #tpu.memory_space<semaphore_mem>>
          tpu.wait_indirect_dma semaphore(%dma_wait3A_717 : memref<!tpu.dma_semaphore, #tpu.memory_space<semaphore_mem>>) src(%dma_wait3A_709 : memref<40x128xf32, #tpu.memory_space<vmem>>) dst(%dma_wait3A_715 : memref<10240x128xf32, #tpu.memory_space<vmem_shared>>)
          %dma_wait3A_718 = arith.constant 1 : i32
          %dma_wait3A_719 = arith.constant 0 : i32
          %dma_wait3A_720 = arith.constant 0 : i32
          %dma_wait3A_721 = arith.constant 1 : i32
          %dma_wait3A_722 = arith.constant 0 : i32
          %dma_wait3A_723 = arith.constant 0 : i32
          %dma_wait3A_724 = tpu.memref_slice %arg9[%dma_wait3A_718, %dma_wait3A_722, %dma_wait3A_723] : memref<8x40x128xf32, #tpu.memory_space<vmem>> -> memref<1x40x128xf32, #tpu.memory_space<vmem>>
          %dma_wait3A_725 = tpu.memref_squeeze %dma_wait3A_724 : memref<1x40x128xf32, #tpu.memory_space<vmem>> -> memref<40x128xf32, #tpu.memory_space<vmem>>
          %dma_wait3A_726 = arith.constant 0 : i32
          %dma_wait3A_727 = tpu.memref_slice %arg8[%dma_wait3A_719, %dma_wait3A_720, %dma_wait3A_726] : memref<2x4x40xi32, #tpu.memory_space<vmem>> -> memref<1x1x40xi32, #tpu.memory_space<vmem>>
          %dma_wait3A_728 = tpu.memref_squeeze %dma_wait3A_727 : memref<1x1x40xi32, #tpu.memory_space<vmem>> -> memref<40xi32, #tpu.memory_space<vmem>>
          %dma_wait3A_729 = arith.constant 0 : i32
          %dma_wait3A_730 = arith.constant 0 : i32
          %dma_wait3A_731 = tpu.memref_slice %arg10[%dma_wait3A_729, %dma_wait3A_730] : memref<10240x128xf32, #tpu.memory_space<vmem_shared>> -> memref<10240x128xf32, #tpu.memory_space<vmem_shared>>
          %dma_wait3A_732 = tpu.memref_slice %arg13[%dma_wait3A_721] : memref<8x!tpu.dma_semaphore, #tpu.memory_space<semaphore_mem>> -> memref<1x!tpu.dma_semaphore, #tpu.memory_space<semaphore_mem>>
          %dma_wait3A_733 = tpu.memref_squeeze %dma_wait3A_732 : memref<1x!tpu.dma_semaphore, #tpu.memory_space<semaphore_mem>> -> memref<!tpu.dma_semaphore, #tpu.memory_space<semaphore_mem>>
          tpu.wait_indirect_dma semaphore(%dma_wait3A_733 : memref<!tpu.dma_semaphore, #tpu.memory_space<semaphore_mem>>) src(%dma_wait3A_725 : memref<40x128xf32, #tpu.memory_space<vmem>>) dst(%dma_wait3A_731 : memref<10240x128xf32, #tpu.memory_space<vmem_shared>>)
          %dma_wait3A_734 = arith.constant 2 : i32
          %dma_wait3A_735 = arith.constant 0 : i32
          %dma_wait3A_736 = arith.constant 0 : i32
          %dma_wait3A_737 = arith.constant 2 : i32
          %dma_wait3A_738 = arith.constant 0 : i32
          %dma_wait3A_739 = arith.constant 0 : i32
          %dma_wait3A_740 = tpu.memref_slice %arg9[%dma_wait3A_734, %dma_wait3A_738, %dma_wait3A_739] : memref<8x40x128xf32, #tpu.memory_space<vmem>> -> memref<1x40x128xf32, #tpu.memory_space<vmem>>
          %dma_wait3A_741 = tpu.memref_squeeze %dma_wait3A_740 : memref<1x40x128xf32, #tpu.memory_space<vmem>> -> memref<40x128xf32, #tpu.memory_space<vmem>>
          %dma_wait3A_742 = arith.constant 0 : i32
          %dma_wait3A_743 = tpu.memref_slice %arg8[%dma_wait3A_735, %dma_wait3A_736, %dma_wait3A_742] : memref<2x4x40xi32, #tpu.memory_space<vmem>> -> memref<1x1x40xi32, #tpu.memory_space<vmem>>
          %dma_wait3A_744 = tpu.memref_squeeze %dma_wait3A_743 : memref<1x1x40xi32, #tpu.memory_space<vmem>> -> memref<40xi32, #tpu.memory_space<vmem>>
          %dma_wait3A_745 = arith.constant 0 : i32
          %dma_wait3A_746 = arith.constant 0 : i32
          %dma_wait3A_747 = tpu.memref_slice %arg10[%dma_wait3A_745, %dma_wait3A_746] : memref<10240x128xf32, #tpu.memory_space<vmem_shared>> -> memref<10240x128xf32, #tpu.memory_space<vmem_shared>>
          %dma_wait3A_748 = tpu.memref_slice %arg13[%dma_wait3A_737] : memref<8x!tpu.dma_semaphore, #tpu.memory_space<semaphore_mem>> -> memref<1x!tpu.dma_semaphore, #tpu.memory_space<semaphore_mem>>
          %dma_wait3A_749 = tpu.memref_squeeze %dma_wait3A_748 : memref<1x!tpu.dma_semaphore, #tpu.memory_space<semaphore_mem>> -> memref<!tpu.dma_semaphore, #tpu.memory_space<semaphore_mem>>
          tpu.wait_indirect_dma semaphore(%dma_wait3A_749 : memref<!tpu.dma_semaphore, #tpu.memory_space<semaphore_mem>>) src(%dma_wait3A_741 : memref<40x128xf32, #tpu.memory_space<vmem>>) dst(%dma_wait3A_747 : memref<10240x128xf32, #tpu.memory_space<vmem_shared>>)
          %dma_wait3A_750 = arith.constant 3 : i32
          %dma_wait3A_751 = arith.constant 0 : i32
          %dma_wait3A_752 = arith.constant 0 : i32
          %dma_wait3A_753 = arith.constant 3 : i32
          %dma_wait3A_754 = arith.constant 0 : i32
          %dma_wait3A_755 = arith.constant 0 : i32
          %dma_wait3A_756 = tpu.memref_slice %arg9[%dma_wait3A_750, %dma_wait3A_754, %dma_wait3A_755] : memref<8x40x128xf32, #tpu.memory_space<vmem>> -> memref<1x40x128xf32, #tpu.memory_space<vmem>>
          %dma_wait3A_757 = tpu.memref_squeeze %dma_wait3A_756 : memref<1x40x128xf32, #tpu.memory_space<vmem>> -> memref<40x128xf32, #tpu.memory_space<vmem>>
          %dma_wait3A_758 = arith.constant 0 : i32
          %dma_wait3A_759 = tpu.memref_slice %arg8[%dma_wait3A_751, %dma_wait3A_752, %dma_wait3A_758] : memref<2x4x40xi32, #tpu.memory_space<vmem>> -> memref<1x1x40xi32, #tpu.memory_space<vmem>>
          %dma_wait3A_760 = tpu.memref_squeeze %dma_wait3A_759 : memref<1x1x40xi32, #tpu.memory_space<vmem>> -> memref<40xi32, #tpu.memory_space<vmem>>
          %dma_wait3A_761 = arith.constant 0 : i32
          %dma_wait3A_762 = arith.constant 0 : i32
          %dma_wait3A_763 = tpu.memref_slice %arg10[%dma_wait3A_761, %dma_wait3A_762] : memref<10240x128xf32, #tpu.memory_space<vmem_shared>> -> memref<10240x128xf32, #tpu.memory_space<vmem_shared>>
          %dma_wait3A_764 = tpu.memref_slice %arg13[%dma_wait3A_753] : memref<8x!tpu.dma_semaphore, #tpu.memory_space<semaphore_mem>> -> memref<1x!tpu.dma_semaphore, #tpu.memory_space<semaphore_mem>>
          %dma_wait3A_765 = tpu.memref_squeeze %dma_wait3A_764 : memref<1x!tpu.dma_semaphore, #tpu.memory_space<semaphore_mem>> -> memref<!tpu.dma_semaphore, #tpu.memory_space<semaphore_mem>>
          tpu.wait_indirect_dma semaphore(%dma_wait3A_765 : memref<!tpu.dma_semaphore, #tpu.memory_space<semaphore_mem>>) src(%dma_wait3A_757 : memref<40x128xf32, #tpu.memory_space<vmem>>) dst(%dma_wait3A_763 : memref<10240x128xf32, #tpu.memory_space<vmem_shared>>)
        } else {
        }
        %lt3A_564 = arith.constant 124 : i32
        %lt3A_565 = arith.cmpi slt, %add3A_558, %lt3A_564 : i32
        %convert_element_type3A_566 = arith.extui %lt3A_565 : i1 to i32
        %cond3A_567 = arith.constant 0 : i32
        %cond3A_568 = arith.cmpi ne, %convert_element_type3A_566, %cond3A_567 : i32
        scf.if %cond3A_568 {
          %add3A_702 = arith.constant 1 : i32
          %add3A_703 = arith.addi %add3A_558, %add3A_702 : i32
          %mul3A_704 = arith.constant 4 : i32
          %mul3A_705 = arith.muli %add3A_703, %mul3A_704 : i32
          %add3A_706 = arith.addi %mul3A_0, %mul3A_705 : i32
          %dma_start3A_707 = arith.constant 0 : i32
          %dma_start3A_708 = arith.constant 0 : i32
          %dma_start3A_709 = arith.constant 0 : i32
          %dma_start3A_710 = arith.constant 0 : i32
          %dma_start3A_711 = arith.constant 0 : i32
          %dma_start3A_712 = tpu.memref_slice %arg7[%dma_start3A_708, %dma_start3A_710, %dma_start3A_711] : memref<2x4x40xi32, #tpu.memory_space<vmem>> -> memref<1x4x40xi32, #tpu.memory_space<vmem>>
          %dma_start3A_713 = tpu.memref_squeeze %dma_start3A_712 : memref<1x4x40xi32, #tpu.memory_space<vmem>> -> memref<4x40xi32, #tpu.memory_space<vmem>>
          %dma_start3A_714 = arith.constant 0 : i32
          %dma_start3A_715 = tpu.memref_slice %arg4[%dma_start3A_707, %add3A_706, %dma_start3A_714] : memref<2x8000x40xi32, #tpu.memory_space<hbm>> -> memref<1x4x40xi32, #tpu.memory_space<hbm>>
          %dma_start3A_716 = tpu.memref_squeeze %dma_start3A_715 : memref<1x4x40xi32, #tpu.memory_space<hbm>> -> memref<4x40xi32, #tpu.memory_space<hbm>>
          %dma_start3A_717 = tpu.memref_slice %arg11[%dma_start3A_709] : memref<2x!tpu.dma_semaphore, #tpu.memory_space<semaphore_mem>> -> memref<1x!tpu.dma_semaphore, #tpu.memory_space<semaphore_mem>>
          %dma_start3A_718 = tpu.memref_squeeze %dma_start3A_717 : memref<1x!tpu.dma_semaphore, #tpu.memory_space<semaphore_mem>> -> memref<!tpu.dma_semaphore, #tpu.memory_space<semaphore_mem>>
          %dma_start3A_719 = arith.constant 0 : i32
          %dma_start3A_720 = arith.constant 0 : i32
          %dma_start3A_721 = tpu.memref_slice %arg7[%dma_start3A_708, %dma_start3A_719, %dma_start3A_720] : memref<2x4x40xi32, #tpu.memory_space<vmem>> -> memref<1x4x40xi32, #tpu.memory_space<vmem>>
          %dma_start3A_722 = tpu.memref_squeeze %dma_start3A_721 : memref<1x4x40xi32, #tpu.memory_space<vmem>> -> memref<4x40xi32, #tpu.memory_space<vmem>>
          %dma_start3A_723 = arith.constant 0 : i32
          %dma_start3A_724 = tpu.memref_slice %arg4[%dma_start3A_707, %add3A_706, %dma_start3A_723] : memref<2x8000x40xi32, #tpu.memory_space<hbm>> -> memref<1x4x40xi32, #tpu.memory_space<hbm>>
          %dma_start3A_725 = tpu.memref_squeeze %dma_start3A_724 : memref<1x4x40xi32, #tpu.memory_space<hbm>> -> memref<4x40xi32, #tpu.memory_space<hbm>>
          tpu.enqueue_dma source(%dma_start3A_725 : memref<4x40xi32, #tpu.memory_space<hbm>>) target(%dma_start3A_722 : memref<4x40xi32, #tpu.memory_space<vmem>>) target_semaphore(%dma_start3A_718 : memref<!tpu.dma_semaphore, #tpu.memory_space<semaphore_mem>>)
          %dma_start3A_726 = arith.constant 1 : i32
          %dma_start3A_727 = arith.constant 0 : i32
          %dma_start3A_728 = arith.constant 1 : i32
          %dma_start3A_729 = arith.constant 0 : i32
          %dma_start3A_730 = arith.constant 0 : i32
          %dma_start3A_731 = tpu.memref_slice %arg8[%dma_start3A_727, %dma_start3A_729, %dma_start3A_730] : memref<2x4x40xi32, #tpu.memory_space<vmem>> -> memref<1x4x40xi32, #tpu.memory_space<vmem>>
          %dma_start3A_732 = tpu.memref_squeeze %dma_start3A_731 : memref<1x4x40xi32, #tpu.memory_space<vmem>> -> memref<4x40xi32, #tpu.memory_space<vmem>>
          %dma_start3A_733 = arith.constant 0 : i32
          %dma_start3A_734 = tpu.memref_slice %arg4[%dma_start3A_726, %add3A_706, %dma_start3A_733] : memref<2x8000x40xi32, #tpu.memory_space<hbm>> -> memref<1x4x40xi32, #tpu.memory_space<hbm>>
          %dma_start3A_735 = tpu.memref_squeeze %dma_start3A_734 : memref<1x4x40xi32, #tpu.memory_space<hbm>> -> memref<4x40xi32, #tpu.memory_space<hbm>>
          %dma_start3A_736 = tpu.memref_slice %arg11[%dma_start3A_728] : memref<2x!tpu.dma_semaphore, #tpu.memory_space<semaphore_mem>> -> memref<1x!tpu.dma_semaphore, #tpu.memory_space<semaphore_mem>>
          %dma_start3A_737 = tpu.memref_squeeze %dma_start3A_736 : memref<1x!tpu.dma_semaphore, #tpu.memory_space<semaphore_mem>> -> memref<!tpu.dma_semaphore, #tpu.memory_space<semaphore_mem>>
          %dma_start3A_738 = arith.constant 0 : i32
          %dma_start3A_739 = arith.constant 0 : i32
          %dma_start3A_740 = tpu.memref_slice %arg8[%dma_start3A_727, %dma_start3A_738, %dma_start3A_739] : memref<2x4x40xi32, #tpu.memory_space<vmem>> -> memref<1x4x40xi32, #tpu.memory_space<vmem>>
          %dma_start3A_741 = tpu.memref_squeeze %dma_start3A_740 : memref<1x4x40xi32, #tpu.memory_space<vmem>> -> memref<4x40xi32, #tpu.memory_space<vmem>>
          %dma_start3A_742 = arith.constant 0 : i32
          %dma_start3A_743 = tpu.memref_slice %arg4[%dma_start3A_726, %add3A_706, %dma_start3A_742] : memref<2x8000x40xi32, #tpu.memory_space<hbm>> -> memref<1x4x40xi32, #tpu.memory_space<hbm>>
          %dma_start3A_744 = tpu.memref_squeeze %dma_start3A_743 : memref<1x4x40xi32, #tpu.memory_space<hbm>> -> memref<4x40xi32, #tpu.memory_space<hbm>>
          tpu.enqueue_dma source(%dma_start3A_744 : memref<4x40xi32, #tpu.memory_space<hbm>>) target(%dma_start3A_741 : memref<4x40xi32, #tpu.memory_space<vmem>>) target_semaphore(%dma_start3A_737 : memref<!tpu.dma_semaphore, #tpu.memory_space<semaphore_mem>>)
        } else {
        }
        %dma_wait3A_569 = arith.constant 0 : i32
        %dma_wait3A_570 = arith.constant 0 : i32
        %dma_wait3A_571 = arith.constant 4 : i32
        %dma_wait3A_572 = arith.constant 4 : i32
        %dma_wait3A_573 = arith.constant 0 : i32
        %dma_wait3A_574 = arith.constant 0 : i32
        %dma_wait3A_575 = tpu.memref_slice %arg9[%dma_wait3A_571, %dma_wait3A_573, %dma_wait3A_574] : memref<8x40x128xf32, #tpu.memory_space<vmem>> -> memref<1x40x128xf32, #tpu.memory_space<vmem>>
        %dma_wait3A_576 = tpu.memref_squeeze %dma_wait3A_575 : memref<1x40x128xf32, #tpu.memory_space<vmem>> -> memref<40x128xf32, #tpu.memory_space<vmem>>
        %dma_wait3A_577 = arith.constant 0 : i32
        %dma_wait3A_578 = tpu.memref_slice %arg7[%dma_wait3A_569, %dma_wait3A_570, %dma_wait3A_577] : memref<2x4x40xi32, #tpu.memory_space<vmem>> -> memref<1x1x40xi32, #tpu.memory_space<vmem>>
        %dma_wait3A_579 = tpu.memref_squeeze %dma_wait3A_578 : memref<1x1x40xi32, #tpu.memory_space<vmem>> -> memref<40xi32, #tpu.memory_space<vmem>>
        %dma_wait3A_580 = arith.constant 0 : i32
        %dma_wait3A_581 = arith.constant 0 : i32
        %dma_wait3A_582 = tpu.memref_slice %arg2[%dma_wait3A_580, %dma_wait3A_581] : memref<10000x128xf32, #tpu.memory_space<hbm>> -> memref<10000x128xf32, #tpu.memory_space<hbm>>
        %dma_wait3A_583 = tpu.memref_slice %arg12[%dma_wait3A_572] : memref<8x!tpu.dma_semaphore, #tpu.memory_space<semaphore_mem>> -> memref<1x!tpu.dma_semaphore, #tpu.memory_space<semaphore_mem>>
        %dma_wait3A_584 = tpu.memref_squeeze %dma_wait3A_583 : memref<1x!tpu.dma_semaphore, #tpu.memory_space<semaphore_mem>> -> memref<!tpu.dma_semaphore, #tpu.memory_space<semaphore_mem>>
        tpu.wait_indirect_dma semaphore(%dma_wait3A_584 : memref<!tpu.dma_semaphore, #tpu.memory_space<semaphore_mem>>) src(%dma_wait3A_582 : memref<10000x128xf32, #tpu.memory_space<hbm>>) dst(%dma_wait3A_576 : memref<40x128xf32, #tpu.memory_space<vmem>>)
        %dma_start3A_585 = arith.constant 4 : i32
        %dma_start3A_586 = arith.constant 1 : i32
        %dma_start3A_587 = arith.constant 0 : i32
        %dma_start3A_588 = arith.constant 4 : i32
        %dma_start3A_589 = arith.constant 0 : i32
        %dma_start3A_590 = arith.constant 0 : i32
        %dma_start3A_591 = tpu.memref_slice %arg9[%dma_start3A_585, %dma_start3A_589, %dma_start3A_590] : memref<8x40x128xf32, #tpu.memory_space<vmem>> -> memref<1x40x128xf32, #tpu.memory_space<vmem>>
        %dma_start3A_592 = tpu.memref_squeeze %dma_start3A_591 : memref<1x40x128xf32, #tpu.memory_space<vmem>> -> memref<40x128xf32, #tpu.memory_space<vmem>>
        %dma_start3A_593 = arith.constant 0 : i32
        %dma_start3A_594 = tpu.memref_slice %arg8[%dma_start3A_586, %dma_start3A_587, %dma_start3A_593] : memref<2x4x40xi32, #tpu.memory_space<vmem>> -> memref<1x1x40xi32, #tpu.memory_space<vmem>>
        %dma_start3A_595 = tpu.memref_squeeze %dma_start3A_594 : memref<1x1x40xi32, #tpu.memory_space<vmem>> -> memref<40xi32, #tpu.memory_space<vmem>>
        %dma_start3A_596 = arith.constant 0 : i32
        %dma_start3A_597 = arith.constant 0 : i32
        %dma_start3A_598 = tpu.memref_slice %arg10[%dma_start3A_596, %dma_start3A_597] : memref<10240x128xf32, #tpu.memory_space<vmem_shared>> -> memref<10240x128xf32, #tpu.memory_space<vmem_shared>>
        %dma_start3A_599 = tpu.memref_slice %arg13[%dma_start3A_588] : memref<8x!tpu.dma_semaphore, #tpu.memory_space<semaphore_mem>> -> memref<1x!tpu.dma_semaphore, #tpu.memory_space<semaphore_mem>>
        %dma_start3A_600 = tpu.memref_squeeze %dma_start3A_599 : memref<1x!tpu.dma_semaphore, #tpu.memory_space<semaphore_mem>> -> memref<!tpu.dma_semaphore, #tpu.memory_space<semaphore_mem>>
        tpu.enqueue_indirect_dma source(%dma_start3A_592 : memref<40x128xf32, #tpu.memory_space<vmem>>) target(%dma_start3A_598 : memref<10240x128xf32, #tpu.memory_space<vmem_shared>>) offsets(%dma_start3A_595 : memref<40xi32, #tpu.memory_space<vmem>>) semaphore(%dma_start3A_600 : memref<!tpu.dma_semaphore, #tpu.memory_space<semaphore_mem>>) {add = true}
        %dma_wait3A_601 = arith.constant 0 : i32
        %dma_wait3A_602 = arith.constant 0 : i32
        %dma_wait3A_603 = arith.constant 5 : i32
        %dma_wait3A_604 = arith.constant 5 : i32
        %dma_wait3A_605 = arith.constant 0 : i32
        %dma_wait3A_606 = arith.constant 0 : i32
        %dma_wait3A_607 = tpu.memref_slice %arg9[%dma_wait3A_603, %dma_wait3A_605, %dma_wait3A_606] : memref<8x40x128xf32, #tpu.memory_space<vmem>> -> memref<1x40x128xf32, #tpu.memory_space<vmem>>
        %dma_wait3A_608 = tpu.memref_squeeze %dma_wait3A_607 : memref<1x40x128xf32, #tpu.memory_space<vmem>> -> memref<40x128xf32, #tpu.memory_space<vmem>>
        %dma_wait3A_609 = arith.constant 0 : i32
        %dma_wait3A_610 = tpu.memref_slice %arg7[%dma_wait3A_601, %dma_wait3A_602, %dma_wait3A_609] : memref<2x4x40xi32, #tpu.memory_space<vmem>> -> memref<1x1x40xi32, #tpu.memory_space<vmem>>
        %dma_wait3A_611 = tpu.memref_squeeze %dma_wait3A_610 : memref<1x1x40xi32, #tpu.memory_space<vmem>> -> memref<40xi32, #tpu.memory_space<vmem>>
        %dma_wait3A_612 = arith.constant 0 : i32
        %dma_wait3A_613 = arith.constant 0 : i32
        %dma_wait3A_614 = tpu.memref_slice %arg2[%dma_wait3A_612, %dma_wait3A_613] : memref<10000x128xf32, #tpu.memory_space<hbm>> -> memref<10000x128xf32, #tpu.memory_space<hbm>>
        %dma_wait3A_615 = tpu.memref_slice %arg12[%dma_wait3A_604] : memref<8x!tpu.dma_semaphore, #tpu.memory_space<semaphore_mem>> -> memref<1x!tpu.dma_semaphore, #tpu.memory_space<semaphore_mem>>
        %dma_wait3A_616 = tpu.memref_squeeze %dma_wait3A_615 : memref<1x!tpu.dma_semaphore, #tpu.memory_space<semaphore_mem>> -> memref<!tpu.dma_semaphore, #tpu.memory_space<semaphore_mem>>
        tpu.wait_indirect_dma semaphore(%dma_wait3A_616 : memref<!tpu.dma_semaphore, #tpu.memory_space<semaphore_mem>>) src(%dma_wait3A_614 : memref<10000x128xf32, #tpu.memory_space<hbm>>) dst(%dma_wait3A_608 : memref<40x128xf32, #tpu.memory_space<vmem>>)
        %dma_start3A_617 = arith.constant 5 : i32
        %dma_start3A_618 = arith.constant 1 : i32
        %dma_start3A_619 = arith.constant 1 : i32
        %dma_start3A_620 = arith.constant 5 : i32
        %dma_start3A_621 = arith.constant 0 : i32
        %dma_start3A_622 = arith.constant 0 : i32
        %dma_start3A_623 = tpu.memref_slice %arg9[%dma_start3A_617, %dma_start3A_621, %dma_start3A_622] : memref<8x40x128xf32, #tpu.memory_space<vmem>> -> memref<1x40x128xf32, #tpu.memory_space<vmem>>
        %dma_start3A_624 = tpu.memref_squeeze %dma_start3A_623 : memref<1x40x128xf32, #tpu.memory_space<vmem>> -> memref<40x128xf32, #tpu.memory_space<vmem>>
        %dma_start3A_625 = arith.constant 0 : i32
        %dma_start3A_626 = tpu.memref_slice %arg8[%dma_start3A_618, %dma_start3A_619, %dma_start3A_625] : memref<2x4x40xi32, #tpu.memory_space<vmem>> -> memref<1x1x40xi32, #tpu.memory_space<vmem>>
        %dma_start3A_627 = tpu.memref_squeeze %dma_start3A_626 : memref<1x1x40xi32, #tpu.memory_space<vmem>> -> memref<40xi32, #tpu.memory_space<vmem>>
        %dma_start3A_628 = arith.constant 0 : i32
        %dma_start3A_629 = arith.constant 0 : i32
        %dma_start3A_630 = tpu.memref_slice %arg10[%dma_start3A_628, %dma_start3A_629] : memref<10240x128xf32, #tpu.memory_space<vmem_shared>> -> memref<10240x128xf32, #tpu.memory_space<vmem_shared>>
        %dma_start3A_631 = tpu.memref_slice %arg13[%dma_start3A_620] : memref<8x!tpu.dma_semaphore, #tpu.memory_space<semaphore_mem>> -> memref<1x!tpu.dma_semaphore, #tpu.memory_space<semaphore_mem>>
        %dma_start3A_632 = tpu.memref_squeeze %dma_start3A_631 : memref<1x!tpu.dma_semaphore, #tpu.memory_space<semaphore_mem>> -> memref<!tpu.dma_semaphore, #tpu.memory_space<semaphore_mem>>
        tpu.enqueue_indirect_dma source(%dma_start3A_624 : memref<40x128xf32, #tpu.memory_space<vmem>>) target(%dma_start3A_630 : memref<10240x128xf32, #tpu.memory_space<vmem_shared>>) offsets(%dma_start3A_627 : memref<40xi32, #tpu.memory_space<vmem>>) semaphore(%dma_start3A_632 : memref<!tpu.dma_semaphore, #tpu.memory_space<semaphore_mem>>) {add = true}
        %dma_wait3A_633 = arith.constant 0 : i32
        %dma_wait3A_634 = arith.constant 0 : i32
        %dma_wait3A_635 = arith.constant 6 : i32
        %dma_wait3A_636 = arith.constant 6 : i32
        %dma_wait3A_637 = arith.constant 0 : i32
        %dma_wait3A_638 = arith.constant 0 : i32
        %dma_wait3A_639 = tpu.memref_slice %arg9[%dma_wait3A_635, %dma_wait3A_637, %dma_wait3A_638] : memref<8x40x128xf32, #tpu.memory_space<vmem>> -> memref<1x40x128xf32, #tpu.memory_space<vmem>>
        %dma_wait3A_640 = tpu.memref_squeeze %dma_wait3A_639 : memref<1x40x128xf32, #tpu.memory_space<vmem>> -> memref<40x128xf32, #tpu.memory_space<vmem>>
        %dma_wait3A_641 = arith.constant 0 : i32
        %dma_wait3A_642 = tpu.memref_slice %arg7[%dma_wait3A_633, %dma_wait3A_634, %dma_wait3A_641] : memref<2x4x40xi32, #tpu.memory_space<vmem>> -> memref<1x1x40xi32, #tpu.memory_space<vmem>>
        %dma_wait3A_643 = tpu.memref_squeeze %dma_wait3A_642 : memref<1x1x40xi32, #tpu.memory_space<vmem>> -> memref<40xi32, #tpu.memory_space<vmem>>
        %dma_wait3A_644 = arith.constant 0 : i32
        %dma_wait3A_645 = arith.constant 0 : i32
        %dma_wait3A_646 = tpu.memref_slice %arg2[%dma_wait3A_644, %dma_wait3A_645] : memref<10000x128xf32, #tpu.memory_space<hbm>> -> memref<10000x128xf32, #tpu.memory_space<hbm>>
        %dma_wait3A_647 = tpu.memref_slice %arg12[%dma_wait3A_636] : memref<8x!tpu.dma_semaphore, #tpu.memory_space<semaphore_mem>> -> memref<1x!tpu.dma_semaphore, #tpu.memory_space<semaphore_mem>>
        %dma_wait3A_648 = tpu.memref_squeeze %dma_wait3A_647 : memref<1x!tpu.dma_semaphore, #tpu.memory_space<semaphore_mem>> -> memref<!tpu.dma_semaphore, #tpu.memory_space<semaphore_mem>>
        tpu.wait_indirect_dma semaphore(%dma_wait3A_648 : memref<!tpu.dma_semaphore, #tpu.memory_space<semaphore_mem>>) src(%dma_wait3A_646 : memref<10000x128xf32, #tpu.memory_space<hbm>>) dst(%dma_wait3A_640 : memref<40x128xf32, #tpu.memory_space<vmem>>)
        %dma_start3A_649 = arith.constant 6 : i32
        %dma_start3A_650 = arith.constant 1 : i32
        %dma_start3A_651 = arith.constant 2 : i32
        %dma_start3A_652 = arith.constant 6 : i32
        %dma_start3A_653 = arith.constant 0 : i32
        %dma_start3A_654 = arith.constant 0 : i32
        %dma_start3A_655 = tpu.memref_slice %arg9[%dma_start3A_649, %dma_start3A_653, %dma_start3A_654] : memref<8x40x128xf32, #tpu.memory_space<vmem>> -> memref<1x40x128xf32, #tpu.memory_space<vmem>>
        %dma_start3A_656 = tpu.memref_squeeze %dma_start3A_655 : memref<1x40x128xf32, #tpu.memory_space<vmem>> -> memref<40x128xf32, #tpu.memory_space<vmem>>
        %dma_start3A_657 = arith.constant 0 : i32
        %dma_start3A_658 = tpu.memref_slice %arg8[%dma_start3A_650, %dma_start3A_651, %dma_start3A_657] : memref<2x4x40xi32, #tpu.memory_space<vmem>> -> memref<1x1x40xi32, #tpu.memory_space<vmem>>
        %dma_start3A_659 = tpu.memref_squeeze %dma_start3A_658 : memref<1x1x40xi32, #tpu.memory_space<vmem>> -> memref<40xi32, #tpu.memory_space<vmem>>
        %dma_start3A_660 = arith.constant 0 : i32
        %dma_start3A_661 = arith.constant 0 : i32
        %dma_start3A_662 = tpu.memref_slice %arg10[%dma_start3A_660, %dma_start3A_661] : memref<10240x128xf32, #tpu.memory_space<vmem_shared>> -> memref<10240x128xf32, #tpu.memory_space<vmem_shared>>
        %dma_start3A_663 = tpu.memref_slice %arg13[%dma_start3A_652] : memref<8x!tpu.dma_semaphore, #tpu.memory_space<semaphore_mem>> -> memref<1x!tpu.dma_semaphore, #tpu.memory_space<semaphore_mem>>
        %dma_start3A_664 = tpu.memref_squeeze %dma_start3A_663 : memref<1x!tpu.dma_semaphore, #tpu.memory_space<semaphore_mem>> -> memref<!tpu.dma_semaphore, #tpu.memory_space<semaphore_mem>>
        tpu.enqueue_indirect_dma source(%dma_start3A_656 : memref<40x128xf32, #tpu.memory_space<vmem>>) target(%dma_start3A_662 : memref<10240x128xf32, #tpu.memory_space<vmem_shared>>) offsets(%dma_start3A_659 : memref<40xi32, #tpu.memory_space<vmem>>) semaphore(%dma_start3A_664 : memref<!tpu.dma_semaphore, #tpu.memory_space<semaphore_mem>>) {add = true}
        %dma_wait3A_665 = arith.constant 0 : i32
        %dma_wait3A_666 = arith.constant 0 : i32
        %dma_wait3A_667 = arith.constant 7 : i32
        %dma_wait3A_668 = arith.constant 7 : i32
        %dma_wait3A_669 = arith.constant 0 : i32
        %dma_wait3A_670 = arith.constant 0 : i32
        %dma_wait3A_671 = tpu.memref_slice %arg9[%dma_wait3A_667, %dma_wait3A_669, %dma_wait3A_670] : memref<8x40x128xf32, #tpu.memory_space<vmem>> -> memref<1x40x128xf32, #tpu.memory_space<vmem>>
        %dma_wait3A_672 = tpu.memref_squeeze %dma_wait3A_671 : memref<1x40x128xf32, #tpu.memory_space<vmem>> -> memref<40x128xf32, #tpu.memory_space<vmem>>
        %dma_wait3A_673 = arith.constant 0 : i32
        %dma_wait3A_674 = tpu.memref_slice %arg7[%dma_wait3A_665, %dma_wait3A_666, %dma_wait3A_673] : memref<2x4x40xi32, #tpu.memory_space<vmem>> -> memref<1x1x40xi32, #tpu.memory_space<vmem>>
        %dma_wait3A_675 = tpu.memref_squeeze %dma_wait3A_674 : memref<1x1x40xi32, #tpu.memory_space<vmem>> -> memref<40xi32, #tpu.memory_space<vmem>>
        %dma_wait3A_676 = arith.constant 0 : i32
        %dma_wait3A_677 = arith.constant 0 : i32
        %dma_wait3A_678 = tpu.memref_slice %arg2[%dma_wait3A_676, %dma_wait3A_677] : memref<10000x128xf32, #tpu.memory_space<hbm>> -> memref<10000x128xf32, #tpu.memory_space<hbm>>
        %dma_wait3A_679 = tpu.memref_slice %arg12[%dma_wait3A_668] : memref<8x!tpu.dma_semaphore, #tpu.memory_space<semaphore_mem>> -> memref<1x!tpu.dma_semaphore, #tpu.memory_space<semaphore_mem>>
        %dma_wait3A_680 = tpu.memref_squeeze %dma_wait3A_679 : memref<1x!tpu.dma_semaphore, #tpu.memory_space<semaphore_mem>> -> memref<!tpu.dma_semaphore, #tpu.memory_space<semaphore_mem>>
        tpu.wait_indirect_dma semaphore(%dma_wait3A_680 : memref<!tpu.dma_semaphore, #tpu.memory_space<semaphore_mem>>) src(%dma_wait3A_678 : memref<10000x128xf32, #tpu.memory_space<hbm>>) dst(%dma_wait3A_672 : memref<40x128xf32, #tpu.memory_space<vmem>>)
        %dma_start3A_681 = arith.constant 7 : i32
        %dma_start3A_682 = arith.constant 1 : i32
        %dma_start3A_683 = arith.constant 3 : i32
        %dma_start3A_684 = arith.constant 7 : i32
        %dma_start3A_685 = arith.constant 0 : i32
        %dma_start3A_686 = arith.constant 0 : i32
        %dma_start3A_687 = tpu.memref_slice %arg9[%dma_start3A_681, %dma_start3A_685, %dma_start3A_686] : memref<8x40x128xf32, #tpu.memory_space<vmem>> -> memref<1x40x128xf32, #tpu.memory_space<vmem>>
        %dma_start3A_688 = tpu.memref_squeeze %dma_start3A_687 : memref<1x40x128xf32, #tpu.memory_space<vmem>> -> memref<40x128xf32, #tpu.memory_space<vmem>>
        %dma_start3A_689 = arith.constant 0 : i32
        %dma_start3A_690 = tpu.memref_slice %arg8[%dma_start3A_682, %dma_start3A_683, %dma_start3A_689] : memref<2x4x40xi32, #tpu.memory_space<vmem>> -> memref<1x1x40xi32, #tpu.memory_space<vmem>>
        %dma_start3A_691 = tpu.memref_squeeze %dma_start3A_690 : memref<1x1x40xi32, #tpu.memory_space<vmem>> -> memref<40xi32, #tpu.memory_space<vmem>>
        %dma_start3A_692 = arith.constant 0 : i32
        %dma_start3A_693 = arith.constant 0 : i32
        %dma_start3A_694 = tpu.memref_slice %arg10[%dma_start3A_692, %dma_start3A_693] : memref<10240x128xf32, #tpu.memory_space<vmem_shared>> -> memref<10240x128xf32, #tpu.memory_space<vmem_shared>>
        %dma_start3A_695 = tpu.memref_slice %arg13[%dma_start3A_684] : memref<8x!tpu.dma_semaphore, #tpu.memory_space<semaphore_mem>> -> memref<1x!tpu.dma_semaphore, #tpu.memory_space<semaphore_mem>>
        %dma_start3A_696 = tpu.memref_squeeze %dma_start3A_695 : memref<1x!tpu.dma_semaphore, #tpu.memory_space<semaphore_mem>> -> memref<!tpu.dma_semaphore, #tpu.memory_space<semaphore_mem>>
        tpu.enqueue_indirect_dma source(%dma_start3A_688 : memref<40x128xf32, #tpu.memory_space<vmem>>) target(%dma_start3A_694 : memref<10240x128xf32, #tpu.memory_space<vmem_shared>>) offsets(%dma_start3A_691 : memref<40xi32, #tpu.memory_space<vmem>>) semaphore(%dma_start3A_696 : memref<!tpu.dma_semaphore, #tpu.memory_space<semaphore_mem>>) {add = true}
        %lt3A_697 = arith.constant 124 : i32
        %lt3A_698 = arith.cmpi slt, %add3A_558, %lt3A_697 : i32
        %convert_element_type3A_699 = arith.extui %lt3A_698 : i1 to i32
        %cond3A_700 = arith.constant 0 : i32
        %cond3A_701 = arith.cmpi ne, %convert_element_type3A_699, %cond3A_700 : i32
        scf.if %cond3A_701 {
          %dma_wait3A_702 = arith.constant 0 : i32
          %dma_wait3A_703 = arith.constant 0 : i32
          %dma_wait3A_704 = arith.constant 0 : i32
          %dma_wait3A_705 = arith.constant 0 : i32
          %dma_wait3A_706 = arith.constant 0 : i32
          %dma_wait3A_707 = tpu.memref_slice %arg7[%dma_wait3A_703, %dma_wait3A_705, %dma_wait3A_706] : memref<2x4x40xi32, #tpu.memory_space<vmem>> -> memref<1x4x40xi32, #tpu.memory_space<vmem>>
          %dma_wait3A_708 = tpu.memref_squeeze %dma_wait3A_707 : memref<1x4x40xi32, #tpu.memory_space<vmem>> -> memref<4x40xi32, #tpu.memory_space<vmem>>
          %dma_wait3A_709 = arith.constant 0 : i32
          %dma_wait3A_710 = arith.constant 0 : i32
          %dma_wait3A_711 = tpu.memref_slice %arg4[%dma_wait3A_702, %dma_wait3A_709, %dma_wait3A_710] : memref<2x8000x40xi32, #tpu.memory_space<hbm>> -> memref<1x4x40xi32, #tpu.memory_space<hbm>>
          %dma_wait3A_712 = tpu.memref_squeeze %dma_wait3A_711 : memref<1x4x40xi32, #tpu.memory_space<hbm>> -> memref<4x40xi32, #tpu.memory_space<hbm>>
          %dma_wait3A_713 = tpu.memref_slice %arg11[%dma_wait3A_704] : memref<2x!tpu.dma_semaphore, #tpu.memory_space<semaphore_mem>> -> memref<1x!tpu.dma_semaphore, #tpu.memory_space<semaphore_mem>>
          %dma_wait3A_714 = tpu.memref_squeeze %dma_wait3A_713 : memref<1x!tpu.dma_semaphore, #tpu.memory_space<semaphore_mem>> -> memref<!tpu.dma_semaphore, #tpu.memory_space<semaphore_mem>>
          %dma_wait3A_715 = arith.constant 0 : i32
          %dma_wait3A_716 = arith.constant 0 : i32
          %dma_wait3A_717 = tpu.memref_slice %arg7[%dma_wait3A_703, %dma_wait3A_715, %dma_wait3A_716] : memref<2x4x40xi32, #tpu.memory_space<vmem>> -> memref<1x4x40xi32, #tpu.memory_space<vmem>>
          %dma_wait3A_718 = tpu.memref_squeeze %dma_wait3A_717 : memref<1x4x40xi32, #tpu.memory_space<vmem>> -> memref<4x40xi32, #tpu.memory_space<vmem>>
          %dma_wait3A_719 = arith.constant 0 : i32
          %dma_wait3A_720 = arith.constant 0 : i32
          %dma_wait3A_721 = tpu.memref_slice %arg4[%dma_wait3A_702, %dma_wait3A_719, %dma_wait3A_720] : memref<2x8000x40xi32, #tpu.memory_space<hbm>> -> memref<1x4x40xi32, #tpu.memory_space<hbm>>
          %dma_wait3A_722 = tpu.memref_squeeze %dma_wait3A_721 : memref<1x4x40xi32, #tpu.memory_space<hbm>> -> memref<4x40xi32, #tpu.memory_space<hbm>>
          tpu.wait_dma2 semaphore(%dma_wait3A_714 : memref<!tpu.dma_semaphore, #tpu.memory_space<semaphore_mem>>) src(%dma_wait3A_722 : memref<4x40xi32, #tpu.memory_space<hbm>>) dst(%dma_wait3A_718 : memref<4x40xi32, #tpu.memory_space<vmem>>)
          %dma_wait3A_723 = arith.constant 1 : i32
          %dma_wait3A_724 = arith.constant 0 : i32
          %dma_wait3A_725 = arith.constant 1 : i32
          %dma_wait3A_726 = arith.constant 0 : i32
          %dma_wait3A_727 = arith.constant 0 : i32
          %dma_wait3A_728 = tpu.memref_slice %arg8[%dma_wait3A_724, %dma_wait3A_726, %dma_wait3A_727] : memref<2x4x40xi32, #tpu.memory_space<vmem>> -> memref<1x4x40xi32, #tpu.memory_space<vmem>>
          %dma_wait3A_729 = tpu.memref_squeeze %dma_wait3A_728 : memref<1x4x40xi32, #tpu.memory_space<vmem>> -> memref<4x40xi32, #tpu.memory_space<vmem>>
          %dma_wait3A_730 = arith.constant 0 : i32
          %dma_wait3A_731 = arith.constant 0 : i32
          %dma_wait3A_732 = tpu.memref_slice %arg4[%dma_wait3A_723, %dma_wait3A_730, %dma_wait3A_731] : memref<2x8000x40xi32, #tpu.memory_space<hbm>> -> memref<1x4x40xi32, #tpu.memory_space<hbm>>
          %dma_wait3A_733 = tpu.memref_squeeze %dma_wait3A_732 : memref<1x4x40xi32, #tpu.memory_space<hbm>> -> memref<4x40xi32, #tpu.memory_space<hbm>>
          %dma_wait3A_734 = tpu.memref_slice %arg11[%dma_wait3A_725] : memref<2x!tpu.dma_semaphore, #tpu.memory_space<semaphore_mem>> -> memref<1x!tpu.dma_semaphore, #tpu.memory_space<semaphore_mem>>
          %dma_wait3A_735 = tpu.memref_squeeze %dma_wait3A_734 : memref<1x!tpu.dma_semaphore, #tpu.memory_space<semaphore_mem>> -> memref<!tpu.dma_semaphore, #tpu.memory_space<semaphore_mem>>
          %dma_wait3A_736 = arith.constant 0 : i32
          %dma_wait3A_737 = arith.constant 0 : i32
          %dma_wait3A_738 = tpu.memref_slice %arg8[%dma_wait3A_724, %dma_wait3A_736, %dma_wait3A_737] : memref<2x4x40xi32, #tpu.memory_space<vmem>> -> memref<1x4x40xi32, #tpu.memory_space<vmem>>
          %dma_wait3A_739 = tpu.memref_squeeze %dma_wait3A_738 : memref<1x4x40xi32, #tpu.memory_space<vmem>> -> memref<4x40xi32, #tpu.memory_space<vmem>>
          %dma_wait3A_740 = arith.constant 0 : i32
          %dma_wait3A_741 = arith.constant 0 : i32
          %dma_wait3A_742 = tpu.memref_slice %arg4[%dma_wait3A_723, %dma_wait3A_740, %dma_wait3A_741] : memref<2x8000x40xi32, #tpu.memory_space<hbm>> -> memref<1x4x40xi32, #tpu.memory_space<hbm>>
          %dma_wait3A_743 = tpu.memref_squeeze %dma_wait3A_742 : memref<1x4x40xi32, #tpu.memory_space<hbm>> -> memref<4x40xi32, #tpu.memory_space<hbm>>
          tpu.wait_dma2 semaphore(%dma_wait3A_735 : memref<!tpu.dma_semaphore, #tpu.memory_space<semaphore_mem>>) src(%dma_wait3A_743 : memref<4x40xi32, #tpu.memory_space<hbm>>) dst(%dma_wait3A_739 : memref<4x40xi32, #tpu.memory_space<vmem>>)
          %dma_start3A_744 = arith.constant 0 : i32
          %dma_start3A_745 = arith.constant 0 : i32
          %dma_start3A_746 = arith.constant 0 : i32
          %dma_start3A_747 = arith.constant 0 : i32
          %dma_start3A_748 = arith.constant 0 : i32
          %dma_start3A_749 = arith.constant 0 : i32
          %dma_start3A_750 = tpu.memref_slice %arg9[%dma_start3A_746, %dma_start3A_748, %dma_start3A_749] : memref<8x40x128xf32, #tpu.memory_space<vmem>> -> memref<1x40x128xf32, #tpu.memory_space<vmem>>
          %dma_start3A_751 = tpu.memref_squeeze %dma_start3A_750 : memref<1x40x128xf32, #tpu.memory_space<vmem>> -> memref<40x128xf32, #tpu.memory_space<vmem>>
          %dma_start3A_752 = arith.constant 0 : i32
          %dma_start3A_753 = tpu.memref_slice %arg7[%dma_start3A_744, %dma_start3A_745, %dma_start3A_752] : memref<2x4x40xi32, #tpu.memory_space<vmem>> -> memref<1x1x40xi32, #tpu.memory_space<vmem>>
          %dma_start3A_754 = tpu.memref_squeeze %dma_start3A_753 : memref<1x1x40xi32, #tpu.memory_space<vmem>> -> memref<40xi32, #tpu.memory_space<vmem>>
          %dma_start3A_755 = arith.constant 0 : i32
          %dma_start3A_756 = arith.constant 0 : i32
          %dma_start3A_757 = tpu.memref_slice %arg2[%dma_start3A_755, %dma_start3A_756] : memref<10000x128xf32, #tpu.memory_space<hbm>> -> memref<10000x128xf32, #tpu.memory_space<hbm>>
          %dma_start3A_758 = tpu.memref_slice %arg12[%dma_start3A_747] : memref<8x!tpu.dma_semaphore, #tpu.memory_space<semaphore_mem>> -> memref<1x!tpu.dma_semaphore, #tpu.memory_space<semaphore_mem>>
          %dma_start3A_759 = tpu.memref_squeeze %dma_start3A_758 : memref<1x!tpu.dma_semaphore, #tpu.memory_space<semaphore_mem>> -> memref<!tpu.dma_semaphore, #tpu.memory_space<semaphore_mem>>
          tpu.enqueue_indirect_dma source(%dma_start3A_757 : memref<10000x128xf32, #tpu.memory_space<hbm>>) target(%dma_start3A_751 : memref<40x128xf32, #tpu.memory_space<vmem>>) offsets(%dma_start3A_754 : memref<40xi32, #tpu.memory_space<vmem>>) semaphore(%dma_start3A_759 : memref<!tpu.dma_semaphore, #tpu.memory_space<semaphore_mem>>)
          %dma_start3A_760 = arith.constant 0 : i32
          %dma_start3A_761 = arith.constant 1 : i32
          %dma_start3A_762 = arith.constant 1 : i32
          %dma_start3A_763 = arith.constant 1 : i32
          %dma_start3A_764 = arith.constant 0 : i32
          %dma_start3A_765 = arith.constant 0 : i32
          %dma_start3A_766 = tpu.memref_slice %arg9[%dma_start3A_762, %dma_start3A_764, %dma_start3A_765] : memref<8x40x128xf32, #tpu.memory_space<vmem>> -> memref<1x40x128xf32, #tpu.memory_space<vmem>>
          %dma_start3A_767 = tpu.memref_squeeze %dma_start3A_766 : memref<1x40x128xf32, #tpu.memory_space<vmem>> -> memref<40x128xf32, #tpu.memory_space<vmem>>
          %dma_start3A_768 = arith.constant 0 : i32
          %dma_start3A_769 = tpu.memref_slice %arg7[%dma_start3A_760, %dma_start3A_761, %dma_start3A_768] : memref<2x4x40xi32, #tpu.memory_space<vmem>> -> memref<1x1x40xi32, #tpu.memory_space<vmem>>
          %dma_start3A_770 = tpu.memref_squeeze %dma_start3A_769 : memref<1x1x40xi32, #tpu.memory_space<vmem>> -> memref<40xi32, #tpu.memory_space<vmem>>
          %dma_start3A_771 = arith.constant 0 : i32
          %dma_start3A_772 = arith.constant 0 : i32
          %dma_start3A_773 = tpu.memref_slice %arg2[%dma_start3A_771, %dma_start3A_772] : memref<10000x128xf32, #tpu.memory_space<hbm>> -> memref<10000x128xf32, #tpu.memory_space<hbm>>
          %dma_start3A_774 = tpu.memref_slice %arg12[%dma_start3A_763] : memref<8x!tpu.dma_semaphore, #tpu.memory_space<semaphore_mem>> -> memref<1x!tpu.dma_semaphore, #tpu.memory_space<semaphore_mem>>
          %dma_start3A_775 = tpu.memref_squeeze %dma_start3A_774 : memref<1x!tpu.dma_semaphore, #tpu.memory_space<semaphore_mem>> -> memref<!tpu.dma_semaphore, #tpu.memory_space<semaphore_mem>>
          tpu.enqueue_indirect_dma source(%dma_start3A_773 : memref<10000x128xf32, #tpu.memory_space<hbm>>) target(%dma_start3A_767 : memref<40x128xf32, #tpu.memory_space<vmem>>) offsets(%dma_start3A_770 : memref<40xi32, #tpu.memory_space<vmem>>) semaphore(%dma_start3A_775 : memref<!tpu.dma_semaphore, #tpu.memory_space<semaphore_mem>>)
          %dma_start3A_776 = arith.constant 0 : i32
          %dma_start3A_777 = arith.constant 2 : i32
          %dma_start3A_778 = arith.constant 2 : i32
          %dma_start3A_779 = arith.constant 2 : i32
          %dma_start3A_780 = arith.constant 0 : i32
          %dma_start3A_781 = arith.constant 0 : i32
          %dma_start3A_782 = tpu.memref_slice %arg9[%dma_start3A_778, %dma_start3A_780, %dma_start3A_781] : memref<8x40x128xf32, #tpu.memory_space<vmem>> -> memref<1x40x128xf32, #tpu.memory_space<vmem>>
          %dma_start3A_783 = tpu.memref_squeeze %dma_start3A_782 : memref<1x40x128xf32, #tpu.memory_space<vmem>> -> memref<40x128xf32, #tpu.memory_space<vmem>>
          %dma_start3A_784 = arith.constant 0 : i32
          %dma_start3A_785 = tpu.memref_slice %arg7[%dma_start3A_776, %dma_start3A_777, %dma_start3A_784] : memref<2x4x40xi32, #tpu.memory_space<vmem>> -> memref<1x1x40xi32, #tpu.memory_space<vmem>>
          %dma_start3A_786 = tpu.memref_squeeze %dma_start3A_785 : memref<1x1x40xi32, #tpu.memory_space<vmem>> -> memref<40xi32, #tpu.memory_space<vmem>>
          %dma_start3A_787 = arith.constant 0 : i32
          %dma_start3A_788 = arith.constant 0 : i32
          %dma_start3A_789 = tpu.memref_slice %arg2[%dma_start3A_787, %dma_start3A_788] : memref<10000x128xf32, #tpu.memory_space<hbm>> -> memref<10000x128xf32, #tpu.memory_space<hbm>>
          %dma_start3A_790 = tpu.memref_slice %arg12[%dma_start3A_779] : memref<8x!tpu.dma_semaphore, #tpu.memory_space<semaphore_mem>> -> memref<1x!tpu.dma_semaphore, #tpu.memory_space<semaphore_mem>>
          %dma_start3A_791 = tpu.memref_squeeze %dma_start3A_790 : memref<1x!tpu.dma_semaphore, #tpu.memory_space<semaphore_mem>> -> memref<!tpu.dma_semaphore, #tpu.memory_space<semaphore_mem>>
          tpu.enqueue_indirect_dma source(%dma_start3A_789 : memref<10000x128xf32, #tpu.memory_space<hbm>>) target(%dma_start3A_783 : memref<40x128xf32, #tpu.memory_space<vmem>>) offsets(%dma_start3A_786 : memref<40xi32, #tpu.memory_space<vmem>>) semaphore(%dma_start3A_791 : memref<!tpu.dma_semaphore, #tpu.memory_space<semaphore_mem>>)
          %dma_start3A_792 = arith.constant 0 : i32
          %dma_start3A_793 = arith.constant 3 : i32
          %dma_start3A_794 = arith.constant 3 : i32
          %dma_start3A_795 = arith.constant 3 : i32
          %dma_start3A_796 = arith.constant 0 : i32
          %dma_start3A_797 = arith.constant 0 : i32
          %dma_start3A_798 = tpu.memref_slice %arg9[%dma_start3A_794, %dma_start3A_796, %dma_start3A_797] : memref<8x40x128xf32, #tpu.memory_space<vmem>> -> memref<1x40x128xf32, #tpu.memory_space<vmem>>
          %dma_start3A_799 = tpu.memref_squeeze %dma_start3A_798 : memref<1x40x128xf32, #tpu.memory_space<vmem>> -> memref<40x128xf32, #tpu.memory_space<vmem>>
          %dma_start3A_800 = arith.constant 0 : i32
          %dma_start3A_801 = tpu.memref_slice %arg7[%dma_start3A_792, %dma_start3A_793, %dma_start3A_800] : memref<2x4x40xi32, #tpu.memory_space<vmem>> -> memref<1x1x40xi32, #tpu.memory_space<vmem>>
          %dma_start3A_802 = tpu.memref_squeeze %dma_start3A_801 : memref<1x1x40xi32, #tpu.memory_space<vmem>> -> memref<40xi32, #tpu.memory_space<vmem>>
          %dma_start3A_803 = arith.constant 0 : i32
          %dma_start3A_804 = arith.constant 0 : i32
          %dma_start3A_805 = tpu.memref_slice %arg2[%dma_start3A_803, %dma_start3A_804] : memref<10000x128xf32, #tpu.memory_space<hbm>> -> memref<10000x128xf32, #tpu.memory_space<hbm>>
          %dma_start3A_806 = tpu.memref_slice %arg12[%dma_start3A_795] : memref<8x!tpu.dma_semaphore, #tpu.memory_space<semaphore_mem>> -> memref<1x!tpu.dma_semaphore, #tpu.memory_space<semaphore_mem>>
          %dma_start3A_807 = tpu.memref_squeeze %dma_start3A_806 : memref<1x!tpu.dma_semaphore, #tpu.memory_space<semaphore_mem>> -> memref<!tpu.dma_semaphore, #tpu.memory_space<semaphore_mem>>
          tpu.enqueue_indirect_dma source(%dma_start3A_805 : memref<10000x128xf32, #tpu.memory_space<hbm>>) target(%dma_start3A_799 : memref<40x128xf32, #tpu.memory_space<vmem>>) offsets(%dma_start3A_802 : memref<40xi32, #tpu.memory_space<vmem>>) semaphore(%dma_start3A_807 : memref<!tpu.dma_semaphore, #tpu.memory_space<semaphore_mem>>)
        } else {
        }
      }
      %scan3A_134 = arith.constant 62 : i32
      %dma_wait3A = arith.constant 4 : i32
      %dma_wait3A_135 = arith.constant 0 : i32
      %dma_wait3A_136 = arith.constant 0 : i32
      %dma_wait3A_137 = arith.constant 4 : i32
      %dma_wait3A_138 = arith.constant 0 : i32
      %dma_wait3A_139 = arith.constant 0 : i32
      %dma_wait3A_140 = tpu.memref_slice %arg9[%dma_wait3A, %dma_wait3A_138, %dma_wait3A_139] : memref<8x40x128xf32, #tpu.memory_space<vmem>> -> memref<1x40x128xf32, #tpu.memory_space<vmem>>
      %dma_wait3A_141 = tpu.memref_squeeze %dma_wait3A_140 : memref<1x40x128xf32, #tpu.memory_space<vmem>> -> memref<40x128xf32, #tpu.memory_space<vmem>>
      %dma_wait3A_142 = arith.constant 0 : i32
      %dma_wait3A_143 = tpu.memref_slice %arg8[%dma_wait3A_135, %dma_wait3A_136, %dma_wait3A_142] : memref<2x4x40xi32, #tpu.memory_space<vmem>> -> memref<1x1x40xi32, #tpu.memory_space<vmem>>
      %dma_wait3A_144 = tpu.memref_squeeze %dma_wait3A_143 : memref<1x1x40xi32, #tpu.memory_space<vmem>> -> memref<40xi32, #tpu.memory_space<vmem>>
      %dma_wait3A_145 = arith.constant 0 : i32
      %dma_wait3A_146 = arith.constant 0 : i32
      %dma_wait3A_147 = tpu.memref_slice %arg10[%dma_wait3A_145, %dma_wait3A_146] : memref<10240x128xf32, #tpu.memory_space<vmem_shared>> -> memref<10240x128xf32, #tpu.memory_space<vmem_shared>>
      %dma_wait3A_148 = tpu.memref_slice %arg13[%dma_wait3A_137] : memref<8x!tpu.dma_semaphore, #tpu.memory_space<semaphore_mem>> -> memref<1x!tpu.dma_semaphore, #tpu.memory_space<semaphore_mem>>
      %dma_wait3A_149 = tpu.memref_squeeze %dma_wait3A_148 : memref<1x!tpu.dma_semaphore, #tpu.memory_space<semaphore_mem>> -> memref<!tpu.dma_semaphore, #tpu.memory_space<semaphore_mem>>
      tpu.wait_indirect_dma semaphore(%dma_wait3A_149 : memref<!tpu.dma_semaphore, #tpu.memory_space<semaphore_mem>>) src(%dma_wait3A_141 : memref<40x128xf32, #tpu.memory_space<vmem>>) dst(%dma_wait3A_147 : memref<10240x128xf32, #tpu.memory_space<vmem_shared>>)
      %dma_wait3A_150 = arith.constant 5 : i32
      %dma_wait3A_151 = arith.constant 0 : i32
      %dma_wait3A_152 = arith.constant 0 : i32
      %dma_wait3A_153 = arith.constant 5 : i32
      %dma_wait3A_154 = arith.constant 0 : i32
      %dma_wait3A_155 = arith.constant 0 : i32
      %dma_wait3A_156 = tpu.memref_slice %arg9[%dma_wait3A_150, %dma_wait3A_154, %dma_wait3A_155] : memref<8x40x128xf32, #tpu.memory_space<vmem>> -> memref<1x40x128xf32, #tpu.memory_space<vmem>>
      %dma_wait3A_157 = tpu.memref_squeeze %dma_wait3A_156 : memref<1x40x128xf32, #tpu.memory_space<vmem>> -> memref<40x128xf32, #tpu.memory_space<vmem>>
      %dma_wait3A_158 = arith.constant 0 : i32
      %dma_wait3A_159 = tpu.memref_slice %arg8[%dma_wait3A_151, %dma_wait3A_152, %dma_wait3A_158] : memref<2x4x40xi32, #tpu.memory_space<vmem>> -> memref<1x1x40xi32, #tpu.memory_space<vmem>>
      %dma_wait3A_160 = tpu.memref_squeeze %dma_wait3A_159 : memref<1x1x40xi32, #tpu.memory_space<vmem>> -> memref<40xi32, #tpu.memory_space<vmem>>
      %dma_wait3A_161 = arith.constant 0 : i32
      %dma_wait3A_162 = arith.constant 0 : i32
      %dma_wait3A_163 = tpu.memref_slice %arg10[%dma_wait3A_161, %dma_wait3A_162] : memref<10240x128xf32, #tpu.memory_space<vmem_shared>> -> memref<10240x128xf32, #tpu.memory_space<vmem_shared>>
      %dma_wait3A_164 = tpu.memref_slice %arg13[%dma_wait3A_153] : memref<8x!tpu.dma_semaphore, #tpu.memory_space<semaphore_mem>> -> memref<1x!tpu.dma_semaphore, #tpu.memory_space<semaphore_mem>>
      %dma_wait3A_165 = tpu.memref_squeeze %dma_wait3A_164 : memref<1x!tpu.dma_semaphore, #tpu.memory_space<semaphore_mem>> -> memref<!tpu.dma_semaphore, #tpu.memory_space<semaphore_mem>>
      tpu.wait_indirect_dma semaphore(%dma_wait3A_165 : memref<!tpu.dma_semaphore, #tpu.memory_space<semaphore_mem>>) src(%dma_wait3A_157 : memref<40x128xf32, #tpu.memory_space<vmem>>) dst(%dma_wait3A_163 : memref<10240x128xf32, #tpu.memory_space<vmem_shared>>)
      %dma_wait3A_166 = arith.constant 6 : i32
      %dma_wait3A_167 = arith.constant 0 : i32
      %dma_wait3A_168 = arith.constant 0 : i32
      %dma_wait3A_169 = arith.constant 6 : i32
      %dma_wait3A_170 = arith.constant 0 : i32
      %dma_wait3A_171 = arith.constant 0 : i32
      %dma_wait3A_172 = tpu.memref_slice %arg9[%dma_wait3A_166, %dma_wait3A_170, %dma_wait3A_171] : memref<8x40x128xf32, #tpu.memory_space<vmem>> -> memref<1x40x128xf32, #tpu.memory_space<vmem>>
      %dma_wait3A_173 = tpu.memref_squeeze %dma_wait3A_172 : memref<1x40x128xf32, #tpu.memory_space<vmem>> -> memref<40x128xf32, #tpu.memory_space<vmem>>
      %dma_wait3A_174 = arith.constant 0 : i32
      %dma_wait3A_175 = tpu.memref_slice %arg8[%dma_wait3A_167, %dma_wait3A_168, %dma_wait3A_174] : memref<2x4x40xi32, #tpu.memory_space<vmem>> -> memref<1x1x40xi32, #tpu.memory_space<vmem>>
      %dma_wait3A_176 = tpu.memref_squeeze %dma_wait3A_175 : memref<1x1x40xi32, #tpu.memory_space<vmem>> -> memref<40xi32, #tpu.memory_space<vmem>>
      %dma_wait3A_177 = arith.constant 0 : i32
      %dma_wait3A_178 = arith.constant 0 : i32
      %dma_wait3A_179 = tpu.memref_slice %arg10[%dma_wait3A_177, %dma_wait3A_178] : memref<10240x128xf32, #tpu.memory_space<vmem_shared>> -> memref<10240x128xf32, #tpu.memory_space<vmem_shared>>
      %dma_wait3A_180 = tpu.memref_slice %arg13[%dma_wait3A_169] : memref<8x!tpu.dma_semaphore, #tpu.memory_space<semaphore_mem>> -> memref<1x!tpu.dma_semaphore, #tpu.memory_space<semaphore_mem>>
      %dma_wait3A_181 = tpu.memref_squeeze %dma_wait3A_180 : memref<1x!tpu.dma_semaphore, #tpu.memory_space<semaphore_mem>> -> memref<!tpu.dma_semaphore, #tpu.memory_space<semaphore_mem>>
      tpu.wait_indirect_dma semaphore(%dma_wait3A_181 : memref<!tpu.dma_semaphore, #tpu.memory_space<semaphore_mem>>) src(%dma_wait3A_173 : memref<40x128xf32, #tpu.memory_space<vmem>>) dst(%dma_wait3A_179 : memref<10240x128xf32, #tpu.memory_space<vmem_shared>>)
      %dma_wait3A_182 = arith.constant 7 : i32
      %dma_wait3A_183 = arith.constant 0 : i32
      %dma_wait3A_184 = arith.constant 0 : i32
      %dma_wait3A_185 = arith.constant 7 : i32
      %dma_wait3A_186 = arith.constant 0 : i32
      %dma_wait3A_187 = arith.constant 0 : i32
      %dma_wait3A_188 = tpu.memref_slice %arg9[%dma_wait3A_182, %dma_wait3A_186, %dma_wait3A_187] : memref<8x40x128xf32, #tpu.memory_space<vmem>> -> memref<1x40x128xf32, #tpu.memory_space<vmem>>
      %dma_wait3A_189 = tpu.memref_squeeze %dma_wait3A_188 : memref<1x40x128xf32, #tpu.memory_space<vmem>> -> memref<40x128xf32, #tpu.memory_space<vmem>>
      %dma_wait3A_190 = arith.constant 0 : i32
      %dma_wait3A_191 = tpu.memref_slice %arg8[%dma_wait3A_183, %dma_wait3A_184, %dma_wait3A_190] : memref<2x4x40xi32, #tpu.memory_space<vmem>> -> memref<1x1x40xi32, #tpu.memory_space<vmem>>
      %dma_wait3A_192 = tpu.memref_squeeze %dma_wait3A_191 : memref<1x1x40xi32, #tpu.memory_space<vmem>> -> memref<40xi32, #tpu.memory_space<vmem>>
      %dma_wait3A_193 = arith.constant 0 : i32
      %dma_wait3A_194 = arith.constant 0 : i32
      %dma_wait3A_195 = tpu.memref_slice %arg10[%dma_wait3A_193, %dma_wait3A_194] : memref<10240x128xf32, #tpu.memory_space<vmem_shared>> -> memref<10240x128xf32, #tpu.memory_space<vmem_shared>>
      %dma_wait3A_196 = tpu.memref_slice %arg13[%dma_wait3A_185] : memref<8x!tpu.dma_semaphore, #tpu.memory_space<semaphore_mem>> -> memref<1x!tpu.dma_semaphore, #tpu.memory_space<semaphore_mem>>
      %dma_wait3A_197 = tpu.memref_squeeze %dma_wait3A_196 : memref<1x!tpu.dma_semaphore, #tpu.memory_space<semaphore_mem>> -> memref<!tpu.dma_semaphore, #tpu.memory_space<semaphore_mem>>
      tpu.wait_indirect_dma semaphore(%dma_wait3A_197 : memref<!tpu.dma_semaphore, #tpu.memory_space<semaphore_mem>>) src(%dma_wait3A_189 : memref<40x128xf32, #tpu.memory_space<vmem>>) dst(%dma_wait3A_195 : memref<10240x128xf32, #tpu.memory_space<vmem_shared>>)
      %dma_wait3A_198 = arith.constant 0 : i32
      %dma_wait3A_199 = arith.constant 0 : i32
      %dma_wait3A_200 = arith.constant 0 : i32
      %dma_wait3A_201 = arith.constant 0 : i32
      %dma_wait3A_202 = arith.constant 0 : i32
      %dma_wait3A_203 = arith.constant 0 : i32
      %dma_wait3A_204 = tpu.memref_slice %arg9[%dma_wait3A_200, %dma_wait3A_202, %dma_wait3A_203] : memref<8x40x128xf32, #tpu.memory_space<vmem>> -> memref<1x40x128xf32, #tpu.memory_space<vmem>>
      %dma_wait3A_205 = tpu.memref_squeeze %dma_wait3A_204 : memref<1x40x128xf32, #tpu.memory_space<vmem>> -> memref<40x128xf32, #tpu.memory_space<vmem>>
      %dma_wait3A_206 = arith.constant 0 : i32
      %dma_wait3A_207 = tpu.memref_slice %arg7[%dma_wait3A_198, %dma_wait3A_199, %dma_wait3A_206] : memref<2x4x40xi32, #tpu.memory_space<vmem>> -> memref<1x1x40xi32, #tpu.memory_space<vmem>>
      %dma_wait3A_208 = tpu.memref_squeeze %dma_wait3A_207 : memref<1x1x40xi32, #tpu.memory_space<vmem>> -> memref<40xi32, #tpu.memory_space<vmem>>
      %dma_wait3A_209 = arith.constant 0 : i32
      %dma_wait3A_210 = arith.constant 0 : i32
      %dma_wait3A_211 = tpu.memref_slice %arg2[%dma_wait3A_209, %dma_wait3A_210] : memref<10000x128xf32, #tpu.memory_space<hbm>> -> memref<10000x128xf32, #tpu.memory_space<hbm>>
      %dma_wait3A_212 = tpu.memref_slice %arg12[%dma_wait3A_201] : memref<8x!tpu.dma_semaphore, #tpu.memory_space<semaphore_mem>> -> memref<1x!tpu.dma_semaphore, #tpu.memory_space<semaphore_mem>>
      %dma_wait3A_213 = tpu.memref_squeeze %dma_wait3A_212 : memref<1x!tpu.dma_semaphore, #tpu.memory_space<semaphore_mem>> -> memref<!tpu.dma_semaphore, #tpu.memory_space<semaphore_mem>>
      tpu.wait_indirect_dma semaphore(%dma_wait3A_213 : memref<!tpu.dma_semaphore, #tpu.memory_space<semaphore_mem>>) src(%dma_wait3A_211 : memref<10000x128xf32, #tpu.memory_space<hbm>>) dst(%dma_wait3A_205 : memref<40x128xf32, #tpu.memory_space<vmem>>)
      %dma_start3A_214 = arith.constant 0 : i32
      %dma_start3A_215 = arith.constant 0 : i32
      %dma_start3A_216 = arith.constant 0 : i32
      %dma_start3A_217 = arith.constant 0 : i32
      %dma_start3A_218 = arith.constant 0 : i32
      %dma_start3A_219 = arith.constant 0 : i32
      %dma_start3A_220 = tpu.memref_slice %arg9[%dma_start3A_214, %dma_start3A_218, %dma_start3A_219] : memref<8x40x128xf32, #tpu.memory_space<vmem>> -> memref<1x40x128xf32, #tpu.memory_space<vmem>>
      %dma_start3A_221 = tpu.memref_squeeze %dma_start3A_220 : memref<1x40x128xf32, #tpu.memory_space<vmem>> -> memref<40x128xf32, #tpu.memory_space<vmem>>
      %dma_start3A_222 = arith.constant 0 : i32
      %dma_start3A_223 = tpu.memref_slice %arg8[%dma_start3A_215, %dma_start3A_216, %dma_start3A_222] : memref<2x4x40xi32, #tpu.memory_space<vmem>> -> memref<1x1x40xi32, #tpu.memory_space<vmem>>
      %dma_start3A_224 = tpu.memref_squeeze %dma_start3A_223 : memref<1x1x40xi32, #tpu.memory_space<vmem>> -> memref<40xi32, #tpu.memory_space<vmem>>
      %dma_start3A_225 = arith.constant 0 : i32
      %dma_start3A_226 = arith.constant 0 : i32
      %dma_start3A_227 = tpu.memref_slice %arg10[%dma_start3A_225, %dma_start3A_226] : memref<10240x128xf32, #tpu.memory_space<vmem_shared>> -> memref<10240x128xf32, #tpu.memory_space<vmem_shared>>
      %dma_start3A_228 = tpu.memref_slice %arg13[%dma_start3A_217] : memref<8x!tpu.dma_semaphore, #tpu.memory_space<semaphore_mem>> -> memref<1x!tpu.dma_semaphore, #tpu.memory_space<semaphore_mem>>
      %dma_start3A_229 = tpu.memref_squeeze %dma_start3A_228 : memref<1x!tpu.dma_semaphore, #tpu.memory_space<semaphore_mem>> -> memref<!tpu.dma_semaphore, #tpu.memory_space<semaphore_mem>>
      tpu.enqueue_indirect_dma source(%dma_start3A_221 : memref<40x128xf32, #tpu.memory_space<vmem>>) target(%dma_start3A_227 : memref<10240x128xf32, #tpu.memory_space<vmem_shared>>) offsets(%dma_start3A_224 : memref<40xi32, #tpu.memory_space<vmem>>) semaphore(%dma_start3A_229 : memref<!tpu.dma_semaphore, #tpu.memory_space<semaphore_mem>>) {add = true}
      %dma_wait3A_230 = arith.constant 0 : i32
      %dma_wait3A_231 = arith.constant 0 : i32
      %dma_wait3A_232 = arith.constant 1 : i32
      %dma_wait3A_233 = arith.constant 1 : i32
      %dma_wait3A_234 = arith.constant 0 : i32
      %dma_wait3A_235 = arith.constant 0 : i32
      %dma_wait3A_236 = tpu.memref_slice %arg9[%dma_wait3A_232, %dma_wait3A_234, %dma_wait3A_235] : memref<8x40x128xf32, #tpu.memory_space<vmem>> -> memref<1x40x128xf32, #tpu.memory_space<vmem>>
      %dma_wait3A_237 = tpu.memref_squeeze %dma_wait3A_236 : memref<1x40x128xf32, #tpu.memory_space<vmem>> -> memref<40x128xf32, #tpu.memory_space<vmem>>
      %dma_wait3A_238 = arith.constant 0 : i32
      %dma_wait3A_239 = tpu.memref_slice %arg7[%dma_wait3A_230, %dma_wait3A_231, %dma_wait3A_238] : memref<2x4x40xi32, #tpu.memory_space<vmem>> -> memref<1x1x40xi32, #tpu.memory_space<vmem>>
      %dma_wait3A_240 = tpu.memref_squeeze %dma_wait3A_239 : memref<1x1x40xi32, #tpu.memory_space<vmem>> -> memref<40xi32, #tpu.memory_space<vmem>>
      %dma_wait3A_241 = arith.constant 0 : i32
      %dma_wait3A_242 = arith.constant 0 : i32
      %dma_wait3A_243 = tpu.memref_slice %arg2[%dma_wait3A_241, %dma_wait3A_242] : memref<10000x128xf32, #tpu.memory_space<hbm>> -> memref<10000x128xf32, #tpu.memory_space<hbm>>
      %dma_wait3A_244 = tpu.memref_slice %arg12[%dma_wait3A_233] : memref<8x!tpu.dma_semaphore, #tpu.memory_space<semaphore_mem>> -> memref<1x!tpu.dma_semaphore, #tpu.memory_space<semaphore_mem>>
      %dma_wait3A_245 = tpu.memref_squeeze %dma_wait3A_244 : memref<1x!tpu.dma_semaphore, #tpu.memory_space<semaphore_mem>> -> memref<!tpu.dma_semaphore, #tpu.memory_space<semaphore_mem>>
      tpu.wait_indirect_dma semaphore(%dma_wait3A_245 : memref<!tpu.dma_semaphore, #tpu.memory_space<semaphore_mem>>) src(%dma_wait3A_243 : memref<10000x128xf32, #tpu.memory_space<hbm>>) dst(%dma_wait3A_237 : memref<40x128xf32, #tpu.memory_space<vmem>>)
      %dma_start3A_246 = arith.constant 1 : i32
      %dma_start3A_247 = arith.constant 0 : i32
      %dma_start3A_248 = arith.constant 1 : i32
      %dma_start3A_249 = arith.constant 1 : i32
      %dma_start3A_250 = arith.constant 0 : i32
      %dma_start3A_251 = arith.constant 0 : i32
      %dma_start3A_252 = tpu.memref_slice %arg9[%dma_start3A_246, %dma_start3A_250, %dma_start3A_251] : memref<8x40x128xf32, #tpu.memory_space<vmem>> -> memref<1x40x128xf32, #tpu.memory_space<vmem>>
      %dma_start3A_253 = tpu.memref_squeeze %dma_start3A_252 : memref<1x40x128xf32, #tpu.memory_space<vmem>> -> memref<40x128xf32, #tpu.memory_space<vmem>>
      %dma_start3A_254 = arith.constant 0 : i32
      %dma_start3A_255 = tpu.memref_slice %arg8[%dma_start3A_247, %dma_start3A_248, %dma_start3A_254] : memref<2x4x40xi32, #tpu.memory_space<vmem>> -> memref<1x1x40xi32, #tpu.memory_space<vmem>>
      %dma_start3A_256 = tpu.memref_squeeze %dma_start3A_255 : memref<1x1x40xi32, #tpu.memory_space<vmem>> -> memref<40xi32, #tpu.memory_space<vmem>>
      %dma_start3A_257 = arith.constant 0 : i32
      %dma_start3A_258 = arith.constant 0 : i32
      %dma_start3A_259 = tpu.memref_slice %arg10[%dma_start3A_257, %dma_start3A_258] : memref<10240x128xf32, #tpu.memory_space<vmem_shared>> -> memref<10240x128xf32, #tpu.memory_space<vmem_shared>>
      %dma_start3A_260 = tpu.memref_slice %arg13[%dma_start3A_249] : memref<8x!tpu.dma_semaphore, #tpu.memory_space<semaphore_mem>> -> memref<1x!tpu.dma_semaphore, #tpu.memory_space<semaphore_mem>>
      %dma_start3A_261 = tpu.memref_squeeze %dma_start3A_260 : memref<1x!tpu.dma_semaphore, #tpu.memory_space<semaphore_mem>> -> memref<!tpu.dma_semaphore, #tpu.memory_space<semaphore_mem>>
      tpu.enqueue_indirect_dma source(%dma_start3A_253 : memref<40x128xf32, #tpu.memory_space<vmem>>) target(%dma_start3A_259 : memref<10240x128xf32, #tpu.memory_space<vmem_shared>>) offsets(%dma_start3A_256 : memref<40xi32, #tpu.memory_space<vmem>>) semaphore(%dma_start3A_261 : memref<!tpu.dma_semaphore, #tpu.memory_space<semaphore_mem>>) {add = true}
      %dma_wait3A_262 = arith.constant 0 : i32
      %dma_wait3A_263 = arith.constant 0 : i32
      %dma_wait3A_264 = arith.constant 2 : i32
      %dma_wait3A_265 = arith.constant 2 : i32
      %dma_wait3A_266 = arith.constant 0 : i32
      %dma_wait3A_267 = arith.constant 0 : i32
      %dma_wait3A_268 = tpu.memref_slice %arg9[%dma_wait3A_264, %dma_wait3A_266, %dma_wait3A_267] : memref<8x40x128xf32, #tpu.memory_space<vmem>> -> memref<1x40x128xf32, #tpu.memory_space<vmem>>
      %dma_wait3A_269 = tpu.memref_squeeze %dma_wait3A_268 : memref<1x40x128xf32, #tpu.memory_space<vmem>> -> memref<40x128xf32, #tpu.memory_space<vmem>>
      %dma_wait3A_270 = arith.constant 0 : i32
      %dma_wait3A_271 = tpu.memref_slice %arg7[%dma_wait3A_262, %dma_wait3A_263, %dma_wait3A_270] : memref<2x4x40xi32, #tpu.memory_space<vmem>> -> memref<1x1x40xi32, #tpu.memory_space<vmem>>
      %dma_wait3A_272 = tpu.memref_squeeze %dma_wait3A_271 : memref<1x1x40xi32, #tpu.memory_space<vmem>> -> memref<40xi32, #tpu.memory_space<vmem>>
      %dma_wait3A_273 = arith.constant 0 : i32
      %dma_wait3A_274 = arith.constant 0 : i32
      %dma_wait3A_275 = tpu.memref_slice %arg2[%dma_wait3A_273, %dma_wait3A_274] : memref<10000x128xf32, #tpu.memory_space<hbm>> -> memref<10000x128xf32, #tpu.memory_space<hbm>>
      %dma_wait3A_276 = tpu.memref_slice %arg12[%dma_wait3A_265] : memref<8x!tpu.dma_semaphore, #tpu.memory_space<semaphore_mem>> -> memref<1x!tpu.dma_semaphore, #tpu.memory_space<semaphore_mem>>
      %dma_wait3A_277 = tpu.memref_squeeze %dma_wait3A_276 : memref<1x!tpu.dma_semaphore, #tpu.memory_space<semaphore_mem>> -> memref<!tpu.dma_semaphore, #tpu.memory_space<semaphore_mem>>
      tpu.wait_indirect_dma semaphore(%dma_wait3A_277 : memref<!tpu.dma_semaphore, #tpu.memory_space<semaphore_mem>>) src(%dma_wait3A_275 : memref<10000x128xf32, #tpu.memory_space<hbm>>) dst(%dma_wait3A_269 : memref<40x128xf32, #tpu.memory_space<vmem>>)
      %dma_start3A_278 = arith.constant 2 : i32
      %dma_start3A_279 = arith.constant 0 : i32
      %dma_start3A_280 = arith.constant 2 : i32
      %dma_start3A_281 = arith.constant 2 : i32
      %dma_start3A_282 = arith.constant 0 : i32
      %dma_start3A_283 = arith.constant 0 : i32
      %dma_start3A_284 = tpu.memref_slice %arg9[%dma_start3A_278, %dma_start3A_282, %dma_start3A_283] : memref<8x40x128xf32, #tpu.memory_space<vmem>> -> memref<1x40x128xf32, #tpu.memory_space<vmem>>
      %dma_start3A_285 = tpu.memref_squeeze %dma_start3A_284 : memref<1x40x128xf32, #tpu.memory_space<vmem>> -> memref<40x128xf32, #tpu.memory_space<vmem>>
      %dma_start3A_286 = arith.constant 0 : i32
      %dma_start3A_287 = tpu.memref_slice %arg8[%dma_start3A_279, %dma_start3A_280, %dma_start3A_286] : memref<2x4x40xi32, #tpu.memory_space<vmem>> -> memref<1x1x40xi32, #tpu.memory_space<vmem>>
      %dma_start3A_288 = tpu.memref_squeeze %dma_start3A_287 : memref<1x1x40xi32, #tpu.memory_space<vmem>> -> memref<40xi32, #tpu.memory_space<vmem>>
      %dma_start3A_289 = arith.constant 0 : i32
      %dma_start3A_290 = arith.constant 0 : i32
      %dma_start3A_291 = tpu.memref_slice %arg10[%dma_start3A_289, %dma_start3A_290] : memref<10240x128xf32, #tpu.memory_space<vmem_shared>> -> memref<10240x128xf32, #tpu.memory_space<vmem_shared>>
      %dma_start3A_292 = tpu.memref_slice %arg13[%dma_start3A_281] : memref<8x!tpu.dma_semaphore, #tpu.memory_space<semaphore_mem>> -> memref<1x!tpu.dma_semaphore, #tpu.memory_space<semaphore_mem>>
      %dma_start3A_293 = tpu.memref_squeeze %dma_start3A_292 : memref<1x!tpu.dma_semaphore, #tpu.memory_space<semaphore_mem>> -> memref<!tpu.dma_semaphore, #tpu.memory_space<semaphore_mem>>
      tpu.enqueue_indirect_dma source(%dma_start3A_285 : memref<40x128xf32, #tpu.memory_space<vmem>>) target(%dma_start3A_291 : memref<10240x128xf32, #tpu.memory_space<vmem_shared>>) offsets(%dma_start3A_288 : memref<40xi32, #tpu.memory_space<vmem>>) semaphore(%dma_start3A_293 : memref<!tpu.dma_semaphore, #tpu.memory_space<semaphore_mem>>) {add = true}
      %dma_wait3A_294 = arith.constant 0 : i32
      %dma_wait3A_295 = arith.constant 0 : i32
      %dma_wait3A_296 = arith.constant 3 : i32
      %dma_wait3A_297 = arith.constant 3 : i32
      %dma_wait3A_298 = arith.constant 0 : i32
      %dma_wait3A_299 = arith.constant 0 : i32
      %dma_wait3A_300 = tpu.memref_slice %arg9[%dma_wait3A_296, %dma_wait3A_298, %dma_wait3A_299] : memref<8x40x128xf32, #tpu.memory_space<vmem>> -> memref<1x40x128xf32, #tpu.memory_space<vmem>>
      %dma_wait3A_301 = tpu.memref_squeeze %dma_wait3A_300 : memref<1x40x128xf32, #tpu.memory_space<vmem>> -> memref<40x128xf32, #tpu.memory_space<vmem>>
      %dma_wait3A_302 = arith.constant 0 : i32
      %dma_wait3A_303 = tpu.memref_slice %arg7[%dma_wait3A_294, %dma_wait3A_295, %dma_wait3A_302] : memref<2x4x40xi32, #tpu.memory_space<vmem>> -> memref<1x1x40xi32, #tpu.memory_space<vmem>>
      %dma_wait3A_304 = tpu.memref_squeeze %dma_wait3A_303 : memref<1x1x40xi32, #tpu.memory_space<vmem>> -> memref<40xi32, #tpu.memory_space<vmem>>
      %dma_wait3A_305 = arith.constant 0 : i32
      %dma_wait3A_306 = arith.constant 0 : i32
      %dma_wait3A_307 = tpu.memref_slice %arg2[%dma_wait3A_305, %dma_wait3A_306] : memref<10000x128xf32, #tpu.memory_space<hbm>> -> memref<10000x128xf32, #tpu.memory_space<hbm>>
      %dma_wait3A_308 = tpu.memref_slice %arg12[%dma_wait3A_297] : memref<8x!tpu.dma_semaphore, #tpu.memory_space<semaphore_mem>> -> memref<1x!tpu.dma_semaphore, #tpu.memory_space<semaphore_mem>>
      %dma_wait3A_309 = tpu.memref_squeeze %dma_wait3A_308 : memref<1x!tpu.dma_semaphore, #tpu.memory_space<semaphore_mem>> -> memref<!tpu.dma_semaphore, #tpu.memory_space<semaphore_mem>>
      tpu.wait_indirect_dma semaphore(%dma_wait3A_309 : memref<!tpu.dma_semaphore, #tpu.memory_space<semaphore_mem>>) src(%dma_wait3A_307 : memref<10000x128xf32, #tpu.memory_space<hbm>>) dst(%dma_wait3A_301 : memref<40x128xf32, #tpu.memory_space<vmem>>)
      %dma_start3A_310 = arith.constant 3 : i32
      %dma_start3A_311 = arith.constant 0 : i32
      %dma_start3A_312 = arith.constant 3 : i32
      %dma_start3A_313 = arith.constant 3 : i32
      %dma_start3A_314 = arith.constant 0 : i32
      %dma_start3A_315 = arith.constant 0 : i32
      %dma_start3A_316 = tpu.memref_slice %arg9[%dma_start3A_310, %dma_start3A_314, %dma_start3A_315] : memref<8x40x128xf32, #tpu.memory_space<vmem>> -> memref<1x40x128xf32, #tpu.memory_space<vmem>>
      %dma_start3A_317 = tpu.memref_squeeze %dma_start3A_316 : memref<1x40x128xf32, #tpu.memory_space<vmem>> -> memref<40x128xf32, #tpu.memory_space<vmem>>
      %dma_start3A_318 = arith.constant 0 : i32
      %dma_start3A_319 = tpu.memref_slice %arg8[%dma_start3A_311, %dma_start3A_312, %dma_start3A_318] : memref<2x4x40xi32, #tpu.memory_space<vmem>> -> memref<1x1x40xi32, #tpu.memory_space<vmem>>
      %dma_start3A_320 = tpu.memref_squeeze %dma_start3A_319 : memref<1x1x40xi32, #tpu.memory_space<vmem>> -> memref<40xi32, #tpu.memory_space<vmem>>
      %dma_start3A_321 = arith.constant 0 : i32
      %dma_start3A_322 = arith.constant 0 : i32
      %dma_start3A_323 = tpu.memref_slice %arg10[%dma_start3A_321, %dma_start3A_322] : memref<10240x128xf32, #tpu.memory_space<vmem_shared>> -> memref<10240x128xf32, #tpu.memory_space<vmem_shared>>
      %dma_start3A_324 = tpu.memref_slice %arg13[%dma_start3A_313] : memref<8x!tpu.dma_semaphore, #tpu.memory_space<semaphore_mem>> -> memref<1x!tpu.dma_semaphore, #tpu.memory_space<semaphore_mem>>
      %dma_start3A_325 = tpu.memref_squeeze %dma_start3A_324 : memref<1x!tpu.dma_semaphore, #tpu.memory_space<semaphore_mem>> -> memref<!tpu.dma_semaphore, #tpu.memory_space<semaphore_mem>>
      tpu.enqueue_indirect_dma source(%dma_start3A_317 : memref<40x128xf32, #tpu.memory_space<vmem>>) target(%dma_start3A_323 : memref<10240x128xf32, #tpu.memory_space<vmem_shared>>) offsets(%dma_start3A_320 : memref<40xi32, #tpu.memory_space<vmem>>) semaphore(%dma_start3A_325 : memref<!tpu.dma_semaphore, #tpu.memory_space<semaphore_mem>>) {add = true}
      %dma_wait3A_326 = arith.constant 0 : i32
      %dma_wait3A_327 = arith.constant 0 : i32
      %dma_wait3A_328 = arith.constant 0 : i32
      %dma_wait3A_329 = arith.constant 0 : i32
      %dma_wait3A_330 = arith.constant 0 : i32
      %dma_wait3A_331 = arith.constant 0 : i32
      %dma_wait3A_332 = tpu.memref_slice %arg9[%dma_wait3A_326, %dma_wait3A_330, %dma_wait3A_331] : memref<8x40x128xf32, #tpu.memory_space<vmem>> -> memref<1x40x128xf32, #tpu.memory_space<vmem>>
      %dma_wait3A_333 = tpu.memref_squeeze %dma_wait3A_332 : memref<1x40x128xf32, #tpu.memory_space<vmem>> -> memref<40x128xf32, #tpu.memory_space<vmem>>
      %dma_wait3A_334 = arith.constant 0 : i32
      %dma_wait3A_335 = tpu.memref_slice %arg8[%dma_wait3A_327, %dma_wait3A_328, %dma_wait3A_334] : memref<2x4x40xi32, #tpu.memory_space<vmem>> -> memref<1x1x40xi32, #tpu.memory_space<vmem>>
      %dma_wait3A_336 = tpu.memref_squeeze %dma_wait3A_335 : memref<1x1x40xi32, #tpu.memory_space<vmem>> -> memref<40xi32, #tpu.memory_space<vmem>>
      %dma_wait3A_337 = arith.constant 0 : i32
      %dma_wait3A_338 = arith.constant 0 : i32
      %dma_wait3A_339 = tpu.memref_slice %arg10[%dma_wait3A_337, %dma_wait3A_338] : memref<10240x128xf32, #tpu.memory_space<vmem_shared>> -> memref<10240x128xf32, #tpu.memory_space<vmem_shared>>
      %dma_wait3A_340 = tpu.memref_slice %arg13[%dma_wait3A_329] : memref<8x!tpu.dma_semaphore, #tpu.memory_space<semaphore_mem>> -> memref<1x!tpu.dma_semaphore, #tpu.memory_space<semaphore_mem>>
      %dma_wait3A_341 = tpu.memref_squeeze %dma_wait3A_340 : memref<1x!tpu.dma_semaphore, #tpu.memory_space<semaphore_mem>> -> memref<!tpu.dma_semaphore, #tpu.memory_space<semaphore_mem>>
      tpu.wait_indirect_dma semaphore(%dma_wait3A_341 : memref<!tpu.dma_semaphore, #tpu.memory_space<semaphore_mem>>) src(%dma_wait3A_333 : memref<40x128xf32, #tpu.memory_space<vmem>>) dst(%dma_wait3A_339 : memref<10240x128xf32, #tpu.memory_space<vmem_shared>>)
      %dma_wait3A_342 = arith.constant 1 : i32
      %dma_wait3A_343 = arith.constant 0 : i32
      %dma_wait3A_344 = arith.constant 0 : i32
      %dma_wait3A_345 = arith.constant 1 : i32
      %dma_wait3A_346 = arith.constant 0 : i32
      %dma_wait3A_347 = arith.constant 0 : i32
      %dma_wait3A_348 = tpu.memref_slice %arg9[%dma_wait3A_342, %dma_wait3A_346, %dma_wait3A_347] : memref<8x40x128xf32, #tpu.memory_space<vmem>> -> memref<1x40x128xf32, #tpu.memory_space<vmem>>
      %dma_wait3A_349 = tpu.memref_squeeze %dma_wait3A_348 : memref<1x40x128xf32, #tpu.memory_space<vmem>> -> memref<40x128xf32, #tpu.memory_space<vmem>>
      %dma_wait3A_350 = arith.constant 0 : i32
      %dma_wait3A_351 = tpu.memref_slice %arg8[%dma_wait3A_343, %dma_wait3A_344, %dma_wait3A_350] : memref<2x4x40xi32, #tpu.memory_space<vmem>> -> memref<1x1x40xi32, #tpu.memory_space<vmem>>
      %dma_wait3A_352 = tpu.memref_squeeze %dma_wait3A_351 : memref<1x1x40xi32, #tpu.memory_space<vmem>> -> memref<40xi32, #tpu.memory_space<vmem>>
      %dma_wait3A_353 = arith.constant 0 : i32
      %dma_wait3A_354 = arith.constant 0 : i32
      %dma_wait3A_355 = tpu.memref_slice %arg10[%dma_wait3A_353, %dma_wait3A_354] : memref<10240x128xf32, #tpu.memory_space<vmem_shared>> -> memref<10240x128xf32, #tpu.memory_space<vmem_shared>>
      %dma_wait3A_356 = tpu.memref_slice %arg13[%dma_wait3A_345] : memref<8x!tpu.dma_semaphore, #tpu.memory_space<semaphore_mem>> -> memref<1x!tpu.dma_semaphore, #tpu.memory_space<semaphore_mem>>
      %dma_wait3A_357 = tpu.memref_squeeze %dma_wait3A_356 : memref<1x!tpu.dma_semaphore, #tpu.memory_space<semaphore_mem>> -> memref<!tpu.dma_semaphore, #tpu.memory_space<semaphore_mem>>
      tpu.wait_indirect_dma semaphore(%dma_wait3A_357 : memref<!tpu.dma_semaphore, #tpu.memory_space<semaphore_mem>>) src(%dma_wait3A_349 : memref<40x128xf32, #tpu.memory_space<vmem>>) dst(%dma_wait3A_355 : memref<10240x128xf32, #tpu.memory_space<vmem_shared>>)
      %dma_wait3A_358 = arith.constant 2 : i32
      %dma_wait3A_359 = arith.constant 0 : i32
      %dma_wait3A_360 = arith.constant 0 : i32
      %dma_wait3A_361 = arith.constant 2 : i32
      %dma_wait3A_362 = arith.constant 0 : i32
      %dma_wait3A_363 = arith.constant 0 : i32
      %dma_wait3A_364 = tpu.memref_slice %arg9[%dma_wait3A_358, %dma_wait3A_362, %dma_wait3A_363] : memref<8x40x128xf32, #tpu.memory_space<vmem>> -> memref<1x40x128xf32, #tpu.memory_space<vmem>>
      %dma_wait3A_365 = tpu.memref_squeeze %dma_wait3A_364 : memref<1x40x128xf32, #tpu.memory_space<vmem>> -> memref<40x128xf32, #tpu.memory_space<vmem>>
      %dma_wait3A_366 = arith.constant 0 : i32
      %dma_wait3A_367 = tpu.memref_slice %arg8[%dma_wait3A_359, %dma_wait3A_360, %dma_wait3A_366] : memref<2x4x40xi32, #tpu.memory_space<vmem>> -> memref<1x1x40xi32, #tpu.memory_space<vmem>>
      %dma_wait3A_368 = tpu.memref_squeeze %dma_wait3A_367 : memref<1x1x40xi32, #tpu.memory_space<vmem>> -> memref<40xi32, #tpu.memory_space<vmem>>
      %dma_wait3A_369 = arith.constant 0 : i32
      %dma_wait3A_370 = arith.constant 0 : i32
      %dma_wait3A_371 = tpu.memref_slice %arg10[%dma_wait3A_369, %dma_wait3A_370] : memref<10240x128xf32, #tpu.memory_space<vmem_shared>> -> memref<10240x128xf32, #tpu.memory_space<vmem_shared>>
      %dma_wait3A_372 = tpu.memref_slice %arg13[%dma_wait3A_361] : memref<8x!tpu.dma_semaphore, #tpu.memory_space<semaphore_mem>> -> memref<1x!tpu.dma_semaphore, #tpu.memory_space<semaphore_mem>>
      %dma_wait3A_373 = tpu.memref_squeeze %dma_wait3A_372 : memref<1x!tpu.dma_semaphore, #tpu.memory_space<semaphore_mem>> -> memref<!tpu.dma_semaphore, #tpu.memory_space<semaphore_mem>>
      tpu.wait_indirect_dma semaphore(%dma_wait3A_373 : memref<!tpu.dma_semaphore, #tpu.memory_space<semaphore_mem>>) src(%dma_wait3A_365 : memref<40x128xf32, #tpu.memory_space<vmem>>) dst(%dma_wait3A_371 : memref<10240x128xf32, #tpu.memory_space<vmem_shared>>)
      %dma_wait3A_374 = arith.constant 3 : i32
      %dma_wait3A_375 = arith.constant 0 : i32
      %dma_wait3A_376 = arith.constant 0 : i32
      %dma_wait3A_377 = arith.constant 3 : i32
      %dma_wait3A_378 = arith.constant 0 : i32
      %dma_wait3A_379 = arith.constant 0 : i32
      %dma_wait3A_380 = tpu.memref_slice %arg9[%dma_wait3A_374, %dma_wait3A_378, %dma_wait3A_379] : memref<8x40x128xf32, #tpu.memory_space<vmem>> -> memref<1x40x128xf32, #tpu.memory_space<vmem>>
      %dma_wait3A_381 = tpu.memref_squeeze %dma_wait3A_380 : memref<1x40x128xf32, #tpu.memory_space<vmem>> -> memref<40x128xf32, #tpu.memory_space<vmem>>
      %dma_wait3A_382 = arith.constant 0 : i32
      %dma_wait3A_383 = tpu.memref_slice %arg8[%dma_wait3A_375, %dma_wait3A_376, %dma_wait3A_382] : memref<2x4x40xi32, #tpu.memory_space<vmem>> -> memref<1x1x40xi32, #tpu.memory_space<vmem>>
      %dma_wait3A_384 = tpu.memref_squeeze %dma_wait3A_383 : memref<1x1x40xi32, #tpu.memory_space<vmem>> -> memref<40xi32, #tpu.memory_space<vmem>>
      %dma_wait3A_385 = arith.constant 0 : i32
      %dma_wait3A_386 = arith.constant 0 : i32
      %dma_wait3A_387 = tpu.memref_slice %arg10[%dma_wait3A_385, %dma_wait3A_386] : memref<10240x128xf32, #tpu.memory_space<vmem_shared>> -> memref<10240x128xf32, #tpu.memory_space<vmem_shared>>
      %dma_wait3A_388 = tpu.memref_slice %arg13[%dma_wait3A_377] : memref<8x!tpu.dma_semaphore, #tpu.memory_space<semaphore_mem>> -> memref<1x!tpu.dma_semaphore, #tpu.memory_space<semaphore_mem>>
      %dma_wait3A_389 = tpu.memref_squeeze %dma_wait3A_388 : memref<1x!tpu.dma_semaphore, #tpu.memory_space<semaphore_mem>> -> memref<!tpu.dma_semaphore, #tpu.memory_space<semaphore_mem>>
      tpu.wait_indirect_dma semaphore(%dma_wait3A_389 : memref<!tpu.dma_semaphore, #tpu.memory_space<semaphore_mem>>) src(%dma_wait3A_381 : memref<40x128xf32, #tpu.memory_space<vmem>>) dst(%dma_wait3A_387 : memref<10240x128xf32, #tpu.memory_space<vmem_shared>>)
      %barrier3A_390 = arith.constant 0 : index
      tpu.barrier barrier_id(%barrier3A_390)
      %mul3A_391 = arith.constant 640 : i32
      %mul3A_392 = arith.muli %arg1, %mul3A_391 : i32
      %add3A_393 = arith.constant 0 : i32
      %add3A_394 = arith.addi %mul3A_392, %add3A_393 : i32
      "tpu.region"() ({
        %run_scoped3A_411 = tpu.sem_alloc : memref<!tpu.dma_semaphore, #tpu.memory_space<semaphore_mem>>
        %dma_start3A_412 = arith.constant 0 : i32
        %dma_start3A_413 = tpu.memref_slice %arg5[%add3A_394, %dma_start3A_412] : memref<10240x128xf32, #tpu.memory_space<hbm>> -> memref<128x128xf32, #tpu.memory_space<hbm>>
        %dma_start3A_414 = arith.constant 0 : i32
        %dma_start3A_415 = tpu.memref_slice %arg10[%add3A_394, %dma_start3A_414] : memref<10240x128xf32, #tpu.memory_space<vmem_shared>> -> memref<128x128xf32, #tpu.memory_space<vmem_shared>>
        tpu.enqueue_dma source(%dma_start3A_415 : memref<128x128xf32, #tpu.memory_space<vmem_shared>>) target(%dma_start3A_413 : memref<128x128xf32, #tpu.memory_space<hbm>>) target_semaphore(%run_scoped3A_411 : memref<!tpu.dma_semaphore, #tpu.memory_space<semaphore_mem>>)
        %dma_wait3A_416 = arith.constant 0 : i32
        %dma_wait3A_417 = tpu.memref_slice %arg5[%add3A_394, %dma_wait3A_416] : memref<10240x128xf32, #tpu.memory_space<hbm>> -> memref<128x128xf32, #tpu.memory_space<hbm>>
        %dma_wait3A_418 = arith.constant 0 : i32
        %dma_wait3A_419 = tpu.memref_slice %arg10[%add3A_394, %dma_wait3A_418] : memref<10240x128xf32, #tpu.memory_space<vmem_shared>> -> memref<128x128xf32, #tpu.memory_space<vmem_shared>>
        tpu.wait_dma2 semaphore(%run_scoped3A_411 : memref<!tpu.dma_semaphore, #tpu.memory_space<semaphore_mem>>) src(%dma_wait3A_419 : memref<128x128xf32, #tpu.memory_space<vmem_shared>>) dst(%dma_wait3A_417 : memref<128x128xf32, #tpu.memory_space<hbm>>)
        tpu.yield
      }) : () -> ()
      %mul3A_395 = arith.constant 640 : i32
      %mul3A_396 = arith.muli %arg1, %mul3A_395 : i32
      %add3A_397 = arith.constant 128 : i32
      %add3A_398 = arith.addi %mul3A_396, %add3A_397 : i32
      "tpu.region"() ({
        %run_scoped3A_411 = tpu.sem_alloc : memref<!tpu.dma_semaphore, #tpu.memory_space<semaphore_mem>>
        %dma_start3A_412 = arith.constant 0 : i32
        %dma_start3A_413 = tpu.memref_slice %arg5[%add3A_398, %dma_start3A_412] : memref<10240x128xf32, #tpu.memory_space<hbm>> -> memref<128x128xf32, #tpu.memory_space<hbm>>
        %dma_start3A_414 = arith.constant 0 : i32
        %dma_start3A_415 = tpu.memref_slice %arg10[%add3A_398, %dma_start3A_414] : memref<10240x128xf32, #tpu.memory_space<vmem_shared>> -> memref<128x128xf32, #tpu.memory_space<vmem_shared>>
        tpu.enqueue_dma source(%dma_start3A_415 : memref<128x128xf32, #tpu.memory_space<vmem_shared>>) target(%dma_start3A_413 : memref<128x128xf32, #tpu.memory_space<hbm>>) target_semaphore(%run_scoped3A_411 : memref<!tpu.dma_semaphore, #tpu.memory_space<semaphore_mem>>)
        %dma_wait3A_416 = arith.constant 0 : i32
        %dma_wait3A_417 = tpu.memref_slice %arg5[%add3A_398, %dma_wait3A_416] : memref<10240x128xf32, #tpu.memory_space<hbm>> -> memref<128x128xf32, #tpu.memory_space<hbm>>
        %dma_wait3A_418 = arith.constant 0 : i32
        %dma_wait3A_419 = tpu.memref_slice %arg10[%add3A_398, %dma_wait3A_418] : memref<10240x128xf32, #tpu.memory_space<vmem_shared>> -> memref<128x128xf32, #tpu.memory_space<vmem_shared>>
        tpu.wait_dma2 semaphore(%run_scoped3A_411 : memref<!tpu.dma_semaphore, #tpu.memory_space<semaphore_mem>>) src(%dma_wait3A_419 : memref<128x128xf32, #tpu.memory_space<vmem_shared>>) dst(%dma_wait3A_417 : memref<128x128xf32, #tpu.memory_space<hbm>>)
        tpu.yield
      }) : () -> ()
      %mul3A_399 = arith.constant 640 : i32
      %mul3A_400 = arith.muli %arg1, %mul3A_399 : i32
      %add3A_401 = arith.constant 256 : i32
      %add3A_402 = arith.addi %mul3A_400, %add3A_401 : i32
      "tpu.region"() ({
        %run_scoped3A_411 = tpu.sem_alloc : memref<!tpu.dma_semaphore, #tpu.memory_space<semaphore_mem>>
        %dma_start3A_412 = arith.constant 0 : i32
        %dma_start3A_413 = tpu.memref_slice %arg5[%add3A_402, %dma_start3A_412] : memref<10240x128xf32, #tpu.memory_space<hbm>> -> memref<128x128xf32, #tpu.memory_space<hbm>>
        %dma_start3A_414 = arith.constant 0 : i32
        %dma_start3A_415 = tpu.memref_slice %arg10[%add3A_402, %dma_start3A_414] : memref<10240x128xf32, #tpu.memory_space<vmem_shared>> -> memref<128x128xf32, #tpu.memory_space<vmem_shared>>
        tpu.enqueue_dma source(%dma_start3A_415 : memref<128x128xf32, #tpu.memory_space<vmem_shared>>) target(%dma_start3A_413 : memref<128x128xf32, #tpu.memory_space<hbm>>) target_semaphore(%run_scoped3A_411 : memref<!tpu.dma_semaphore, #tpu.memory_space<semaphore_mem>>)
        %dma_wait3A_416 = arith.constant 0 : i32
        %dma_wait3A_417 = tpu.memref_slice %arg5[%add3A_402, %dma_wait3A_416] : memref<10240x128xf32, #tpu.memory_space<hbm>> -> memref<128x128xf32, #tpu.memory_space<hbm>>
        %dma_wait3A_418 = arith.constant 0 : i32
        %dma_wait3A_419 = tpu.memref_slice %arg10[%add3A_402, %dma_wait3A_418] : memref<10240x128xf32, #tpu.memory_space<vmem_shared>> -> memref<128x128xf32, #tpu.memory_space<vmem_shared>>
        tpu.wait_dma2 semaphore(%run_scoped3A_411 : memref<!tpu.dma_semaphore, #tpu.memory_space<semaphore_mem>>) src(%dma_wait3A_419 : memref<128x128xf32, #tpu.memory_space<vmem_shared>>) dst(%dma_wait3A_417 : memref<128x128xf32, #tpu.memory_space<hbm>>)
        tpu.yield
      }) : () -> ()
      %mul3A_403 = arith.constant 640 : i32
      %mul3A_404 = arith.muli %arg1, %mul3A_403 : i32
      %add3A_405 = arith.constant 384 : i32
      %add3A_406 = arith.addi %mul3A_404, %add3A_405 : i32
      "tpu.region"() ({
        %run_scoped3A_411 = tpu.sem_alloc : memref<!tpu.dma_semaphore, #tpu.memory_space<semaphore_mem>>
        %dma_start3A_412 = arith.constant 0 : i32
        %dma_start3A_413 = tpu.memref_slice %arg5[%add3A_406, %dma_start3A_412] : memref<10240x128xf32, #tpu.memory_space<hbm>> -> memref<128x128xf32, #tpu.memory_space<hbm>>
        %dma_start3A_414 = arith.constant 0 : i32
        %dma_start3A_415 = tpu.memref_slice %arg10[%add3A_406, %dma_start3A_414] : memref<10240x128xf32, #tpu.memory_space<vmem_shared>> -> memref<128x128xf32, #tpu.memory_space<vmem_shared>>
        tpu.enqueue_dma source(%dma_start3A_415 : memref<128x128xf32, #tpu.memory_space<vmem_shared>>) target(%dma_start3A_413 : memref<128x128xf32, #tpu.memory_space<hbm>>) target_semaphore(%run_scoped3A_411 : memref<!tpu.dma_semaphore, #tpu.memory_space<semaphore_mem>>)
        %dma_wait3A_416 = arith.constant 0 : i32
        %dma_wait3A_417 = tpu.memref_slice %arg5[%add3A_406, %dma_wait3A_416] : memref<10240x128xf32, #tpu.memory_space<hbm>> -> memref<128x128xf32, #tpu.memory_space<hbm>>
        %dma_wait3A_418 = arith.constant 0 : i32
        %dma_wait3A_419 = tpu.memref_slice %arg10[%add3A_406, %dma_wait3A_418] : memref<10240x128xf32, #tpu.memory_space<vmem_shared>> -> memref<128x128xf32, #tpu.memory_space<vmem_shared>>
        tpu.wait_dma2 semaphore(%run_scoped3A_411 : memref<!tpu.dma_semaphore, #tpu.memory_space<semaphore_mem>>) src(%dma_wait3A_419 : memref<128x128xf32, #tpu.memory_space<vmem_shared>>) dst(%dma_wait3A_417 : memref<128x128xf32, #tpu.memory_space<hbm>>)
        tpu.yield
      }) : () -> ()
      %mul3A_407 = arith.constant 640 : i32
      %mul3A_408 = arith.muli %arg1, %mul3A_407 : i32
      %add3A_409 = arith.constant 512 : i32
      %add3A_410 = arith.addi %mul3A_408, %add3A_409 : i32
      "tpu.region"() ({
        %run_scoped3A_411 = tpu.sem_alloc : memref<!tpu.dma_semaphore, #tpu.memory_space<semaphore_mem>>
        %dma_start3A_412 = arith.constant 0 : i32
        %dma_start3A_413 = tpu.memref_slice %arg5[%add3A_410, %dma_start3A_412] : memref<10240x128xf32, #tpu.memory_space<hbm>> -> memref<128x128xf32, #tpu.memory_space<hbm>>
        %dma_start3A_414 = arith.constant 0 : i32
        %dma_start3A_415 = tpu.memref_slice %arg10[%add3A_410, %dma_start3A_414] : memref<10240x128xf32, #tpu.memory_space<vmem_shared>> -> memref<128x128xf32, #tpu.memory_space<vmem_shared>>
        tpu.enqueue_dma source(%dma_start3A_415 : memref<128x128xf32, #tpu.memory_space<vmem_shared>>) target(%dma_start3A_413 : memref<128x128xf32, #tpu.memory_space<hbm>>) target_semaphore(%run_scoped3A_411 : memref<!tpu.dma_semaphore, #tpu.memory_space<semaphore_mem>>)
        %dma_wait3A_416 = arith.constant 0 : i32
        %dma_wait3A_417 = tpu.memref_slice %arg5[%add3A_410, %dma_wait3A_416] : memref<10240x128xf32, #tpu.memory_space<hbm>> -> memref<128x128xf32, #tpu.memory_space<hbm>>
        %dma_wait3A_418 = arith.constant 0 : i32
        %dma_wait3A_419 = tpu.memref_slice %arg10[%add3A_410, %dma_wait3A_418] : memref<10240x128xf32, #tpu.memory_space<vmem_shared>> -> memref<128x128xf32, #tpu.memory_space<vmem_shared>>
        tpu.wait_dma2 semaphore(%run_scoped3A_411 : memref<!tpu.dma_semaphore, #tpu.memory_space<semaphore_mem>>) src(%dma_wait3A_419 : memref<128x128xf32, #tpu.memory_space<vmem_shared>>) dst(%dma_wait3A_417 : memref<128x128xf32, #tpu.memory_space<hbm>>)
        tpu.yield
      }) : () -> ()
    } else {
    }
    %eq3A_12 = arith.constant 1 : i32
    %eq3A_13 = arith.cmpi eq, %arg0, %eq3A_12 : i32
    %convert_element_type3A_14 = arith.extui %eq3A_13 : i1 to i32
    %cond3A_15 = arith.constant 0 : i32
    %cond3A_16 = arith.cmpi ne, %convert_element_type3A_14, %cond3A_15 : i32
    scf.if %cond3A_16 {
      %dma_start3A = arith.constant 0 : i32
      %dma_start3A_17 = arith.constant 0 : i32
      %dma_start3A_18 = arith.constant 0 : i32
      %dma_start3A_19 = arith.constant 0 : i32
      %dma_start3A_20 = arith.constant 0 : i32
      %dma_start3A_21 = arith.constant 0 : i32
      %dma_start3A_22 = tpu.memref_slice %arg9[%dma_start3A_18, %dma_start3A_20, %dma_start3A_21] : memref<8x40x128xf32, #tpu.memory_space<vmem>> -> memref<1x40x128xf32, #tpu.memory_space<vmem>>
      %dma_start3A_23 = tpu.memref_squeeze %dma_start3A_22 : memref<1x40x128xf32, #tpu.memory_space<vmem>> -> memref<40x128xf32, #tpu.memory_space<vmem>>
      %dma_start3A_24 = arith.constant 0 : i32
      %dma_start3A_25 = tpu.memref_slice %arg7[%dma_start3A, %dma_start3A_17, %dma_start3A_24] : memref<2x4x40xi32, #tpu.memory_space<vmem>> -> memref<1x1x40xi32, #tpu.memory_space<vmem>>
      %dma_start3A_26 = tpu.memref_squeeze %dma_start3A_25 : memref<1x1x40xi32, #tpu.memory_space<vmem>> -> memref<40xi32, #tpu.memory_space<vmem>>
      %dma_start3A_27 = arith.constant 0 : i32
      %dma_start3A_28 = arith.constant 0 : i32
      %dma_start3A_29 = tpu.memref_slice %arg3[%dma_start3A_27, %dma_start3A_28] : memref<10000x128xf32, #tpu.memory_space<hbm>> -> memref<10000x128xf32, #tpu.memory_space<hbm>>
      %dma_start3A_30 = tpu.memref_slice %arg12[%dma_start3A_19] : memref<8x!tpu.dma_semaphore, #tpu.memory_space<semaphore_mem>> -> memref<1x!tpu.dma_semaphore, #tpu.memory_space<semaphore_mem>>
      %dma_start3A_31 = tpu.memref_squeeze %dma_start3A_30 : memref<1x!tpu.dma_semaphore, #tpu.memory_space<semaphore_mem>> -> memref<!tpu.dma_semaphore, #tpu.memory_space<semaphore_mem>>
      tpu.enqueue_indirect_dma source(%dma_start3A_29 : memref<10000x128xf32, #tpu.memory_space<hbm>>) target(%dma_start3A_23 : memref<40x128xf32, #tpu.memory_space<vmem>>) offsets(%dma_start3A_26 : memref<40xi32, #tpu.memory_space<vmem>>) semaphore(%dma_start3A_31 : memref<!tpu.dma_semaphore, #tpu.memory_space<semaphore_mem>>)
      %dma_start3A_32 = arith.constant 0 : i32
      %dma_start3A_33 = arith.constant 1 : i32
      %dma_start3A_34 = arith.constant 1 : i32
      %dma_start3A_35 = arith.constant 1 : i32
      %dma_start3A_36 = arith.constant 0 : i32
      %dma_start3A_37 = arith.constant 0 : i32
      %dma_start3A_38 = tpu.memref_slice %arg9[%dma_start3A_34, %dma_start3A_36, %dma_start3A_37] : memref<8x40x128xf32, #tpu.memory_space<vmem>> -> memref<1x40x128xf32, #tpu.memory_space<vmem>>
      %dma_start3A_39 = tpu.memref_squeeze %dma_start3A_38 : memref<1x40x128xf32, #tpu.memory_space<vmem>> -> memref<40x128xf32, #tpu.memory_space<vmem>>
      %dma_start3A_40 = arith.constant 0 : i32
      %dma_start3A_41 = tpu.memref_slice %arg7[%dma_start3A_32, %dma_start3A_33, %dma_start3A_40] : memref<2x4x40xi32, #tpu.memory_space<vmem>> -> memref<1x1x40xi32, #tpu.memory_space<vmem>>
      %dma_start3A_42 = tpu.memref_squeeze %dma_start3A_41 : memref<1x1x40xi32, #tpu.memory_space<vmem>> -> memref<40xi32, #tpu.memory_space<vmem>>
      %dma_start3A_43 = arith.constant 0 : i32
      %dma_start3A_44 = arith.constant 0 : i32
      %dma_start3A_45 = tpu.memref_slice %arg3[%dma_start3A_43, %dma_start3A_44] : memref<10000x128xf32, #tpu.memory_space<hbm>> -> memref<10000x128xf32, #tpu.memory_space<hbm>>
      %dma_start3A_46 = tpu.memref_slice %arg12[%dma_start3A_35] : memref<8x!tpu.dma_semaphore, #tpu.memory_space<semaphore_mem>> -> memref<1x!tpu.dma_semaphore, #tpu.memory_space<semaphore_mem>>
      %dma_start3A_47 = tpu.memref_squeeze %dma_start3A_46 : memref<1x!tpu.dma_semaphore, #tpu.memory_space<semaphore_mem>> -> memref<!tpu.dma_semaphore, #tpu.memory_space<semaphore_mem>>
      tpu.enqueue_indirect_dma source(%dma_start3A_45 : memref<10000x128xf32, #tpu.memory_space<hbm>>) target(%dma_start3A_39 : memref<40x128xf32, #tpu.memory_space<vmem>>) offsets(%dma_start3A_42 : memref<40xi32, #tpu.memory_space<vmem>>) semaphore(%dma_start3A_47 : memref<!tpu.dma_semaphore, #tpu.memory_space<semaphore_mem>>)
      %dma_start3A_48 = arith.constant 0 : i32
      %dma_start3A_49 = arith.constant 2 : i32
      %dma_start3A_50 = arith.constant 2 : i32
      %dma_start3A_51 = arith.constant 2 : i32
      %dma_start3A_52 = arith.constant 0 : i32
      %dma_start3A_53 = arith.constant 0 : i32
      %dma_start3A_54 = tpu.memref_slice %arg9[%dma_start3A_50, %dma_start3A_52, %dma_start3A_53] : memref<8x40x128xf32, #tpu.memory_space<vmem>> -> memref<1x40x128xf32, #tpu.memory_space<vmem>>
      %dma_start3A_55 = tpu.memref_squeeze %dma_start3A_54 : memref<1x40x128xf32, #tpu.memory_space<vmem>> -> memref<40x128xf32, #tpu.memory_space<vmem>>
      %dma_start3A_56 = arith.constant 0 : i32
      %dma_start3A_57 = tpu.memref_slice %arg7[%dma_start3A_48, %dma_start3A_49, %dma_start3A_56] : memref<2x4x40xi32, #tpu.memory_space<vmem>> -> memref<1x1x40xi32, #tpu.memory_space<vmem>>
      %dma_start3A_58 = tpu.memref_squeeze %dma_start3A_57 : memref<1x1x40xi32, #tpu.memory_space<vmem>> -> memref<40xi32, #tpu.memory_space<vmem>>
      %dma_start3A_59 = arith.constant 0 : i32
      %dma_start3A_60 = arith.constant 0 : i32
      %dma_start3A_61 = tpu.memref_slice %arg3[%dma_start3A_59, %dma_start3A_60] : memref<10000x128xf32, #tpu.memory_space<hbm>> -> memref<10000x128xf32, #tpu.memory_space<hbm>>
      %dma_start3A_62 = tpu.memref_slice %arg12[%dma_start3A_51] : memref<8x!tpu.dma_semaphore, #tpu.memory_space<semaphore_mem>> -> memref<1x!tpu.dma_semaphore, #tpu.memory_space<semaphore_mem>>
      %dma_start3A_63 = tpu.memref_squeeze %dma_start3A_62 : memref<1x!tpu.dma_semaphore, #tpu.memory_space<semaphore_mem>> -> memref<!tpu.dma_semaphore, #tpu.memory_space<semaphore_mem>>
      tpu.enqueue_indirect_dma source(%dma_start3A_61 : memref<10000x128xf32, #tpu.memory_space<hbm>>) target(%dma_start3A_55 : memref<40x128xf32, #tpu.memory_space<vmem>>) offsets(%dma_start3A_58 : memref<40xi32, #tpu.memory_space<vmem>>) semaphore(%dma_start3A_63 : memref<!tpu.dma_semaphore, #tpu.memory_space<semaphore_mem>>)
      %dma_start3A_64 = arith.constant 0 : i32
      %dma_start3A_65 = arith.constant 3 : i32
      %dma_start3A_66 = arith.constant 3 : i32
      %dma_start3A_67 = arith.constant 3 : i32
      %dma_start3A_68 = arith.constant 0 : i32
      %dma_start3A_69 = arith.constant 0 : i32
      %dma_start3A_70 = tpu.memref_slice %arg9[%dma_start3A_66, %dma_start3A_68, %dma_start3A_69] : memref<8x40x128xf32, #tpu.memory_space<vmem>> -> memref<1x40x128xf32, #tpu.memory_space<vmem>>
      %dma_start3A_71 = tpu.memref_squeeze %dma_start3A_70 : memref<1x40x128xf32, #tpu.memory_space<vmem>> -> memref<40x128xf32, #tpu.memory_space<vmem>>
      %dma_start3A_72 = arith.constant 0 : i32
      %dma_start3A_73 = tpu.memref_slice %arg7[%dma_start3A_64, %dma_start3A_65, %dma_start3A_72] : memref<2x4x40xi32, #tpu.memory_space<vmem>> -> memref<1x1x40xi32, #tpu.memory_space<vmem>>
      %dma_start3A_74 = tpu.memref_squeeze %dma_start3A_73 : memref<1x1x40xi32, #tpu.memory_space<vmem>> -> memref<40xi32, #tpu.memory_space<vmem>>
      %dma_start3A_75 = arith.constant 0 : i32
      %dma_start3A_76 = arith.constant 0 : i32
      %dma_start3A_77 = tpu.memref_slice %arg3[%dma_start3A_75, %dma_start3A_76] : memref<10000x128xf32, #tpu.memory_space<hbm>> -> memref<10000x128xf32, #tpu.memory_space<hbm>>
      %dma_start3A_78 = tpu.memref_slice %arg12[%dma_start3A_67] : memref<8x!tpu.dma_semaphore, #tpu.memory_space<semaphore_mem>> -> memref<1x!tpu.dma_semaphore, #tpu.memory_space<semaphore_mem>>
      %dma_start3A_79 = tpu.memref_squeeze %dma_start3A_78 : memref<1x!tpu.dma_semaphore, #tpu.memory_space<semaphore_mem>> -> memref<!tpu.dma_semaphore, #tpu.memory_space<semaphore_mem>>
      tpu.enqueue_indirect_dma source(%dma_start3A_77 : memref<10000x128xf32, #tpu.memory_space<hbm>>) target(%dma_start3A_71 : memref<40x128xf32, #tpu.memory_space<vmem>>) offsets(%dma_start3A_74 : memref<40xi32, #tpu.memory_space<vmem>>) semaphore(%dma_start3A_79 : memref<!tpu.dma_semaphore, #tpu.memory_space<semaphore_mem>>)
      %mul3A_80 = arith.constant 640 : i32
      %mul3A_81 = arith.muli %arg1, %mul3A_80 : i32
      %add3A = arith.constant 0 : i32
      %add3A_82 = arith.addi %mul3A_81, %add3A : i32
      %run_scoped3A_83 = arith.constant 4 : i32
      "tpu.region"() ({
        %run_scoped3A_411 = tpu.sem_alloc : memref<!tpu.dma_semaphore, #tpu.memory_space<semaphore_mem>>
        %dma_start3A_412 = arith.constant 0 : i32
        %dma_start3A_413 = arith.constant 0 : i32
        %dma_start3A_414 = tpu.memref_slice %arg9[%run_scoped3A_83, %dma_start3A_412, %dma_start3A_413] : memref<8x40x128xf32, #tpu.memory_space<vmem>> -> memref<1x40x128xf32, #tpu.memory_space<vmem>>
        %dma_start3A_415 = tpu.memref_squeeze %dma_start3A_414 : memref<1x40x128xf32, #tpu.memory_space<vmem>> -> memref<40x128xf32, #tpu.memory_space<vmem>>
        %dma_start3A_416 = arith.constant 0 : i32
        %dma_start3A_417 = tpu.memref_slice %arg10[%add3A_82, %dma_start3A_416] : memref<10240x128xf32, #tpu.memory_space<vmem_shared>> -> memref<40x128xf32, #tpu.memory_space<vmem_shared>>
        %dma_start3A_418 = arith.constant 0 : i32
        %dma_start3A_419 = tpu.memref_slice %arg10[%add3A_82, %dma_start3A_418] : memref<10240x128xf32, #tpu.memory_space<vmem_shared>> -> memref<40x128xf32, #tpu.memory_space<vmem_shared>>
        %dma_start3A_420 = arith.constant 0 : i32
        %dma_start3A_421 = arith.constant 0 : i32
        %dma_start3A_422 = tpu.memref_slice %arg9[%run_scoped3A_83, %dma_start3A_420, %dma_start3A_421] : memref<8x40x128xf32, #tpu.memory_space<vmem>> -> memref<1x40x128xf32, #tpu.memory_space<vmem>>
        %dma_start3A_423 = tpu.memref_squeeze %dma_start3A_422 : memref<1x40x128xf32, #tpu.memory_space<vmem>> -> memref<40x128xf32, #tpu.memory_space<vmem>>
        tpu.enqueue_dma source(%dma_start3A_423 : memref<40x128xf32, #tpu.memory_space<vmem>>) target(%dma_start3A_419 : memref<40x128xf32, #tpu.memory_space<vmem_shared>>) target_semaphore(%run_scoped3A_411 : memref<!tpu.dma_semaphore, #tpu.memory_space<semaphore_mem>>)
        %dma_wait3A_424 = arith.constant 0 : i32
        %dma_wait3A_425 = arith.constant 0 : i32
        %dma_wait3A_426 = tpu.memref_slice %arg9[%run_scoped3A_83, %dma_wait3A_424, %dma_wait3A_425] : memref<8x40x128xf32, #tpu.memory_space<vmem>> -> memref<1x40x128xf32, #tpu.memory_space<vmem>>
        %dma_wait3A_427 = tpu.memref_squeeze %dma_wait3A_426 : memref<1x40x128xf32, #tpu.memory_space<vmem>> -> memref<40x128xf32, #tpu.memory_space<vmem>>
        %dma_wait3A_428 = arith.constant 0 : i32
        %dma_wait3A_429 = tpu.memref_slice %arg10[%add3A_82, %dma_wait3A_428] : memref<10240x128xf32, #tpu.memory_space<vmem_shared>> -> memref<40x128xf32, #tpu.memory_space<vmem_shared>>
        %dma_wait3A_430 = arith.constant 0 : i32
        %dma_wait3A_431 = tpu.memref_slice %arg10[%add3A_82, %dma_wait3A_430] : memref<10240x128xf32, #tpu.memory_space<vmem_shared>> -> memref<40x128xf32, #tpu.memory_space<vmem_shared>>
        %dma_wait3A_432 = arith.constant 0 : i32
        %dma_wait3A_433 = arith.constant 0 : i32
        %dma_wait3A_434 = tpu.memref_slice %arg9[%run_scoped3A_83, %dma_wait3A_432, %dma_wait3A_433] : memref<8x40x128xf32, #tpu.memory_space<vmem>> -> memref<1x40x128xf32, #tpu.memory_space<vmem>>
        %dma_wait3A_435 = tpu.memref_squeeze %dma_wait3A_434 : memref<1x40x128xf32, #tpu.memory_space<vmem>> -> memref<40x128xf32, #tpu.memory_space<vmem>>
        tpu.wait_dma2 semaphore(%run_scoped3A_411 : memref<!tpu.dma_semaphore, #tpu.memory_space<semaphore_mem>>) src(%dma_wait3A_435 : memref<40x128xf32, #tpu.memory_space<vmem>>) dst(%dma_wait3A_431 : memref<40x128xf32, #tpu.memory_space<vmem_shared>>)
        tpu.yield
      }) : () -> ()
      %add3A_84 = arith.constant 40 : i32
      %add3A_85 = arith.addi %mul3A_81, %add3A_84 : i32
      %run_scoped3A_86 = arith.constant 4 : i32
      "tpu.region"() ({
        %run_scoped3A_411 = tpu.sem_alloc : memref<!tpu.dma_semaphore, #tpu.memory_space<semaphore_mem>>
        %dma_start3A_412 = arith.constant 0 : i32
        %dma_start3A_413 = arith.constant 0 : i32
        %dma_start3A_414 = tpu.memref_slice %arg9[%run_scoped3A_86, %dma_start3A_412, %dma_start3A_413] : memref<8x40x128xf32, #tpu.memory_space<vmem>> -> memref<1x40x128xf32, #tpu.memory_space<vmem>>
        %dma_start3A_415 = tpu.memref_squeeze %dma_start3A_414 : memref<1x40x128xf32, #tpu.memory_space<vmem>> -> memref<40x128xf32, #tpu.memory_space<vmem>>
        %dma_start3A_416 = arith.constant 0 : i32
        %dma_start3A_417 = tpu.memref_slice %arg10[%add3A_85, %dma_start3A_416] : memref<10240x128xf32, #tpu.memory_space<vmem_shared>> -> memref<40x128xf32, #tpu.memory_space<vmem_shared>>
        %dma_start3A_418 = arith.constant 0 : i32
        %dma_start3A_419 = tpu.memref_slice %arg10[%add3A_85, %dma_start3A_418] : memref<10240x128xf32, #tpu.memory_space<vmem_shared>> -> memref<40x128xf32, #tpu.memory_space<vmem_shared>>
        %dma_start3A_420 = arith.constant 0 : i32
        %dma_start3A_421 = arith.constant 0 : i32
        %dma_start3A_422 = tpu.memref_slice %arg9[%run_scoped3A_86, %dma_start3A_420, %dma_start3A_421] : memref<8x40x128xf32, #tpu.memory_space<vmem>> -> memref<1x40x128xf32, #tpu.memory_space<vmem>>
        %dma_start3A_423 = tpu.memref_squeeze %dma_start3A_422 : memref<1x40x128xf32, #tpu.memory_space<vmem>> -> memref<40x128xf32, #tpu.memory_space<vmem>>
        tpu.enqueue_dma source(%dma_start3A_423 : memref<40x128xf32, #tpu.memory_space<vmem>>) target(%dma_start3A_419 : memref<40x128xf32, #tpu.memory_space<vmem_shared>>) target_semaphore(%run_scoped3A_411 : memref<!tpu.dma_semaphore, #tpu.memory_space<semaphore_mem>>)
        %dma_wait3A_424 = arith.constant 0 : i32
        %dma_wait3A_425 = arith.constant 0 : i32
        %dma_wait3A_426 = tpu.memref_slice %arg9[%run_scoped3A_86, %dma_wait3A_424, %dma_wait3A_425] : memref<8x40x128xf32, #tpu.memory_space<vmem>> -> memref<1x40x128xf32, #tpu.memory_space<vmem>>
        %dma_wait3A_427 = tpu.memref_squeeze %dma_wait3A_426 : memref<1x40x128xf32, #tpu.memory_space<vmem>> -> memref<40x128xf32, #tpu.memory_space<vmem>>
        %dma_wait3A_428 = arith.constant 0 : i32
        %dma_wait3A_429 = tpu.memref_slice %arg10[%add3A_85, %dma_wait3A_428] : memref<10240x128xf32, #tpu.memory_space<vmem_shared>> -> memref<40x128xf32, #tpu.memory_space<vmem_shared>>
        %dma_wait3A_430 = arith.constant 0 : i32
        %dma_wait3A_431 = tpu.memref_slice %arg10[%add3A_85, %dma_wait3A_430] : memref<10240x128xf32, #tpu.memory_space<vmem_shared>> -> memref<40x128xf32, #tpu.memory_space<vmem_shared>>
        %dma_wait3A_432 = arith.constant 0 : i32
        %dma_wait3A_433 = arith.constant 0 : i32
        %dma_wait3A_434 = tpu.memref_slice %arg9[%run_scoped3A_86, %dma_wait3A_432, %dma_wait3A_433] : memref<8x40x128xf32, #tpu.memory_space<vmem>> -> memref<1x40x128xf32, #tpu.memory_space<vmem>>
        %dma_wait3A_435 = tpu.memref_squeeze %dma_wait3A_434 : memref<1x40x128xf32, #tpu.memory_space<vmem>> -> memref<40x128xf32, #tpu.memory_space<vmem>>
        tpu.wait_dma2 semaphore(%run_scoped3A_411 : memref<!tpu.dma_semaphore, #tpu.memory_space<semaphore_mem>>) src(%dma_wait3A_435 : memref<40x128xf32, #tpu.memory_space<vmem>>) dst(%dma_wait3A_431 : memref<40x128xf32, #tpu.memory_space<vmem_shared>>)
        tpu.yield
      }) : () -> ()
      %add3A_87 = arith.constant 80 : i32
      %add3A_88 = arith.addi %mul3A_81, %add3A_87 : i32
      %run_scoped3A_89 = arith.constant 4 : i32
      "tpu.region"() ({
        %run_scoped3A_411 = tpu.sem_alloc : memref<!tpu.dma_semaphore, #tpu.memory_space<semaphore_mem>>
        %dma_start3A_412 = arith.constant 0 : i32
        %dma_start3A_413 = arith.constant 0 : i32
        %dma_start3A_414 = tpu.memref_slice %arg9[%run_scoped3A_89, %dma_start3A_412, %dma_start3A_413] : memref<8x40x128xf32, #tpu.memory_space<vmem>> -> memref<1x40x128xf32, #tpu.memory_space<vmem>>
        %dma_start3A_415 = tpu.memref_squeeze %dma_start3A_414 : memref<1x40x128xf32, #tpu.memory_space<vmem>> -> memref<40x128xf32, #tpu.memory_space<vmem>>
        %dma_start3A_416 = arith.constant 0 : i32
        %dma_start3A_417 = tpu.memref_slice %arg10[%add3A_88, %dma_start3A_416] : memref<10240x128xf32, #tpu.memory_space<vmem_shared>> -> memref<40x128xf32, #tpu.memory_space<vmem_shared>>
        %dma_start3A_418 = arith.constant 0 : i32
        %dma_start3A_419 = tpu.memref_slice %arg10[%add3A_88, %dma_start3A_418] : memref<10240x128xf32, #tpu.memory_space<vmem_shared>> -> memref<40x128xf32, #tpu.memory_space<vmem_shared>>
        %dma_start3A_420 = arith.constant 0 : i32
        %dma_start3A_421 = arith.constant 0 : i32
        %dma_start3A_422 = tpu.memref_slice %arg9[%run_scoped3A_89, %dma_start3A_420, %dma_start3A_421] : memref<8x40x128xf32, #tpu.memory_space<vmem>> -> memref<1x40x128xf32, #tpu.memory_space<vmem>>
        %dma_start3A_423 = tpu.memref_squeeze %dma_start3A_422 : memref<1x40x128xf32, #tpu.memory_space<vmem>> -> memref<40x128xf32, #tpu.memory_space<vmem>>
        tpu.enqueue_dma source(%dma_start3A_423 : memref<40x128xf32, #tpu.memory_space<vmem>>) target(%dma_start3A_419 : memref<40x128xf32, #tpu.memory_space<vmem_shared>>) target_semaphore(%run_scoped3A_411 : memref<!tpu.dma_semaphore, #tpu.memory_space<semaphore_mem>>)
        %dma_wait3A_424 = arith.constant 0 : i32
        %dma_wait3A_425 = arith.constant 0 : i32
        %dma_wait3A_426 = tpu.memref_slice %arg9[%run_scoped3A_89, %dma_wait3A_424, %dma_wait3A_425] : memref<8x40x128xf32, #tpu.memory_space<vmem>> -> memref<1x40x128xf32, #tpu.memory_space<vmem>>
        %dma_wait3A_427 = tpu.memref_squeeze %dma_wait3A_426 : memref<1x40x128xf32, #tpu.memory_space<vmem>> -> memref<40x128xf32, #tpu.memory_space<vmem>>
        %dma_wait3A_428 = arith.constant 0 : i32
        %dma_wait3A_429 = tpu.memref_slice %arg10[%add3A_88, %dma_wait3A_428] : memref<10240x128xf32, #tpu.memory_space<vmem_shared>> -> memref<40x128xf32, #tpu.memory_space<vmem_shared>>
        %dma_wait3A_430 = arith.constant 0 : i32
        %dma_wait3A_431 = tpu.memref_slice %arg10[%add3A_88, %dma_wait3A_430] : memref<10240x128xf32, #tpu.memory_space<vmem_shared>> -> memref<40x128xf32, #tpu.memory_space<vmem_shared>>
        %dma_wait3A_432 = arith.constant 0 : i32
        %dma_wait3A_433 = arith.constant 0 : i32
        %dma_wait3A_434 = tpu.memref_slice %arg9[%run_scoped3A_89, %dma_wait3A_432, %dma_wait3A_433] : memref<8x40x128xf32, #tpu.memory_space<vmem>> -> memref<1x40x128xf32, #tpu.memory_space<vmem>>
        %dma_wait3A_435 = tpu.memref_squeeze %dma_wait3A_434 : memref<1x40x128xf32, #tpu.memory_space<vmem>> -> memref<40x128xf32, #tpu.memory_space<vmem>>
        tpu.wait_dma2 semaphore(%run_scoped3A_411 : memref<!tpu.dma_semaphore, #tpu.memory_space<semaphore_mem>>) src(%dma_wait3A_435 : memref<40x128xf32, #tpu.memory_space<vmem>>) dst(%dma_wait3A_431 : memref<40x128xf32, #tpu.memory_space<vmem_shared>>)
        tpu.yield
      }) : () -> ()
      %add3A_90 = arith.constant 120 : i32
      %add3A_91 = arith.addi %mul3A_81, %add3A_90 : i32
      %run_scoped3A_92 = arith.constant 4 : i32
      "tpu.region"() ({
        %run_scoped3A_411 = tpu.sem_alloc : memref<!tpu.dma_semaphore, #tpu.memory_space<semaphore_mem>>
        %dma_start3A_412 = arith.constant 0 : i32
        %dma_start3A_413 = arith.constant 0 : i32
        %dma_start3A_414 = tpu.memref_slice %arg9[%run_scoped3A_92, %dma_start3A_412, %dma_start3A_413] : memref<8x40x128xf32, #tpu.memory_space<vmem>> -> memref<1x40x128xf32, #tpu.memory_space<vmem>>
        %dma_start3A_415 = tpu.memref_squeeze %dma_start3A_414 : memref<1x40x128xf32, #tpu.memory_space<vmem>> -> memref<40x128xf32, #tpu.memory_space<vmem>>
        %dma_start3A_416 = arith.constant 0 : i32
        %dma_start3A_417 = tpu.memref_slice %arg10[%add3A_91, %dma_start3A_416] : memref<10240x128xf32, #tpu.memory_space<vmem_shared>> -> memref<40x128xf32, #tpu.memory_space<vmem_shared>>
        %dma_start3A_418 = arith.constant 0 : i32
        %dma_start3A_419 = tpu.memref_slice %arg10[%add3A_91, %dma_start3A_418] : memref<10240x128xf32, #tpu.memory_space<vmem_shared>> -> memref<40x128xf32, #tpu.memory_space<vmem_shared>>
        %dma_start3A_420 = arith.constant 0 : i32
        %dma_start3A_421 = arith.constant 0 : i32
        %dma_start3A_422 = tpu.memref_slice %arg9[%run_scoped3A_92, %dma_start3A_420, %dma_start3A_421] : memref<8x40x128xf32, #tpu.memory_space<vmem>> -> memref<1x40x128xf32, #tpu.memory_space<vmem>>
        %dma_start3A_423 = tpu.memref_squeeze %dma_start3A_422 : memref<1x40x128xf32, #tpu.memory_space<vmem>> -> memref<40x128xf32, #tpu.memory_space<vmem>>
        tpu.enqueue_dma source(%dma_start3A_423 : memref<40x128xf32, #tpu.memory_space<vmem>>) target(%dma_start3A_419 : memref<40x128xf32, #tpu.memory_space<vmem_shared>>) target_semaphore(%run_scoped3A_411 : memref<!tpu.dma_semaphore, #tpu.memory_space<semaphore_mem>>)
        %dma_wait3A_424 = arith.constant 0 : i32
        %dma_wait3A_425 = arith.constant 0 : i32
        %dma_wait3A_426 = tpu.memref_slice %arg9[%run_scoped3A_92, %dma_wait3A_424, %dma_wait3A_425] : memref<8x40x128xf32, #tpu.memory_space<vmem>> -> memref<1x40x128xf32, #tpu.memory_space<vmem>>
        %dma_wait3A_427 = tpu.memref_squeeze %dma_wait3A_426 : memref<1x40x128xf32, #tpu.memory_space<vmem>> -> memref<40x128xf32, #tpu.memory_space<vmem>>
        %dma_wait3A_428 = arith.constant 0 : i32
        %dma_wait3A_429 = tpu.memref_slice %arg10[%add3A_91, %dma_wait3A_428] : memref<10240x128xf32, #tpu.memory_space<vmem_shared>> -> memref<40x128xf32, #tpu.memory_space<vmem_shared>>
        %dma_wait3A_430 = arith.constant 0 : i32
        %dma_wait3A_431 = tpu.memref_slice %arg10[%add3A_91, %dma_wait3A_430] : memref<10240x128xf32, #tpu.memory_space<vmem_shared>> -> memref<40x128xf32, #tpu.memory_space<vmem_shared>>
        %dma_wait3A_432 = arith.constant 0 : i32
        %dma_wait3A_433 = arith.constant 0 : i32
        %dma_wait3A_434 = tpu.memref_slice %arg9[%run_scoped3A_92, %dma_wait3A_432, %dma_wait3A_433] : memref<8x40x128xf32, #tpu.memory_space<vmem>> -> memref<1x40x128xf32, #tpu.memory_space<vmem>>
        %dma_wait3A_435 = tpu.memref_squeeze %dma_wait3A_434 : memref<1x40x128xf32, #tpu.memory_space<vmem>> -> memref<40x128xf32, #tpu.memory_space<vmem>>
        tpu.wait_dma2 semaphore(%run_scoped3A_411 : memref<!tpu.dma_semaphore, #tpu.memory_space<semaphore_mem>>) src(%dma_wait3A_435 : memref<40x128xf32, #tpu.memory_space<vmem>>) dst(%dma_wait3A_431 : memref<40x128xf32, #tpu.memory_space<vmem_shared>>)
        tpu.yield
      }) : () -> ()
      %add3A_93 = arith.constant 160 : i32
      %add3A_94 = arith.addi %mul3A_81, %add3A_93 : i32
      %run_scoped3A_95 = arith.constant 4 : i32
      "tpu.region"() ({
        %run_scoped3A_411 = tpu.sem_alloc : memref<!tpu.dma_semaphore, #tpu.memory_space<semaphore_mem>>
        %dma_start3A_412 = arith.constant 0 : i32
        %dma_start3A_413 = arith.constant 0 : i32
        %dma_start3A_414 = tpu.memref_slice %arg9[%run_scoped3A_95, %dma_start3A_412, %dma_start3A_413] : memref<8x40x128xf32, #tpu.memory_space<vmem>> -> memref<1x40x128xf32, #tpu.memory_space<vmem>>
        %dma_start3A_415 = tpu.memref_squeeze %dma_start3A_414 : memref<1x40x128xf32, #tpu.memory_space<vmem>> -> memref<40x128xf32, #tpu.memory_space<vmem>>
        %dma_start3A_416 = arith.constant 0 : i32
        %dma_start3A_417 = tpu.memref_slice %arg10[%add3A_94, %dma_start3A_416] : memref<10240x128xf32, #tpu.memory_space<vmem_shared>> -> memref<40x128xf32, #tpu.memory_space<vmem_shared>>
        %dma_start3A_418 = arith.constant 0 : i32
        %dma_start3A_419 = tpu.memref_slice %arg10[%add3A_94, %dma_start3A_418] : memref<10240x128xf32, #tpu.memory_space<vmem_shared>> -> memref<40x128xf32, #tpu.memory_space<vmem_shared>>
        %dma_start3A_420 = arith.constant 0 : i32
        %dma_start3A_421 = arith.constant 0 : i32
        %dma_start3A_422 = tpu.memref_slice %arg9[%run_scoped3A_95, %dma_start3A_420, %dma_start3A_421] : memref<8x40x128xf32, #tpu.memory_space<vmem>> -> memref<1x40x128xf32, #tpu.memory_space<vmem>>
        %dma_start3A_423 = tpu.memref_squeeze %dma_start3A_422 : memref<1x40x128xf32, #tpu.memory_space<vmem>> -> memref<40x128xf32, #tpu.memory_space<vmem>>
        tpu.enqueue_dma source(%dma_start3A_423 : memref<40x128xf32, #tpu.memory_space<vmem>>) target(%dma_start3A_419 : memref<40x128xf32, #tpu.memory_space<vmem_shared>>) target_semaphore(%run_scoped3A_411 : memref<!tpu.dma_semaphore, #tpu.memory_space<semaphore_mem>>)
        %dma_wait3A_424 = arith.constant 0 : i32
        %dma_wait3A_425 = arith.constant 0 : i32
        %dma_wait3A_426 = tpu.memref_slice %arg9[%run_scoped3A_95, %dma_wait3A_424, %dma_wait3A_425] : memref<8x40x128xf32, #tpu.memory_space<vmem>> -> memref<1x40x128xf32, #tpu.memory_space<vmem>>
        %dma_wait3A_427 = tpu.memref_squeeze %dma_wait3A_426 : memref<1x40x128xf32, #tpu.memory_space<vmem>> -> memref<40x128xf32, #tpu.memory_space<vmem>>
        %dma_wait3A_428 = arith.constant 0 : i32
        %dma_wait3A_429 = tpu.memref_slice %arg10[%add3A_94, %dma_wait3A_428] : memref<10240x128xf32, #tpu.memory_space<vmem_shared>> -> memref<40x128xf32, #tpu.memory_space<vmem_shared>>
        %dma_wait3A_430 = arith.constant 0 : i32
        %dma_wait3A_431 = tpu.memref_slice %arg10[%add3A_94, %dma_wait3A_430] : memref<10240x128xf32, #tpu.memory_space<vmem_shared>> -> memref<40x128xf32, #tpu.memory_space<vmem_shared>>
        %dma_wait3A_432 = arith.constant 0 : i32
        %dma_wait3A_433 = arith.constant 0 : i32
        %dma_wait3A_434 = tpu.memref_slice %arg9[%run_scoped3A_95, %dma_wait3A_432, %dma_wait3A_433] : memref<8x40x128xf32, #tpu.memory_space<vmem>> -> memref<1x40x128xf32, #tpu.memory_space<vmem>>
        %dma_wait3A_435 = tpu.memref_squeeze %dma_wait3A_434 : memref<1x40x128xf32, #tpu.memory_space<vmem>> -> memref<40x128xf32, #tpu.memory_space<vmem>>
        tpu.wait_dma2 semaphore(%run_scoped3A_411 : memref<!tpu.dma_semaphore, #tpu.memory_space<semaphore_mem>>) src(%dma_wait3A_435 : memref<40x128xf32, #tpu.memory_space<vmem>>) dst(%dma_wait3A_431 : memref<40x128xf32, #tpu.memory_space<vmem_shared>>)
        tpu.yield
      }) : () -> ()
      %add3A_96 = arith.constant 200 : i32
      %add3A_97 = arith.addi %mul3A_81, %add3A_96 : i32
      %run_scoped3A_98 = arith.constant 4 : i32
      "tpu.region"() ({
        %run_scoped3A_411 = tpu.sem_alloc : memref<!tpu.dma_semaphore, #tpu.memory_space<semaphore_mem>>
        %dma_start3A_412 = arith.constant 0 : i32
        %dma_start3A_413 = arith.constant 0 : i32
        %dma_start3A_414 = tpu.memref_slice %arg9[%run_scoped3A_98, %dma_start3A_412, %dma_start3A_413] : memref<8x40x128xf32, #tpu.memory_space<vmem>> -> memref<1x40x128xf32, #tpu.memory_space<vmem>>
        %dma_start3A_415 = tpu.memref_squeeze %dma_start3A_414 : memref<1x40x128xf32, #tpu.memory_space<vmem>> -> memref<40x128xf32, #tpu.memory_space<vmem>>
        %dma_start3A_416 = arith.constant 0 : i32
        %dma_start3A_417 = tpu.memref_slice %arg10[%add3A_97, %dma_start3A_416] : memref<10240x128xf32, #tpu.memory_space<vmem_shared>> -> memref<40x128xf32, #tpu.memory_space<vmem_shared>>
        %dma_start3A_418 = arith.constant 0 : i32
        %dma_start3A_419 = tpu.memref_slice %arg10[%add3A_97, %dma_start3A_418] : memref<10240x128xf32, #tpu.memory_space<vmem_shared>> -> memref<40x128xf32, #tpu.memory_space<vmem_shared>>
        %dma_start3A_420 = arith.constant 0 : i32
        %dma_start3A_421 = arith.constant 0 : i32
        %dma_start3A_422 = tpu.memref_slice %arg9[%run_scoped3A_98, %dma_start3A_420, %dma_start3A_421] : memref<8x40x128xf32, #tpu.memory_space<vmem>> -> memref<1x40x128xf32, #tpu.memory_space<vmem>>
        %dma_start3A_423 = tpu.memref_squeeze %dma_start3A_422 : memref<1x40x128xf32, #tpu.memory_space<vmem>> -> memref<40x128xf32, #tpu.memory_space<vmem>>
        tpu.enqueue_dma source(%dma_start3A_423 : memref<40x128xf32, #tpu.memory_space<vmem>>) target(%dma_start3A_419 : memref<40x128xf32, #tpu.memory_space<vmem_shared>>) target_semaphore(%run_scoped3A_411 : memref<!tpu.dma_semaphore, #tpu.memory_space<semaphore_mem>>)
        %dma_wait3A_424 = arith.constant 0 : i32
        %dma_wait3A_425 = arith.constant 0 : i32
        %dma_wait3A_426 = tpu.memref_slice %arg9[%run_scoped3A_98, %dma_wait3A_424, %dma_wait3A_425] : memref<8x40x128xf32, #tpu.memory_space<vmem>> -> memref<1x40x128xf32, #tpu.memory_space<vmem>>
        %dma_wait3A_427 = tpu.memref_squeeze %dma_wait3A_426 : memref<1x40x128xf32, #tpu.memory_space<vmem>> -> memref<40x128xf32, #tpu.memory_space<vmem>>
        %dma_wait3A_428 = arith.constant 0 : i32
        %dma_wait3A_429 = tpu.memref_slice %arg10[%add3A_97, %dma_wait3A_428] : memref<10240x128xf32, #tpu.memory_space<vmem_shared>> -> memref<40x128xf32, #tpu.memory_space<vmem_shared>>
        %dma_wait3A_430 = arith.constant 0 : i32
        %dma_wait3A_431 = tpu.memref_slice %arg10[%add3A_97, %dma_wait3A_430] : memref<10240x128xf32, #tpu.memory_space<vmem_shared>> -> memref<40x128xf32, #tpu.memory_space<vmem_shared>>
        %dma_wait3A_432 = arith.constant 0 : i32
        %dma_wait3A_433 = arith.constant 0 : i32
        %dma_wait3A_434 = tpu.memref_slice %arg9[%run_scoped3A_98, %dma_wait3A_432, %dma_wait3A_433] : memref<8x40x128xf32, #tpu.memory_space<vmem>> -> memref<1x40x128xf32, #tpu.memory_space<vmem>>
        %dma_wait3A_435 = tpu.memref_squeeze %dma_wait3A_434 : memref<1x40x128xf32, #tpu.memory_space<vmem>> -> memref<40x128xf32, #tpu.memory_space<vmem>>
        tpu.wait_dma2 semaphore(%run_scoped3A_411 : memref<!tpu.dma_semaphore, #tpu.memory_space<semaphore_mem>>) src(%dma_wait3A_435 : memref<40x128xf32, #tpu.memory_space<vmem>>) dst(%dma_wait3A_431 : memref<40x128xf32, #tpu.memory_space<vmem_shared>>)
        tpu.yield
      }) : () -> ()
      %add3A_99 = arith.constant 240 : i32
      %add3A_100 = arith.addi %mul3A_81, %add3A_99 : i32
      %run_scoped3A_101 = arith.constant 4 : i32
      "tpu.region"() ({
        %run_scoped3A_411 = tpu.sem_alloc : memref<!tpu.dma_semaphore, #tpu.memory_space<semaphore_mem>>
        %dma_start3A_412 = arith.constant 0 : i32
        %dma_start3A_413 = arith.constant 0 : i32
        %dma_start3A_414 = tpu.memref_slice %arg9[%run_scoped3A_101, %dma_start3A_412, %dma_start3A_413] : memref<8x40x128xf32, #tpu.memory_space<vmem>> -> memref<1x40x128xf32, #tpu.memory_space<vmem>>
        %dma_start3A_415 = tpu.memref_squeeze %dma_start3A_414 : memref<1x40x128xf32, #tpu.memory_space<vmem>> -> memref<40x128xf32, #tpu.memory_space<vmem>>
        %dma_start3A_416 = arith.constant 0 : i32
        %dma_start3A_417 = tpu.memref_slice %arg10[%add3A_100, %dma_start3A_416] : memref<10240x128xf32, #tpu.memory_space<vmem_shared>> -> memref<40x128xf32, #tpu.memory_space<vmem_shared>>
        %dma_start3A_418 = arith.constant 0 : i32
        %dma_start3A_419 = tpu.memref_slice %arg10[%add3A_100, %dma_start3A_418] : memref<10240x128xf32, #tpu.memory_space<vmem_shared>> -> memref<40x128xf32, #tpu.memory_space<vmem_shared>>
        %dma_start3A_420 = arith.constant 0 : i32
        %dma_start3A_421 = arith.constant 0 : i32
        %dma_start3A_422 = tpu.memref_slice %arg9[%run_scoped3A_101, %dma_start3A_420, %dma_start3A_421] : memref<8x40x128xf32, #tpu.memory_space<vmem>> -> memref<1x40x128xf32, #tpu.memory_space<vmem>>
        %dma_start3A_423 = tpu.memref_squeeze %dma_start3A_422 : memref<1x40x128xf32, #tpu.memory_space<vmem>> -> memref<40x128xf32, #tpu.memory_space<vmem>>
        tpu.enqueue_dma source(%dma_start3A_423 : memref<40x128xf32, #tpu.memory_space<vmem>>) target(%dma_start3A_419 : memref<40x128xf32, #tpu.memory_space<vmem_shared>>) target_semaphore(%run_scoped3A_411 : memref<!tpu.dma_semaphore, #tpu.memory_space<semaphore_mem>>)
        %dma_wait3A_424 = arith.constant 0 : i32
        %dma_wait3A_425 = arith.constant 0 : i32
        %dma_wait3A_426 = tpu.memref_slice %arg9[%run_scoped3A_101, %dma_wait3A_424, %dma_wait3A_425] : memref<8x40x128xf32, #tpu.memory_space<vmem>> -> memref<1x40x128xf32, #tpu.memory_space<vmem>>
        %dma_wait3A_427 = tpu.memref_squeeze %dma_wait3A_426 : memref<1x40x128xf32, #tpu.memory_space<vmem>> -> memref<40x128xf32, #tpu.memory_space<vmem>>
        %dma_wait3A_428 = arith.constant 0 : i32
        %dma_wait3A_429 = tpu.memref_slice %arg10[%add3A_100, %dma_wait3A_428] : memref<10240x128xf32, #tpu.memory_space<vmem_shared>> -> memref<40x128xf32, #tpu.memory_space<vmem_shared>>
        %dma_wait3A_430 = arith.constant 0 : i32
        %dma_wait3A_431 = tpu.memref_slice %arg10[%add3A_100, %dma_wait3A_430] : memref<10240x128xf32, #tpu.memory_space<vmem_shared>> -> memref<40x128xf32, #tpu.memory_space<vmem_shared>>
        %dma_wait3A_432 = arith.constant 0 : i32
        %dma_wait3A_433 = arith.constant 0 : i32
        %dma_wait3A_434 = tpu.memref_slice %arg9[%run_scoped3A_101, %dma_wait3A_432, %dma_wait3A_433] : memref<8x40x128xf32, #tpu.memory_space<vmem>> -> memref<1x40x128xf32, #tpu.memory_space<vmem>>
        %dma_wait3A_435 = tpu.memref_squeeze %dma_wait3A_434 : memref<1x40x128xf32, #tpu.memory_space<vmem>> -> memref<40x128xf32, #tpu.memory_space<vmem>>
        tpu.wait_dma2 semaphore(%run_scoped3A_411 : memref<!tpu.dma_semaphore, #tpu.memory_space<semaphore_mem>>) src(%dma_wait3A_435 : memref<40x128xf32, #tpu.memory_space<vmem>>) dst(%dma_wait3A_431 : memref<40x128xf32, #tpu.memory_space<vmem_shared>>)
        tpu.yield
      }) : () -> ()
      %add3A_102 = arith.constant 280 : i32
      %add3A_103 = arith.addi %mul3A_81, %add3A_102 : i32
      %run_scoped3A_104 = arith.constant 4 : i32
      "tpu.region"() ({
        %run_scoped3A_411 = tpu.sem_alloc : memref<!tpu.dma_semaphore, #tpu.memory_space<semaphore_mem>>
        %dma_start3A_412 = arith.constant 0 : i32
        %dma_start3A_413 = arith.constant 0 : i32
        %dma_start3A_414 = tpu.memref_slice %arg9[%run_scoped3A_104, %dma_start3A_412, %dma_start3A_413] : memref<8x40x128xf32, #tpu.memory_space<vmem>> -> memref<1x40x128xf32, #tpu.memory_space<vmem>>
        %dma_start3A_415 = tpu.memref_squeeze %dma_start3A_414 : memref<1x40x128xf32, #tpu.memory_space<vmem>> -> memref<40x128xf32, #tpu.memory_space<vmem>>
        %dma_start3A_416 = arith.constant 0 : i32
        %dma_start3A_417 = tpu.memref_slice %arg10[%add3A_103, %dma_start3A_416] : memref<10240x128xf32, #tpu.memory_space<vmem_shared>> -> memref<40x128xf32, #tpu.memory_space<vmem_shared>>
        %dma_start3A_418 = arith.constant 0 : i32
        %dma_start3A_419 = tpu.memref_slice %arg10[%add3A_103, %dma_start3A_418] : memref<10240x128xf32, #tpu.memory_space<vmem_shared>> -> memref<40x128xf32, #tpu.memory_space<vmem_shared>>
        %dma_start3A_420 = arith.constant 0 : i32
        %dma_start3A_421 = arith.constant 0 : i32
        %dma_start3A_422 = tpu.memref_slice %arg9[%run_scoped3A_104, %dma_start3A_420, %dma_start3A_421] : memref<8x40x128xf32, #tpu.memory_space<vmem>> -> memref<1x40x128xf32, #tpu.memory_space<vmem>>
        %dma_start3A_423 = tpu.memref_squeeze %dma_start3A_422 : memref<1x40x128xf32, #tpu.memory_space<vmem>> -> memref<40x128xf32, #tpu.memory_space<vmem>>
        tpu.enqueue_dma source(%dma_start3A_423 : memref<40x128xf32, #tpu.memory_space<vmem>>) target(%dma_start3A_419 : memref<40x128xf32, #tpu.memory_space<vmem_shared>>) target_semaphore(%run_scoped3A_411 : memref<!tpu.dma_semaphore, #tpu.memory_space<semaphore_mem>>)
        %dma_wait3A_424 = arith.constant 0 : i32
        %dma_wait3A_425 = arith.constant 0 : i32
        %dma_wait3A_426 = tpu.memref_slice %arg9[%run_scoped3A_104, %dma_wait3A_424, %dma_wait3A_425] : memref<8x40x128xf32, #tpu.memory_space<vmem>> -> memref<1x40x128xf32, #tpu.memory_space<vmem>>
        %dma_wait3A_427 = tpu.memref_squeeze %dma_wait3A_426 : memref<1x40x128xf32, #tpu.memory_space<vmem>> -> memref<40x128xf32, #tpu.memory_space<vmem>>
        %dma_wait3A_428 = arith.constant 0 : i32
        %dma_wait3A_429 = tpu.memref_slice %arg10[%add3A_103, %dma_wait3A_428] : memref<10240x128xf32, #tpu.memory_space<vmem_shared>> -> memref<40x128xf32, #tpu.memory_space<vmem_shared>>
        %dma_wait3A_430 = arith.constant 0 : i32
        %dma_wait3A_431 = tpu.memref_slice %arg10[%add3A_103, %dma_wait3A_430] : memref<10240x128xf32, #tpu.memory_space<vmem_shared>> -> memref<40x128xf32, #tpu.memory_space<vmem_shared>>
        %dma_wait3A_432 = arith.constant 0 : i32
        %dma_wait3A_433 = arith.constant 0 : i32
        %dma_wait3A_434 = tpu.memref_slice %arg9[%run_scoped3A_104, %dma_wait3A_432, %dma_wait3A_433] : memref<8x40x128xf32, #tpu.memory_space<vmem>> -> memref<1x40x128xf32, #tpu.memory_space<vmem>>
        %dma_wait3A_435 = tpu.memref_squeeze %dma_wait3A_434 : memref<1x40x128xf32, #tpu.memory_space<vmem>> -> memref<40x128xf32, #tpu.memory_space<vmem>>
        tpu.wait_dma2 semaphore(%run_scoped3A_411 : memref<!tpu.dma_semaphore, #tpu.memory_space<semaphore_mem>>) src(%dma_wait3A_435 : memref<40x128xf32, #tpu.memory_space<vmem>>) dst(%dma_wait3A_431 : memref<40x128xf32, #tpu.memory_space<vmem_shared>>)
        tpu.yield
      }) : () -> ()
      %add3A_105 = arith.constant 320 : i32
      %add3A_106 = arith.addi %mul3A_81, %add3A_105 : i32
      %run_scoped3A_107 = arith.constant 4 : i32
      "tpu.region"() ({
        %run_scoped3A_411 = tpu.sem_alloc : memref<!tpu.dma_semaphore, #tpu.memory_space<semaphore_mem>>
        %dma_start3A_412 = arith.constant 0 : i32
        %dma_start3A_413 = arith.constant 0 : i32
        %dma_start3A_414 = tpu.memref_slice %arg9[%run_scoped3A_107, %dma_start3A_412, %dma_start3A_413] : memref<8x40x128xf32, #tpu.memory_space<vmem>> -> memref<1x40x128xf32, #tpu.memory_space<vmem>>
        %dma_start3A_415 = tpu.memref_squeeze %dma_start3A_414 : memref<1x40x128xf32, #tpu.memory_space<vmem>> -> memref<40x128xf32, #tpu.memory_space<vmem>>
        %dma_start3A_416 = arith.constant 0 : i32
        %dma_start3A_417 = tpu.memref_slice %arg10[%add3A_106, %dma_start3A_416] : memref<10240x128xf32, #tpu.memory_space<vmem_shared>> -> memref<40x128xf32, #tpu.memory_space<vmem_shared>>
        %dma_start3A_418 = arith.constant 0 : i32
        %dma_start3A_419 = tpu.memref_slice %arg10[%add3A_106, %dma_start3A_418] : memref<10240x128xf32, #tpu.memory_space<vmem_shared>> -> memref<40x128xf32, #tpu.memory_space<vmem_shared>>
        %dma_start3A_420 = arith.constant 0 : i32
        %dma_start3A_421 = arith.constant 0 : i32
        %dma_start3A_422 = tpu.memref_slice %arg9[%run_scoped3A_107, %dma_start3A_420, %dma_start3A_421] : memref<8x40x128xf32, #tpu.memory_space<vmem>> -> memref<1x40x128xf32, #tpu.memory_space<vmem>>
        %dma_start3A_423 = tpu.memref_squeeze %dma_start3A_422 : memref<1x40x128xf32, #tpu.memory_space<vmem>> -> memref<40x128xf32, #tpu.memory_space<vmem>>
        tpu.enqueue_dma source(%dma_start3A_423 : memref<40x128xf32, #tpu.memory_space<vmem>>) target(%dma_start3A_419 : memref<40x128xf32, #tpu.memory_space<vmem_shared>>) target_semaphore(%run_scoped3A_411 : memref<!tpu.dma_semaphore, #tpu.memory_space<semaphore_mem>>)
        %dma_wait3A_424 = arith.constant 0 : i32
        %dma_wait3A_425 = arith.constant 0 : i32
        %dma_wait3A_426 = tpu.memref_slice %arg9[%run_scoped3A_107, %dma_wait3A_424, %dma_wait3A_425] : memref<8x40x128xf32, #tpu.memory_space<vmem>> -> memref<1x40x128xf32, #tpu.memory_space<vmem>>
        %dma_wait3A_427 = tpu.memref_squeeze %dma_wait3A_426 : memref<1x40x128xf32, #tpu.memory_space<vmem>> -> memref<40x128xf32, #tpu.memory_space<vmem>>
        %dma_wait3A_428 = arith.constant 0 : i32
        %dma_wait3A_429 = tpu.memref_slice %arg10[%add3A_106, %dma_wait3A_428] : memref<10240x128xf32, #tpu.memory_space<vmem_shared>> -> memref<40x128xf32, #tpu.memory_space<vmem_shared>>
        %dma_wait3A_430 = arith.constant 0 : i32
        %dma_wait3A_431 = tpu.memref_slice %arg10[%add3A_106, %dma_wait3A_430] : memref<10240x128xf32, #tpu.memory_space<vmem_shared>> -> memref<40x128xf32, #tpu.memory_space<vmem_shared>>
        %dma_wait3A_432 = arith.constant 0 : i32
        %dma_wait3A_433 = arith.constant 0 : i32
        %dma_wait3A_434 = tpu.memref_slice %arg9[%run_scoped3A_107, %dma_wait3A_432, %dma_wait3A_433] : memref<8x40x128xf32, #tpu.memory_space<vmem>> -> memref<1x40x128xf32, #tpu.memory_space<vmem>>
        %dma_wait3A_435 = tpu.memref_squeeze %dma_wait3A_434 : memref<1x40x128xf32, #tpu.memory_space<vmem>> -> memref<40x128xf32, #tpu.memory_space<vmem>>
        tpu.wait_dma2 semaphore(%run_scoped3A_411 : memref<!tpu.dma_semaphore, #tpu.memory_space<semaphore_mem>>) src(%dma_wait3A_435 : memref<40x128xf32, #tpu.memory_space<vmem>>) dst(%dma_wait3A_431 : memref<40x128xf32, #tpu.memory_space<vmem_shared>>)
        tpu.yield
      }) : () -> ()
      %add3A_108 = arith.constant 360 : i32
      %add3A_109 = arith.addi %mul3A_81, %add3A_108 : i32
      %run_scoped3A_110 = arith.constant 4 : i32
      "tpu.region"() ({
        %run_scoped3A_411 = tpu.sem_alloc : memref<!tpu.dma_semaphore, #tpu.memory_space<semaphore_mem>>
        %dma_start3A_412 = arith.constant 0 : i32
        %dma_start3A_413 = arith.constant 0 : i32
        %dma_start3A_414 = tpu.memref_slice %arg9[%run_scoped3A_110, %dma_start3A_412, %dma_start3A_413] : memref<8x40x128xf32, #tpu.memory_space<vmem>> -> memref<1x40x128xf32, #tpu.memory_space<vmem>>
        %dma_start3A_415 = tpu.memref_squeeze %dma_start3A_414 : memref<1x40x128xf32, #tpu.memory_space<vmem>> -> memref<40x128xf32, #tpu.memory_space<vmem>>
        %dma_start3A_416 = arith.constant 0 : i32
        %dma_start3A_417 = tpu.memref_slice %arg10[%add3A_109, %dma_start3A_416] : memref<10240x128xf32, #tpu.memory_space<vmem_shared>> -> memref<40x128xf32, #tpu.memory_space<vmem_shared>>
        %dma_start3A_418 = arith.constant 0 : i32
        %dma_start3A_419 = tpu.memref_slice %arg10[%add3A_109, %dma_start3A_418] : memref<10240x128xf32, #tpu.memory_space<vmem_shared>> -> memref<40x128xf32, #tpu.memory_space<vmem_shared>>
        %dma_start3A_420 = arith.constant 0 : i32
        %dma_start3A_421 = arith.constant 0 : i32
        %dma_start3A_422 = tpu.memref_slice %arg9[%run_scoped3A_110, %dma_start3A_420, %dma_start3A_421] : memref<8x40x128xf32, #tpu.memory_space<vmem>> -> memref<1x40x128xf32, #tpu.memory_space<vmem>>
        %dma_start3A_423 = tpu.memref_squeeze %dma_start3A_422 : memref<1x40x128xf32, #tpu.memory_space<vmem>> -> memref<40x128xf32, #tpu.memory_space<vmem>>
        tpu.enqueue_dma source(%dma_start3A_423 : memref<40x128xf32, #tpu.memory_space<vmem>>) target(%dma_start3A_419 : memref<40x128xf32, #tpu.memory_space<vmem_shared>>) target_semaphore(%run_scoped3A_411 : memref<!tpu.dma_semaphore, #tpu.memory_space<semaphore_mem>>)
        %dma_wait3A_424 = arith.constant 0 : i32
        %dma_wait3A_425 = arith.constant 0 : i32
        %dma_wait3A_426 = tpu.memref_slice %arg9[%run_scoped3A_110, %dma_wait3A_424, %dma_wait3A_425] : memref<8x40x128xf32, #tpu.memory_space<vmem>> -> memref<1x40x128xf32, #tpu.memory_space<vmem>>
        %dma_wait3A_427 = tpu.memref_squeeze %dma_wait3A_426 : memref<1x40x128xf32, #tpu.memory_space<vmem>> -> memref<40x128xf32, #tpu.memory_space<vmem>>
        %dma_wait3A_428 = arith.constant 0 : i32
        %dma_wait3A_429 = tpu.memref_slice %arg10[%add3A_109, %dma_wait3A_428] : memref<10240x128xf32, #tpu.memory_space<vmem_shared>> -> memref<40x128xf32, #tpu.memory_space<vmem_shared>>
        %dma_wait3A_430 = arith.constant 0 : i32
        %dma_wait3A_431 = tpu.memref_slice %arg10[%add3A_109, %dma_wait3A_430] : memref<10240x128xf32, #tpu.memory_space<vmem_shared>> -> memref<40x128xf32, #tpu.memory_space<vmem_shared>>
        %dma_wait3A_432 = arith.constant 0 : i32
        %dma_wait3A_433 = arith.constant 0 : i32
        %dma_wait3A_434 = tpu.memref_slice %arg9[%run_scoped3A_110, %dma_wait3A_432, %dma_wait3A_433] : memref<8x40x128xf32, #tpu.memory_space<vmem>> -> memref<1x40x128xf32, #tpu.memory_space<vmem>>
        %dma_wait3A_435 = tpu.memref_squeeze %dma_wait3A_434 : memref<1x40x128xf32, #tpu.memory_space<vmem>> -> memref<40x128xf32, #tpu.memory_space<vmem>>
        tpu.wait_dma2 semaphore(%run_scoped3A_411 : memref<!tpu.dma_semaphore, #tpu.memory_space<semaphore_mem>>) src(%dma_wait3A_435 : memref<40x128xf32, #tpu.memory_space<vmem>>) dst(%dma_wait3A_431 : memref<40x128xf32, #tpu.memory_space<vmem_shared>>)
        tpu.yield
      }) : () -> ()
      %add3A_111 = arith.constant 400 : i32
      %add3A_112 = arith.addi %mul3A_81, %add3A_111 : i32
      %run_scoped3A_113 = arith.constant 4 : i32
      "tpu.region"() ({
        %run_scoped3A_411 = tpu.sem_alloc : memref<!tpu.dma_semaphore, #tpu.memory_space<semaphore_mem>>
        %dma_start3A_412 = arith.constant 0 : i32
        %dma_start3A_413 = arith.constant 0 : i32
        %dma_start3A_414 = tpu.memref_slice %arg9[%run_scoped3A_113, %dma_start3A_412, %dma_start3A_413] : memref<8x40x128xf32, #tpu.memory_space<vmem>> -> memref<1x40x128xf32, #tpu.memory_space<vmem>>
        %dma_start3A_415 = tpu.memref_squeeze %dma_start3A_414 : memref<1x40x128xf32, #tpu.memory_space<vmem>> -> memref<40x128xf32, #tpu.memory_space<vmem>>
        %dma_start3A_416 = arith.constant 0 : i32
        %dma_start3A_417 = tpu.memref_slice %arg10[%add3A_112, %dma_start3A_416] : memref<10240x128xf32, #tpu.memory_space<vmem_shared>> -> memref<40x128xf32, #tpu.memory_space<vmem_shared>>
        %dma_start3A_418 = arith.constant 0 : i32
        %dma_start3A_419 = tpu.memref_slice %arg10[%add3A_112, %dma_start3A_418] : memref<10240x128xf32, #tpu.memory_space<vmem_shared>> -> memref<40x128xf32, #tpu.memory_space<vmem_shared>>
        %dma_start3A_420 = arith.constant 0 : i32
        %dma_start3A_421 = arith.constant 0 : i32
        %dma_start3A_422 = tpu.memref_slice %arg9[%run_scoped3A_113, %dma_start3A_420, %dma_start3A_421] : memref<8x40x128xf32, #tpu.memory_space<vmem>> -> memref<1x40x128xf32, #tpu.memory_space<vmem>>
        %dma_start3A_423 = tpu.memref_squeeze %dma_start3A_422 : memref<1x40x128xf32, #tpu.memory_space<vmem>> -> memref<40x128xf32, #tpu.memory_space<vmem>>
        tpu.enqueue_dma source(%dma_start3A_423 : memref<40x128xf32, #tpu.memory_space<vmem>>) target(%dma_start3A_419 : memref<40x128xf32, #tpu.memory_space<vmem_shared>>) target_semaphore(%run_scoped3A_411 : memref<!tpu.dma_semaphore, #tpu.memory_space<semaphore_mem>>)
        %dma_wait3A_424 = arith.constant 0 : i32
        %dma_wait3A_425 = arith.constant 0 : i32
        %dma_wait3A_426 = tpu.memref_slice %arg9[%run_scoped3A_113, %dma_wait3A_424, %dma_wait3A_425] : memref<8x40x128xf32, #tpu.memory_space<vmem>> -> memref<1x40x128xf32, #tpu.memory_space<vmem>>
        %dma_wait3A_427 = tpu.memref_squeeze %dma_wait3A_426 : memref<1x40x128xf32, #tpu.memory_space<vmem>> -> memref<40x128xf32, #tpu.memory_space<vmem>>
        %dma_wait3A_428 = arith.constant 0 : i32
        %dma_wait3A_429 = tpu.memref_slice %arg10[%add3A_112, %dma_wait3A_428] : memref<10240x128xf32, #tpu.memory_space<vmem_shared>> -> memref<40x128xf32, #tpu.memory_space<vmem_shared>>
        %dma_wait3A_430 = arith.constant 0 : i32
        %dma_wait3A_431 = tpu.memref_slice %arg10[%add3A_112, %dma_wait3A_430] : memref<10240x128xf32, #tpu.memory_space<vmem_shared>> -> memref<40x128xf32, #tpu.memory_space<vmem_shared>>
        %dma_wait3A_432 = arith.constant 0 : i32
        %dma_wait3A_433 = arith.constant 0 : i32
        %dma_wait3A_434 = tpu.memref_slice %arg9[%run_scoped3A_113, %dma_wait3A_432, %dma_wait3A_433] : memref<8x40x128xf32, #tpu.memory_space<vmem>> -> memref<1x40x128xf32, #tpu.memory_space<vmem>>
        %dma_wait3A_435 = tpu.memref_squeeze %dma_wait3A_434 : memref<1x40x128xf32, #tpu.memory_space<vmem>> -> memref<40x128xf32, #tpu.memory_space<vmem>>
        tpu.wait_dma2 semaphore(%run_scoped3A_411 : memref<!tpu.dma_semaphore, #tpu.memory_space<semaphore_mem>>) src(%dma_wait3A_435 : memref<40x128xf32, #tpu.memory_space<vmem>>) dst(%dma_wait3A_431 : memref<40x128xf32, #tpu.memory_space<vmem_shared>>)
        tpu.yield
      }) : () -> ()
      %add3A_114 = arith.constant 440 : i32
      %add3A_115 = arith.addi %mul3A_81, %add3A_114 : i32
      %run_scoped3A_116 = arith.constant 4 : i32
      "tpu.region"() ({
        %run_scoped3A_411 = tpu.sem_alloc : memref<!tpu.dma_semaphore, #tpu.memory_space<semaphore_mem>>
        %dma_start3A_412 = arith.constant 0 : i32
        %dma_start3A_413 = arith.constant 0 : i32
        %dma_start3A_414 = tpu.memref_slice %arg9[%run_scoped3A_116, %dma_start3A_412, %dma_start3A_413] : memref<8x40x128xf32, #tpu.memory_space<vmem>> -> memref<1x40x128xf32, #tpu.memory_space<vmem>>
        %dma_start3A_415 = tpu.memref_squeeze %dma_start3A_414 : memref<1x40x128xf32, #tpu.memory_space<vmem>> -> memref<40x128xf32, #tpu.memory_space<vmem>>
        %dma_start3A_416 = arith.constant 0 : i32
        %dma_start3A_417 = tpu.memref_slice %arg10[%add3A_115, %dma_start3A_416] : memref<10240x128xf32, #tpu.memory_space<vmem_shared>> -> memref<40x128xf32, #tpu.memory_space<vmem_shared>>
        %dma_start3A_418 = arith.constant 0 : i32
        %dma_start3A_419 = tpu.memref_slice %arg10[%add3A_115, %dma_start3A_418] : memref<10240x128xf32, #tpu.memory_space<vmem_shared>> -> memref<40x128xf32, #tpu.memory_space<vmem_shared>>
        %dma_start3A_420 = arith.constant 0 : i32
        %dma_start3A_421 = arith.constant 0 : i32
        %dma_start3A_422 = tpu.memref_slice %arg9[%run_scoped3A_116, %dma_start3A_420, %dma_start3A_421] : memref<8x40x128xf32, #tpu.memory_space<vmem>> -> memref<1x40x128xf32, #tpu.memory_space<vmem>>
        %dma_start3A_423 = tpu.memref_squeeze %dma_start3A_422 : memref<1x40x128xf32, #tpu.memory_space<vmem>> -> memref<40x128xf32, #tpu.memory_space<vmem>>
        tpu.enqueue_dma source(%dma_start3A_423 : memref<40x128xf32, #tpu.memory_space<vmem>>) target(%dma_start3A_419 : memref<40x128xf32, #tpu.memory_space<vmem_shared>>) target_semaphore(%run_scoped3A_411 : memref<!tpu.dma_semaphore, #tpu.memory_space<semaphore_mem>>)
        %dma_wait3A_424 = arith.constant 0 : i32
        %dma_wait3A_425 = arith.constant 0 : i32
        %dma_wait3A_426 = tpu.memref_slice %arg9[%run_scoped3A_116, %dma_wait3A_424, %dma_wait3A_425] : memref<8x40x128xf32, #tpu.memory_space<vmem>> -> memref<1x40x128xf32, #tpu.memory_space<vmem>>
        %dma_wait3A_427 = tpu.memref_squeeze %dma_wait3A_426 : memref<1x40x128xf32, #tpu.memory_space<vmem>> -> memref<40x128xf32, #tpu.memory_space<vmem>>
        %dma_wait3A_428 = arith.constant 0 : i32
        %dma_wait3A_429 = tpu.memref_slice %arg10[%add3A_115, %dma_wait3A_428] : memref<10240x128xf32, #tpu.memory_space<vmem_shared>> -> memref<40x128xf32, #tpu.memory_space<vmem_shared>>
        %dma_wait3A_430 = arith.constant 0 : i32
        %dma_wait3A_431 = tpu.memref_slice %arg10[%add3A_115, %dma_wait3A_430] : memref<10240x128xf32, #tpu.memory_space<vmem_shared>> -> memref<40x128xf32, #tpu.memory_space<vmem_shared>>
        %dma_wait3A_432 = arith.constant 0 : i32
        %dma_wait3A_433 = arith.constant 0 : i32
        %dma_wait3A_434 = tpu.memref_slice %arg9[%run_scoped3A_116, %dma_wait3A_432, %dma_wait3A_433] : memref<8x40x128xf32, #tpu.memory_space<vmem>> -> memref<1x40x128xf32, #tpu.memory_space<vmem>>
        %dma_wait3A_435 = tpu.memref_squeeze %dma_wait3A_434 : memref<1x40x128xf32, #tpu.memory_space<vmem>> -> memref<40x128xf32, #tpu.memory_space<vmem>>
        tpu.wait_dma2 semaphore(%run_scoped3A_411 : memref<!tpu.dma_semaphore, #tpu.memory_space<semaphore_mem>>) src(%dma_wait3A_435 : memref<40x128xf32, #tpu.memory_space<vmem>>) dst(%dma_wait3A_431 : memref<40x128xf32, #tpu.memory_space<vmem_shared>>)
        tpu.yield
      }) : () -> ()
      %add3A_117 = arith.constant 480 : i32
      %add3A_118 = arith.addi %mul3A_81, %add3A_117 : i32
      %run_scoped3A_119 = arith.constant 4 : i32
      "tpu.region"() ({
        %run_scoped3A_411 = tpu.sem_alloc : memref<!tpu.dma_semaphore, #tpu.memory_space<semaphore_mem>>
        %dma_start3A_412 = arith.constant 0 : i32
        %dma_start3A_413 = arith.constant 0 : i32
        %dma_start3A_414 = tpu.memref_slice %arg9[%run_scoped3A_119, %dma_start3A_412, %dma_start3A_413] : memref<8x40x128xf32, #tpu.memory_space<vmem>> -> memref<1x40x128xf32, #tpu.memory_space<vmem>>
        %dma_start3A_415 = tpu.memref_squeeze %dma_start3A_414 : memref<1x40x128xf32, #tpu.memory_space<vmem>> -> memref<40x128xf32, #tpu.memory_space<vmem>>
        %dma_start3A_416 = arith.constant 0 : i32
        %dma_start3A_417 = tpu.memref_slice %arg10[%add3A_118, %dma_start3A_416] : memref<10240x128xf32, #tpu.memory_space<vmem_shared>> -> memref<40x128xf32, #tpu.memory_space<vmem_shared>>
        %dma_start3A_418 = arith.constant 0 : i32
        %dma_start3A_419 = tpu.memref_slice %arg10[%add3A_118, %dma_start3A_418] : memref<10240x128xf32, #tpu.memory_space<vmem_shared>> -> memref<40x128xf32, #tpu.memory_space<vmem_shared>>
        %dma_start3A_420 = arith.constant 0 : i32
        %dma_start3A_421 = arith.constant 0 : i32
        %dma_start3A_422 = tpu.memref_slice %arg9[%run_scoped3A_119, %dma_start3A_420, %dma_start3A_421] : memref<8x40x128xf32, #tpu.memory_space<vmem>> -> memref<1x40x128xf32, #tpu.memory_space<vmem>>
        %dma_start3A_423 = tpu.memref_squeeze %dma_start3A_422 : memref<1x40x128xf32, #tpu.memory_space<vmem>> -> memref<40x128xf32, #tpu.memory_space<vmem>>
        tpu.enqueue_dma source(%dma_start3A_423 : memref<40x128xf32, #tpu.memory_space<vmem>>) target(%dma_start3A_419 : memref<40x128xf32, #tpu.memory_space<vmem_shared>>) target_semaphore(%run_scoped3A_411 : memref<!tpu.dma_semaphore, #tpu.memory_space<semaphore_mem>>)
        %dma_wait3A_424 = arith.constant 0 : i32
        %dma_wait3A_425 = arith.constant 0 : i32
        %dma_wait3A_426 = tpu.memref_slice %arg9[%run_scoped3A_119, %dma_wait3A_424, %dma_wait3A_425] : memref<8x40x128xf32, #tpu.memory_space<vmem>> -> memref<1x40x128xf32, #tpu.memory_space<vmem>>
        %dma_wait3A_427 = tpu.memref_squeeze %dma_wait3A_426 : memref<1x40x128xf32, #tpu.memory_space<vmem>> -> memref<40x128xf32, #tpu.memory_space<vmem>>
        %dma_wait3A_428 = arith.constant 0 : i32
        %dma_wait3A_429 = tpu.memref_slice %arg10[%add3A_118, %dma_wait3A_428] : memref<10240x128xf32, #tpu.memory_space<vmem_shared>> -> memref<40x128xf32, #tpu.memory_space<vmem_shared>>
        %dma_wait3A_430 = arith.constant 0 : i32
        %dma_wait3A_431 = tpu.memref_slice %arg10[%add3A_118, %dma_wait3A_430] : memref<10240x128xf32, #tpu.memory_space<vmem_shared>> -> memref<40x128xf32, #tpu.memory_space<vmem_shared>>
        %dma_wait3A_432 = arith.constant 0 : i32
        %dma_wait3A_433 = arith.constant 0 : i32
        %dma_wait3A_434 = tpu.memref_slice %arg9[%run_scoped3A_119, %dma_wait3A_432, %dma_wait3A_433] : memref<8x40x128xf32, #tpu.memory_space<vmem>> -> memref<1x40x128xf32, #tpu.memory_space<vmem>>
        %dma_wait3A_435 = tpu.memref_squeeze %dma_wait3A_434 : memref<1x40x128xf32, #tpu.memory_space<vmem>> -> memref<40x128xf32, #tpu.memory_space<vmem>>
        tpu.wait_dma2 semaphore(%run_scoped3A_411 : memref<!tpu.dma_semaphore, #tpu.memory_space<semaphore_mem>>) src(%dma_wait3A_435 : memref<40x128xf32, #tpu.memory_space<vmem>>) dst(%dma_wait3A_431 : memref<40x128xf32, #tpu.memory_space<vmem_shared>>)
        tpu.yield
      }) : () -> ()
      %add3A_120 = arith.constant 520 : i32
      %add3A_121 = arith.addi %mul3A_81, %add3A_120 : i32
      %run_scoped3A_122 = arith.constant 4 : i32
      "tpu.region"() ({
        %run_scoped3A_411 = tpu.sem_alloc : memref<!tpu.dma_semaphore, #tpu.memory_space<semaphore_mem>>
        %dma_start3A_412 = arith.constant 0 : i32
        %dma_start3A_413 = arith.constant 0 : i32
        %dma_start3A_414 = tpu.memref_slice %arg9[%run_scoped3A_122, %dma_start3A_412, %dma_start3A_413] : memref<8x40x128xf32, #tpu.memory_space<vmem>> -> memref<1x40x128xf32, #tpu.memory_space<vmem>>
        %dma_start3A_415 = tpu.memref_squeeze %dma_start3A_414 : memref<1x40x128xf32, #tpu.memory_space<vmem>> -> memref<40x128xf32, #tpu.memory_space<vmem>>
        %dma_start3A_416 = arith.constant 0 : i32
        %dma_start3A_417 = tpu.memref_slice %arg10[%add3A_121, %dma_start3A_416] : memref<10240x128xf32, #tpu.memory_space<vmem_shared>> -> memref<40x128xf32, #tpu.memory_space<vmem_shared>>
        %dma_start3A_418 = arith.constant 0 : i32
        %dma_start3A_419 = tpu.memref_slice %arg10[%add3A_121, %dma_start3A_418] : memref<10240x128xf32, #tpu.memory_space<vmem_shared>> -> memref<40x128xf32, #tpu.memory_space<vmem_shared>>
        %dma_start3A_420 = arith.constant 0 : i32
        %dma_start3A_421 = arith.constant 0 : i32
        %dma_start3A_422 = tpu.memref_slice %arg9[%run_scoped3A_122, %dma_start3A_420, %dma_start3A_421] : memref<8x40x128xf32, #tpu.memory_space<vmem>> -> memref<1x40x128xf32, #tpu.memory_space<vmem>>
        %dma_start3A_423 = tpu.memref_squeeze %dma_start3A_422 : memref<1x40x128xf32, #tpu.memory_space<vmem>> -> memref<40x128xf32, #tpu.memory_space<vmem>>
        tpu.enqueue_dma source(%dma_start3A_423 : memref<40x128xf32, #tpu.memory_space<vmem>>) target(%dma_start3A_419 : memref<40x128xf32, #tpu.memory_space<vmem_shared>>) target_semaphore(%run_scoped3A_411 : memref<!tpu.dma_semaphore, #tpu.memory_space<semaphore_mem>>)
        %dma_wait3A_424 = arith.constant 0 : i32
        %dma_wait3A_425 = arith.constant 0 : i32
        %dma_wait3A_426 = tpu.memref_slice %arg9[%run_scoped3A_122, %dma_wait3A_424, %dma_wait3A_425] : memref<8x40x128xf32, #tpu.memory_space<vmem>> -> memref<1x40x128xf32, #tpu.memory_space<vmem>>
        %dma_wait3A_427 = tpu.memref_squeeze %dma_wait3A_426 : memref<1x40x128xf32, #tpu.memory_space<vmem>> -> memref<40x128xf32, #tpu.memory_space<vmem>>
        %dma_wait3A_428 = arith.constant 0 : i32
        %dma_wait3A_429 = tpu.memref_slice %arg10[%add3A_121, %dma_wait3A_428] : memref<10240x128xf32, #tpu.memory_space<vmem_shared>> -> memref<40x128xf32, #tpu.memory_space<vmem_shared>>
        %dma_wait3A_430 = arith.constant 0 : i32
        %dma_wait3A_431 = tpu.memref_slice %arg10[%add3A_121, %dma_wait3A_430] : memref<10240x128xf32, #tpu.memory_space<vmem_shared>> -> memref<40x128xf32, #tpu.memory_space<vmem_shared>>
        %dma_wait3A_432 = arith.constant 0 : i32
        %dma_wait3A_433 = arith.constant 0 : i32
        %dma_wait3A_434 = tpu.memref_slice %arg9[%run_scoped3A_122, %dma_wait3A_432, %dma_wait3A_433] : memref<8x40x128xf32, #tpu.memory_space<vmem>> -> memref<1x40x128xf32, #tpu.memory_space<vmem>>
        %dma_wait3A_435 = tpu.memref_squeeze %dma_wait3A_434 : memref<1x40x128xf32, #tpu.memory_space<vmem>> -> memref<40x128xf32, #tpu.memory_space<vmem>>
        tpu.wait_dma2 semaphore(%run_scoped3A_411 : memref<!tpu.dma_semaphore, #tpu.memory_space<semaphore_mem>>) src(%dma_wait3A_435 : memref<40x128xf32, #tpu.memory_space<vmem>>) dst(%dma_wait3A_431 : memref<40x128xf32, #tpu.memory_space<vmem_shared>>)
        tpu.yield
      }) : () -> ()
      %add3A_123 = arith.constant 560 : i32
      %add3A_124 = arith.addi %mul3A_81, %add3A_123 : i32
      %run_scoped3A_125 = arith.constant 4 : i32
      "tpu.region"() ({
        %run_scoped3A_411 = tpu.sem_alloc : memref<!tpu.dma_semaphore, #tpu.memory_space<semaphore_mem>>
        %dma_start3A_412 = arith.constant 0 : i32
        %dma_start3A_413 = arith.constant 0 : i32
        %dma_start3A_414 = tpu.memref_slice %arg9[%run_scoped3A_125, %dma_start3A_412, %dma_start3A_413] : memref<8x40x128xf32, #tpu.memory_space<vmem>> -> memref<1x40x128xf32, #tpu.memory_space<vmem>>
        %dma_start3A_415 = tpu.memref_squeeze %dma_start3A_414 : memref<1x40x128xf32, #tpu.memory_space<vmem>> -> memref<40x128xf32, #tpu.memory_space<vmem>>
        %dma_start3A_416 = arith.constant 0 : i32
        %dma_start3A_417 = tpu.memref_slice %arg10[%add3A_124, %dma_start3A_416] : memref<10240x128xf32, #tpu.memory_space<vmem_shared>> -> memref<40x128xf32, #tpu.memory_space<vmem_shared>>
        %dma_start3A_418 = arith.constant 0 : i32
        %dma_start3A_419 = tpu.memref_slice %arg10[%add3A_124, %dma_start3A_418] : memref<10240x128xf32, #tpu.memory_space<vmem_shared>> -> memref<40x128xf32, #tpu.memory_space<vmem_shared>>
        %dma_start3A_420 = arith.constant 0 : i32
        %dma_start3A_421 = arith.constant 0 : i32
        %dma_start3A_422 = tpu.memref_slice %arg9[%run_scoped3A_125, %dma_start3A_420, %dma_start3A_421] : memref<8x40x128xf32, #tpu.memory_space<vmem>> -> memref<1x40x128xf32, #tpu.memory_space<vmem>>
        %dma_start3A_423 = tpu.memref_squeeze %dma_start3A_422 : memref<1x40x128xf32, #tpu.memory_space<vmem>> -> memref<40x128xf32, #tpu.memory_space<vmem>>
        tpu.enqueue_dma source(%dma_start3A_423 : memref<40x128xf32, #tpu.memory_space<vmem>>) target(%dma_start3A_419 : memref<40x128xf32, #tpu.memory_space<vmem_shared>>) target_semaphore(%run_scoped3A_411 : memref<!tpu.dma_semaphore, #tpu.memory_space<semaphore_mem>>)
        %dma_wait3A_424 = arith.constant 0 : i32
        %dma_wait3A_425 = arith.constant 0 : i32
        %dma_wait3A_426 = tpu.memref_slice %arg9[%run_scoped3A_125, %dma_wait3A_424, %dma_wait3A_425] : memref<8x40x128xf32, #tpu.memory_space<vmem>> -> memref<1x40x128xf32, #tpu.memory_space<vmem>>
        %dma_wait3A_427 = tpu.memref_squeeze %dma_wait3A_426 : memref<1x40x128xf32, #tpu.memory_space<vmem>> -> memref<40x128xf32, #tpu.memory_space<vmem>>
        %dma_wait3A_428 = arith.constant 0 : i32
        %dma_wait3A_429 = tpu.memref_slice %arg10[%add3A_124, %dma_wait3A_428] : memref<10240x128xf32, #tpu.memory_space<vmem_shared>> -> memref<40x128xf32, #tpu.memory_space<vmem_shared>>
        %dma_wait3A_430 = arith.constant 0 : i32
        %dma_wait3A_431 = tpu.memref_slice %arg10[%add3A_124, %dma_wait3A_430] : memref<10240x128xf32, #tpu.memory_space<vmem_shared>> -> memref<40x128xf32, #tpu.memory_space<vmem_shared>>
        %dma_wait3A_432 = arith.constant 0 : i32
        %dma_wait3A_433 = arith.constant 0 : i32
        %dma_wait3A_434 = tpu.memref_slice %arg9[%run_scoped3A_125, %dma_wait3A_432, %dma_wait3A_433] : memref<8x40x128xf32, #tpu.memory_space<vmem>> -> memref<1x40x128xf32, #tpu.memory_space<vmem>>
        %dma_wait3A_435 = tpu.memref_squeeze %dma_wait3A_434 : memref<1x40x128xf32, #tpu.memory_space<vmem>> -> memref<40x128xf32, #tpu.memory_space<vmem>>
        tpu.wait_dma2 semaphore(%run_scoped3A_411 : memref<!tpu.dma_semaphore, #tpu.memory_space<semaphore_mem>>) src(%dma_wait3A_435 : memref<40x128xf32, #tpu.memory_space<vmem>>) dst(%dma_wait3A_431 : memref<40x128xf32, #tpu.memory_space<vmem_shared>>)
        tpu.yield
      }) : () -> ()
      %add3A_126 = arith.constant 600 : i32
      %add3A_127 = arith.addi %mul3A_81, %add3A_126 : i32
      %run_scoped3A_128 = arith.constant 4 : i32
      "tpu.region"() ({
        %run_scoped3A_411 = tpu.sem_alloc : memref<!tpu.dma_semaphore, #tpu.memory_space<semaphore_mem>>
        %dma_start3A_412 = arith.constant 0 : i32
        %dma_start3A_413 = arith.constant 0 : i32
        %dma_start3A_414 = tpu.memref_slice %arg9[%run_scoped3A_128, %dma_start3A_412, %dma_start3A_413] : memref<8x40x128xf32, #tpu.memory_space<vmem>> -> memref<1x40x128xf32, #tpu.memory_space<vmem>>
        %dma_start3A_415 = tpu.memref_squeeze %dma_start3A_414 : memref<1x40x128xf32, #tpu.memory_space<vmem>> -> memref<40x128xf32, #tpu.memory_space<vmem>>
        %dma_start3A_416 = arith.constant 0 : i32
        %dma_start3A_417 = tpu.memref_slice %arg10[%add3A_127, %dma_start3A_416] : memref<10240x128xf32, #tpu.memory_space<vmem_shared>> -> memref<40x128xf32, #tpu.memory_space<vmem_shared>>
        %dma_start3A_418 = arith.constant 0 : i32
        %dma_start3A_419 = tpu.memref_slice %arg10[%add3A_127, %dma_start3A_418] : memref<10240x128xf32, #tpu.memory_space<vmem_shared>> -> memref<40x128xf32, #tpu.memory_space<vmem_shared>>
        %dma_start3A_420 = arith.constant 0 : i32
        %dma_start3A_421 = arith.constant 0 : i32
        %dma_start3A_422 = tpu.memref_slice %arg9[%run_scoped3A_128, %dma_start3A_420, %dma_start3A_421] : memref<8x40x128xf32, #tpu.memory_space<vmem>> -> memref<1x40x128xf32, #tpu.memory_space<vmem>>
        %dma_start3A_423 = tpu.memref_squeeze %dma_start3A_422 : memref<1x40x128xf32, #tpu.memory_space<vmem>> -> memref<40x128xf32, #tpu.memory_space<vmem>>
        tpu.enqueue_dma source(%dma_start3A_423 : memref<40x128xf32, #tpu.memory_space<vmem>>) target(%dma_start3A_419 : memref<40x128xf32, #tpu.memory_space<vmem_shared>>) target_semaphore(%run_scoped3A_411 : memref<!tpu.dma_semaphore, #tpu.memory_space<semaphore_mem>>)
        %dma_wait3A_424 = arith.constant 0 : i32
        %dma_wait3A_425 = arith.constant 0 : i32
        %dma_wait3A_426 = tpu.memref_slice %arg9[%run_scoped3A_128, %dma_wait3A_424, %dma_wait3A_425] : memref<8x40x128xf32, #tpu.memory_space<vmem>> -> memref<1x40x128xf32, #tpu.memory_space<vmem>>
        %dma_wait3A_427 = tpu.memref_squeeze %dma_wait3A_426 : memref<1x40x128xf32, #tpu.memory_space<vmem>> -> memref<40x128xf32, #tpu.memory_space<vmem>>
        %dma_wait3A_428 = arith.constant 0 : i32
        %dma_wait3A_429 = tpu.memref_slice %arg10[%add3A_127, %dma_wait3A_428] : memref<10240x128xf32, #tpu.memory_space<vmem_shared>> -> memref<40x128xf32, #tpu.memory_space<vmem_shared>>
        %dma_wait3A_430 = arith.constant 0 : i32
        %dma_wait3A_431 = tpu.memref_slice %arg10[%add3A_127, %dma_wait3A_430] : memref<10240x128xf32, #tpu.memory_space<vmem_shared>> -> memref<40x128xf32, #tpu.memory_space<vmem_shared>>
        %dma_wait3A_432 = arith.constant 0 : i32
        %dma_wait3A_433 = arith.constant 0 : i32
        %dma_wait3A_434 = tpu.memref_slice %arg9[%run_scoped3A_128, %dma_wait3A_432, %dma_wait3A_433] : memref<8x40x128xf32, #tpu.memory_space<vmem>> -> memref<1x40x128xf32, #tpu.memory_space<vmem>>
        %dma_wait3A_435 = tpu.memref_squeeze %dma_wait3A_434 : memref<1x40x128xf32, #tpu.memory_space<vmem>> -> memref<40x128xf32, #tpu.memory_space<vmem>>
        tpu.wait_dma2 semaphore(%run_scoped3A_411 : memref<!tpu.dma_semaphore, #tpu.memory_space<semaphore_mem>>) src(%dma_wait3A_435 : memref<40x128xf32, #tpu.memory_space<vmem>>) dst(%dma_wait3A_431 : memref<40x128xf32, #tpu.memory_space<vmem_shared>>)
        tpu.yield
      }) : () -> ()
      %barrier3A = arith.constant 0 : index
      tpu.barrier barrier_id(%barrier3A)
      %scan3A_129 = arith.constant 0 : i32
      %scan3A_130 = arith.constant 0 : i32
      %scan3A_131 = arith.constant 62 : i32
      %scan3A_132 = arith.addi %scan3A_130, %scan3A_131 : i32
      %scan3A_133 = arith.constant 1 : i32
      scf.for %scan3A_411 = %scan3A_130 to %scan3A_132 step %scan3A_133  : i32 {
        %mul3A_412 = arith.constant 2 : i32
        %mul3A_413 = arith.muli %mul3A_412, %scan3A_411 : i32
        %gt3A = arith.constant 0 : i32
        %gt3A_414 = arith.cmpi sgt, %mul3A_413, %gt3A : i32
        %convert_element_type3A_415 = arith.extui %gt3A_414 : i1 to i32
        %cond3A_416 = arith.constant 0 : i32
        %cond3A_417 = arith.cmpi ne, %convert_element_type3A_415, %cond3A_416 : i32
        scf.if %cond3A_417 {
          %dma_wait3A_702 = arith.constant 4 : i32
          %dma_wait3A_703 = arith.constant 0 : i32
          %dma_wait3A_704 = arith.constant 0 : i32
          %dma_wait3A_705 = arith.constant 4 : i32
          %dma_wait3A_706 = arith.constant 0 : i32
          %dma_wait3A_707 = arith.constant 0 : i32
          %dma_wait3A_708 = tpu.memref_slice %arg9[%dma_wait3A_702, %dma_wait3A_706, %dma_wait3A_707] : memref<8x40x128xf32, #tpu.memory_space<vmem>> -> memref<1x40x128xf32, #tpu.memory_space<vmem>>
          %dma_wait3A_709 = tpu.memref_squeeze %dma_wait3A_708 : memref<1x40x128xf32, #tpu.memory_space<vmem>> -> memref<40x128xf32, #tpu.memory_space<vmem>>
          %dma_wait3A_710 = arith.constant 0 : i32
          %dma_wait3A_711 = tpu.memref_slice %arg8[%dma_wait3A_703, %dma_wait3A_704, %dma_wait3A_710] : memref<2x4x40xi32, #tpu.memory_space<vmem>> -> memref<1x1x40xi32, #tpu.memory_space<vmem>>
          %dma_wait3A_712 = tpu.memref_squeeze %dma_wait3A_711 : memref<1x1x40xi32, #tpu.memory_space<vmem>> -> memref<40xi32, #tpu.memory_space<vmem>>
          %dma_wait3A_713 = arith.constant 0 : i32
          %dma_wait3A_714 = arith.constant 0 : i32
          %dma_wait3A_715 = tpu.memref_slice %arg10[%dma_wait3A_713, %dma_wait3A_714] : memref<10240x128xf32, #tpu.memory_space<vmem_shared>> -> memref<10240x128xf32, #tpu.memory_space<vmem_shared>>
          %dma_wait3A_716 = tpu.memref_slice %arg13[%dma_wait3A_705] : memref<8x!tpu.dma_semaphore, #tpu.memory_space<semaphore_mem>> -> memref<1x!tpu.dma_semaphore, #tpu.memory_space<semaphore_mem>>
          %dma_wait3A_717 = tpu.memref_squeeze %dma_wait3A_716 : memref<1x!tpu.dma_semaphore, #tpu.memory_space<semaphore_mem>> -> memref<!tpu.dma_semaphore, #tpu.memory_space<semaphore_mem>>
          tpu.wait_indirect_dma semaphore(%dma_wait3A_717 : memref<!tpu.dma_semaphore, #tpu.memory_space<semaphore_mem>>) src(%dma_wait3A_709 : memref<40x128xf32, #tpu.memory_space<vmem>>) dst(%dma_wait3A_715 : memref<10240x128xf32, #tpu.memory_space<vmem_shared>>)
          %dma_wait3A_718 = arith.constant 5 : i32
          %dma_wait3A_719 = arith.constant 0 : i32
          %dma_wait3A_720 = arith.constant 0 : i32
          %dma_wait3A_721 = arith.constant 5 : i32
          %dma_wait3A_722 = arith.constant 0 : i32
          %dma_wait3A_723 = arith.constant 0 : i32
          %dma_wait3A_724 = tpu.memref_slice %arg9[%dma_wait3A_718, %dma_wait3A_722, %dma_wait3A_723] : memref<8x40x128xf32, #tpu.memory_space<vmem>> -> memref<1x40x128xf32, #tpu.memory_space<vmem>>
          %dma_wait3A_725 = tpu.memref_squeeze %dma_wait3A_724 : memref<1x40x128xf32, #tpu.memory_space<vmem>> -> memref<40x128xf32, #tpu.memory_space<vmem>>
          %dma_wait3A_726 = arith.constant 0 : i32
          %dma_wait3A_727 = tpu.memref_slice %arg8[%dma_wait3A_719, %dma_wait3A_720, %dma_wait3A_726] : memref<2x4x40xi32, #tpu.memory_space<vmem>> -> memref<1x1x40xi32, #tpu.memory_space<vmem>>
          %dma_wait3A_728 = tpu.memref_squeeze %dma_wait3A_727 : memref<1x1x40xi32, #tpu.memory_space<vmem>> -> memref<40xi32, #tpu.memory_space<vmem>>
          %dma_wait3A_729 = arith.constant 0 : i32
          %dma_wait3A_730 = arith.constant 0 : i32
          %dma_wait3A_731 = tpu.memref_slice %arg10[%dma_wait3A_729, %dma_wait3A_730] : memref<10240x128xf32, #tpu.memory_space<vmem_shared>> -> memref<10240x128xf32, #tpu.memory_space<vmem_shared>>
          %dma_wait3A_732 = tpu.memref_slice %arg13[%dma_wait3A_721] : memref<8x!tpu.dma_semaphore, #tpu.memory_space<semaphore_mem>> -> memref<1x!tpu.dma_semaphore, #tpu.memory_space<semaphore_mem>>
          %dma_wait3A_733 = tpu.memref_squeeze %dma_wait3A_732 : memref<1x!tpu.dma_semaphore, #tpu.memory_space<semaphore_mem>> -> memref<!tpu.dma_semaphore, #tpu.memory_space<semaphore_mem>>
          tpu.wait_indirect_dma semaphore(%dma_wait3A_733 : memref<!tpu.dma_semaphore, #tpu.memory_space<semaphore_mem>>) src(%dma_wait3A_725 : memref<40x128xf32, #tpu.memory_space<vmem>>) dst(%dma_wait3A_731 : memref<10240x128xf32, #tpu.memory_space<vmem_shared>>)
          %dma_wait3A_734 = arith.constant 6 : i32
          %dma_wait3A_735 = arith.constant 0 : i32
          %dma_wait3A_736 = arith.constant 0 : i32
          %dma_wait3A_737 = arith.constant 6 : i32
          %dma_wait3A_738 = arith.constant 0 : i32
          %dma_wait3A_739 = arith.constant 0 : i32
          %dma_wait3A_740 = tpu.memref_slice %arg9[%dma_wait3A_734, %dma_wait3A_738, %dma_wait3A_739] : memref<8x40x128xf32, #tpu.memory_space<vmem>> -> memref<1x40x128xf32, #tpu.memory_space<vmem>>
          %dma_wait3A_741 = tpu.memref_squeeze %dma_wait3A_740 : memref<1x40x128xf32, #tpu.memory_space<vmem>> -> memref<40x128xf32, #tpu.memory_space<vmem>>
          %dma_wait3A_742 = arith.constant 0 : i32
          %dma_wait3A_743 = tpu.memref_slice %arg8[%dma_wait3A_735, %dma_wait3A_736, %dma_wait3A_742] : memref<2x4x40xi32, #tpu.memory_space<vmem>> -> memref<1x1x40xi32, #tpu.memory_space<vmem>>
          %dma_wait3A_744 = tpu.memref_squeeze %dma_wait3A_743 : memref<1x1x40xi32, #tpu.memory_space<vmem>> -> memref<40xi32, #tpu.memory_space<vmem>>
          %dma_wait3A_745 = arith.constant 0 : i32
          %dma_wait3A_746 = arith.constant 0 : i32
          %dma_wait3A_747 = tpu.memref_slice %arg10[%dma_wait3A_745, %dma_wait3A_746] : memref<10240x128xf32, #tpu.memory_space<vmem_shared>> -> memref<10240x128xf32, #tpu.memory_space<vmem_shared>>
          %dma_wait3A_748 = tpu.memref_slice %arg13[%dma_wait3A_737] : memref<8x!tpu.dma_semaphore, #tpu.memory_space<semaphore_mem>> -> memref<1x!tpu.dma_semaphore, #tpu.memory_space<semaphore_mem>>
          %dma_wait3A_749 = tpu.memref_squeeze %dma_wait3A_748 : memref<1x!tpu.dma_semaphore, #tpu.memory_space<semaphore_mem>> -> memref<!tpu.dma_semaphore, #tpu.memory_space<semaphore_mem>>
          tpu.wait_indirect_dma semaphore(%dma_wait3A_749 : memref<!tpu.dma_semaphore, #tpu.memory_space<semaphore_mem>>) src(%dma_wait3A_741 : memref<40x128xf32, #tpu.memory_space<vmem>>) dst(%dma_wait3A_747 : memref<10240x128xf32, #tpu.memory_space<vmem_shared>>)
          %dma_wait3A_750 = arith.constant 7 : i32
          %dma_wait3A_751 = arith.constant 0 : i32
          %dma_wait3A_752 = arith.constant 0 : i32
          %dma_wait3A_753 = arith.constant 7 : i32
          %dma_wait3A_754 = arith.constant 0 : i32
          %dma_wait3A_755 = arith.constant 0 : i32
          %dma_wait3A_756 = tpu.memref_slice %arg9[%dma_wait3A_750, %dma_wait3A_754, %dma_wait3A_755] : memref<8x40x128xf32, #tpu.memory_space<vmem>> -> memref<1x40x128xf32, #tpu.memory_space<vmem>>
          %dma_wait3A_757 = tpu.memref_squeeze %dma_wait3A_756 : memref<1x40x128xf32, #tpu.memory_space<vmem>> -> memref<40x128xf32, #tpu.memory_space<vmem>>
          %dma_wait3A_758 = arith.constant 0 : i32
          %dma_wait3A_759 = tpu.memref_slice %arg8[%dma_wait3A_751, %dma_wait3A_752, %dma_wait3A_758] : memref<2x4x40xi32, #tpu.memory_space<vmem>> -> memref<1x1x40xi32, #tpu.memory_space<vmem>>
          %dma_wait3A_760 = tpu.memref_squeeze %dma_wait3A_759 : memref<1x1x40xi32, #tpu.memory_space<vmem>> -> memref<40xi32, #tpu.memory_space<vmem>>
          %dma_wait3A_761 = arith.constant 0 : i32
          %dma_wait3A_762 = arith.constant 0 : i32
          %dma_wait3A_763 = tpu.memref_slice %arg10[%dma_wait3A_761, %dma_wait3A_762] : memref<10240x128xf32, #tpu.memory_space<vmem_shared>> -> memref<10240x128xf32, #tpu.memory_space<vmem_shared>>
          %dma_wait3A_764 = tpu.memref_slice %arg13[%dma_wait3A_753] : memref<8x!tpu.dma_semaphore, #tpu.memory_space<semaphore_mem>> -> memref<1x!tpu.dma_semaphore, #tpu.memory_space<semaphore_mem>>
          %dma_wait3A_765 = tpu.memref_squeeze %dma_wait3A_764 : memref<1x!tpu.dma_semaphore, #tpu.memory_space<semaphore_mem>> -> memref<!tpu.dma_semaphore, #tpu.memory_space<semaphore_mem>>
          tpu.wait_indirect_dma semaphore(%dma_wait3A_765 : memref<!tpu.dma_semaphore, #tpu.memory_space<semaphore_mem>>) src(%dma_wait3A_757 : memref<40x128xf32, #tpu.memory_space<vmem>>) dst(%dma_wait3A_763 : memref<10240x128xf32, #tpu.memory_space<vmem_shared>>)
        } else {
        }
        %lt3A = arith.constant 124 : i32
        %lt3A_418 = arith.cmpi slt, %mul3A_413, %lt3A : i32
        %convert_element_type3A_419 = arith.extui %lt3A_418 : i1 to i32
        %cond3A_420 = arith.constant 0 : i32
        %cond3A_421 = arith.cmpi ne, %convert_element_type3A_419, %cond3A_420 : i32
        scf.if %cond3A_421 {
          %add3A_702 = arith.constant 1 : i32
          %add3A_703 = arith.addi %mul3A_413, %add3A_702 : i32
          %mul3A_704 = arith.constant 4 : i32
          %mul3A_705 = arith.muli %add3A_703, %mul3A_704 : i32
          %add3A_706 = arith.addi %mul3A_0, %mul3A_705 : i32
          %dma_start3A_707 = arith.constant 0 : i32
          %dma_start3A_708 = arith.constant 1 : i32
          %dma_start3A_709 = arith.constant 0 : i32
          %dma_start3A_710 = arith.constant 0 : i32
          %dma_start3A_711 = arith.constant 0 : i32
          %dma_start3A_712 = tpu.memref_slice %arg7[%dma_start3A_708, %dma_start3A_710, %dma_start3A_711] : memref<2x4x40xi32, #tpu.memory_space<vmem>> -> memref<1x4x40xi32, #tpu.memory_space<vmem>>
          %dma_start3A_713 = tpu.memref_squeeze %dma_start3A_712 : memref<1x4x40xi32, #tpu.memory_space<vmem>> -> memref<4x40xi32, #tpu.memory_space<vmem>>
          %dma_start3A_714 = arith.constant 0 : i32
          %dma_start3A_715 = tpu.memref_slice %arg4[%dma_start3A_707, %add3A_706, %dma_start3A_714] : memref<2x8000x40xi32, #tpu.memory_space<hbm>> -> memref<1x4x40xi32, #tpu.memory_space<hbm>>
          %dma_start3A_716 = tpu.memref_squeeze %dma_start3A_715 : memref<1x4x40xi32, #tpu.memory_space<hbm>> -> memref<4x40xi32, #tpu.memory_space<hbm>>
          %dma_start3A_717 = tpu.memref_slice %arg11[%dma_start3A_709] : memref<2x!tpu.dma_semaphore, #tpu.memory_space<semaphore_mem>> -> memref<1x!tpu.dma_semaphore, #tpu.memory_space<semaphore_mem>>
          %dma_start3A_718 = tpu.memref_squeeze %dma_start3A_717 : memref<1x!tpu.dma_semaphore, #tpu.memory_space<semaphore_mem>> -> memref<!tpu.dma_semaphore, #tpu.memory_space<semaphore_mem>>
          %dma_start3A_719 = arith.constant 0 : i32
          %dma_start3A_720 = arith.constant 0 : i32
          %dma_start3A_721 = tpu.memref_slice %arg7[%dma_start3A_708, %dma_start3A_719, %dma_start3A_720] : memref<2x4x40xi32, #tpu.memory_space<vmem>> -> memref<1x4x40xi32, #tpu.memory_space<vmem>>
          %dma_start3A_722 = tpu.memref_squeeze %dma_start3A_721 : memref<1x4x40xi32, #tpu.memory_space<vmem>> -> memref<4x40xi32, #tpu.memory_space<vmem>>
          %dma_start3A_723 = arith.constant 0 : i32
          %dma_start3A_724 = tpu.memref_slice %arg4[%dma_start3A_707, %add3A_706, %dma_start3A_723] : memref<2x8000x40xi32, #tpu.memory_space<hbm>> -> memref<1x4x40xi32, #tpu.memory_space<hbm>>
          %dma_start3A_725 = tpu.memref_squeeze %dma_start3A_724 : memref<1x4x40xi32, #tpu.memory_space<hbm>> -> memref<4x40xi32, #tpu.memory_space<hbm>>
          tpu.enqueue_dma source(%dma_start3A_725 : memref<4x40xi32, #tpu.memory_space<hbm>>) target(%dma_start3A_722 : memref<4x40xi32, #tpu.memory_space<vmem>>) target_semaphore(%dma_start3A_718 : memref<!tpu.dma_semaphore, #tpu.memory_space<semaphore_mem>>)
          %dma_start3A_726 = arith.constant 1 : i32
          %dma_start3A_727 = arith.constant 1 : i32
          %dma_start3A_728 = arith.constant 1 : i32
          %dma_start3A_729 = arith.constant 0 : i32
          %dma_start3A_730 = arith.constant 0 : i32
          %dma_start3A_731 = tpu.memref_slice %arg8[%dma_start3A_727, %dma_start3A_729, %dma_start3A_730] : memref<2x4x40xi32, #tpu.memory_space<vmem>> -> memref<1x4x40xi32, #tpu.memory_space<vmem>>
          %dma_start3A_732 = tpu.memref_squeeze %dma_start3A_731 : memref<1x4x40xi32, #tpu.memory_space<vmem>> -> memref<4x40xi32, #tpu.memory_space<vmem>>
          %dma_start3A_733 = arith.constant 0 : i32
          %dma_start3A_734 = tpu.memref_slice %arg4[%dma_start3A_726, %add3A_706, %dma_start3A_733] : memref<2x8000x40xi32, #tpu.memory_space<hbm>> -> memref<1x4x40xi32, #tpu.memory_space<hbm>>
          %dma_start3A_735 = tpu.memref_squeeze %dma_start3A_734 : memref<1x4x40xi32, #tpu.memory_space<hbm>> -> memref<4x40xi32, #tpu.memory_space<hbm>>
          %dma_start3A_736 = tpu.memref_slice %arg11[%dma_start3A_728] : memref<2x!tpu.dma_semaphore, #tpu.memory_space<semaphore_mem>> -> memref<1x!tpu.dma_semaphore, #tpu.memory_space<semaphore_mem>>
          %dma_start3A_737 = tpu.memref_squeeze %dma_start3A_736 : memref<1x!tpu.dma_semaphore, #tpu.memory_space<semaphore_mem>> -> memref<!tpu.dma_semaphore, #tpu.memory_space<semaphore_mem>>
          %dma_start3A_738 = arith.constant 0 : i32
          %dma_start3A_739 = arith.constant 0 : i32
          %dma_start3A_740 = tpu.memref_slice %arg8[%dma_start3A_727, %dma_start3A_738, %dma_start3A_739] : memref<2x4x40xi32, #tpu.memory_space<vmem>> -> memref<1x4x40xi32, #tpu.memory_space<vmem>>
          %dma_start3A_741 = tpu.memref_squeeze %dma_start3A_740 : memref<1x4x40xi32, #tpu.memory_space<vmem>> -> memref<4x40xi32, #tpu.memory_space<vmem>>
          %dma_start3A_742 = arith.constant 0 : i32
          %dma_start3A_743 = tpu.memref_slice %arg4[%dma_start3A_726, %add3A_706, %dma_start3A_742] : memref<2x8000x40xi32, #tpu.memory_space<hbm>> -> memref<1x4x40xi32, #tpu.memory_space<hbm>>
          %dma_start3A_744 = tpu.memref_squeeze %dma_start3A_743 : memref<1x4x40xi32, #tpu.memory_space<hbm>> -> memref<4x40xi32, #tpu.memory_space<hbm>>
          tpu.enqueue_dma source(%dma_start3A_744 : memref<4x40xi32, #tpu.memory_space<hbm>>) target(%dma_start3A_741 : memref<4x40xi32, #tpu.memory_space<vmem>>) target_semaphore(%dma_start3A_737 : memref<!tpu.dma_semaphore, #tpu.memory_space<semaphore_mem>>)
        } else {
        }
        %dma_wait3A_422 = arith.constant 0 : i32
        %dma_wait3A_423 = arith.constant 0 : i32
        %dma_wait3A_424 = arith.constant 0 : i32
        %dma_wait3A_425 = arith.constant 0 : i32
        %dma_wait3A_426 = arith.constant 0 : i32
        %dma_wait3A_427 = arith.constant 0 : i32
        %dma_wait3A_428 = tpu.memref_slice %arg9[%dma_wait3A_424, %dma_wait3A_426, %dma_wait3A_427] : memref<8x40x128xf32, #tpu.memory_space<vmem>> -> memref<1x40x128xf32, #tpu.memory_space<vmem>>
        %dma_wait3A_429 = tpu.memref_squeeze %dma_wait3A_428 : memref<1x40x128xf32, #tpu.memory_space<vmem>> -> memref<40x128xf32, #tpu.memory_space<vmem>>
        %dma_wait3A_430 = arith.constant 0 : i32
        %dma_wait3A_431 = tpu.memref_slice %arg7[%dma_wait3A_422, %dma_wait3A_423, %dma_wait3A_430] : memref<2x4x40xi32, #tpu.memory_space<vmem>> -> memref<1x1x40xi32, #tpu.memory_space<vmem>>
        %dma_wait3A_432 = tpu.memref_squeeze %dma_wait3A_431 : memref<1x1x40xi32, #tpu.memory_space<vmem>> -> memref<40xi32, #tpu.memory_space<vmem>>
        %dma_wait3A_433 = arith.constant 0 : i32
        %dma_wait3A_434 = arith.constant 0 : i32
        %dma_wait3A_435 = tpu.memref_slice %arg3[%dma_wait3A_433, %dma_wait3A_434] : memref<10000x128xf32, #tpu.memory_space<hbm>> -> memref<10000x128xf32, #tpu.memory_space<hbm>>
        %dma_wait3A_436 = tpu.memref_slice %arg12[%dma_wait3A_425] : memref<8x!tpu.dma_semaphore, #tpu.memory_space<semaphore_mem>> -> memref<1x!tpu.dma_semaphore, #tpu.memory_space<semaphore_mem>>
        %dma_wait3A_437 = tpu.memref_squeeze %dma_wait3A_436 : memref<1x!tpu.dma_semaphore, #tpu.memory_space<semaphore_mem>> -> memref<!tpu.dma_semaphore, #tpu.memory_space<semaphore_mem>>
        tpu.wait_indirect_dma semaphore(%dma_wait3A_437 : memref<!tpu.dma_semaphore, #tpu.memory_space<semaphore_mem>>) src(%dma_wait3A_435 : memref<10000x128xf32, #tpu.memory_space<hbm>>) dst(%dma_wait3A_429 : memref<40x128xf32, #tpu.memory_space<vmem>>)
        %dma_start3A_438 = arith.constant 0 : i32
        %dma_start3A_439 = arith.constant 0 : i32
        %dma_start3A_440 = arith.constant 0 : i32
        %dma_start3A_441 = arith.constant 0 : i32
        %dma_start3A_442 = arith.constant 0 : i32
        %dma_start3A_443 = arith.constant 0 : i32
        %dma_start3A_444 = tpu.memref_slice %arg9[%dma_start3A_438, %dma_start3A_442, %dma_start3A_443] : memref<8x40x128xf32, #tpu.memory_space<vmem>> -> memref<1x40x128xf32, #tpu.memory_space<vmem>>
        %dma_start3A_445 = tpu.memref_squeeze %dma_start3A_444 : memref<1x40x128xf32, #tpu.memory_space<vmem>> -> memref<40x128xf32, #tpu.memory_space<vmem>>
        %dma_start3A_446 = arith.constant 0 : i32
        %dma_start3A_447 = tpu.memref_slice %arg8[%dma_start3A_439, %dma_start3A_440, %dma_start3A_446] : memref<2x4x40xi32, #tpu.memory_space<vmem>> -> memref<1x1x40xi32, #tpu.memory_space<vmem>>
        %dma_start3A_448 = tpu.memref_squeeze %dma_start3A_447 : memref<1x1x40xi32, #tpu.memory_space<vmem>> -> memref<40xi32, #tpu.memory_space<vmem>>
        %dma_start3A_449 = arith.constant 0 : i32
        %dma_start3A_450 = arith.constant 0 : i32
        %dma_start3A_451 = tpu.memref_slice %arg10[%dma_start3A_449, %dma_start3A_450] : memref<10240x128xf32, #tpu.memory_space<vmem_shared>> -> memref<10240x128xf32, #tpu.memory_space<vmem_shared>>
        %dma_start3A_452 = tpu.memref_slice %arg13[%dma_start3A_441] : memref<8x!tpu.dma_semaphore, #tpu.memory_space<semaphore_mem>> -> memref<1x!tpu.dma_semaphore, #tpu.memory_space<semaphore_mem>>
        %dma_start3A_453 = tpu.memref_squeeze %dma_start3A_452 : memref<1x!tpu.dma_semaphore, #tpu.memory_space<semaphore_mem>> -> memref<!tpu.dma_semaphore, #tpu.memory_space<semaphore_mem>>
        tpu.enqueue_indirect_dma source(%dma_start3A_445 : memref<40x128xf32, #tpu.memory_space<vmem>>) target(%dma_start3A_451 : memref<10240x128xf32, #tpu.memory_space<vmem_shared>>) offsets(%dma_start3A_448 : memref<40xi32, #tpu.memory_space<vmem>>) semaphore(%dma_start3A_453 : memref<!tpu.dma_semaphore, #tpu.memory_space<semaphore_mem>>) {add = true}
        %dma_wait3A_454 = arith.constant 0 : i32
        %dma_wait3A_455 = arith.constant 0 : i32
        %dma_wait3A_456 = arith.constant 1 : i32
        %dma_wait3A_457 = arith.constant 1 : i32
        %dma_wait3A_458 = arith.constant 0 : i32
        %dma_wait3A_459 = arith.constant 0 : i32
        %dma_wait3A_460 = tpu.memref_slice %arg9[%dma_wait3A_456, %dma_wait3A_458, %dma_wait3A_459] : memref<8x40x128xf32, #tpu.memory_space<vmem>> -> memref<1x40x128xf32, #tpu.memory_space<vmem>>
        %dma_wait3A_461 = tpu.memref_squeeze %dma_wait3A_460 : memref<1x40x128xf32, #tpu.memory_space<vmem>> -> memref<40x128xf32, #tpu.memory_space<vmem>>
        %dma_wait3A_462 = arith.constant 0 : i32
        %dma_wait3A_463 = tpu.memref_slice %arg7[%dma_wait3A_454, %dma_wait3A_455, %dma_wait3A_462] : memref<2x4x40xi32, #tpu.memory_space<vmem>> -> memref<1x1x40xi32, #tpu.memory_space<vmem>>
        %dma_wait3A_464 = tpu.memref_squeeze %dma_wait3A_463 : memref<1x1x40xi32, #tpu.memory_space<vmem>> -> memref<40xi32, #tpu.memory_space<vmem>>
        %dma_wait3A_465 = arith.constant 0 : i32
        %dma_wait3A_466 = arith.constant 0 : i32
        %dma_wait3A_467 = tpu.memref_slice %arg3[%dma_wait3A_465, %dma_wait3A_466] : memref<10000x128xf32, #tpu.memory_space<hbm>> -> memref<10000x128xf32, #tpu.memory_space<hbm>>
        %dma_wait3A_468 = tpu.memref_slice %arg12[%dma_wait3A_457] : memref<8x!tpu.dma_semaphore, #tpu.memory_space<semaphore_mem>> -> memref<1x!tpu.dma_semaphore, #tpu.memory_space<semaphore_mem>>
        %dma_wait3A_469 = tpu.memref_squeeze %dma_wait3A_468 : memref<1x!tpu.dma_semaphore, #tpu.memory_space<semaphore_mem>> -> memref<!tpu.dma_semaphore, #tpu.memory_space<semaphore_mem>>
        tpu.wait_indirect_dma semaphore(%dma_wait3A_469 : memref<!tpu.dma_semaphore, #tpu.memory_space<semaphore_mem>>) src(%dma_wait3A_467 : memref<10000x128xf32, #tpu.memory_space<hbm>>) dst(%dma_wait3A_461 : memref<40x128xf32, #tpu.memory_space<vmem>>)
        %dma_start3A_470 = arith.constant 1 : i32
        %dma_start3A_471 = arith.constant 0 : i32
        %dma_start3A_472 = arith.constant 1 : i32
        %dma_start3A_473 = arith.constant 1 : i32
        %dma_start3A_474 = arith.constant 0 : i32
        %dma_start3A_475 = arith.constant 0 : i32
        %dma_start3A_476 = tpu.memref_slice %arg9[%dma_start3A_470, %dma_start3A_474, %dma_start3A_475] : memref<8x40x128xf32, #tpu.memory_space<vmem>> -> memref<1x40x128xf32, #tpu.memory_space<vmem>>
        %dma_start3A_477 = tpu.memref_squeeze %dma_start3A_476 : memref<1x40x128xf32, #tpu.memory_space<vmem>> -> memref<40x128xf32, #tpu.memory_space<vmem>>
        %dma_start3A_478 = arith.constant 0 : i32
        %dma_start3A_479 = tpu.memref_slice %arg8[%dma_start3A_471, %dma_start3A_472, %dma_start3A_478] : memref<2x4x40xi32, #tpu.memory_space<vmem>> -> memref<1x1x40xi32, #tpu.memory_space<vmem>>
        %dma_start3A_480 = tpu.memref_squeeze %dma_start3A_479 : memref<1x1x40xi32, #tpu.memory_space<vmem>> -> memref<40xi32, #tpu.memory_space<vmem>>
        %dma_start3A_481 = arith.constant 0 : i32
        %dma_start3A_482 = arith.constant 0 : i32
        %dma_start3A_483 = tpu.memref_slice %arg10[%dma_start3A_481, %dma_start3A_482] : memref<10240x128xf32, #tpu.memory_space<vmem_shared>> -> memref<10240x128xf32, #tpu.memory_space<vmem_shared>>
        %dma_start3A_484 = tpu.memref_slice %arg13[%dma_start3A_473] : memref<8x!tpu.dma_semaphore, #tpu.memory_space<semaphore_mem>> -> memref<1x!tpu.dma_semaphore, #tpu.memory_space<semaphore_mem>>
        %dma_start3A_485 = tpu.memref_squeeze %dma_start3A_484 : memref<1x!tpu.dma_semaphore, #tpu.memory_space<semaphore_mem>> -> memref<!tpu.dma_semaphore, #tpu.memory_space<semaphore_mem>>
        tpu.enqueue_indirect_dma source(%dma_start3A_477 : memref<40x128xf32, #tpu.memory_space<vmem>>) target(%dma_start3A_483 : memref<10240x128xf32, #tpu.memory_space<vmem_shared>>) offsets(%dma_start3A_480 : memref<40xi32, #tpu.memory_space<vmem>>) semaphore(%dma_start3A_485 : memref<!tpu.dma_semaphore, #tpu.memory_space<semaphore_mem>>) {add = true}
        %dma_wait3A_486 = arith.constant 0 : i32
        %dma_wait3A_487 = arith.constant 0 : i32
        %dma_wait3A_488 = arith.constant 2 : i32
        %dma_wait3A_489 = arith.constant 2 : i32
        %dma_wait3A_490 = arith.constant 0 : i32
        %dma_wait3A_491 = arith.constant 0 : i32
        %dma_wait3A_492 = tpu.memref_slice %arg9[%dma_wait3A_488, %dma_wait3A_490, %dma_wait3A_491] : memref<8x40x128xf32, #tpu.memory_space<vmem>> -> memref<1x40x128xf32, #tpu.memory_space<vmem>>
        %dma_wait3A_493 = tpu.memref_squeeze %dma_wait3A_492 : memref<1x40x128xf32, #tpu.memory_space<vmem>> -> memref<40x128xf32, #tpu.memory_space<vmem>>
        %dma_wait3A_494 = arith.constant 0 : i32
        %dma_wait3A_495 = tpu.memref_slice %arg7[%dma_wait3A_486, %dma_wait3A_487, %dma_wait3A_494] : memref<2x4x40xi32, #tpu.memory_space<vmem>> -> memref<1x1x40xi32, #tpu.memory_space<vmem>>
        %dma_wait3A_496 = tpu.memref_squeeze %dma_wait3A_495 : memref<1x1x40xi32, #tpu.memory_space<vmem>> -> memref<40xi32, #tpu.memory_space<vmem>>
        %dma_wait3A_497 = arith.constant 0 : i32
        %dma_wait3A_498 = arith.constant 0 : i32
        %dma_wait3A_499 = tpu.memref_slice %arg3[%dma_wait3A_497, %dma_wait3A_498] : memref<10000x128xf32, #tpu.memory_space<hbm>> -> memref<10000x128xf32, #tpu.memory_space<hbm>>
        %dma_wait3A_500 = tpu.memref_slice %arg12[%dma_wait3A_489] : memref<8x!tpu.dma_semaphore, #tpu.memory_space<semaphore_mem>> -> memref<1x!tpu.dma_semaphore, #tpu.memory_space<semaphore_mem>>
        %dma_wait3A_501 = tpu.memref_squeeze %dma_wait3A_500 : memref<1x!tpu.dma_semaphore, #tpu.memory_space<semaphore_mem>> -> memref<!tpu.dma_semaphore, #tpu.memory_space<semaphore_mem>>
        tpu.wait_indirect_dma semaphore(%dma_wait3A_501 : memref<!tpu.dma_semaphore, #tpu.memory_space<semaphore_mem>>) src(%dma_wait3A_499 : memref<10000x128xf32, #tpu.memory_space<hbm>>) dst(%dma_wait3A_493 : memref<40x128xf32, #tpu.memory_space<vmem>>)
        %dma_start3A_502 = arith.constant 2 : i32
        %dma_start3A_503 = arith.constant 0 : i32
        %dma_start3A_504 = arith.constant 2 : i32
        %dma_start3A_505 = arith.constant 2 : i32
        %dma_start3A_506 = arith.constant 0 : i32
        %dma_start3A_507 = arith.constant 0 : i32
        %dma_start3A_508 = tpu.memref_slice %arg9[%dma_start3A_502, %dma_start3A_506, %dma_start3A_507] : memref<8x40x128xf32, #tpu.memory_space<vmem>> -> memref<1x40x128xf32, #tpu.memory_space<vmem>>
        %dma_start3A_509 = tpu.memref_squeeze %dma_start3A_508 : memref<1x40x128xf32, #tpu.memory_space<vmem>> -> memref<40x128xf32, #tpu.memory_space<vmem>>
        %dma_start3A_510 = arith.constant 0 : i32
        %dma_start3A_511 = tpu.memref_slice %arg8[%dma_start3A_503, %dma_start3A_504, %dma_start3A_510] : memref<2x4x40xi32, #tpu.memory_space<vmem>> -> memref<1x1x40xi32, #tpu.memory_space<vmem>>
        %dma_start3A_512 = tpu.memref_squeeze %dma_start3A_511 : memref<1x1x40xi32, #tpu.memory_space<vmem>> -> memref<40xi32, #tpu.memory_space<vmem>>
        %dma_start3A_513 = arith.constant 0 : i32
        %dma_start3A_514 = arith.constant 0 : i32
        %dma_start3A_515 = tpu.memref_slice %arg10[%dma_start3A_513, %dma_start3A_514] : memref<10240x128xf32, #tpu.memory_space<vmem_shared>> -> memref<10240x128xf32, #tpu.memory_space<vmem_shared>>
        %dma_start3A_516 = tpu.memref_slice %arg13[%dma_start3A_505] : memref<8x!tpu.dma_semaphore, #tpu.memory_space<semaphore_mem>> -> memref<1x!tpu.dma_semaphore, #tpu.memory_space<semaphore_mem>>
        %dma_start3A_517 = tpu.memref_squeeze %dma_start3A_516 : memref<1x!tpu.dma_semaphore, #tpu.memory_space<semaphore_mem>> -> memref<!tpu.dma_semaphore, #tpu.memory_space<semaphore_mem>>
        tpu.enqueue_indirect_dma source(%dma_start3A_509 : memref<40x128xf32, #tpu.memory_space<vmem>>) target(%dma_start3A_515 : memref<10240x128xf32, #tpu.memory_space<vmem_shared>>) offsets(%dma_start3A_512 : memref<40xi32, #tpu.memory_space<vmem>>) semaphore(%dma_start3A_517 : memref<!tpu.dma_semaphore, #tpu.memory_space<semaphore_mem>>) {add = true}
        %dma_wait3A_518 = arith.constant 0 : i32
        %dma_wait3A_519 = arith.constant 0 : i32
        %dma_wait3A_520 = arith.constant 3 : i32
        %dma_wait3A_521 = arith.constant 3 : i32
        %dma_wait3A_522 = arith.constant 0 : i32
        %dma_wait3A_523 = arith.constant 0 : i32
        %dma_wait3A_524 = tpu.memref_slice %arg9[%dma_wait3A_520, %dma_wait3A_522, %dma_wait3A_523] : memref<8x40x128xf32, #tpu.memory_space<vmem>> -> memref<1x40x128xf32, #tpu.memory_space<vmem>>
        %dma_wait3A_525 = tpu.memref_squeeze %dma_wait3A_524 : memref<1x40x128xf32, #tpu.memory_space<vmem>> -> memref<40x128xf32, #tpu.memory_space<vmem>>
        %dma_wait3A_526 = arith.constant 0 : i32
        %dma_wait3A_527 = tpu.memref_slice %arg7[%dma_wait3A_518, %dma_wait3A_519, %dma_wait3A_526] : memref<2x4x40xi32, #tpu.memory_space<vmem>> -> memref<1x1x40xi32, #tpu.memory_space<vmem>>
        %dma_wait3A_528 = tpu.memref_squeeze %dma_wait3A_527 : memref<1x1x40xi32, #tpu.memory_space<vmem>> -> memref<40xi32, #tpu.memory_space<vmem>>
        %dma_wait3A_529 = arith.constant 0 : i32
        %dma_wait3A_530 = arith.constant 0 : i32
        %dma_wait3A_531 = tpu.memref_slice %arg3[%dma_wait3A_529, %dma_wait3A_530] : memref<10000x128xf32, #tpu.memory_space<hbm>> -> memref<10000x128xf32, #tpu.memory_space<hbm>>
        %dma_wait3A_532 = tpu.memref_slice %arg12[%dma_wait3A_521] : memref<8x!tpu.dma_semaphore, #tpu.memory_space<semaphore_mem>> -> memref<1x!tpu.dma_semaphore, #tpu.memory_space<semaphore_mem>>
        %dma_wait3A_533 = tpu.memref_squeeze %dma_wait3A_532 : memref<1x!tpu.dma_semaphore, #tpu.memory_space<semaphore_mem>> -> memref<!tpu.dma_semaphore, #tpu.memory_space<semaphore_mem>>
        tpu.wait_indirect_dma semaphore(%dma_wait3A_533 : memref<!tpu.dma_semaphore, #tpu.memory_space<semaphore_mem>>) src(%dma_wait3A_531 : memref<10000x128xf32, #tpu.memory_space<hbm>>) dst(%dma_wait3A_525 : memref<40x128xf32, #tpu.memory_space<vmem>>)
        %dma_start3A_534 = arith.constant 3 : i32
        %dma_start3A_535 = arith.constant 0 : i32
        %dma_start3A_536 = arith.constant 3 : i32
        %dma_start3A_537 = arith.constant 3 : i32
        %dma_start3A_538 = arith.constant 0 : i32
        %dma_start3A_539 = arith.constant 0 : i32
        %dma_start3A_540 = tpu.memref_slice %arg9[%dma_start3A_534, %dma_start3A_538, %dma_start3A_539] : memref<8x40x128xf32, #tpu.memory_space<vmem>> -> memref<1x40x128xf32, #tpu.memory_space<vmem>>
        %dma_start3A_541 = tpu.memref_squeeze %dma_start3A_540 : memref<1x40x128xf32, #tpu.memory_space<vmem>> -> memref<40x128xf32, #tpu.memory_space<vmem>>
        %dma_start3A_542 = arith.constant 0 : i32
        %dma_start3A_543 = tpu.memref_slice %arg8[%dma_start3A_535, %dma_start3A_536, %dma_start3A_542] : memref<2x4x40xi32, #tpu.memory_space<vmem>> -> memref<1x1x40xi32, #tpu.memory_space<vmem>>
        %dma_start3A_544 = tpu.memref_squeeze %dma_start3A_543 : memref<1x1x40xi32, #tpu.memory_space<vmem>> -> memref<40xi32, #tpu.memory_space<vmem>>
        %dma_start3A_545 = arith.constant 0 : i32
        %dma_start3A_546 = arith.constant 0 : i32
        %dma_start3A_547 = tpu.memref_slice %arg10[%dma_start3A_545, %dma_start3A_546] : memref<10240x128xf32, #tpu.memory_space<vmem_shared>> -> memref<10240x128xf32, #tpu.memory_space<vmem_shared>>
        %dma_start3A_548 = tpu.memref_slice %arg13[%dma_start3A_537] : memref<8x!tpu.dma_semaphore, #tpu.memory_space<semaphore_mem>> -> memref<1x!tpu.dma_semaphore, #tpu.memory_space<semaphore_mem>>
        %dma_start3A_549 = tpu.memref_squeeze %dma_start3A_548 : memref<1x!tpu.dma_semaphore, #tpu.memory_space<semaphore_mem>> -> memref<!tpu.dma_semaphore, #tpu.memory_space<semaphore_mem>>
        tpu.enqueue_indirect_dma source(%dma_start3A_541 : memref<40x128xf32, #tpu.memory_space<vmem>>) target(%dma_start3A_547 : memref<10240x128xf32, #tpu.memory_space<vmem_shared>>) offsets(%dma_start3A_544 : memref<40xi32, #tpu.memory_space<vmem>>) semaphore(%dma_start3A_549 : memref<!tpu.dma_semaphore, #tpu.memory_space<semaphore_mem>>) {add = true}
        %lt3A_550 = arith.constant 124 : i32
        %lt3A_551 = arith.cmpi slt, %mul3A_413, %lt3A_550 : i32
        %convert_element_type3A_552 = arith.extui %lt3A_551 : i1 to i32
        %cond3A_553 = arith.constant 0 : i32
        %cond3A_554 = arith.cmpi ne, %convert_element_type3A_552, %cond3A_553 : i32
        scf.if %cond3A_554 {
          %dma_wait3A_702 = arith.constant 0 : i32
          %dma_wait3A_703 = arith.constant 0 : i32
          %dma_wait3A_704 = arith.constant 0 : i32
          %dma_wait3A_705 = arith.constant 0 : i32
          %dma_wait3A_706 = arith.constant 0 : i32
          %dma_wait3A_707 = tpu.memref_slice %arg7[%dma_wait3A_703, %dma_wait3A_705, %dma_wait3A_706] : memref<2x4x40xi32, #tpu.memory_space<vmem>> -> memref<1x4x40xi32, #tpu.memory_space<vmem>>
          %dma_wait3A_708 = tpu.memref_squeeze %dma_wait3A_707 : memref<1x4x40xi32, #tpu.memory_space<vmem>> -> memref<4x40xi32, #tpu.memory_space<vmem>>
          %dma_wait3A_709 = arith.constant 0 : i32
          %dma_wait3A_710 = arith.constant 0 : i32
          %dma_wait3A_711 = tpu.memref_slice %arg4[%dma_wait3A_702, %dma_wait3A_709, %dma_wait3A_710] : memref<2x8000x40xi32, #tpu.memory_space<hbm>> -> memref<1x4x40xi32, #tpu.memory_space<hbm>>
          %dma_wait3A_712 = tpu.memref_squeeze %dma_wait3A_711 : memref<1x4x40xi32, #tpu.memory_space<hbm>> -> memref<4x40xi32, #tpu.memory_space<hbm>>
          %dma_wait3A_713 = tpu.memref_slice %arg11[%dma_wait3A_704] : memref<2x!tpu.dma_semaphore, #tpu.memory_space<semaphore_mem>> -> memref<1x!tpu.dma_semaphore, #tpu.memory_space<semaphore_mem>>
          %dma_wait3A_714 = tpu.memref_squeeze %dma_wait3A_713 : memref<1x!tpu.dma_semaphore, #tpu.memory_space<semaphore_mem>> -> memref<!tpu.dma_semaphore, #tpu.memory_space<semaphore_mem>>
          %dma_wait3A_715 = arith.constant 0 : i32
          %dma_wait3A_716 = arith.constant 0 : i32
          %dma_wait3A_717 = tpu.memref_slice %arg7[%dma_wait3A_703, %dma_wait3A_715, %dma_wait3A_716] : memref<2x4x40xi32, #tpu.memory_space<vmem>> -> memref<1x4x40xi32, #tpu.memory_space<vmem>>
          %dma_wait3A_718 = tpu.memref_squeeze %dma_wait3A_717 : memref<1x4x40xi32, #tpu.memory_space<vmem>> -> memref<4x40xi32, #tpu.memory_space<vmem>>
          %dma_wait3A_719 = arith.constant 0 : i32
          %dma_wait3A_720 = arith.constant 0 : i32
          %dma_wait3A_721 = tpu.memref_slice %arg4[%dma_wait3A_702, %dma_wait3A_719, %dma_wait3A_720] : memref<2x8000x40xi32, #tpu.memory_space<hbm>> -> memref<1x4x40xi32, #tpu.memory_space<hbm>>
          %dma_wait3A_722 = tpu.memref_squeeze %dma_wait3A_721 : memref<1x4x40xi32, #tpu.memory_space<hbm>> -> memref<4x40xi32, #tpu.memory_space<hbm>>
          tpu.wait_dma2 semaphore(%dma_wait3A_714 : memref<!tpu.dma_semaphore, #tpu.memory_space<semaphore_mem>>) src(%dma_wait3A_722 : memref<4x40xi32, #tpu.memory_space<hbm>>) dst(%dma_wait3A_718 : memref<4x40xi32, #tpu.memory_space<vmem>>)
          %dma_wait3A_723 = arith.constant 1 : i32
          %dma_wait3A_724 = arith.constant 0 : i32
          %dma_wait3A_725 = arith.constant 1 : i32
          %dma_wait3A_726 = arith.constant 0 : i32
          %dma_wait3A_727 = arith.constant 0 : i32
          %dma_wait3A_728 = tpu.memref_slice %arg8[%dma_wait3A_724, %dma_wait3A_726, %dma_wait3A_727] : memref<2x4x40xi32, #tpu.memory_space<vmem>> -> memref<1x4x40xi32, #tpu.memory_space<vmem>>
          %dma_wait3A_729 = tpu.memref_squeeze %dma_wait3A_728 : memref<1x4x40xi32, #tpu.memory_space<vmem>> -> memref<4x40xi32, #tpu.memory_space<vmem>>
          %dma_wait3A_730 = arith.constant 0 : i32
          %dma_wait3A_731 = arith.constant 0 : i32
          %dma_wait3A_732 = tpu.memref_slice %arg4[%dma_wait3A_723, %dma_wait3A_730, %dma_wait3A_731] : memref<2x8000x40xi32, #tpu.memory_space<hbm>> -> memref<1x4x40xi32, #tpu.memory_space<hbm>>
          %dma_wait3A_733 = tpu.memref_squeeze %dma_wait3A_732 : memref<1x4x40xi32, #tpu.memory_space<hbm>> -> memref<4x40xi32, #tpu.memory_space<hbm>>
          %dma_wait3A_734 = tpu.memref_slice %arg11[%dma_wait3A_725] : memref<2x!tpu.dma_semaphore, #tpu.memory_space<semaphore_mem>> -> memref<1x!tpu.dma_semaphore, #tpu.memory_space<semaphore_mem>>
          %dma_wait3A_735 = tpu.memref_squeeze %dma_wait3A_734 : memref<1x!tpu.dma_semaphore, #tpu.memory_space<semaphore_mem>> -> memref<!tpu.dma_semaphore, #tpu.memory_space<semaphore_mem>>
          %dma_wait3A_736 = arith.constant 0 : i32
          %dma_wait3A_737 = arith.constant 0 : i32
          %dma_wait3A_738 = tpu.memref_slice %arg8[%dma_wait3A_724, %dma_wait3A_736, %dma_wait3A_737] : memref<2x4x40xi32, #tpu.memory_space<vmem>> -> memref<1x4x40xi32, #tpu.memory_space<vmem>>
          %dma_wait3A_739 = tpu.memref_squeeze %dma_wait3A_738 : memref<1x4x40xi32, #tpu.memory_space<vmem>> -> memref<4x40xi32, #tpu.memory_space<vmem>>
          %dma_wait3A_740 = arith.constant 0 : i32
          %dma_wait3A_741 = arith.constant 0 : i32
          %dma_wait3A_742 = tpu.memref_slice %arg4[%dma_wait3A_723, %dma_wait3A_740, %dma_wait3A_741] : memref<2x8000x40xi32, #tpu.memory_space<hbm>> -> memref<1x4x40xi32, #tpu.memory_space<hbm>>
          %dma_wait3A_743 = tpu.memref_squeeze %dma_wait3A_742 : memref<1x4x40xi32, #tpu.memory_space<hbm>> -> memref<4x40xi32, #tpu.memory_space<hbm>>
          tpu.wait_dma2 semaphore(%dma_wait3A_735 : memref<!tpu.dma_semaphore, #tpu.memory_space<semaphore_mem>>) src(%dma_wait3A_743 : memref<4x40xi32, #tpu.memory_space<hbm>>) dst(%dma_wait3A_739 : memref<4x40xi32, #tpu.memory_space<vmem>>)
          %dma_start3A_744 = arith.constant 1 : i32
          %dma_start3A_745 = arith.constant 0 : i32
          %dma_start3A_746 = arith.constant 4 : i32
          %dma_start3A_747 = arith.constant 4 : i32
          %dma_start3A_748 = arith.constant 0 : i32
          %dma_start3A_749 = arith.constant 0 : i32
          %dma_start3A_750 = tpu.memref_slice %arg9[%dma_start3A_746, %dma_start3A_748, %dma_start3A_749] : memref<8x40x128xf32, #tpu.memory_space<vmem>> -> memref<1x40x128xf32, #tpu.memory_space<vmem>>
          %dma_start3A_751 = tpu.memref_squeeze %dma_start3A_750 : memref<1x40x128xf32, #tpu.memory_space<vmem>> -> memref<40x128xf32, #tpu.memory_space<vmem>>
          %dma_start3A_752 = arith.constant 0 : i32
          %dma_start3A_753 = tpu.memref_slice %arg7[%dma_start3A_744, %dma_start3A_745, %dma_start3A_752] : memref<2x4x40xi32, #tpu.memory_space<vmem>> -> memref<1x1x40xi32, #tpu.memory_space<vmem>>
          %dma_start3A_754 = tpu.memref_squeeze %dma_start3A_753 : memref<1x1x40xi32, #tpu.memory_space<vmem>> -> memref<40xi32, #tpu.memory_space<vmem>>
          %dma_start3A_755 = arith.constant 0 : i32
          %dma_start3A_756 = arith.constant 0 : i32
          %dma_start3A_757 = tpu.memref_slice %arg3[%dma_start3A_755, %dma_start3A_756] : memref<10000x128xf32, #tpu.memory_space<hbm>> -> memref<10000x128xf32, #tpu.memory_space<hbm>>
          %dma_start3A_758 = tpu.memref_slice %arg12[%dma_start3A_747] : memref<8x!tpu.dma_semaphore, #tpu.memory_space<semaphore_mem>> -> memref<1x!tpu.dma_semaphore, #tpu.memory_space<semaphore_mem>>
          %dma_start3A_759 = tpu.memref_squeeze %dma_start3A_758 : memref<1x!tpu.dma_semaphore, #tpu.memory_space<semaphore_mem>> -> memref<!tpu.dma_semaphore, #tpu.memory_space<semaphore_mem>>
          tpu.enqueue_indirect_dma source(%dma_start3A_757 : memref<10000x128xf32, #tpu.memory_space<hbm>>) target(%dma_start3A_751 : memref<40x128xf32, #tpu.memory_space<vmem>>) offsets(%dma_start3A_754 : memref<40xi32, #tpu.memory_space<vmem>>) semaphore(%dma_start3A_759 : memref<!tpu.dma_semaphore, #tpu.memory_space<semaphore_mem>>)
          %dma_start3A_760 = arith.constant 1 : i32
          %dma_start3A_761 = arith.constant 1 : i32
          %dma_start3A_762 = arith.constant 5 : i32
          %dma_start3A_763 = arith.constant 5 : i32
          %dma_start3A_764 = arith.constant 0 : i32
          %dma_start3A_765 = arith.constant 0 : i32
          %dma_start3A_766 = tpu.memref_slice %arg9[%dma_start3A_762, %dma_start3A_764, %dma_start3A_765] : memref<8x40x128xf32, #tpu.memory_space<vmem>> -> memref<1x40x128xf32, #tpu.memory_space<vmem>>
          %dma_start3A_767 = tpu.memref_squeeze %dma_start3A_766 : memref<1x40x128xf32, #tpu.memory_space<vmem>> -> memref<40x128xf32, #tpu.memory_space<vmem>>
          %dma_start3A_768 = arith.constant 0 : i32
          %dma_start3A_769 = tpu.memref_slice %arg7[%dma_start3A_760, %dma_start3A_761, %dma_start3A_768] : memref<2x4x40xi32, #tpu.memory_space<vmem>> -> memref<1x1x40xi32, #tpu.memory_space<vmem>>
          %dma_start3A_770 = tpu.memref_squeeze %dma_start3A_769 : memref<1x1x40xi32, #tpu.memory_space<vmem>> -> memref<40xi32, #tpu.memory_space<vmem>>
          %dma_start3A_771 = arith.constant 0 : i32
          %dma_start3A_772 = arith.constant 0 : i32
          %dma_start3A_773 = tpu.memref_slice %arg3[%dma_start3A_771, %dma_start3A_772] : memref<10000x128xf32, #tpu.memory_space<hbm>> -> memref<10000x128xf32, #tpu.memory_space<hbm>>
          %dma_start3A_774 = tpu.memref_slice %arg12[%dma_start3A_763] : memref<8x!tpu.dma_semaphore, #tpu.memory_space<semaphore_mem>> -> memref<1x!tpu.dma_semaphore, #tpu.memory_space<semaphore_mem>>
          %dma_start3A_775 = tpu.memref_squeeze %dma_start3A_774 : memref<1x!tpu.dma_semaphore, #tpu.memory_space<semaphore_mem>> -> memref<!tpu.dma_semaphore, #tpu.memory_space<semaphore_mem>>
          tpu.enqueue_indirect_dma source(%dma_start3A_773 : memref<10000x128xf32, #tpu.memory_space<hbm>>) target(%dma_start3A_767 : memref<40x128xf32, #tpu.memory_space<vmem>>) offsets(%dma_start3A_770 : memref<40xi32, #tpu.memory_space<vmem>>) semaphore(%dma_start3A_775 : memref<!tpu.dma_semaphore, #tpu.memory_space<semaphore_mem>>)
          %dma_start3A_776 = arith.constant 1 : i32
          %dma_start3A_777 = arith.constant 2 : i32
          %dma_start3A_778 = arith.constant 6 : i32
          %dma_start3A_779 = arith.constant 6 : i32
          %dma_start3A_780 = arith.constant 0 : i32
          %dma_start3A_781 = arith.constant 0 : i32
          %dma_start3A_782 = tpu.memref_slice %arg9[%dma_start3A_778, %dma_start3A_780, %dma_start3A_781] : memref<8x40x128xf32, #tpu.memory_space<vmem>> -> memref<1x40x128xf32, #tpu.memory_space<vmem>>
          %dma_start3A_783 = tpu.memref_squeeze %dma_start3A_782 : memref<1x40x128xf32, #tpu.memory_space<vmem>> -> memref<40x128xf32, #tpu.memory_space<vmem>>
          %dma_start3A_784 = arith.constant 0 : i32
          %dma_start3A_785 = tpu.memref_slice %arg7[%dma_start3A_776, %dma_start3A_777, %dma_start3A_784] : memref<2x4x40xi32, #tpu.memory_space<vmem>> -> memref<1x1x40xi32, #tpu.memory_space<vmem>>
          %dma_start3A_786 = tpu.memref_squeeze %dma_start3A_785 : memref<1x1x40xi32, #tpu.memory_space<vmem>> -> memref<40xi32, #tpu.memory_space<vmem>>
          %dma_start3A_787 = arith.constant 0 : i32
          %dma_start3A_788 = arith.constant 0 : i32
          %dma_start3A_789 = tpu.memref_slice %arg3[%dma_start3A_787, %dma_start3A_788] : memref<10000x128xf32, #tpu.memory_space<hbm>> -> memref<10000x128xf32, #tpu.memory_space<hbm>>
          %dma_start3A_790 = tpu.memref_slice %arg12[%dma_start3A_779] : memref<8x!tpu.dma_semaphore, #tpu.memory_space<semaphore_mem>> -> memref<1x!tpu.dma_semaphore, #tpu.memory_space<semaphore_mem>>
          %dma_start3A_791 = tpu.memref_squeeze %dma_start3A_790 : memref<1x!tpu.dma_semaphore, #tpu.memory_space<semaphore_mem>> -> memref<!tpu.dma_semaphore, #tpu.memory_space<semaphore_mem>>
          tpu.enqueue_indirect_dma source(%dma_start3A_789 : memref<10000x128xf32, #tpu.memory_space<hbm>>) target(%dma_start3A_783 : memref<40x128xf32, #tpu.memory_space<vmem>>) offsets(%dma_start3A_786 : memref<40xi32, #tpu.memory_space<vmem>>) semaphore(%dma_start3A_791 : memref<!tpu.dma_semaphore, #tpu.memory_space<semaphore_mem>>)
          %dma_start3A_792 = arith.constant 1 : i32
          %dma_start3A_793 = arith.constant 3 : i32
          %dma_start3A_794 = arith.constant 7 : i32
          %dma_start3A_795 = arith.constant 7 : i32
          %dma_start3A_796 = arith.constant 0 : i32
          %dma_start3A_797 = arith.constant 0 : i32
          %dma_start3A_798 = tpu.memref_slice %arg9[%dma_start3A_794, %dma_start3A_796, %dma_start3A_797] : memref<8x40x128xf32, #tpu.memory_space<vmem>> -> memref<1x40x128xf32, #tpu.memory_space<vmem>>
          %dma_start3A_799 = tpu.memref_squeeze %dma_start3A_798 : memref<1x40x128xf32, #tpu.memory_space<vmem>> -> memref<40x128xf32, #tpu.memory_space<vmem>>
          %dma_start3A_800 = arith.constant 0 : i32
          %dma_start3A_801 = tpu.memref_slice %arg7[%dma_start3A_792, %dma_start3A_793, %dma_start3A_800] : memref<2x4x40xi32, #tpu.memory_space<vmem>> -> memref<1x1x40xi32, #tpu.memory_space<vmem>>
          %dma_start3A_802 = tpu.memref_squeeze %dma_start3A_801 : memref<1x1x40xi32, #tpu.memory_space<vmem>> -> memref<40xi32, #tpu.memory_space<vmem>>
          %dma_start3A_803 = arith.constant 0 : i32
          %dma_start3A_804 = arith.constant 0 : i32
          %dma_start3A_805 = tpu.memref_slice %arg3[%dma_start3A_803, %dma_start3A_804] : memref<10000x128xf32, #tpu.memory_space<hbm>> -> memref<10000x128xf32, #tpu.memory_space<hbm>>
          %dma_start3A_806 = tpu.memref_slice %arg12[%dma_start3A_795] : memref<8x!tpu.dma_semaphore, #tpu.memory_space<semaphore_mem>> -> memref<1x!tpu.dma_semaphore, #tpu.memory_space<semaphore_mem>>
          %dma_start3A_807 = tpu.memref_squeeze %dma_start3A_806 : memref<1x!tpu.dma_semaphore, #tpu.memory_space<semaphore_mem>> -> memref<!tpu.dma_semaphore, #tpu.memory_space<semaphore_mem>>
          tpu.enqueue_indirect_dma source(%dma_start3A_805 : memref<10000x128xf32, #tpu.memory_space<hbm>>) target(%dma_start3A_799 : memref<40x128xf32, #tpu.memory_space<vmem>>) offsets(%dma_start3A_802 : memref<40xi32, #tpu.memory_space<vmem>>) semaphore(%dma_start3A_807 : memref<!tpu.dma_semaphore, #tpu.memory_space<semaphore_mem>>)
        } else {
        }
        %mul3A_555 = arith.constant 2 : i32
        %mul3A_556 = arith.muli %mul3A_555, %scan3A_411 : i32
        %add3A_557 = arith.constant 1 : i32
        %add3A_558 = arith.addi %mul3A_556, %add3A_557 : i32
        %gt3A_559 = arith.constant 0 : i32
        %gt3A_560 = arith.cmpi sgt, %add3A_558, %gt3A_559 : i32
        %convert_element_type3A_561 = arith.extui %gt3A_560 : i1 to i32
        %cond3A_562 = arith.constant 0 : i32
        %cond3A_563 = arith.cmpi ne, %convert_element_type3A_561, %cond3A_562 : i32
        scf.if %cond3A_563 {
          %dma_wait3A_702 = arith.constant 0 : i32
          %dma_wait3A_703 = arith.constant 0 : i32
          %dma_wait3A_704 = arith.constant 0 : i32
          %dma_wait3A_705 = arith.constant 0 : i32
          %dma_wait3A_706 = arith.constant 0 : i32
          %dma_wait3A_707 = arith.constant 0 : i32
          %dma_wait3A_708 = tpu.memref_slice %arg9[%dma_wait3A_702, %dma_wait3A_706, %dma_wait3A_707] : memref<8x40x128xf32, #tpu.memory_space<vmem>> -> memref<1x40x128xf32, #tpu.memory_space<vmem>>
          %dma_wait3A_709 = tpu.memref_squeeze %dma_wait3A_708 : memref<1x40x128xf32, #tpu.memory_space<vmem>> -> memref<40x128xf32, #tpu.memory_space<vmem>>
          %dma_wait3A_710 = arith.constant 0 : i32
          %dma_wait3A_711 = tpu.memref_slice %arg8[%dma_wait3A_703, %dma_wait3A_704, %dma_wait3A_710] : memref<2x4x40xi32, #tpu.memory_space<vmem>> -> memref<1x1x40xi32, #tpu.memory_space<vmem>>
          %dma_wait3A_712 = tpu.memref_squeeze %dma_wait3A_711 : memref<1x1x40xi32, #tpu.memory_space<vmem>> -> memref<40xi32, #tpu.memory_space<vmem>>
          %dma_wait3A_713 = arith.constant 0 : i32
          %dma_wait3A_714 = arith.constant 0 : i32
          %dma_wait3A_715 = tpu.memref_slice %arg10[%dma_wait3A_713, %dma_wait3A_714] : memref<10240x128xf32, #tpu.memory_space<vmem_shared>> -> memref<10240x128xf32, #tpu.memory_space<vmem_shared>>
          %dma_wait3A_716 = tpu.memref_slice %arg13[%dma_wait3A_705] : memref<8x!tpu.dma_semaphore, #tpu.memory_space<semaphore_mem>> -> memref<1x!tpu.dma_semaphore, #tpu.memory_space<semaphore_mem>>
          %dma_wait3A_717 = tpu.memref_squeeze %dma_wait3A_716 : memref<1x!tpu.dma_semaphore, #tpu.memory_space<semaphore_mem>> -> memref<!tpu.dma_semaphore, #tpu.memory_space<semaphore_mem>>
          tpu.wait_indirect_dma semaphore(%dma_wait3A_717 : memref<!tpu.dma_semaphore, #tpu.memory_space<semaphore_mem>>) src(%dma_wait3A_709 : memref<40x128xf32, #tpu.memory_space<vmem>>) dst(%dma_wait3A_715 : memref<10240x128xf32, #tpu.memory_space<vmem_shared>>)
          %dma_wait3A_718 = arith.constant 1 : i32
          %dma_wait3A_719 = arith.constant 0 : i32
          %dma_wait3A_720 = arith.constant 0 : i32
          %dma_wait3A_721 = arith.constant 1 : i32
          %dma_wait3A_722 = arith.constant 0 : i32
          %dma_wait3A_723 = arith.constant 0 : i32
          %dma_wait3A_724 = tpu.memref_slice %arg9[%dma_wait3A_718, %dma_wait3A_722, %dma_wait3A_723] : memref<8x40x128xf32, #tpu.memory_space<vmem>> -> memref<1x40x128xf32, #tpu.memory_space<vmem>>
          %dma_wait3A_725 = tpu.memref_squeeze %dma_wait3A_724 : memref<1x40x128xf32, #tpu.memory_space<vmem>> -> memref<40x128xf32, #tpu.memory_space<vmem>>
          %dma_wait3A_726 = arith.constant 0 : i32
          %dma_wait3A_727 = tpu.memref_slice %arg8[%dma_wait3A_719, %dma_wait3A_720, %dma_wait3A_726] : memref<2x4x40xi32, #tpu.memory_space<vmem>> -> memref<1x1x40xi32, #tpu.memory_space<vmem>>
          %dma_wait3A_728 = tpu.memref_squeeze %dma_wait3A_727 : memref<1x1x40xi32, #tpu.memory_space<vmem>> -> memref<40xi32, #tpu.memory_space<vmem>>
          %dma_wait3A_729 = arith.constant 0 : i32
          %dma_wait3A_730 = arith.constant 0 : i32
          %dma_wait3A_731 = tpu.memref_slice %arg10[%dma_wait3A_729, %dma_wait3A_730] : memref<10240x128xf32, #tpu.memory_space<vmem_shared>> -> memref<10240x128xf32, #tpu.memory_space<vmem_shared>>
          %dma_wait3A_732 = tpu.memref_slice %arg13[%dma_wait3A_721] : memref<8x!tpu.dma_semaphore, #tpu.memory_space<semaphore_mem>> -> memref<1x!tpu.dma_semaphore, #tpu.memory_space<semaphore_mem>>
          %dma_wait3A_733 = tpu.memref_squeeze %dma_wait3A_732 : memref<1x!tpu.dma_semaphore, #tpu.memory_space<semaphore_mem>> -> memref<!tpu.dma_semaphore, #tpu.memory_space<semaphore_mem>>
          tpu.wait_indirect_dma semaphore(%dma_wait3A_733 : memref<!tpu.dma_semaphore, #tpu.memory_space<semaphore_mem>>) src(%dma_wait3A_725 : memref<40x128xf32, #tpu.memory_space<vmem>>) dst(%dma_wait3A_731 : memref<10240x128xf32, #tpu.memory_space<vmem_shared>>)
          %dma_wait3A_734 = arith.constant 2 : i32
          %dma_wait3A_735 = arith.constant 0 : i32
          %dma_wait3A_736 = arith.constant 0 : i32
          %dma_wait3A_737 = arith.constant 2 : i32
          %dma_wait3A_738 = arith.constant 0 : i32
          %dma_wait3A_739 = arith.constant 0 : i32
          %dma_wait3A_740 = tpu.memref_slice %arg9[%dma_wait3A_734, %dma_wait3A_738, %dma_wait3A_739] : memref<8x40x128xf32, #tpu.memory_space<vmem>> -> memref<1x40x128xf32, #tpu.memory_space<vmem>>
          %dma_wait3A_741 = tpu.memref_squeeze %dma_wait3A_740 : memref<1x40x128xf32, #tpu.memory_space<vmem>> -> memref<40x128xf32, #tpu.memory_space<vmem>>
          %dma_wait3A_742 = arith.constant 0 : i32
          %dma_wait3A_743 = tpu.memref_slice %arg8[%dma_wait3A_735, %dma_wait3A_736, %dma_wait3A_742] : memref<2x4x40xi32, #tpu.memory_space<vmem>> -> memref<1x1x40xi32, #tpu.memory_space<vmem>>
          %dma_wait3A_744 = tpu.memref_squeeze %dma_wait3A_743 : memref<1x1x40xi32, #tpu.memory_space<vmem>> -> memref<40xi32, #tpu.memory_space<vmem>>
          %dma_wait3A_745 = arith.constant 0 : i32
          %dma_wait3A_746 = arith.constant 0 : i32
          %dma_wait3A_747 = tpu.memref_slice %arg10[%dma_wait3A_745, %dma_wait3A_746] : memref<10240x128xf32, #tpu.memory_space<vmem_shared>> -> memref<10240x128xf32, #tpu.memory_space<vmem_shared>>
          %dma_wait3A_748 = tpu.memref_slice %arg13[%dma_wait3A_737] : memref<8x!tpu.dma_semaphore, #tpu.memory_space<semaphore_mem>> -> memref<1x!tpu.dma_semaphore, #tpu.memory_space<semaphore_mem>>
          %dma_wait3A_749 = tpu.memref_squeeze %dma_wait3A_748 : memref<1x!tpu.dma_semaphore, #tpu.memory_space<semaphore_mem>> -> memref<!tpu.dma_semaphore, #tpu.memory_space<semaphore_mem>>
          tpu.wait_indirect_dma semaphore(%dma_wait3A_749 : memref<!tpu.dma_semaphore, #tpu.memory_space<semaphore_mem>>) src(%dma_wait3A_741 : memref<40x128xf32, #tpu.memory_space<vmem>>) dst(%dma_wait3A_747 : memref<10240x128xf32, #tpu.memory_space<vmem_shared>>)
          %dma_wait3A_750 = arith.constant 3 : i32
          %dma_wait3A_751 = arith.constant 0 : i32
          %dma_wait3A_752 = arith.constant 0 : i32
          %dma_wait3A_753 = arith.constant 3 : i32
          %dma_wait3A_754 = arith.constant 0 : i32
          %dma_wait3A_755 = arith.constant 0 : i32
          %dma_wait3A_756 = tpu.memref_slice %arg9[%dma_wait3A_750, %dma_wait3A_754, %dma_wait3A_755] : memref<8x40x128xf32, #tpu.memory_space<vmem>> -> memref<1x40x128xf32, #tpu.memory_space<vmem>>
          %dma_wait3A_757 = tpu.memref_squeeze %dma_wait3A_756 : memref<1x40x128xf32, #tpu.memory_space<vmem>> -> memref<40x128xf32, #tpu.memory_space<vmem>>
          %dma_wait3A_758 = arith.constant 0 : i32
          %dma_wait3A_759 = tpu.memref_slice %arg8[%dma_wait3A_751, %dma_wait3A_752, %dma_wait3A_758] : memref<2x4x40xi32, #tpu.memory_space<vmem>> -> memref<1x1x40xi32, #tpu.memory_space<vmem>>
          %dma_wait3A_760 = tpu.memref_squeeze %dma_wait3A_759 : memref<1x1x40xi32, #tpu.memory_space<vmem>> -> memref<40xi32, #tpu.memory_space<vmem>>
          %dma_wait3A_761 = arith.constant 0 : i32
          %dma_wait3A_762 = arith.constant 0 : i32
          %dma_wait3A_763 = tpu.memref_slice %arg10[%dma_wait3A_761, %dma_wait3A_762] : memref<10240x128xf32, #tpu.memory_space<vmem_shared>> -> memref<10240x128xf32, #tpu.memory_space<vmem_shared>>
          %dma_wait3A_764 = tpu.memref_slice %arg13[%dma_wait3A_753] : memref<8x!tpu.dma_semaphore, #tpu.memory_space<semaphore_mem>> -> memref<1x!tpu.dma_semaphore, #tpu.memory_space<semaphore_mem>>
          %dma_wait3A_765 = tpu.memref_squeeze %dma_wait3A_764 : memref<1x!tpu.dma_semaphore, #tpu.memory_space<semaphore_mem>> -> memref<!tpu.dma_semaphore, #tpu.memory_space<semaphore_mem>>
          tpu.wait_indirect_dma semaphore(%dma_wait3A_765 : memref<!tpu.dma_semaphore, #tpu.memory_space<semaphore_mem>>) src(%dma_wait3A_757 : memref<40x128xf32, #tpu.memory_space<vmem>>) dst(%dma_wait3A_763 : memref<10240x128xf32, #tpu.memory_space<vmem_shared>>)
        } else {
        }
        %lt3A_564 = arith.constant 124 : i32
        %lt3A_565 = arith.cmpi slt, %add3A_558, %lt3A_564 : i32
        %convert_element_type3A_566 = arith.extui %lt3A_565 : i1 to i32
        %cond3A_567 = arith.constant 0 : i32
        %cond3A_568 = arith.cmpi ne, %convert_element_type3A_566, %cond3A_567 : i32
        scf.if %cond3A_568 {
          %add3A_702 = arith.constant 1 : i32
          %add3A_703 = arith.addi %add3A_558, %add3A_702 : i32
          %mul3A_704 = arith.constant 4 : i32
          %mul3A_705 = arith.muli %add3A_703, %mul3A_704 : i32
          %add3A_706 = arith.addi %mul3A_0, %mul3A_705 : i32
          %dma_start3A_707 = arith.constant 0 : i32
          %dma_start3A_708 = arith.constant 0 : i32
          %dma_start3A_709 = arith.constant 0 : i32
          %dma_start3A_710 = arith.constant 0 : i32
          %dma_start3A_711 = arith.constant 0 : i32
          %dma_start3A_712 = tpu.memref_slice %arg7[%dma_start3A_708, %dma_start3A_710, %dma_start3A_711] : memref<2x4x40xi32, #tpu.memory_space<vmem>> -> memref<1x4x40xi32, #tpu.memory_space<vmem>>
          %dma_start3A_713 = tpu.memref_squeeze %dma_start3A_712 : memref<1x4x40xi32, #tpu.memory_space<vmem>> -> memref<4x40xi32, #tpu.memory_space<vmem>>
          %dma_start3A_714 = arith.constant 0 : i32
          %dma_start3A_715 = tpu.memref_slice %arg4[%dma_start3A_707, %add3A_706, %dma_start3A_714] : memref<2x8000x40xi32, #tpu.memory_space<hbm>> -> memref<1x4x40xi32, #tpu.memory_space<hbm>>
          %dma_start3A_716 = tpu.memref_squeeze %dma_start3A_715 : memref<1x4x40xi32, #tpu.memory_space<hbm>> -> memref<4x40xi32, #tpu.memory_space<hbm>>
          %dma_start3A_717 = tpu.memref_slice %arg11[%dma_start3A_709] : memref<2x!tpu.dma_semaphore, #tpu.memory_space<semaphore_mem>> -> memref<1x!tpu.dma_semaphore, #tpu.memory_space<semaphore_mem>>
          %dma_start3A_718 = tpu.memref_squeeze %dma_start3A_717 : memref<1x!tpu.dma_semaphore, #tpu.memory_space<semaphore_mem>> -> memref<!tpu.dma_semaphore, #tpu.memory_space<semaphore_mem>>
          %dma_start3A_719 = arith.constant 0 : i32
          %dma_start3A_720 = arith.constant 0 : i32
          %dma_start3A_721 = tpu.memref_slice %arg7[%dma_start3A_708, %dma_start3A_719, %dma_start3A_720] : memref<2x4x40xi32, #tpu.memory_space<vmem>> -> memref<1x4x40xi32, #tpu.memory_space<vmem>>
          %dma_start3A_722 = tpu.memref_squeeze %dma_start3A_721 : memref<1x4x40xi32, #tpu.memory_space<vmem>> -> memref<4x40xi32, #tpu.memory_space<vmem>>
          %dma_start3A_723 = arith.constant 0 : i32
          %dma_start3A_724 = tpu.memref_slice %arg4[%dma_start3A_707, %add3A_706, %dma_start3A_723] : memref<2x8000x40xi32, #tpu.memory_space<hbm>> -> memref<1x4x40xi32, #tpu.memory_space<hbm>>
          %dma_start3A_725 = tpu.memref_squeeze %dma_start3A_724 : memref<1x4x40xi32, #tpu.memory_space<hbm>> -> memref<4x40xi32, #tpu.memory_space<hbm>>
          tpu.enqueue_dma source(%dma_start3A_725 : memref<4x40xi32, #tpu.memory_space<hbm>>) target(%dma_start3A_722 : memref<4x40xi32, #tpu.memory_space<vmem>>) target_semaphore(%dma_start3A_718 : memref<!tpu.dma_semaphore, #tpu.memory_space<semaphore_mem>>)
          %dma_start3A_726 = arith.constant 1 : i32
          %dma_start3A_727 = arith.constant 0 : i32
          %dma_start3A_728 = arith.constant 1 : i32
          %dma_start3A_729 = arith.constant 0 : i32
          %dma_start3A_730 = arith.constant 0 : i32
          %dma_start3A_731 = tpu.memref_slice %arg8[%dma_start3A_727, %dma_start3A_729, %dma_start3A_730] : memref<2x4x40xi32, #tpu.memory_space<vmem>> -> memref<1x4x40xi32, #tpu.memory_space<vmem>>
          %dma_start3A_732 = tpu.memref_squeeze %dma_start3A_731 : memref<1x4x40xi32, #tpu.memory_space<vmem>> -> memref<4x40xi32, #tpu.memory_space<vmem>>
          %dma_start3A_733 = arith.constant 0 : i32
          %dma_start3A_734 = tpu.memref_slice %arg4[%dma_start3A_726, %add3A_706, %dma_start3A_733] : memref<2x8000x40xi32, #tpu.memory_space<hbm>> -> memref<1x4x40xi32, #tpu.memory_space<hbm>>
          %dma_start3A_735 = tpu.memref_squeeze %dma_start3A_734 : memref<1x4x40xi32, #tpu.memory_space<hbm>> -> memref<4x40xi32, #tpu.memory_space<hbm>>
          %dma_start3A_736 = tpu.memref_slice %arg11[%dma_start3A_728] : memref<2x!tpu.dma_semaphore, #tpu.memory_space<semaphore_mem>> -> memref<1x!tpu.dma_semaphore, #tpu.memory_space<semaphore_mem>>
          %dma_start3A_737 = tpu.memref_squeeze %dma_start3A_736 : memref<1x!tpu.dma_semaphore, #tpu.memory_space<semaphore_mem>> -> memref<!tpu.dma_semaphore, #tpu.memory_space<semaphore_mem>>
          %dma_start3A_738 = arith.constant 0 : i32
          %dma_start3A_739 = arith.constant 0 : i32
          %dma_start3A_740 = tpu.memref_slice %arg8[%dma_start3A_727, %dma_start3A_738, %dma_start3A_739] : memref<2x4x40xi32, #tpu.memory_space<vmem>> -> memref<1x4x40xi32, #tpu.memory_space<vmem>>
          %dma_start3A_741 = tpu.memref_squeeze %dma_start3A_740 : memref<1x4x40xi32, #tpu.memory_space<vmem>> -> memref<4x40xi32, #tpu.memory_space<vmem>>
          %dma_start3A_742 = arith.constant 0 : i32
          %dma_start3A_743 = tpu.memref_slice %arg4[%dma_start3A_726, %add3A_706, %dma_start3A_742] : memref<2x8000x40xi32, #tpu.memory_space<hbm>> -> memref<1x4x40xi32, #tpu.memory_space<hbm>>
          %dma_start3A_744 = tpu.memref_squeeze %dma_start3A_743 : memref<1x4x40xi32, #tpu.memory_space<hbm>> -> memref<4x40xi32, #tpu.memory_space<hbm>>
          tpu.enqueue_dma source(%dma_start3A_744 : memref<4x40xi32, #tpu.memory_space<hbm>>) target(%dma_start3A_741 : memref<4x40xi32, #tpu.memory_space<vmem>>) target_semaphore(%dma_start3A_737 : memref<!tpu.dma_semaphore, #tpu.memory_space<semaphore_mem>>)
        } else {
        }
        %dma_wait3A_569 = arith.constant 0 : i32
        %dma_wait3A_570 = arith.constant 0 : i32
        %dma_wait3A_571 = arith.constant 4 : i32
        %dma_wait3A_572 = arith.constant 4 : i32
        %dma_wait3A_573 = arith.constant 0 : i32
        %dma_wait3A_574 = arith.constant 0 : i32
        %dma_wait3A_575 = tpu.memref_slice %arg9[%dma_wait3A_571, %dma_wait3A_573, %dma_wait3A_574] : memref<8x40x128xf32, #tpu.memory_space<vmem>> -> memref<1x40x128xf32, #tpu.memory_space<vmem>>
        %dma_wait3A_576 = tpu.memref_squeeze %dma_wait3A_575 : memref<1x40x128xf32, #tpu.memory_space<vmem>> -> memref<40x128xf32, #tpu.memory_space<vmem>>
        %dma_wait3A_577 = arith.constant 0 : i32
        %dma_wait3A_578 = tpu.memref_slice %arg7[%dma_wait3A_569, %dma_wait3A_570, %dma_wait3A_577] : memref<2x4x40xi32, #tpu.memory_space<vmem>> -> memref<1x1x40xi32, #tpu.memory_space<vmem>>
        %dma_wait3A_579 = tpu.memref_squeeze %dma_wait3A_578 : memref<1x1x40xi32, #tpu.memory_space<vmem>> -> memref<40xi32, #tpu.memory_space<vmem>>
        %dma_wait3A_580 = arith.constant 0 : i32
        %dma_wait3A_581 = arith.constant 0 : i32
        %dma_wait3A_582 = tpu.memref_slice %arg3[%dma_wait3A_580, %dma_wait3A_581] : memref<10000x128xf32, #tpu.memory_space<hbm>> -> memref<10000x128xf32, #tpu.memory_space<hbm>>
        %dma_wait3A_583 = tpu.memref_slice %arg12[%dma_wait3A_572] : memref<8x!tpu.dma_semaphore, #tpu.memory_space<semaphore_mem>> -> memref<1x!tpu.dma_semaphore, #tpu.memory_space<semaphore_mem>>
        %dma_wait3A_584 = tpu.memref_squeeze %dma_wait3A_583 : memref<1x!tpu.dma_semaphore, #tpu.memory_space<semaphore_mem>> -> memref<!tpu.dma_semaphore, #tpu.memory_space<semaphore_mem>>
        tpu.wait_indirect_dma semaphore(%dma_wait3A_584 : memref<!tpu.dma_semaphore, #tpu.memory_space<semaphore_mem>>) src(%dma_wait3A_582 : memref<10000x128xf32, #tpu.memory_space<hbm>>) dst(%dma_wait3A_576 : memref<40x128xf32, #tpu.memory_space<vmem>>)
        %dma_start3A_585 = arith.constant 4 : i32
        %dma_start3A_586 = arith.constant 1 : i32
        %dma_start3A_587 = arith.constant 0 : i32
        %dma_start3A_588 = arith.constant 4 : i32
        %dma_start3A_589 = arith.constant 0 : i32
        %dma_start3A_590 = arith.constant 0 : i32
        %dma_start3A_591 = tpu.memref_slice %arg9[%dma_start3A_585, %dma_start3A_589, %dma_start3A_590] : memref<8x40x128xf32, #tpu.memory_space<vmem>> -> memref<1x40x128xf32, #tpu.memory_space<vmem>>
        %dma_start3A_592 = tpu.memref_squeeze %dma_start3A_591 : memref<1x40x128xf32, #tpu.memory_space<vmem>> -> memref<40x128xf32, #tpu.memory_space<vmem>>
        %dma_start3A_593 = arith.constant 0 : i32
        %dma_start3A_594 = tpu.memref_slice %arg8[%dma_start3A_586, %dma_start3A_587, %dma_start3A_593] : memref<2x4x40xi32, #tpu.memory_space<vmem>> -> memref<1x1x40xi32, #tpu.memory_space<vmem>>
        %dma_start3A_595 = tpu.memref_squeeze %dma_start3A_594 : memref<1x1x40xi32, #tpu.memory_space<vmem>> -> memref<40xi32, #tpu.memory_space<vmem>>
        %dma_start3A_596 = arith.constant 0 : i32
        %dma_start3A_597 = arith.constant 0 : i32
        %dma_start3A_598 = tpu.memref_slice %arg10[%dma_start3A_596, %dma_start3A_597] : memref<10240x128xf32, #tpu.memory_space<vmem_shared>> -> memref<10240x128xf32, #tpu.memory_space<vmem_shared>>
        %dma_start3A_599 = tpu.memref_slice %arg13[%dma_start3A_588] : memref<8x!tpu.dma_semaphore, #tpu.memory_space<semaphore_mem>> -> memref<1x!tpu.dma_semaphore, #tpu.memory_space<semaphore_mem>>
        %dma_start3A_600 = tpu.memref_squeeze %dma_start3A_599 : memref<1x!tpu.dma_semaphore, #tpu.memory_space<semaphore_mem>> -> memref<!tpu.dma_semaphore, #tpu.memory_space<semaphore_mem>>
        tpu.enqueue_indirect_dma source(%dma_start3A_592 : memref<40x128xf32, #tpu.memory_space<vmem>>) target(%dma_start3A_598 : memref<10240x128xf32, #tpu.memory_space<vmem_shared>>) offsets(%dma_start3A_595 : memref<40xi32, #tpu.memory_space<vmem>>) semaphore(%dma_start3A_600 : memref<!tpu.dma_semaphore, #tpu.memory_space<semaphore_mem>>) {add = true}
        %dma_wait3A_601 = arith.constant 0 : i32
        %dma_wait3A_602 = arith.constant 0 : i32
        %dma_wait3A_603 = arith.constant 5 : i32
        %dma_wait3A_604 = arith.constant 5 : i32
        %dma_wait3A_605 = arith.constant 0 : i32
        %dma_wait3A_606 = arith.constant 0 : i32
        %dma_wait3A_607 = tpu.memref_slice %arg9[%dma_wait3A_603, %dma_wait3A_605, %dma_wait3A_606] : memref<8x40x128xf32, #tpu.memory_space<vmem>> -> memref<1x40x128xf32, #tpu.memory_space<vmem>>
        %dma_wait3A_608 = tpu.memref_squeeze %dma_wait3A_607 : memref<1x40x128xf32, #tpu.memory_space<vmem>> -> memref<40x128xf32, #tpu.memory_space<vmem>>
        %dma_wait3A_609 = arith.constant 0 : i32
        %dma_wait3A_610 = tpu.memref_slice %arg7[%dma_wait3A_601, %dma_wait3A_602, %dma_wait3A_609] : memref<2x4x40xi32, #tpu.memory_space<vmem>> -> memref<1x1x40xi32, #tpu.memory_space<vmem>>
        %dma_wait3A_611 = tpu.memref_squeeze %dma_wait3A_610 : memref<1x1x40xi32, #tpu.memory_space<vmem>> -> memref<40xi32, #tpu.memory_space<vmem>>
        %dma_wait3A_612 = arith.constant 0 : i32
        %dma_wait3A_613 = arith.constant 0 : i32
        %dma_wait3A_614 = tpu.memref_slice %arg3[%dma_wait3A_612, %dma_wait3A_613] : memref<10000x128xf32, #tpu.memory_space<hbm>> -> memref<10000x128xf32, #tpu.memory_space<hbm>>
        %dma_wait3A_615 = tpu.memref_slice %arg12[%dma_wait3A_604] : memref<8x!tpu.dma_semaphore, #tpu.memory_space<semaphore_mem>> -> memref<1x!tpu.dma_semaphore, #tpu.memory_space<semaphore_mem>>
        %dma_wait3A_616 = tpu.memref_squeeze %dma_wait3A_615 : memref<1x!tpu.dma_semaphore, #tpu.memory_space<semaphore_mem>> -> memref<!tpu.dma_semaphore, #tpu.memory_space<semaphore_mem>>
        tpu.wait_indirect_dma semaphore(%dma_wait3A_616 : memref<!tpu.dma_semaphore, #tpu.memory_space<semaphore_mem>>) src(%dma_wait3A_614 : memref<10000x128xf32, #tpu.memory_space<hbm>>) dst(%dma_wait3A_608 : memref<40x128xf32, #tpu.memory_space<vmem>>)
        %dma_start3A_617 = arith.constant 5 : i32
        %dma_start3A_618 = arith.constant 1 : i32
        %dma_start3A_619 = arith.constant 1 : i32
        %dma_start3A_620 = arith.constant 5 : i32
        %dma_start3A_621 = arith.constant 0 : i32
        %dma_start3A_622 = arith.constant 0 : i32
        %dma_start3A_623 = tpu.memref_slice %arg9[%dma_start3A_617, %dma_start3A_621, %dma_start3A_622] : memref<8x40x128xf32, #tpu.memory_space<vmem>> -> memref<1x40x128xf32, #tpu.memory_space<vmem>>
        %dma_start3A_624 = tpu.memref_squeeze %dma_start3A_623 : memref<1x40x128xf32, #tpu.memory_space<vmem>> -> memref<40x128xf32, #tpu.memory_space<vmem>>
        %dma_start3A_625 = arith.constant 0 : i32
        %dma_start3A_626 = tpu.memref_slice %arg8[%dma_start3A_618, %dma_start3A_619, %dma_start3A_625] : memref<2x4x40xi32, #tpu.memory_space<vmem>> -> memref<1x1x40xi32, #tpu.memory_space<vmem>>
        %dma_start3A_627 = tpu.memref_squeeze %dma_start3A_626 : memref<1x1x40xi32, #tpu.memory_space<vmem>> -> memref<40xi32, #tpu.memory_space<vmem>>
        %dma_start3A_628 = arith.constant 0 : i32
        %dma_start3A_629 = arith.constant 0 : i32
        %dma_start3A_630 = tpu.memref_slice %arg10[%dma_start3A_628, %dma_start3A_629] : memref<10240x128xf32, #tpu.memory_space<vmem_shared>> -> memref<10240x128xf32, #tpu.memory_space<vmem_shared>>
        %dma_start3A_631 = tpu.memref_slice %arg13[%dma_start3A_620] : memref<8x!tpu.dma_semaphore, #tpu.memory_space<semaphore_mem>> -> memref<1x!tpu.dma_semaphore, #tpu.memory_space<semaphore_mem>>
        %dma_start3A_632 = tpu.memref_squeeze %dma_start3A_631 : memref<1x!tpu.dma_semaphore, #tpu.memory_space<semaphore_mem>> -> memref<!tpu.dma_semaphore, #tpu.memory_space<semaphore_mem>>
        tpu.enqueue_indirect_dma source(%dma_start3A_624 : memref<40x128xf32, #tpu.memory_space<vmem>>) target(%dma_start3A_630 : memref<10240x128xf32, #tpu.memory_space<vmem_shared>>) offsets(%dma_start3A_627 : memref<40xi32, #tpu.memory_space<vmem>>) semaphore(%dma_start3A_632 : memref<!tpu.dma_semaphore, #tpu.memory_space<semaphore_mem>>) {add = true}
        %dma_wait3A_633 = arith.constant 0 : i32
        %dma_wait3A_634 = arith.constant 0 : i32
        %dma_wait3A_635 = arith.constant 6 : i32
        %dma_wait3A_636 = arith.constant 6 : i32
        %dma_wait3A_637 = arith.constant 0 : i32
        %dma_wait3A_638 = arith.constant 0 : i32
        %dma_wait3A_639 = tpu.memref_slice %arg9[%dma_wait3A_635, %dma_wait3A_637, %dma_wait3A_638] : memref<8x40x128xf32, #tpu.memory_space<vmem>> -> memref<1x40x128xf32, #tpu.memory_space<vmem>>
        %dma_wait3A_640 = tpu.memref_squeeze %dma_wait3A_639 : memref<1x40x128xf32, #tpu.memory_space<vmem>> -> memref<40x128xf32, #tpu.memory_space<vmem>>
        %dma_wait3A_641 = arith.constant 0 : i32
        %dma_wait3A_642 = tpu.memref_slice %arg7[%dma_wait3A_633, %dma_wait3A_634, %dma_wait3A_641] : memref<2x4x40xi32, #tpu.memory_space<vmem>> -> memref<1x1x40xi32, #tpu.memory_space<vmem>>
        %dma_wait3A_643 = tpu.memref_squeeze %dma_wait3A_642 : memref<1x1x40xi32, #tpu.memory_space<vmem>> -> memref<40xi32, #tpu.memory_space<vmem>>
        %dma_wait3A_644 = arith.constant 0 : i32
        %dma_wait3A_645 = arith.constant 0 : i32
        %dma_wait3A_646 = tpu.memref_slice %arg3[%dma_wait3A_644, %dma_wait3A_645] : memref<10000x128xf32, #tpu.memory_space<hbm>> -> memref<10000x128xf32, #tpu.memory_space<hbm>>
        %dma_wait3A_647 = tpu.memref_slice %arg12[%dma_wait3A_636] : memref<8x!tpu.dma_semaphore, #tpu.memory_space<semaphore_mem>> -> memref<1x!tpu.dma_semaphore, #tpu.memory_space<semaphore_mem>>
        %dma_wait3A_648 = tpu.memref_squeeze %dma_wait3A_647 : memref<1x!tpu.dma_semaphore, #tpu.memory_space<semaphore_mem>> -> memref<!tpu.dma_semaphore, #tpu.memory_space<semaphore_mem>>
        tpu.wait_indirect_dma semaphore(%dma_wait3A_648 : memref<!tpu.dma_semaphore, #tpu.memory_space<semaphore_mem>>) src(%dma_wait3A_646 : memref<10000x128xf32, #tpu.memory_space<hbm>>) dst(%dma_wait3A_640 : memref<40x128xf32, #tpu.memory_space<vmem>>)
        %dma_start3A_649 = arith.constant 6 : i32
        %dma_start3A_650 = arith.constant 1 : i32
        %dma_start3A_651 = arith.constant 2 : i32
        %dma_start3A_652 = arith.constant 6 : i32
        %dma_start3A_653 = arith.constant 0 : i32
        %dma_start3A_654 = arith.constant 0 : i32
        %dma_start3A_655 = tpu.memref_slice %arg9[%dma_start3A_649, %dma_start3A_653, %dma_start3A_654] : memref<8x40x128xf32, #tpu.memory_space<vmem>> -> memref<1x40x128xf32, #tpu.memory_space<vmem>>
        %dma_start3A_656 = tpu.memref_squeeze %dma_start3A_655 : memref<1x40x128xf32, #tpu.memory_space<vmem>> -> memref<40x128xf32, #tpu.memory_space<vmem>>
        %dma_start3A_657 = arith.constant 0 : i32
        %dma_start3A_658 = tpu.memref_slice %arg8[%dma_start3A_650, %dma_start3A_651, %dma_start3A_657] : memref<2x4x40xi32, #tpu.memory_space<vmem>> -> memref<1x1x40xi32, #tpu.memory_space<vmem>>
        %dma_start3A_659 = tpu.memref_squeeze %dma_start3A_658 : memref<1x1x40xi32, #tpu.memory_space<vmem>> -> memref<40xi32, #tpu.memory_space<vmem>>
        %dma_start3A_660 = arith.constant 0 : i32
        %dma_start3A_661 = arith.constant 0 : i32
        %dma_start3A_662 = tpu.memref_slice %arg10[%dma_start3A_660, %dma_start3A_661] : memref<10240x128xf32, #tpu.memory_space<vmem_shared>> -> memref<10240x128xf32, #tpu.memory_space<vmem_shared>>
        %dma_start3A_663 = tpu.memref_slice %arg13[%dma_start3A_652] : memref<8x!tpu.dma_semaphore, #tpu.memory_space<semaphore_mem>> -> memref<1x!tpu.dma_semaphore, #tpu.memory_space<semaphore_mem>>
        %dma_start3A_664 = tpu.memref_squeeze %dma_start3A_663 : memref<1x!tpu.dma_semaphore, #tpu.memory_space<semaphore_mem>> -> memref<!tpu.dma_semaphore, #tpu.memory_space<semaphore_mem>>
        tpu.enqueue_indirect_dma source(%dma_start3A_656 : memref<40x128xf32, #tpu.memory_space<vmem>>) target(%dma_start3A_662 : memref<10240x128xf32, #tpu.memory_space<vmem_shared>>) offsets(%dma_start3A_659 : memref<40xi32, #tpu.memory_space<vmem>>) semaphore(%dma_start3A_664 : memref<!tpu.dma_semaphore, #tpu.memory_space<semaphore_mem>>) {add = true}
        %dma_wait3A_665 = arith.constant 0 : i32
        %dma_wait3A_666 = arith.constant 0 : i32
        %dma_wait3A_667 = arith.constant 7 : i32
        %dma_wait3A_668 = arith.constant 7 : i32
        %dma_wait3A_669 = arith.constant 0 : i32
        %dma_wait3A_670 = arith.constant 0 : i32
        %dma_wait3A_671 = tpu.memref_slice %arg9[%dma_wait3A_667, %dma_wait3A_669, %dma_wait3A_670] : memref<8x40x128xf32, #tpu.memory_space<vmem>> -> memref<1x40x128xf32, #tpu.memory_space<vmem>>
        %dma_wait3A_672 = tpu.memref_squeeze %dma_wait3A_671 : memref<1x40x128xf32, #tpu.memory_space<vmem>> -> memref<40x128xf32, #tpu.memory_space<vmem>>
        %dma_wait3A_673 = arith.constant 0 : i32
        %dma_wait3A_674 = tpu.memref_slice %arg7[%dma_wait3A_665, %dma_wait3A_666, %dma_wait3A_673] : memref<2x4x40xi32, #tpu.memory_space<vmem>> -> memref<1x1x40xi32, #tpu.memory_space<vmem>>
        %dma_wait3A_675 = tpu.memref_squeeze %dma_wait3A_674 : memref<1x1x40xi32, #tpu.memory_space<vmem>> -> memref<40xi32, #tpu.memory_space<vmem>>
        %dma_wait3A_676 = arith.constant 0 : i32
        %dma_wait3A_677 = arith.constant 0 : i32
        %dma_wait3A_678 = tpu.memref_slice %arg3[%dma_wait3A_676, %dma_wait3A_677] : memref<10000x128xf32, #tpu.memory_space<hbm>> -> memref<10000x128xf32, #tpu.memory_space<hbm>>
        %dma_wait3A_679 = tpu.memref_slice %arg12[%dma_wait3A_668] : memref<8x!tpu.dma_semaphore, #tpu.memory_space<semaphore_mem>> -> memref<1x!tpu.dma_semaphore, #tpu.memory_space<semaphore_mem>>
        %dma_wait3A_680 = tpu.memref_squeeze %dma_wait3A_679 : memref<1x!tpu.dma_semaphore, #tpu.memory_space<semaphore_mem>> -> memref<!tpu.dma_semaphore, #tpu.memory_space<semaphore_mem>>
        tpu.wait_indirect_dma semaphore(%dma_wait3A_680 : memref<!tpu.dma_semaphore, #tpu.memory_space<semaphore_mem>>) src(%dma_wait3A_678 : memref<10000x128xf32, #tpu.memory_space<hbm>>) dst(%dma_wait3A_672 : memref<40x128xf32, #tpu.memory_space<vmem>>)
        %dma_start3A_681 = arith.constant 7 : i32
        %dma_start3A_682 = arith.constant 1 : i32
        %dma_start3A_683 = arith.constant 3 : i32
        %dma_start3A_684 = arith.constant 7 : i32
        %dma_start3A_685 = arith.constant 0 : i32
        %dma_start3A_686 = arith.constant 0 : i32
        %dma_start3A_687 = tpu.memref_slice %arg9[%dma_start3A_681, %dma_start3A_685, %dma_start3A_686] : memref<8x40x128xf32, #tpu.memory_space<vmem>> -> memref<1x40x128xf32, #tpu.memory_space<vmem>>
        %dma_start3A_688 = tpu.memref_squeeze %dma_start3A_687 : memref<1x40x128xf32, #tpu.memory_space<vmem>> -> memref<40x128xf32, #tpu.memory_space<vmem>>
        %dma_start3A_689 = arith.constant 0 : i32
        %dma_start3A_690 = tpu.memref_slice %arg8[%dma_start3A_682, %dma_start3A_683, %dma_start3A_689] : memref<2x4x40xi32, #tpu.memory_space<vmem>> -> memref<1x1x40xi32, #tpu.memory_space<vmem>>
        %dma_start3A_691 = tpu.memref_squeeze %dma_start3A_690 : memref<1x1x40xi32, #tpu.memory_space<vmem>> -> memref<40xi32, #tpu.memory_space<vmem>>
        %dma_start3A_692 = arith.constant 0 : i32
        %dma_start3A_693 = arith.constant 0 : i32
        %dma_start3A_694 = tpu.memref_slice %arg10[%dma_start3A_692, %dma_start3A_693] : memref<10240x128xf32, #tpu.memory_space<vmem_shared>> -> memref<10240x128xf32, #tpu.memory_space<vmem_shared>>
        %dma_start3A_695 = tpu.memref_slice %arg13[%dma_start3A_684] : memref<8x!tpu.dma_semaphore, #tpu.memory_space<semaphore_mem>> -> memref<1x!tpu.dma_semaphore, #tpu.memory_space<semaphore_mem>>
        %dma_start3A_696 = tpu.memref_squeeze %dma_start3A_695 : memref<1x!tpu.dma_semaphore, #tpu.memory_space<semaphore_mem>> -> memref<!tpu.dma_semaphore, #tpu.memory_space<semaphore_mem>>
        tpu.enqueue_indirect_dma source(%dma_start3A_688 : memref<40x128xf32, #tpu.memory_space<vmem>>) target(%dma_start3A_694 : memref<10240x128xf32, #tpu.memory_space<vmem_shared>>) offsets(%dma_start3A_691 : memref<40xi32, #tpu.memory_space<vmem>>) semaphore(%dma_start3A_696 : memref<!tpu.dma_semaphore, #tpu.memory_space<semaphore_mem>>) {add = true}
        %lt3A_697 = arith.constant 124 : i32
        %lt3A_698 = arith.cmpi slt, %add3A_558, %lt3A_697 : i32
        %convert_element_type3A_699 = arith.extui %lt3A_698 : i1 to i32
        %cond3A_700 = arith.constant 0 : i32
        %cond3A_701 = arith.cmpi ne, %convert_element_type3A_699, %cond3A_700 : i32
        scf.if %cond3A_701 {
          %dma_wait3A_702 = arith.constant 0 : i32
          %dma_wait3A_703 = arith.constant 0 : i32
          %dma_wait3A_704 = arith.constant 0 : i32
          %dma_wait3A_705 = arith.constant 0 : i32
          %dma_wait3A_706 = arith.constant 0 : i32
          %dma_wait3A_707 = tpu.memref_slice %arg7[%dma_wait3A_703, %dma_wait3A_705, %dma_wait3A_706] : memref<2x4x40xi32, #tpu.memory_space<vmem>> -> memref<1x4x40xi32, #tpu.memory_space<vmem>>
          %dma_wait3A_708 = tpu.memref_squeeze %dma_wait3A_707 : memref<1x4x40xi32, #tpu.memory_space<vmem>> -> memref<4x40xi32, #tpu.memory_space<vmem>>
          %dma_wait3A_709 = arith.constant 0 : i32
          %dma_wait3A_710 = arith.constant 0 : i32
          %dma_wait3A_711 = tpu.memref_slice %arg4[%dma_wait3A_702, %dma_wait3A_709, %dma_wait3A_710] : memref<2x8000x40xi32, #tpu.memory_space<hbm>> -> memref<1x4x40xi32, #tpu.memory_space<hbm>>
          %dma_wait3A_712 = tpu.memref_squeeze %dma_wait3A_711 : memref<1x4x40xi32, #tpu.memory_space<hbm>> -> memref<4x40xi32, #tpu.memory_space<hbm>>
          %dma_wait3A_713 = tpu.memref_slice %arg11[%dma_wait3A_704] : memref<2x!tpu.dma_semaphore, #tpu.memory_space<semaphore_mem>> -> memref<1x!tpu.dma_semaphore, #tpu.memory_space<semaphore_mem>>
          %dma_wait3A_714 = tpu.memref_squeeze %dma_wait3A_713 : memref<1x!tpu.dma_semaphore, #tpu.memory_space<semaphore_mem>> -> memref<!tpu.dma_semaphore, #tpu.memory_space<semaphore_mem>>
          %dma_wait3A_715 = arith.constant 0 : i32
          %dma_wait3A_716 = arith.constant 0 : i32
          %dma_wait3A_717 = tpu.memref_slice %arg7[%dma_wait3A_703, %dma_wait3A_715, %dma_wait3A_716] : memref<2x4x40xi32, #tpu.memory_space<vmem>> -> memref<1x4x40xi32, #tpu.memory_space<vmem>>
          %dma_wait3A_718 = tpu.memref_squeeze %dma_wait3A_717 : memref<1x4x40xi32, #tpu.memory_space<vmem>> -> memref<4x40xi32, #tpu.memory_space<vmem>>
          %dma_wait3A_719 = arith.constant 0 : i32
          %dma_wait3A_720 = arith.constant 0 : i32
          %dma_wait3A_721 = tpu.memref_slice %arg4[%dma_wait3A_702, %dma_wait3A_719, %dma_wait3A_720] : memref<2x8000x40xi32, #tpu.memory_space<hbm>> -> memref<1x4x40xi32, #tpu.memory_space<hbm>>
          %dma_wait3A_722 = tpu.memref_squeeze %dma_wait3A_721 : memref<1x4x40xi32, #tpu.memory_space<hbm>> -> memref<4x40xi32, #tpu.memory_space<hbm>>
          tpu.wait_dma2 semaphore(%dma_wait3A_714 : memref<!tpu.dma_semaphore, #tpu.memory_space<semaphore_mem>>) src(%dma_wait3A_722 : memref<4x40xi32, #tpu.memory_space<hbm>>) dst(%dma_wait3A_718 : memref<4x40xi32, #tpu.memory_space<vmem>>)
          %dma_wait3A_723 = arith.constant 1 : i32
          %dma_wait3A_724 = arith.constant 0 : i32
          %dma_wait3A_725 = arith.constant 1 : i32
          %dma_wait3A_726 = arith.constant 0 : i32
          %dma_wait3A_727 = arith.constant 0 : i32
          %dma_wait3A_728 = tpu.memref_slice %arg8[%dma_wait3A_724, %dma_wait3A_726, %dma_wait3A_727] : memref<2x4x40xi32, #tpu.memory_space<vmem>> -> memref<1x4x40xi32, #tpu.memory_space<vmem>>
          %dma_wait3A_729 = tpu.memref_squeeze %dma_wait3A_728 : memref<1x4x40xi32, #tpu.memory_space<vmem>> -> memref<4x40xi32, #tpu.memory_space<vmem>>
          %dma_wait3A_730 = arith.constant 0 : i32
          %dma_wait3A_731 = arith.constant 0 : i32
          %dma_wait3A_732 = tpu.memref_slice %arg4[%dma_wait3A_723, %dma_wait3A_730, %dma_wait3A_731] : memref<2x8000x40xi32, #tpu.memory_space<hbm>> -> memref<1x4x40xi32, #tpu.memory_space<hbm>>
          %dma_wait3A_733 = tpu.memref_squeeze %dma_wait3A_732 : memref<1x4x40xi32, #tpu.memory_space<hbm>> -> memref<4x40xi32, #tpu.memory_space<hbm>>
          %dma_wait3A_734 = tpu.memref_slice %arg11[%dma_wait3A_725] : memref<2x!tpu.dma_semaphore, #tpu.memory_space<semaphore_mem>> -> memref<1x!tpu.dma_semaphore, #tpu.memory_space<semaphore_mem>>
          %dma_wait3A_735 = tpu.memref_squeeze %dma_wait3A_734 : memref<1x!tpu.dma_semaphore, #tpu.memory_space<semaphore_mem>> -> memref<!tpu.dma_semaphore, #tpu.memory_space<semaphore_mem>>
          %dma_wait3A_736 = arith.constant 0 : i32
          %dma_wait3A_737 = arith.constant 0 : i32
          %dma_wait3A_738 = tpu.memref_slice %arg8[%dma_wait3A_724, %dma_wait3A_736, %dma_wait3A_737] : memref<2x4x40xi32, #tpu.memory_space<vmem>> -> memref<1x4x40xi32, #tpu.memory_space<vmem>>
          %dma_wait3A_739 = tpu.memref_squeeze %dma_wait3A_738 : memref<1x4x40xi32, #tpu.memory_space<vmem>> -> memref<4x40xi32, #tpu.memory_space<vmem>>
          %dma_wait3A_740 = arith.constant 0 : i32
          %dma_wait3A_741 = arith.constant 0 : i32
          %dma_wait3A_742 = tpu.memref_slice %arg4[%dma_wait3A_723, %dma_wait3A_740, %dma_wait3A_741] : memref<2x8000x40xi32, #tpu.memory_space<hbm>> -> memref<1x4x40xi32, #tpu.memory_space<hbm>>
          %dma_wait3A_743 = tpu.memref_squeeze %dma_wait3A_742 : memref<1x4x40xi32, #tpu.memory_space<hbm>> -> memref<4x40xi32, #tpu.memory_space<hbm>>
          tpu.wait_dma2 semaphore(%dma_wait3A_735 : memref<!tpu.dma_semaphore, #tpu.memory_space<semaphore_mem>>) src(%dma_wait3A_743 : memref<4x40xi32, #tpu.memory_space<hbm>>) dst(%dma_wait3A_739 : memref<4x40xi32, #tpu.memory_space<vmem>>)
          %dma_start3A_744 = arith.constant 0 : i32
          %dma_start3A_745 = arith.constant 0 : i32
          %dma_start3A_746 = arith.constant 0 : i32
          %dma_start3A_747 = arith.constant 0 : i32
          %dma_start3A_748 = arith.constant 0 : i32
          %dma_start3A_749 = arith.constant 0 : i32
          %dma_start3A_750 = tpu.memref_slice %arg9[%dma_start3A_746, %dma_start3A_748, %dma_start3A_749] : memref<8x40x128xf32, #tpu.memory_space<vmem>> -> memref<1x40x128xf32, #tpu.memory_space<vmem>>
          %dma_start3A_751 = tpu.memref_squeeze %dma_start3A_750 : memref<1x40x128xf32, #tpu.memory_space<vmem>> -> memref<40x128xf32, #tpu.memory_space<vmem>>
          %dma_start3A_752 = arith.constant 0 : i32
          %dma_start3A_753 = tpu.memref_slice %arg7[%dma_start3A_744, %dma_start3A_745, %dma_start3A_752] : memref<2x4x40xi32, #tpu.memory_space<vmem>> -> memref<1x1x40xi32, #tpu.memory_space<vmem>>
          %dma_start3A_754 = tpu.memref_squeeze %dma_start3A_753 : memref<1x1x40xi32, #tpu.memory_space<vmem>> -> memref<40xi32, #tpu.memory_space<vmem>>
          %dma_start3A_755 = arith.constant 0 : i32
          %dma_start3A_756 = arith.constant 0 : i32
          %dma_start3A_757 = tpu.memref_slice %arg3[%dma_start3A_755, %dma_start3A_756] : memref<10000x128xf32, #tpu.memory_space<hbm>> -> memref<10000x128xf32, #tpu.memory_space<hbm>>
          %dma_start3A_758 = tpu.memref_slice %arg12[%dma_start3A_747] : memref<8x!tpu.dma_semaphore, #tpu.memory_space<semaphore_mem>> -> memref<1x!tpu.dma_semaphore, #tpu.memory_space<semaphore_mem>>
          %dma_start3A_759 = tpu.memref_squeeze %dma_start3A_758 : memref<1x!tpu.dma_semaphore, #tpu.memory_space<semaphore_mem>> -> memref<!tpu.dma_semaphore, #tpu.memory_space<semaphore_mem>>
          tpu.enqueue_indirect_dma source(%dma_start3A_757 : memref<10000x128xf32, #tpu.memory_space<hbm>>) target(%dma_start3A_751 : memref<40x128xf32, #tpu.memory_space<vmem>>) offsets(%dma_start3A_754 : memref<40xi32, #tpu.memory_space<vmem>>) semaphore(%dma_start3A_759 : memref<!tpu.dma_semaphore, #tpu.memory_space<semaphore_mem>>)
          %dma_start3A_760 = arith.constant 0 : i32
          %dma_start3A_761 = arith.constant 1 : i32
          %dma_start3A_762 = arith.constant 1 : i32
          %dma_start3A_763 = arith.constant 1 : i32
          %dma_start3A_764 = arith.constant 0 : i32
          %dma_start3A_765 = arith.constant 0 : i32
          %dma_start3A_766 = tpu.memref_slice %arg9[%dma_start3A_762, %dma_start3A_764, %dma_start3A_765] : memref<8x40x128xf32, #tpu.memory_space<vmem>> -> memref<1x40x128xf32, #tpu.memory_space<vmem>>
          %dma_start3A_767 = tpu.memref_squeeze %dma_start3A_766 : memref<1x40x128xf32, #tpu.memory_space<vmem>> -> memref<40x128xf32, #tpu.memory_space<vmem>>
          %dma_start3A_768 = arith.constant 0 : i32
          %dma_start3A_769 = tpu.memref_slice %arg7[%dma_start3A_760, %dma_start3A_761, %dma_start3A_768] : memref<2x4x40xi32, #tpu.memory_space<vmem>> -> memref<1x1x40xi32, #tpu.memory_space<vmem>>
          %dma_start3A_770 = tpu.memref_squeeze %dma_start3A_769 : memref<1x1x40xi32, #tpu.memory_space<vmem>> -> memref<40xi32, #tpu.memory_space<vmem>>
          %dma_start3A_771 = arith.constant 0 : i32
          %dma_start3A_772 = arith.constant 0 : i32
          %dma_start3A_773 = tpu.memref_slice %arg3[%dma_start3A_771, %dma_start3A_772] : memref<10000x128xf32, #tpu.memory_space<hbm>> -> memref<10000x128xf32, #tpu.memory_space<hbm>>
          %dma_start3A_774 = tpu.memref_slice %arg12[%dma_start3A_763] : memref<8x!tpu.dma_semaphore, #tpu.memory_space<semaphore_mem>> -> memref<1x!tpu.dma_semaphore, #tpu.memory_space<semaphore_mem>>
          %dma_start3A_775 = tpu.memref_squeeze %dma_start3A_774 : memref<1x!tpu.dma_semaphore, #tpu.memory_space<semaphore_mem>> -> memref<!tpu.dma_semaphore, #tpu.memory_space<semaphore_mem>>
          tpu.enqueue_indirect_dma source(%dma_start3A_773 : memref<10000x128xf32, #tpu.memory_space<hbm>>) target(%dma_start3A_767 : memref<40x128xf32, #tpu.memory_space<vmem>>) offsets(%dma_start3A_770 : memref<40xi32, #tpu.memory_space<vmem>>) semaphore(%dma_start3A_775 : memref<!tpu.dma_semaphore, #tpu.memory_space<semaphore_mem>>)
          %dma_start3A_776 = arith.constant 0 : i32
          %dma_start3A_777 = arith.constant 2 : i32
          %dma_start3A_778 = arith.constant 2 : i32
          %dma_start3A_779 = arith.constant 2 : i32
          %dma_start3A_780 = arith.constant 0 : i32
          %dma_start3A_781 = arith.constant 0 : i32
          %dma_start3A_782 = tpu.memref_slice %arg9[%dma_start3A_778, %dma_start3A_780, %dma_start3A_781] : memref<8x40x128xf32, #tpu.memory_space<vmem>> -> memref<1x40x128xf32, #tpu.memory_space<vmem>>
          %dma_start3A_783 = tpu.memref_squeeze %dma_start3A_782 : memref<1x40x128xf32, #tpu.memory_space<vmem>> -> memref<40x128xf32, #tpu.memory_space<vmem>>
          %dma_start3A_784 = arith.constant 0 : i32
          %dma_start3A_785 = tpu.memref_slice %arg7[%dma_start3A_776, %dma_start3A_777, %dma_start3A_784] : memref<2x4x40xi32, #tpu.memory_space<vmem>> -> memref<1x1x40xi32, #tpu.memory_space<vmem>>
          %dma_start3A_786 = tpu.memref_squeeze %dma_start3A_785 : memref<1x1x40xi32, #tpu.memory_space<vmem>> -> memref<40xi32, #tpu.memory_space<vmem>>
          %dma_start3A_787 = arith.constant 0 : i32
          %dma_start3A_788 = arith.constant 0 : i32
          %dma_start3A_789 = tpu.memref_slice %arg3[%dma_start3A_787, %dma_start3A_788] : memref<10000x128xf32, #tpu.memory_space<hbm>> -> memref<10000x128xf32, #tpu.memory_space<hbm>>
          %dma_start3A_790 = tpu.memref_slice %arg12[%dma_start3A_779] : memref<8x!tpu.dma_semaphore, #tpu.memory_space<semaphore_mem>> -> memref<1x!tpu.dma_semaphore, #tpu.memory_space<semaphore_mem>>
          %dma_start3A_791 = tpu.memref_squeeze %dma_start3A_790 : memref<1x!tpu.dma_semaphore, #tpu.memory_space<semaphore_mem>> -> memref<!tpu.dma_semaphore, #tpu.memory_space<semaphore_mem>>
          tpu.enqueue_indirect_dma source(%dma_start3A_789 : memref<10000x128xf32, #tpu.memory_space<hbm>>) target(%dma_start3A_783 : memref<40x128xf32, #tpu.memory_space<vmem>>) offsets(%dma_start3A_786 : memref<40xi32, #tpu.memory_space<vmem>>) semaphore(%dma_start3A_791 : memref<!tpu.dma_semaphore, #tpu.memory_space<semaphore_mem>>)
          %dma_start3A_792 = arith.constant 0 : i32
          %dma_start3A_793 = arith.constant 3 : i32
          %dma_start3A_794 = arith.constant 3 : i32
          %dma_start3A_795 = arith.constant 3 : i32
          %dma_start3A_796 = arith.constant 0 : i32
          %dma_start3A_797 = arith.constant 0 : i32
          %dma_start3A_798 = tpu.memref_slice %arg9[%dma_start3A_794, %dma_start3A_796, %dma_start3A_797] : memref<8x40x128xf32, #tpu.memory_space<vmem>> -> memref<1x40x128xf32, #tpu.memory_space<vmem>>
          %dma_start3A_799 = tpu.memref_squeeze %dma_start3A_798 : memref<1x40x128xf32, #tpu.memory_space<vmem>> -> memref<40x128xf32, #tpu.memory_space<vmem>>
          %dma_start3A_800 = arith.constant 0 : i32
          %dma_start3A_801 = tpu.memref_slice %arg7[%dma_start3A_792, %dma_start3A_793, %dma_start3A_800] : memref<2x4x40xi32, #tpu.memory_space<vmem>> -> memref<1x1x40xi32, #tpu.memory_space<vmem>>
          %dma_start3A_802 = tpu.memref_squeeze %dma_start3A_801 : memref<1x1x40xi32, #tpu.memory_space<vmem>> -> memref<40xi32, #tpu.memory_space<vmem>>
          %dma_start3A_803 = arith.constant 0 : i32
          %dma_start3A_804 = arith.constant 0 : i32
          %dma_start3A_805 = tpu.memref_slice %arg3[%dma_start3A_803, %dma_start3A_804] : memref<10000x128xf32, #tpu.memory_space<hbm>> -> memref<10000x128xf32, #tpu.memory_space<hbm>>
          %dma_start3A_806 = tpu.memref_slice %arg12[%dma_start3A_795] : memref<8x!tpu.dma_semaphore, #tpu.memory_space<semaphore_mem>> -> memref<1x!tpu.dma_semaphore, #tpu.memory_space<semaphore_mem>>
          %dma_start3A_807 = tpu.memref_squeeze %dma_start3A_806 : memref<1x!tpu.dma_semaphore, #tpu.memory_space<semaphore_mem>> -> memref<!tpu.dma_semaphore, #tpu.memory_space<semaphore_mem>>
          tpu.enqueue_indirect_dma source(%dma_start3A_805 : memref<10000x128xf32, #tpu.memory_space<hbm>>) target(%dma_start3A_799 : memref<40x128xf32, #tpu.memory_space<vmem>>) offsets(%dma_start3A_802 : memref<40xi32, #tpu.memory_space<vmem>>) semaphore(%dma_start3A_807 : memref<!tpu.dma_semaphore, #tpu.memory_space<semaphore_mem>>)
        } else {
        }
      }
      %scan3A_134 = arith.constant 62 : i32
      %dma_wait3A = arith.constant 4 : i32
      %dma_wait3A_135 = arith.constant 0 : i32
      %dma_wait3A_136 = arith.constant 0 : i32
      %dma_wait3A_137 = arith.constant 4 : i32
      %dma_wait3A_138 = arith.constant 0 : i32
      %dma_wait3A_139 = arith.constant 0 : i32
      %dma_wait3A_140 = tpu.memref_slice %arg9[%dma_wait3A, %dma_wait3A_138, %dma_wait3A_139] : memref<8x40x128xf32, #tpu.memory_space<vmem>> -> memref<1x40x128xf32, #tpu.memory_space<vmem>>
      %dma_wait3A_141 = tpu.memref_squeeze %dma_wait3A_140 : memref<1x40x128xf32, #tpu.memory_space<vmem>> -> memref<40x128xf32, #tpu.memory_space<vmem>>
      %dma_wait3A_142 = arith.constant 0 : i32
      %dma_wait3A_143 = tpu.memref_slice %arg8[%dma_wait3A_135, %dma_wait3A_136, %dma_wait3A_142] : memref<2x4x40xi32, #tpu.memory_space<vmem>> -> memref<1x1x40xi32, #tpu.memory_space<vmem>>
      %dma_wait3A_144 = tpu.memref_squeeze %dma_wait3A_143 : memref<1x1x40xi32, #tpu.memory_space<vmem>> -> memref<40xi32, #tpu.memory_space<vmem>>
      %dma_wait3A_145 = arith.constant 0 : i32
      %dma_wait3A_146 = arith.constant 0 : i32
      %dma_wait3A_147 = tpu.memref_slice %arg10[%dma_wait3A_145, %dma_wait3A_146] : memref<10240x128xf32, #tpu.memory_space<vmem_shared>> -> memref<10240x128xf32, #tpu.memory_space<vmem_shared>>
      %dma_wait3A_148 = tpu.memref_slice %arg13[%dma_wait3A_137] : memref<8x!tpu.dma_semaphore, #tpu.memory_space<semaphore_mem>> -> memref<1x!tpu.dma_semaphore, #tpu.memory_space<semaphore_mem>>
      %dma_wait3A_149 = tpu.memref_squeeze %dma_wait3A_148 : memref<1x!tpu.dma_semaphore, #tpu.memory_space<semaphore_mem>> -> memref<!tpu.dma_semaphore, #tpu.memory_space<semaphore_mem>>
      tpu.wait_indirect_dma semaphore(%dma_wait3A_149 : memref<!tpu.dma_semaphore, #tpu.memory_space<semaphore_mem>>) src(%dma_wait3A_141 : memref<40x128xf32, #tpu.memory_space<vmem>>) dst(%dma_wait3A_147 : memref<10240x128xf32, #tpu.memory_space<vmem_shared>>)
      %dma_wait3A_150 = arith.constant 5 : i32
      %dma_wait3A_151 = arith.constant 0 : i32
      %dma_wait3A_152 = arith.constant 0 : i32
      %dma_wait3A_153 = arith.constant 5 : i32
      %dma_wait3A_154 = arith.constant 0 : i32
      %dma_wait3A_155 = arith.constant 0 : i32
      %dma_wait3A_156 = tpu.memref_slice %arg9[%dma_wait3A_150, %dma_wait3A_154, %dma_wait3A_155] : memref<8x40x128xf32, #tpu.memory_space<vmem>> -> memref<1x40x128xf32, #tpu.memory_space<vmem>>
      %dma_wait3A_157 = tpu.memref_squeeze %dma_wait3A_156 : memref<1x40x128xf32, #tpu.memory_space<vmem>> -> memref<40x128xf32, #tpu.memory_space<vmem>>
      %dma_wait3A_158 = arith.constant 0 : i32
      %dma_wait3A_159 = tpu.memref_slice %arg8[%dma_wait3A_151, %dma_wait3A_152, %dma_wait3A_158] : memref<2x4x40xi32, #tpu.memory_space<vmem>> -> memref<1x1x40xi32, #tpu.memory_space<vmem>>
      %dma_wait3A_160 = tpu.memref_squeeze %dma_wait3A_159 : memref<1x1x40xi32, #tpu.memory_space<vmem>> -> memref<40xi32, #tpu.memory_space<vmem>>
      %dma_wait3A_161 = arith.constant 0 : i32
      %dma_wait3A_162 = arith.constant 0 : i32
      %dma_wait3A_163 = tpu.memref_slice %arg10[%dma_wait3A_161, %dma_wait3A_162] : memref<10240x128xf32, #tpu.memory_space<vmem_shared>> -> memref<10240x128xf32, #tpu.memory_space<vmem_shared>>
      %dma_wait3A_164 = tpu.memref_slice %arg13[%dma_wait3A_153] : memref<8x!tpu.dma_semaphore, #tpu.memory_space<semaphore_mem>> -> memref<1x!tpu.dma_semaphore, #tpu.memory_space<semaphore_mem>>
      %dma_wait3A_165 = tpu.memref_squeeze %dma_wait3A_164 : memref<1x!tpu.dma_semaphore, #tpu.memory_space<semaphore_mem>> -> memref<!tpu.dma_semaphore, #tpu.memory_space<semaphore_mem>>
      tpu.wait_indirect_dma semaphore(%dma_wait3A_165 : memref<!tpu.dma_semaphore, #tpu.memory_space<semaphore_mem>>) src(%dma_wait3A_157 : memref<40x128xf32, #tpu.memory_space<vmem>>) dst(%dma_wait3A_163 : memref<10240x128xf32, #tpu.memory_space<vmem_shared>>)
      %dma_wait3A_166 = arith.constant 6 : i32
      %dma_wait3A_167 = arith.constant 0 : i32
      %dma_wait3A_168 = arith.constant 0 : i32
      %dma_wait3A_169 = arith.constant 6 : i32
      %dma_wait3A_170 = arith.constant 0 : i32
      %dma_wait3A_171 = arith.constant 0 : i32
      %dma_wait3A_172 = tpu.memref_slice %arg9[%dma_wait3A_166, %dma_wait3A_170, %dma_wait3A_171] : memref<8x40x128xf32, #tpu.memory_space<vmem>> -> memref<1x40x128xf32, #tpu.memory_space<vmem>>
      %dma_wait3A_173 = tpu.memref_squeeze %dma_wait3A_172 : memref<1x40x128xf32, #tpu.memory_space<vmem>> -> memref<40x128xf32, #tpu.memory_space<vmem>>
      %dma_wait3A_174 = arith.constant 0 : i32
      %dma_wait3A_175 = tpu.memref_slice %arg8[%dma_wait3A_167, %dma_wait3A_168, %dma_wait3A_174] : memref<2x4x40xi32, #tpu.memory_space<vmem>> -> memref<1x1x40xi32, #tpu.memory_space<vmem>>
      %dma_wait3A_176 = tpu.memref_squeeze %dma_wait3A_175 : memref<1x1x40xi32, #tpu.memory_space<vmem>> -> memref<40xi32, #tpu.memory_space<vmem>>
      %dma_wait3A_177 = arith.constant 0 : i32
      %dma_wait3A_178 = arith.constant 0 : i32
      %dma_wait3A_179 = tpu.memref_slice %arg10[%dma_wait3A_177, %dma_wait3A_178] : memref<10240x128xf32, #tpu.memory_space<vmem_shared>> -> memref<10240x128xf32, #tpu.memory_space<vmem_shared>>
      %dma_wait3A_180 = tpu.memref_slice %arg13[%dma_wait3A_169] : memref<8x!tpu.dma_semaphore, #tpu.memory_space<semaphore_mem>> -> memref<1x!tpu.dma_semaphore, #tpu.memory_space<semaphore_mem>>
      %dma_wait3A_181 = tpu.memref_squeeze %dma_wait3A_180 : memref<1x!tpu.dma_semaphore, #tpu.memory_space<semaphore_mem>> -> memref<!tpu.dma_semaphore, #tpu.memory_space<semaphore_mem>>
      tpu.wait_indirect_dma semaphore(%dma_wait3A_181 : memref<!tpu.dma_semaphore, #tpu.memory_space<semaphore_mem>>) src(%dma_wait3A_173 : memref<40x128xf32, #tpu.memory_space<vmem>>) dst(%dma_wait3A_179 : memref<10240x128xf32, #tpu.memory_space<vmem_shared>>)
      %dma_wait3A_182 = arith.constant 7 : i32
      %dma_wait3A_183 = arith.constant 0 : i32
      %dma_wait3A_184 = arith.constant 0 : i32
      %dma_wait3A_185 = arith.constant 7 : i32
      %dma_wait3A_186 = arith.constant 0 : i32
      %dma_wait3A_187 = arith.constant 0 : i32
      %dma_wait3A_188 = tpu.memref_slice %arg9[%dma_wait3A_182, %dma_wait3A_186, %dma_wait3A_187] : memref<8x40x128xf32, #tpu.memory_space<vmem>> -> memref<1x40x128xf32, #tpu.memory_space<vmem>>
      %dma_wait3A_189 = tpu.memref_squeeze %dma_wait3A_188 : memref<1x40x128xf32, #tpu.memory_space<vmem>> -> memref<40x128xf32, #tpu.memory_space<vmem>>
      %dma_wait3A_190 = arith.constant 0 : i32
      %dma_wait3A_191 = tpu.memref_slice %arg8[%dma_wait3A_183, %dma_wait3A_184, %dma_wait3A_190] : memref<2x4x40xi32, #tpu.memory_space<vmem>> -> memref<1x1x40xi32, #tpu.memory_space<vmem>>
      %dma_wait3A_192 = tpu.memref_squeeze %dma_wait3A_191 : memref<1x1x40xi32, #tpu.memory_space<vmem>> -> memref<40xi32, #tpu.memory_space<vmem>>
      %dma_wait3A_193 = arith.constant 0 : i32
      %dma_wait3A_194 = arith.constant 0 : i32
      %dma_wait3A_195 = tpu.memref_slice %arg10[%dma_wait3A_193, %dma_wait3A_194] : memref<10240x128xf32, #tpu.memory_space<vmem_shared>> -> memref<10240x128xf32, #tpu.memory_space<vmem_shared>>
      %dma_wait3A_196 = tpu.memref_slice %arg13[%dma_wait3A_185] : memref<8x!tpu.dma_semaphore, #tpu.memory_space<semaphore_mem>> -> memref<1x!tpu.dma_semaphore, #tpu.memory_space<semaphore_mem>>
      %dma_wait3A_197 = tpu.memref_squeeze %dma_wait3A_196 : memref<1x!tpu.dma_semaphore, #tpu.memory_space<semaphore_mem>> -> memref<!tpu.dma_semaphore, #tpu.memory_space<semaphore_mem>>
      tpu.wait_indirect_dma semaphore(%dma_wait3A_197 : memref<!tpu.dma_semaphore, #tpu.memory_space<semaphore_mem>>) src(%dma_wait3A_189 : memref<40x128xf32, #tpu.memory_space<vmem>>) dst(%dma_wait3A_195 : memref<10240x128xf32, #tpu.memory_space<vmem_shared>>)
      %dma_wait3A_198 = arith.constant 0 : i32
      %dma_wait3A_199 = arith.constant 0 : i32
      %dma_wait3A_200 = arith.constant 0 : i32
      %dma_wait3A_201 = arith.constant 0 : i32
      %dma_wait3A_202 = arith.constant 0 : i32
      %dma_wait3A_203 = arith.constant 0 : i32
      %dma_wait3A_204 = tpu.memref_slice %arg9[%dma_wait3A_200, %dma_wait3A_202, %dma_wait3A_203] : memref<8x40x128xf32, #tpu.memory_space<vmem>> -> memref<1x40x128xf32, #tpu.memory_space<vmem>>
      %dma_wait3A_205 = tpu.memref_squeeze %dma_wait3A_204 : memref<1x40x128xf32, #tpu.memory_space<vmem>> -> memref<40x128xf32, #tpu.memory_space<vmem>>
      %dma_wait3A_206 = arith.constant 0 : i32
      %dma_wait3A_207 = tpu.memref_slice %arg7[%dma_wait3A_198, %dma_wait3A_199, %dma_wait3A_206] : memref<2x4x40xi32, #tpu.memory_space<vmem>> -> memref<1x1x40xi32, #tpu.memory_space<vmem>>
      %dma_wait3A_208 = tpu.memref_squeeze %dma_wait3A_207 : memref<1x1x40xi32, #tpu.memory_space<vmem>> -> memref<40xi32, #tpu.memory_space<vmem>>
      %dma_wait3A_209 = arith.constant 0 : i32
      %dma_wait3A_210 = arith.constant 0 : i32
      %dma_wait3A_211 = tpu.memref_slice %arg3[%dma_wait3A_209, %dma_wait3A_210] : memref<10000x128xf32, #tpu.memory_space<hbm>> -> memref<10000x128xf32, #tpu.memory_space<hbm>>
      %dma_wait3A_212 = tpu.memref_slice %arg12[%dma_wait3A_201] : memref<8x!tpu.dma_semaphore, #tpu.memory_space<semaphore_mem>> -> memref<1x!tpu.dma_semaphore, #tpu.memory_space<semaphore_mem>>
      %dma_wait3A_213 = tpu.memref_squeeze %dma_wait3A_212 : memref<1x!tpu.dma_semaphore, #tpu.memory_space<semaphore_mem>> -> memref<!tpu.dma_semaphore, #tpu.memory_space<semaphore_mem>>
      tpu.wait_indirect_dma semaphore(%dma_wait3A_213 : memref<!tpu.dma_semaphore, #tpu.memory_space<semaphore_mem>>) src(%dma_wait3A_211 : memref<10000x128xf32, #tpu.memory_space<hbm>>) dst(%dma_wait3A_205 : memref<40x128xf32, #tpu.memory_space<vmem>>)
      %dma_start3A_214 = arith.constant 0 : i32
      %dma_start3A_215 = arith.constant 0 : i32
      %dma_start3A_216 = arith.constant 0 : i32
      %dma_start3A_217 = arith.constant 0 : i32
      %dma_start3A_218 = arith.constant 0 : i32
      %dma_start3A_219 = arith.constant 0 : i32
      %dma_start3A_220 = tpu.memref_slice %arg9[%dma_start3A_214, %dma_start3A_218, %dma_start3A_219] : memref<8x40x128xf32, #tpu.memory_space<vmem>> -> memref<1x40x128xf32, #tpu.memory_space<vmem>>
      %dma_start3A_221 = tpu.memref_squeeze %dma_start3A_220 : memref<1x40x128xf32, #tpu.memory_space<vmem>> -> memref<40x128xf32, #tpu.memory_space<vmem>>
      %dma_start3A_222 = arith.constant 0 : i32
      %dma_start3A_223 = tpu.memref_slice %arg8[%dma_start3A_215, %dma_start3A_216, %dma_start3A_222] : memref<2x4x40xi32, #tpu.memory_space<vmem>> -> memref<1x1x40xi32, #tpu.memory_space<vmem>>
      %dma_start3A_224 = tpu.memref_squeeze %dma_start3A_223 : memref<1x1x40xi32, #tpu.memory_space<vmem>> -> memref<40xi32, #tpu.memory_space<vmem>>
      %dma_start3A_225 = arith.constant 0 : i32
      %dma_start3A_226 = arith.constant 0 : i32
      %dma_start3A_227 = tpu.memref_slice %arg10[%dma_start3A_225, %dma_start3A_226] : memref<10240x128xf32, #tpu.memory_space<vmem_shared>> -> memref<10240x128xf32, #tpu.memory_space<vmem_shared>>
      %dma_start3A_228 = tpu.memref_slice %arg13[%dma_start3A_217] : memref<8x!tpu.dma_semaphore, #tpu.memory_space<semaphore_mem>> -> memref<1x!tpu.dma_semaphore, #tpu.memory_space<semaphore_mem>>
      %dma_start3A_229 = tpu.memref_squeeze %dma_start3A_228 : memref<1x!tpu.dma_semaphore, #tpu.memory_space<semaphore_mem>> -> memref<!tpu.dma_semaphore, #tpu.memory_space<semaphore_mem>>
      tpu.enqueue_indirect_dma source(%dma_start3A_221 : memref<40x128xf32, #tpu.memory_space<vmem>>) target(%dma_start3A_227 : memref<10240x128xf32, #tpu.memory_space<vmem_shared>>) offsets(%dma_start3A_224 : memref<40xi32, #tpu.memory_space<vmem>>) semaphore(%dma_start3A_229 : memref<!tpu.dma_semaphore, #tpu.memory_space<semaphore_mem>>) {add = true}
      %dma_wait3A_230 = arith.constant 0 : i32
      %dma_wait3A_231 = arith.constant 0 : i32
      %dma_wait3A_232 = arith.constant 1 : i32
      %dma_wait3A_233 = arith.constant 1 : i32
      %dma_wait3A_234 = arith.constant 0 : i32
      %dma_wait3A_235 = arith.constant 0 : i32
      %dma_wait3A_236 = tpu.memref_slice %arg9[%dma_wait3A_232, %dma_wait3A_234, %dma_wait3A_235] : memref<8x40x128xf32, #tpu.memory_space<vmem>> -> memref<1x40x128xf32, #tpu.memory_space<vmem>>
      %dma_wait3A_237 = tpu.memref_squeeze %dma_wait3A_236 : memref<1x40x128xf32, #tpu.memory_space<vmem>> -> memref<40x128xf32, #tpu.memory_space<vmem>>
      %dma_wait3A_238 = arith.constant 0 : i32
      %dma_wait3A_239 = tpu.memref_slice %arg7[%dma_wait3A_230, %dma_wait3A_231, %dma_wait3A_238] : memref<2x4x40xi32, #tpu.memory_space<vmem>> -> memref<1x1x40xi32, #tpu.memory_space<vmem>>
      %dma_wait3A_240 = tpu.memref_squeeze %dma_wait3A_239 : memref<1x1x40xi32, #tpu.memory_space<vmem>> -> memref<40xi32, #tpu.memory_space<vmem>>
      %dma_wait3A_241 = arith.constant 0 : i32
      %dma_wait3A_242 = arith.constant 0 : i32
      %dma_wait3A_243 = tpu.memref_slice %arg3[%dma_wait3A_241, %dma_wait3A_242] : memref<10000x128xf32, #tpu.memory_space<hbm>> -> memref<10000x128xf32, #tpu.memory_space<hbm>>
      %dma_wait3A_244 = tpu.memref_slice %arg12[%dma_wait3A_233] : memref<8x!tpu.dma_semaphore, #tpu.memory_space<semaphore_mem>> -> memref<1x!tpu.dma_semaphore, #tpu.memory_space<semaphore_mem>>
      %dma_wait3A_245 = tpu.memref_squeeze %dma_wait3A_244 : memref<1x!tpu.dma_semaphore, #tpu.memory_space<semaphore_mem>> -> memref<!tpu.dma_semaphore, #tpu.memory_space<semaphore_mem>>
      tpu.wait_indirect_dma semaphore(%dma_wait3A_245 : memref<!tpu.dma_semaphore, #tpu.memory_space<semaphore_mem>>) src(%dma_wait3A_243 : memref<10000x128xf32, #tpu.memory_space<hbm>>) dst(%dma_wait3A_237 : memref<40x128xf32, #tpu.memory_space<vmem>>)
      %dma_start3A_246 = arith.constant 1 : i32
      %dma_start3A_247 = arith.constant 0 : i32
      %dma_start3A_248 = arith.constant 1 : i32
      %dma_start3A_249 = arith.constant 1 : i32
      %dma_start3A_250 = arith.constant 0 : i32
      %dma_start3A_251 = arith.constant 0 : i32
      %dma_start3A_252 = tpu.memref_slice %arg9[%dma_start3A_246, %dma_start3A_250, %dma_start3A_251] : memref<8x40x128xf32, #tpu.memory_space<vmem>> -> memref<1x40x128xf32, #tpu.memory_space<vmem>>
      %dma_start3A_253 = tpu.memref_squeeze %dma_start3A_252 : memref<1x40x128xf32, #tpu.memory_space<vmem>> -> memref<40x128xf32, #tpu.memory_space<vmem>>
      %dma_start3A_254 = arith.constant 0 : i32
      %dma_start3A_255 = tpu.memref_slice %arg8[%dma_start3A_247, %dma_start3A_248, %dma_start3A_254] : memref<2x4x40xi32, #tpu.memory_space<vmem>> -> memref<1x1x40xi32, #tpu.memory_space<vmem>>
      %dma_start3A_256 = tpu.memref_squeeze %dma_start3A_255 : memref<1x1x40xi32, #tpu.memory_space<vmem>> -> memref<40xi32, #tpu.memory_space<vmem>>
      %dma_start3A_257 = arith.constant 0 : i32
      %dma_start3A_258 = arith.constant 0 : i32
      %dma_start3A_259 = tpu.memref_slice %arg10[%dma_start3A_257, %dma_start3A_258] : memref<10240x128xf32, #tpu.memory_space<vmem_shared>> -> memref<10240x128xf32, #tpu.memory_space<vmem_shared>>
      %dma_start3A_260 = tpu.memref_slice %arg13[%dma_start3A_249] : memref<8x!tpu.dma_semaphore, #tpu.memory_space<semaphore_mem>> -> memref<1x!tpu.dma_semaphore, #tpu.memory_space<semaphore_mem>>
      %dma_start3A_261 = tpu.memref_squeeze %dma_start3A_260 : memref<1x!tpu.dma_semaphore, #tpu.memory_space<semaphore_mem>> -> memref<!tpu.dma_semaphore, #tpu.memory_space<semaphore_mem>>
      tpu.enqueue_indirect_dma source(%dma_start3A_253 : memref<40x128xf32, #tpu.memory_space<vmem>>) target(%dma_start3A_259 : memref<10240x128xf32, #tpu.memory_space<vmem_shared>>) offsets(%dma_start3A_256 : memref<40xi32, #tpu.memory_space<vmem>>) semaphore(%dma_start3A_261 : memref<!tpu.dma_semaphore, #tpu.memory_space<semaphore_mem>>) {add = true}
      %dma_wait3A_262 = arith.constant 0 : i32
      %dma_wait3A_263 = arith.constant 0 : i32
      %dma_wait3A_264 = arith.constant 2 : i32
      %dma_wait3A_265 = arith.constant 2 : i32
      %dma_wait3A_266 = arith.constant 0 : i32
      %dma_wait3A_267 = arith.constant 0 : i32
      %dma_wait3A_268 = tpu.memref_slice %arg9[%dma_wait3A_264, %dma_wait3A_266, %dma_wait3A_267] : memref<8x40x128xf32, #tpu.memory_space<vmem>> -> memref<1x40x128xf32, #tpu.memory_space<vmem>>
      %dma_wait3A_269 = tpu.memref_squeeze %dma_wait3A_268 : memref<1x40x128xf32, #tpu.memory_space<vmem>> -> memref<40x128xf32, #tpu.memory_space<vmem>>
      %dma_wait3A_270 = arith.constant 0 : i32
      %dma_wait3A_271 = tpu.memref_slice %arg7[%dma_wait3A_262, %dma_wait3A_263, %dma_wait3A_270] : memref<2x4x40xi32, #tpu.memory_space<vmem>> -> memref<1x1x40xi32, #tpu.memory_space<vmem>>
      %dma_wait3A_272 = tpu.memref_squeeze %dma_wait3A_271 : memref<1x1x40xi32, #tpu.memory_space<vmem>> -> memref<40xi32, #tpu.memory_space<vmem>>
      %dma_wait3A_273 = arith.constant 0 : i32
      %dma_wait3A_274 = arith.constant 0 : i32
      %dma_wait3A_275 = tpu.memref_slice %arg3[%dma_wait3A_273, %dma_wait3A_274] : memref<10000x128xf32, #tpu.memory_space<hbm>> -> memref<10000x128xf32, #tpu.memory_space<hbm>>
      %dma_wait3A_276 = tpu.memref_slice %arg12[%dma_wait3A_265] : memref<8x!tpu.dma_semaphore, #tpu.memory_space<semaphore_mem>> -> memref<1x!tpu.dma_semaphore, #tpu.memory_space<semaphore_mem>>
      %dma_wait3A_277 = tpu.memref_squeeze %dma_wait3A_276 : memref<1x!tpu.dma_semaphore, #tpu.memory_space<semaphore_mem>> -> memref<!tpu.dma_semaphore, #tpu.memory_space<semaphore_mem>>
      tpu.wait_indirect_dma semaphore(%dma_wait3A_277 : memref<!tpu.dma_semaphore, #tpu.memory_space<semaphore_mem>>) src(%dma_wait3A_275 : memref<10000x128xf32, #tpu.memory_space<hbm>>) dst(%dma_wait3A_269 : memref<40x128xf32, #tpu.memory_space<vmem>>)
      %dma_start3A_278 = arith.constant 2 : i32
      %dma_start3A_279 = arith.constant 0 : i32
      %dma_start3A_280 = arith.constant 2 : i32
      %dma_start3A_281 = arith.constant 2 : i32
      %dma_start3A_282 = arith.constant 0 : i32
      %dma_start3A_283 = arith.constant 0 : i32
      %dma_start3A_284 = tpu.memref_slice %arg9[%dma_start3A_278, %dma_start3A_282, %dma_start3A_283] : memref<8x40x128xf32, #tpu.memory_space<vmem>> -> memref<1x40x128xf32, #tpu.memory_space<vmem>>
      %dma_start3A_285 = tpu.memref_squeeze %dma_start3A_284 : memref<1x40x128xf32, #tpu.memory_space<vmem>> -> memref<40x128xf32, #tpu.memory_space<vmem>>
      %dma_start3A_286 = arith.constant 0 : i32
      %dma_start3A_287 = tpu.memref_slice %arg8[%dma_start3A_279, %dma_start3A_280, %dma_start3A_286] : memref<2x4x40xi32, #tpu.memory_space<vmem>> -> memref<1x1x40xi32, #tpu.memory_space<vmem>>
      %dma_start3A_288 = tpu.memref_squeeze %dma_start3A_287 : memref<1x1x40xi32, #tpu.memory_space<vmem>> -> memref<40xi32, #tpu.memory_space<vmem>>
      %dma_start3A_289 = arith.constant 0 : i32
      %dma_start3A_290 = arith.constant 0 : i32
      %dma_start3A_291 = tpu.memref_slice %arg10[%dma_start3A_289, %dma_start3A_290] : memref<10240x128xf32, #tpu.memory_space<vmem_shared>> -> memref<10240x128xf32, #tpu.memory_space<vmem_shared>>
      %dma_start3A_292 = tpu.memref_slice %arg13[%dma_start3A_281] : memref<8x!tpu.dma_semaphore, #tpu.memory_space<semaphore_mem>> -> memref<1x!tpu.dma_semaphore, #tpu.memory_space<semaphore_mem>>
      %dma_start3A_293 = tpu.memref_squeeze %dma_start3A_292 : memref<1x!tpu.dma_semaphore, #tpu.memory_space<semaphore_mem>> -> memref<!tpu.dma_semaphore, #tpu.memory_space<semaphore_mem>>
      tpu.enqueue_indirect_dma source(%dma_start3A_285 : memref<40x128xf32, #tpu.memory_space<vmem>>) target(%dma_start3A_291 : memref<10240x128xf32, #tpu.memory_space<vmem_shared>>) offsets(%dma_start3A_288 : memref<40xi32, #tpu.memory_space<vmem>>) semaphore(%dma_start3A_293 : memref<!tpu.dma_semaphore, #tpu.memory_space<semaphore_mem>>) {add = true}
      %dma_wait3A_294 = arith.constant 0 : i32
      %dma_wait3A_295 = arith.constant 0 : i32
      %dma_wait3A_296 = arith.constant 3 : i32
      %dma_wait3A_297 = arith.constant 3 : i32
      %dma_wait3A_298 = arith.constant 0 : i32
      %dma_wait3A_299 = arith.constant 0 : i32
      %dma_wait3A_300 = tpu.memref_slice %arg9[%dma_wait3A_296, %dma_wait3A_298, %dma_wait3A_299] : memref<8x40x128xf32, #tpu.memory_space<vmem>> -> memref<1x40x128xf32, #tpu.memory_space<vmem>>
      %dma_wait3A_301 = tpu.memref_squeeze %dma_wait3A_300 : memref<1x40x128xf32, #tpu.memory_space<vmem>> -> memref<40x128xf32, #tpu.memory_space<vmem>>
      %dma_wait3A_302 = arith.constant 0 : i32
      %dma_wait3A_303 = tpu.memref_slice %arg7[%dma_wait3A_294, %dma_wait3A_295, %dma_wait3A_302] : memref<2x4x40xi32, #tpu.memory_space<vmem>> -> memref<1x1x40xi32, #tpu.memory_space<vmem>>
      %dma_wait3A_304 = tpu.memref_squeeze %dma_wait3A_303 : memref<1x1x40xi32, #tpu.memory_space<vmem>> -> memref<40xi32, #tpu.memory_space<vmem>>
      %dma_wait3A_305 = arith.constant 0 : i32
      %dma_wait3A_306 = arith.constant 0 : i32
      %dma_wait3A_307 = tpu.memref_slice %arg3[%dma_wait3A_305, %dma_wait3A_306] : memref<10000x128xf32, #tpu.memory_space<hbm>> -> memref<10000x128xf32, #tpu.memory_space<hbm>>
      %dma_wait3A_308 = tpu.memref_slice %arg12[%dma_wait3A_297] : memref<8x!tpu.dma_semaphore, #tpu.memory_space<semaphore_mem>> -> memref<1x!tpu.dma_semaphore, #tpu.memory_space<semaphore_mem>>
      %dma_wait3A_309 = tpu.memref_squeeze %dma_wait3A_308 : memref<1x!tpu.dma_semaphore, #tpu.memory_space<semaphore_mem>> -> memref<!tpu.dma_semaphore, #tpu.memory_space<semaphore_mem>>
      tpu.wait_indirect_dma semaphore(%dma_wait3A_309 : memref<!tpu.dma_semaphore, #tpu.memory_space<semaphore_mem>>) src(%dma_wait3A_307 : memref<10000x128xf32, #tpu.memory_space<hbm>>) dst(%dma_wait3A_301 : memref<40x128xf32, #tpu.memory_space<vmem>>)
      %dma_start3A_310 = arith.constant 3 : i32
      %dma_start3A_311 = arith.constant 0 : i32
      %dma_start3A_312 = arith.constant 3 : i32
      %dma_start3A_313 = arith.constant 3 : i32
      %dma_start3A_314 = arith.constant 0 : i32
      %dma_start3A_315 = arith.constant 0 : i32
      %dma_start3A_316 = tpu.memref_slice %arg9[%dma_start3A_310, %dma_start3A_314, %dma_start3A_315] : memref<8x40x128xf32, #tpu.memory_space<vmem>> -> memref<1x40x128xf32, #tpu.memory_space<vmem>>
      %dma_start3A_317 = tpu.memref_squeeze %dma_start3A_316 : memref<1x40x128xf32, #tpu.memory_space<vmem>> -> memref<40x128xf32, #tpu.memory_space<vmem>>
      %dma_start3A_318 = arith.constant 0 : i32
      %dma_start3A_319 = tpu.memref_slice %arg8[%dma_start3A_311, %dma_start3A_312, %dma_start3A_318] : memref<2x4x40xi32, #tpu.memory_space<vmem>> -> memref<1x1x40xi32, #tpu.memory_space<vmem>>
      %dma_start3A_320 = tpu.memref_squeeze %dma_start3A_319 : memref<1x1x40xi32, #tpu.memory_space<vmem>> -> memref<40xi32, #tpu.memory_space<vmem>>
      %dma_start3A_321 = arith.constant 0 : i32
      %dma_start3A_322 = arith.constant 0 : i32
      %dma_start3A_323 = tpu.memref_slice %arg10[%dma_start3A_321, %dma_start3A_322] : memref<10240x128xf32, #tpu.memory_space<vmem_shared>> -> memref<10240x128xf32, #tpu.memory_space<vmem_shared>>
      %dma_start3A_324 = tpu.memref_slice %arg13[%dma_start3A_313] : memref<8x!tpu.dma_semaphore, #tpu.memory_space<semaphore_mem>> -> memref<1x!tpu.dma_semaphore, #tpu.memory_space<semaphore_mem>>
      %dma_start3A_325 = tpu.memref_squeeze %dma_start3A_324 : memref<1x!tpu.dma_semaphore, #tpu.memory_space<semaphore_mem>> -> memref<!tpu.dma_semaphore, #tpu.memory_space<semaphore_mem>>
      tpu.enqueue_indirect_dma source(%dma_start3A_317 : memref<40x128xf32, #tpu.memory_space<vmem>>) target(%dma_start3A_323 : memref<10240x128xf32, #tpu.memory_space<vmem_shared>>) offsets(%dma_start3A_320 : memref<40xi32, #tpu.memory_space<vmem>>) semaphore(%dma_start3A_325 : memref<!tpu.dma_semaphore, #tpu.memory_space<semaphore_mem>>) {add = true}
      %dma_wait3A_326 = arith.constant 0 : i32
      %dma_wait3A_327 = arith.constant 0 : i32
      %dma_wait3A_328 = arith.constant 0 : i32
      %dma_wait3A_329 = arith.constant 0 : i32
      %dma_wait3A_330 = arith.constant 0 : i32
      %dma_wait3A_331 = arith.constant 0 : i32
      %dma_wait3A_332 = tpu.memref_slice %arg9[%dma_wait3A_326, %dma_wait3A_330, %dma_wait3A_331] : memref<8x40x128xf32, #tpu.memory_space<vmem>> -> memref<1x40x128xf32, #tpu.memory_space<vmem>>
      %dma_wait3A_333 = tpu.memref_squeeze %dma_wait3A_332 : memref<1x40x128xf32, #tpu.memory_space<vmem>> -> memref<40x128xf32, #tpu.memory_space<vmem>>
      %dma_wait3A_334 = arith.constant 0 : i32
      %dma_wait3A_335 = tpu.memref_slice %arg8[%dma_wait3A_327, %dma_wait3A_328, %dma_wait3A_334] : memref<2x4x40xi32, #tpu.memory_space<vmem>> -> memref<1x1x40xi32, #tpu.memory_space<vmem>>
      %dma_wait3A_336 = tpu.memref_squeeze %dma_wait3A_335 : memref<1x1x40xi32, #tpu.memory_space<vmem>> -> memref<40xi32, #tpu.memory_space<vmem>>
      %dma_wait3A_337 = arith.constant 0 : i32
      %dma_wait3A_338 = arith.constant 0 : i32
      %dma_wait3A_339 = tpu.memref_slice %arg10[%dma_wait3A_337, %dma_wait3A_338] : memref<10240x128xf32, #tpu.memory_space<vmem_shared>> -> memref<10240x128xf32, #tpu.memory_space<vmem_shared>>
      %dma_wait3A_340 = tpu.memref_slice %arg13[%dma_wait3A_329] : memref<8x!tpu.dma_semaphore, #tpu.memory_space<semaphore_mem>> -> memref<1x!tpu.dma_semaphore, #tpu.memory_space<semaphore_mem>>
      %dma_wait3A_341 = tpu.memref_squeeze %dma_wait3A_340 : memref<1x!tpu.dma_semaphore, #tpu.memory_space<semaphore_mem>> -> memref<!tpu.dma_semaphore, #tpu.memory_space<semaphore_mem>>
      tpu.wait_indirect_dma semaphore(%dma_wait3A_341 : memref<!tpu.dma_semaphore, #tpu.memory_space<semaphore_mem>>) src(%dma_wait3A_333 : memref<40x128xf32, #tpu.memory_space<vmem>>) dst(%dma_wait3A_339 : memref<10240x128xf32, #tpu.memory_space<vmem_shared>>)
      %dma_wait3A_342 = arith.constant 1 : i32
      %dma_wait3A_343 = arith.constant 0 : i32
      %dma_wait3A_344 = arith.constant 0 : i32
      %dma_wait3A_345 = arith.constant 1 : i32
      %dma_wait3A_346 = arith.constant 0 : i32
      %dma_wait3A_347 = arith.constant 0 : i32
      %dma_wait3A_348 = tpu.memref_slice %arg9[%dma_wait3A_342, %dma_wait3A_346, %dma_wait3A_347] : memref<8x40x128xf32, #tpu.memory_space<vmem>> -> memref<1x40x128xf32, #tpu.memory_space<vmem>>
      %dma_wait3A_349 = tpu.memref_squeeze %dma_wait3A_348 : memref<1x40x128xf32, #tpu.memory_space<vmem>> -> memref<40x128xf32, #tpu.memory_space<vmem>>
      %dma_wait3A_350 = arith.constant 0 : i32
      %dma_wait3A_351 = tpu.memref_slice %arg8[%dma_wait3A_343, %dma_wait3A_344, %dma_wait3A_350] : memref<2x4x40xi32, #tpu.memory_space<vmem>> -> memref<1x1x40xi32, #tpu.memory_space<vmem>>
      %dma_wait3A_352 = tpu.memref_squeeze %dma_wait3A_351 : memref<1x1x40xi32, #tpu.memory_space<vmem>> -> memref<40xi32, #tpu.memory_space<vmem>>
      %dma_wait3A_353 = arith.constant 0 : i32
      %dma_wait3A_354 = arith.constant 0 : i32
      %dma_wait3A_355 = tpu.memref_slice %arg10[%dma_wait3A_353, %dma_wait3A_354] : memref<10240x128xf32, #tpu.memory_space<vmem_shared>> -> memref<10240x128xf32, #tpu.memory_space<vmem_shared>>
      %dma_wait3A_356 = tpu.memref_slice %arg13[%dma_wait3A_345] : memref<8x!tpu.dma_semaphore, #tpu.memory_space<semaphore_mem>> -> memref<1x!tpu.dma_semaphore, #tpu.memory_space<semaphore_mem>>
      %dma_wait3A_357 = tpu.memref_squeeze %dma_wait3A_356 : memref<1x!tpu.dma_semaphore, #tpu.memory_space<semaphore_mem>> -> memref<!tpu.dma_semaphore, #tpu.memory_space<semaphore_mem>>
      tpu.wait_indirect_dma semaphore(%dma_wait3A_357 : memref<!tpu.dma_semaphore, #tpu.memory_space<semaphore_mem>>) src(%dma_wait3A_349 : memref<40x128xf32, #tpu.memory_space<vmem>>) dst(%dma_wait3A_355 : memref<10240x128xf32, #tpu.memory_space<vmem_shared>>)
      %dma_wait3A_358 = arith.constant 2 : i32
      %dma_wait3A_359 = arith.constant 0 : i32
      %dma_wait3A_360 = arith.constant 0 : i32
      %dma_wait3A_361 = arith.constant 2 : i32
      %dma_wait3A_362 = arith.constant 0 : i32
      %dma_wait3A_363 = arith.constant 0 : i32
      %dma_wait3A_364 = tpu.memref_slice %arg9[%dma_wait3A_358, %dma_wait3A_362, %dma_wait3A_363] : memref<8x40x128xf32, #tpu.memory_space<vmem>> -> memref<1x40x128xf32, #tpu.memory_space<vmem>>
      %dma_wait3A_365 = tpu.memref_squeeze %dma_wait3A_364 : memref<1x40x128xf32, #tpu.memory_space<vmem>> -> memref<40x128xf32, #tpu.memory_space<vmem>>
      %dma_wait3A_366 = arith.constant 0 : i32
      %dma_wait3A_367 = tpu.memref_slice %arg8[%dma_wait3A_359, %dma_wait3A_360, %dma_wait3A_366] : memref<2x4x40xi32, #tpu.memory_space<vmem>> -> memref<1x1x40xi32, #tpu.memory_space<vmem>>
      %dma_wait3A_368 = tpu.memref_squeeze %dma_wait3A_367 : memref<1x1x40xi32, #tpu.memory_space<vmem>> -> memref<40xi32, #tpu.memory_space<vmem>>
      %dma_wait3A_369 = arith.constant 0 : i32
      %dma_wait3A_370 = arith.constant 0 : i32
      %dma_wait3A_371 = tpu.memref_slice %arg10[%dma_wait3A_369, %dma_wait3A_370] : memref<10240x128xf32, #tpu.memory_space<vmem_shared>> -> memref<10240x128xf32, #tpu.memory_space<vmem_shared>>
      %dma_wait3A_372 = tpu.memref_slice %arg13[%dma_wait3A_361] : memref<8x!tpu.dma_semaphore, #tpu.memory_space<semaphore_mem>> -> memref<1x!tpu.dma_semaphore, #tpu.memory_space<semaphore_mem>>
      %dma_wait3A_373 = tpu.memref_squeeze %dma_wait3A_372 : memref<1x!tpu.dma_semaphore, #tpu.memory_space<semaphore_mem>> -> memref<!tpu.dma_semaphore, #tpu.memory_space<semaphore_mem>>
      tpu.wait_indirect_dma semaphore(%dma_wait3A_373 : memref<!tpu.dma_semaphore, #tpu.memory_space<semaphore_mem>>) src(%dma_wait3A_365 : memref<40x128xf32, #tpu.memory_space<vmem>>) dst(%dma_wait3A_371 : memref<10240x128xf32, #tpu.memory_space<vmem_shared>>)
      %dma_wait3A_374 = arith.constant 3 : i32
      %dma_wait3A_375 = arith.constant 0 : i32
      %dma_wait3A_376 = arith.constant 0 : i32
      %dma_wait3A_377 = arith.constant 3 : i32
      %dma_wait3A_378 = arith.constant 0 : i32
      %dma_wait3A_379 = arith.constant 0 : i32
      %dma_wait3A_380 = tpu.memref_slice %arg9[%dma_wait3A_374, %dma_wait3A_378, %dma_wait3A_379] : memref<8x40x128xf32, #tpu.memory_space<vmem>> -> memref<1x40x128xf32, #tpu.memory_space<vmem>>
      %dma_wait3A_381 = tpu.memref_squeeze %dma_wait3A_380 : memref<1x40x128xf32, #tpu.memory_space<vmem>> -> memref<40x128xf32, #tpu.memory_space<vmem>>
      %dma_wait3A_382 = arith.constant 0 : i32
      %dma_wait3A_383 = tpu.memref_slice %arg8[%dma_wait3A_375, %dma_wait3A_376, %dma_wait3A_382] : memref<2x4x40xi32, #tpu.memory_space<vmem>> -> memref<1x1x40xi32, #tpu.memory_space<vmem>>
      %dma_wait3A_384 = tpu.memref_squeeze %dma_wait3A_383 : memref<1x1x40xi32, #tpu.memory_space<vmem>> -> memref<40xi32, #tpu.memory_space<vmem>>
      %dma_wait3A_385 = arith.constant 0 : i32
      %dma_wait3A_386 = arith.constant 0 : i32
      %dma_wait3A_387 = tpu.memref_slice %arg10[%dma_wait3A_385, %dma_wait3A_386] : memref<10240x128xf32, #tpu.memory_space<vmem_shared>> -> memref<10240x128xf32, #tpu.memory_space<vmem_shared>>
      %dma_wait3A_388 = tpu.memref_slice %arg13[%dma_wait3A_377] : memref<8x!tpu.dma_semaphore, #tpu.memory_space<semaphore_mem>> -> memref<1x!tpu.dma_semaphore, #tpu.memory_space<semaphore_mem>>
      %dma_wait3A_389 = tpu.memref_squeeze %dma_wait3A_388 : memref<1x!tpu.dma_semaphore, #tpu.memory_space<semaphore_mem>> -> memref<!tpu.dma_semaphore, #tpu.memory_space<semaphore_mem>>
      tpu.wait_indirect_dma semaphore(%dma_wait3A_389 : memref<!tpu.dma_semaphore, #tpu.memory_space<semaphore_mem>>) src(%dma_wait3A_381 : memref<40x128xf32, #tpu.memory_space<vmem>>) dst(%dma_wait3A_387 : memref<10240x128xf32, #tpu.memory_space<vmem_shared>>)
      %barrier3A_390 = arith.constant 0 : index
      tpu.barrier barrier_id(%barrier3A_390)
      %mul3A_391 = arith.constant 640 : i32
      %mul3A_392 = arith.muli %arg1, %mul3A_391 : i32
      %add3A_393 = arith.constant 0 : i32
      %add3A_394 = arith.addi %mul3A_392, %add3A_393 : i32
      "tpu.region"() ({
        %run_scoped3A_411 = tpu.sem_alloc : memref<!tpu.dma_semaphore, #tpu.memory_space<semaphore_mem>>
        %dma_start3A_412 = arith.constant 0 : i32
        %dma_start3A_413 = tpu.memref_slice %arg6[%add3A_394, %dma_start3A_412] : memref<10240x128xf32, #tpu.memory_space<hbm>> -> memref<128x128xf32, #tpu.memory_space<hbm>>
        %dma_start3A_414 = arith.constant 0 : i32
        %dma_start3A_415 = tpu.memref_slice %arg10[%add3A_394, %dma_start3A_414] : memref<10240x128xf32, #tpu.memory_space<vmem_shared>> -> memref<128x128xf32, #tpu.memory_space<vmem_shared>>
        tpu.enqueue_dma source(%dma_start3A_415 : memref<128x128xf32, #tpu.memory_space<vmem_shared>>) target(%dma_start3A_413 : memref<128x128xf32, #tpu.memory_space<hbm>>) target_semaphore(%run_scoped3A_411 : memref<!tpu.dma_semaphore, #tpu.memory_space<semaphore_mem>>)
        %dma_wait3A_416 = arith.constant 0 : i32
        %dma_wait3A_417 = tpu.memref_slice %arg6[%add3A_394, %dma_wait3A_416] : memref<10240x128xf32, #tpu.memory_space<hbm>> -> memref<128x128xf32, #tpu.memory_space<hbm>>
        %dma_wait3A_418 = arith.constant 0 : i32
        %dma_wait3A_419 = tpu.memref_slice %arg10[%add3A_394, %dma_wait3A_418] : memref<10240x128xf32, #tpu.memory_space<vmem_shared>> -> memref<128x128xf32, #tpu.memory_space<vmem_shared>>
        tpu.wait_dma2 semaphore(%run_scoped3A_411 : memref<!tpu.dma_semaphore, #tpu.memory_space<semaphore_mem>>) src(%dma_wait3A_419 : memref<128x128xf32, #tpu.memory_space<vmem_shared>>) dst(%dma_wait3A_417 : memref<128x128xf32, #tpu.memory_space<hbm>>)
        tpu.yield
      }) : () -> ()
      %mul3A_395 = arith.constant 640 : i32
      %mul3A_396 = arith.muli %arg1, %mul3A_395 : i32
      %add3A_397 = arith.constant 128 : i32
      %add3A_398 = arith.addi %mul3A_396, %add3A_397 : i32
      "tpu.region"() ({
        %run_scoped3A_411 = tpu.sem_alloc : memref<!tpu.dma_semaphore, #tpu.memory_space<semaphore_mem>>
        %dma_start3A_412 = arith.constant 0 : i32
        %dma_start3A_413 = tpu.memref_slice %arg6[%add3A_398, %dma_start3A_412] : memref<10240x128xf32, #tpu.memory_space<hbm>> -> memref<128x128xf32, #tpu.memory_space<hbm>>
        %dma_start3A_414 = arith.constant 0 : i32
        %dma_start3A_415 = tpu.memref_slice %arg10[%add3A_398, %dma_start3A_414] : memref<10240x128xf32, #tpu.memory_space<vmem_shared>> -> memref<128x128xf32, #tpu.memory_space<vmem_shared>>
        tpu.enqueue_dma source(%dma_start3A_415 : memref<128x128xf32, #tpu.memory_space<vmem_shared>>) target(%dma_start3A_413 : memref<128x128xf32, #tpu.memory_space<hbm>>) target_semaphore(%run_scoped3A_411 : memref<!tpu.dma_semaphore, #tpu.memory_space<semaphore_mem>>)
        %dma_wait3A_416 = arith.constant 0 : i32
        %dma_wait3A_417 = tpu.memref_slice %arg6[%add3A_398, %dma_wait3A_416] : memref<10240x128xf32, #tpu.memory_space<hbm>> -> memref<128x128xf32, #tpu.memory_space<hbm>>
        %dma_wait3A_418 = arith.constant 0 : i32
        %dma_wait3A_419 = tpu.memref_slice %arg10[%add3A_398, %dma_wait3A_418] : memref<10240x128xf32, #tpu.memory_space<vmem_shared>> -> memref<128x128xf32, #tpu.memory_space<vmem_shared>>
        tpu.wait_dma2 semaphore(%run_scoped3A_411 : memref<!tpu.dma_semaphore, #tpu.memory_space<semaphore_mem>>) src(%dma_wait3A_419 : memref<128x128xf32, #tpu.memory_space<vmem_shared>>) dst(%dma_wait3A_417 : memref<128x128xf32, #tpu.memory_space<hbm>>)
        tpu.yield
      }) : () -> ()
      %mul3A_399 = arith.constant 640 : i32
      %mul3A_400 = arith.muli %arg1, %mul3A_399 : i32
      %add3A_401 = arith.constant 256 : i32
      %add3A_402 = arith.addi %mul3A_400, %add3A_401 : i32
      "tpu.region"() ({
        %run_scoped3A_411 = tpu.sem_alloc : memref<!tpu.dma_semaphore, #tpu.memory_space<semaphore_mem>>
        %dma_start3A_412 = arith.constant 0 : i32
        %dma_start3A_413 = tpu.memref_slice %arg6[%add3A_402, %dma_start3A_412] : memref<10240x128xf32, #tpu.memory_space<hbm>> -> memref<128x128xf32, #tpu.memory_space<hbm>>
        %dma_start3A_414 = arith.constant 0 : i32
        %dma_start3A_415 = tpu.memref_slice %arg10[%add3A_402, %dma_start3A_414] : memref<10240x128xf32, #tpu.memory_space<vmem_shared>> -> memref<128x128xf32, #tpu.memory_space<vmem_shared>>
        tpu.enqueue_dma source(%dma_start3A_415 : memref<128x128xf32, #tpu.memory_space<vmem_shared>>) target(%dma_start3A_413 : memref<128x128xf32, #tpu.memory_space<hbm>>) target_semaphore(%run_scoped3A_411 : memref<!tpu.dma_semaphore, #tpu.memory_space<semaphore_mem>>)
        %dma_wait3A_416 = arith.constant 0 : i32
        %dma_wait3A_417 = tpu.memref_slice %arg6[%add3A_402, %dma_wait3A_416] : memref<10240x128xf32, #tpu.memory_space<hbm>> -> memref<128x128xf32, #tpu.memory_space<hbm>>
        %dma_wait3A_418 = arith.constant 0 : i32
        %dma_wait3A_419 = tpu.memref_slice %arg10[%add3A_402, %dma_wait3A_418] : memref<10240x128xf32, #tpu.memory_space<vmem_shared>> -> memref<128x128xf32, #tpu.memory_space<vmem_shared>>
        tpu.wait_dma2 semaphore(%run_scoped3A_411 : memref<!tpu.dma_semaphore, #tpu.memory_space<semaphore_mem>>) src(%dma_wait3A_419 : memref<128x128xf32, #tpu.memory_space<vmem_shared>>) dst(%dma_wait3A_417 : memref<128x128xf32, #tpu.memory_space<hbm>>)
        tpu.yield
      }) : () -> ()
      %mul3A_403 = arith.constant 640 : i32
      %mul3A_404 = arith.muli %arg1, %mul3A_403 : i32
      %add3A_405 = arith.constant 384 : i32
      %add3A_406 = arith.addi %mul3A_404, %add3A_405 : i32
      "tpu.region"() ({
        %run_scoped3A_411 = tpu.sem_alloc : memref<!tpu.dma_semaphore, #tpu.memory_space<semaphore_mem>>
        %dma_start3A_412 = arith.constant 0 : i32
        %dma_start3A_413 = tpu.memref_slice %arg6[%add3A_406, %dma_start3A_412] : memref<10240x128xf32, #tpu.memory_space<hbm>> -> memref<128x128xf32, #tpu.memory_space<hbm>>
        %dma_start3A_414 = arith.constant 0 : i32
        %dma_start3A_415 = tpu.memref_slice %arg10[%add3A_406, %dma_start3A_414] : memref<10240x128xf32, #tpu.memory_space<vmem_shared>> -> memref<128x128xf32, #tpu.memory_space<vmem_shared>>
        tpu.enqueue_dma source(%dma_start3A_415 : memref<128x128xf32, #tpu.memory_space<vmem_shared>>) target(%dma_start3A_413 : memref<128x128xf32, #tpu.memory_space<hbm>>) target_semaphore(%run_scoped3A_411 : memref<!tpu.dma_semaphore, #tpu.memory_space<semaphore_mem>>)
        %dma_wait3A_416 = arith.constant 0 : i32
        %dma_wait3A_417 = tpu.memref_slice %arg6[%add3A_406, %dma_wait3A_416] : memref<10240x128xf32, #tpu.memory_space<hbm>> -> memref<128x128xf32, #tpu.memory_space<hbm>>
        %dma_wait3A_418 = arith.constant 0 : i32
        %dma_wait3A_419 = tpu.memref_slice %arg10[%add3A_406, %dma_wait3A_418] : memref<10240x128xf32, #tpu.memory_space<vmem_shared>> -> memref<128x128xf32, #tpu.memory_space<vmem_shared>>
        tpu.wait_dma2 semaphore(%run_scoped3A_411 : memref<!tpu.dma_semaphore, #tpu.memory_space<semaphore_mem>>) src(%dma_wait3A_419 : memref<128x128xf32, #tpu.memory_space<vmem_shared>>) dst(%dma_wait3A_417 : memref<128x128xf32, #tpu.memory_space<hbm>>)
        tpu.yield
      }) : () -> ()
      %mul3A_407 = arith.constant 640 : i32
      %mul3A_408 = arith.muli %arg1, %mul3A_407 : i32
      %add3A_409 = arith.constant 512 : i32
      %add3A_410 = arith.addi %mul3A_408, %add3A_409 : i32
      "tpu.region"() ({
        %run_scoped3A_411 = tpu.sem_alloc : memref<!tpu.dma_semaphore, #tpu.memory_space<semaphore_mem>>
        %dma_start3A_412 = arith.constant 0 : i32
        %dma_start3A_413 = tpu.memref_slice %arg6[%add3A_410, %dma_start3A_412] : memref<10240x128xf32, #tpu.memory_space<hbm>> -> memref<128x128xf32, #tpu.memory_space<hbm>>
        %dma_start3A_414 = arith.constant 0 : i32
        %dma_start3A_415 = tpu.memref_slice %arg10[%add3A_410, %dma_start3A_414] : memref<10240x128xf32, #tpu.memory_space<vmem_shared>> -> memref<128x128xf32, #tpu.memory_space<vmem_shared>>
        tpu.enqueue_dma source(%dma_start3A_415 : memref<128x128xf32, #tpu.memory_space<vmem_shared>>) target(%dma_start3A_413 : memref<128x128xf32, #tpu.memory_space<hbm>>) target_semaphore(%run_scoped3A_411 : memref<!tpu.dma_semaphore, #tpu.memory_space<semaphore_mem>>)
        %dma_wait3A_416 = arith.constant 0 : i32
        %dma_wait3A_417 = tpu.memref_slice %arg6[%add3A_410, %dma_wait3A_416] : memref<10240x128xf32, #tpu.memory_space<hbm>> -> memref<128x128xf32, #tpu.memory_space<hbm>>
        %dma_wait3A_418 = arith.constant 0 : i32
        %dma_wait3A_419 = tpu.memref_slice %arg10[%add3A_410, %dma_wait3A_418] : memref<10240x128xf32, #tpu.memory_space<vmem_shared>> -> memref<128x128xf32, #tpu.memory_space<vmem_shared>>
        tpu.wait_dma2 semaphore(%run_scoped3A_411 : memref<!tpu.dma_semaphore, #tpu.memory_space<semaphore_mem>>) src(%dma_wait3A_419 : memref<128x128xf32, #tpu.memory_space<vmem_shared>>) dst(%dma_wait3A_417 : memref<128x128xf32, #tpu.memory_space<hbm>>)
        tpu.yield
      }) : () -> ()
    } else {
    }
    return
  }
}

module attributes {stable_mosaic.version = 14 : i64} {
  func.func @_dense_body(%arg0: i32, %arg1: memref<2000x128xf32, #tpu.memory_space<vmem>>, %arg2: memref<2000x128xf32, #tpu.memory_space<vmem>>, %arg3: memref<2000x128xf32, #tpu.memory_space<vmem>>, %arg4: memref<512x128xf32, #tpu.memory_space<vmem>>, %arg5: memref<512x128xf32, #tpu.memory_space<vmem>>, %arg6: memref<1x512xf32, #tpu.memory_space<vmem>>, %arg7: memref<1x512xf32, #tpu.memory_space<vmem>>, %arg8: memref<2000x128xf32, #tpu.memory_space<vmem>>, %arg9: memref<2000x128xf32, #tpu.memory_space<vmem>>) attributes {dimension_semantics = [#tpu.dimension_semantics<arbitrary>], iteration_bounds = array<i64: 5>, scalar_prefetch = 0 : i64, scratch_operands = 0 : i64, tpu.core_type = #tpu.core_type<tc>, window_params = [{transform_indices = @transform_0, window_bounds = array<i64: 2000, 128>}, {transform_indices = @transform_1, window_bounds = array<i64: 2000, 128>}, {transform_indices = @transform_2, window_bounds = array<i64: 2000, 128>}, {pipeline_mode = #tpu.pipeline_mode<synchronous>, transform_indices = @transform_3, window_bounds = array<i64: 512, 128>}, {pipeline_mode = #tpu.pipeline_mode<synchronous>, transform_indices = @transform_4, window_bounds = array<i64: 512, 128>}, {pipeline_mode = #tpu.pipeline_mode<synchronous>, transform_indices = @transform_5, window_bounds = array<i64: 1, 512>}, {pipeline_mode = #tpu.pipeline_mode<synchronous>, transform_indices = @transform_6, window_bounds = array<i64: 1, 512>}, {transform_indices = @transform_7, window_bounds = array<i64: 2000, 128>}, {transform_indices = @transform_8, window_bounds = array<i64: 2000, 128>}]} {
    %get3A = arith.constant 0 : index
    %get3A_0 = arith.constant 0 : index
    %get3A_1 = vector.load %arg1[%get3A, %get3A_0] : memref<2000x128xf32, #tpu.memory_space<vmem>>, vector<2000x128xf32>
    %get3A_2 = arith.constant 0 : index
    %get3A_3 = arith.constant 0 : index
    %get3A_4 = vector.load %arg4[%get3A_2, %get3A_3] : memref<512x128xf32, #tpu.memory_space<vmem>>, vector<512x128xf32>
    %dot_general3A = arith.constant dense<0.000000e+00> : vector<2000x512xf32>
    %dot_general3A_5 = tpu.matmul %get3A_1, %get3A_4, %dot_general3A {dimension_numbers = #tpu.dot_dimension_numbers<[1], [1], [0], [0], [0, 0, 1, 0], [], []>, transpose_lhs_hint = false} : vector<2000x128xf32>, vector<512x128xf32>, vector<2000x512xf32> -> vector<2000x512xf32>
    %get3A_6 = arith.constant 0 : index
    %get3A_7 = arith.constant 0 : index
    %get3A_8 = vector.load %arg2[%get3A_6, %get3A_7] : memref<2000x128xf32, #tpu.memory_space<vmem>>, vector<2000x128xf32>
    %get3A_9 = arith.constant 0 : index
    %get3A_10 = arith.constant 0 : index
    %get3A_11 = vector.load %arg5[%get3A_9, %get3A_10] : memref<512x128xf32, #tpu.memory_space<vmem>>, vector<512x128xf32>
    %dot_general3A_12 = arith.constant dense<0.000000e+00> : vector<2000x512xf32>
    %dot_general3A_13 = tpu.matmul %get3A_8, %get3A_11, %dot_general3A_12 {dimension_numbers = #tpu.dot_dimension_numbers<[1], [1], [0], [0], [0, 0, 1, 0], [], []>, transpose_lhs_hint = false} : vector<2000x128xf32>, vector<512x128xf32>, vector<2000x512xf32> -> vector<2000x512xf32>
    %add3A = arith.addf %dot_general3A_5, %dot_general3A_13 : vector<2000x512xf32>
    %get3A_14 = arith.constant 0 : index
    %get3A_15 = arith.constant 0 : index
    %get3A_16 = vector.load %arg6[%get3A_14, %get3A_15] : memref<1x512xf32, #tpu.memory_space<vmem>>, vector<1x512xf32>
    %get3A_17 = arith.constant 0 : index
    %get3A_18 = arith.constant 0 : index
    %get3A_19 = vector.load %arg7[%get3A_17, %get3A_18] : memref<1x512xf32, #tpu.memory_space<vmem>>, vector<1x512xf32>
    %add3A_20 = arith.addf %get3A_16, %get3A_19 : vector<1x512xf32>
    %add3A_21 = vector.broadcast %add3A_20 : vector<1x512xf32> to vector<2000x512xf32>
    %add3A_22 = arith.addf %add3A, %add3A_21 : vector<2000x512xf32>
    %slice3A = vector.extract_strided_slice %add3A_22 {offsets = [0, 0], sizes = [2000, 128], strides = [1, 1]} : vector<2000x512xf32> to vector<2000x128xf32>
    %logistic3A = arith.negf %slice3A : vector<2000x128xf32>
    %logistic3A_23 = math.exp %logistic3A : vector<2000x128xf32>
    %logistic3A_24 = arith.constant 1.000000e+00 : f32
    %logistic3A_25 = vector.broadcast %logistic3A_24 : f32 to vector<2000x128xf32>
    %logistic3A_26 = arith.addf %logistic3A_25, %logistic3A_23 : vector<2000x128xf32>
    %logistic3A_27 = arith.divf %logistic3A_25, %logistic3A_26 : vector<2000x128xf32>
    %slice3A_28 = vector.extract_strided_slice %add3A_22 {offsets = [0, 128], sizes = [2000, 128], strides = [1, 1]} : vector<2000x512xf32> to vector<2000x128xf32>
    %logistic3A_29 = arith.negf %slice3A_28 : vector<2000x128xf32>
    %logistic3A_30 = math.exp %logistic3A_29 : vector<2000x128xf32>
    %logistic3A_31 = arith.constant 1.000000e+00 : f32
    %logistic3A_32 = vector.broadcast %logistic3A_31 : f32 to vector<2000x128xf32>
    %logistic3A_33 = arith.addf %logistic3A_32, %logistic3A_30 : vector<2000x128xf32>
    %logistic3A_34 = arith.divf %logistic3A_32, %logistic3A_33 : vector<2000x128xf32>
    %slice3A_35 = vector.extract_strided_slice %add3A_22 {offsets = [0, 256], sizes = [2000, 128], strides = [1, 1]} : vector<2000x512xf32> to vector<2000x128xf32>
    %tanh3A = math.tanh %slice3A_35 : vector<2000x128xf32>
    %slice3A_36 = vector.extract_strided_slice %add3A_22 {offsets = [0, 384], sizes = [2000, 128], strides = [1, 1]} : vector<2000x512xf32> to vector<2000x128xf32>
    %logistic3A_37 = arith.negf %slice3A_36 : vector<2000x128xf32>
    %logistic3A_38 = math.exp %logistic3A_37 : vector<2000x128xf32>
    %logistic3A_39 = arith.constant 1.000000e+00 : f32
    %logistic3A_40 = vector.broadcast %logistic3A_39 : f32 to vector<2000x128xf32>
    %logistic3A_41 = arith.addf %logistic3A_40, %logistic3A_38 : vector<2000x128xf32>
    %logistic3A_42 = arith.divf %logistic3A_40, %logistic3A_41 : vector<2000x128xf32>
    %mul3A = arith.mulf %logistic3A_27, %tanh3A : vector<2000x128xf32>
    %get3A_43 = arith.constant 0 : index
    %get3A_44 = arith.constant 0 : index
    %get3A_45 = vector.load %arg3[%get3A_43, %get3A_44] : memref<2000x128xf32, #tpu.memory_space<vmem>>, vector<2000x128xf32>
    %mul3A_46 = arith.mulf %logistic3A_42, %get3A_45 : vector<2000x128xf32>
    %add3A_47 = arith.addf %mul3A, %mul3A_46 : vector<2000x128xf32>
    %tanh3A_48 = math.tanh %add3A_47 : vector<2000x128xf32>
    %mul3A_49 = arith.mulf %logistic3A_34, %tanh3A_48 : vector<2000x128xf32>
    %swap3A = arith.constant 0 : index
    %swap3A_50 = arith.constant 0 : index
    %swap3A_51 = vector.load %arg8[%swap3A, %swap3A_50] : memref<2000x128xf32, #tpu.memory_space<vmem>>, vector<2000x128xf32>
    tpu.vector_store %arg8[%swap3A, %swap3A_50], %mul3A_49 {strides = array<i32>} : memref<2000x128xf32, #tpu.memory_space<vmem>>, vector<2000x128xf32>,
    %swap3A_52 = arith.constant 0 : index
    %swap3A_53 = arith.constant 0 : index
    %swap3A_54 = vector.load %arg9[%swap3A_52, %swap3A_53] : memref<2000x128xf32, #tpu.memory_space<vmem>>, vector<2000x128xf32>
    tpu.vector_store %arg9[%swap3A_52, %swap3A_53], %add3A_47 {strides = array<i32>} : memref<2000x128xf32, #tpu.memory_space<vmem>>, vector<2000x128xf32>,
    return
  }
  func.func @transform_0(%arg0: i32) -> (i32, i32) {
    %c0_i32 = arith.constant 0 : i32
    %c0_i32_0 = arith.constant 0 : i32
    return %arg0, %c0_i32 : i32, i32
  }
  func.func @transform_1(%arg0: i32) -> (i32, i32) {
    %c0_i32 = arith.constant 0 : i32
    %c0_i32_0 = arith.constant 0 : i32
    return %arg0, %c0_i32 : i32, i32
  }
  func.func @transform_2(%arg0: i32) -> (i32, i32) {
    %c0_i32 = arith.constant 0 : i32
    %c0_i32_0 = arith.constant 0 : i32
    return %arg0, %c0_i32 : i32, i32
  }
  func.func @transform_3(%arg0: i32) -> (i32, i32) {
    %c0_i32 = arith.constant 0 : i32
    %c0_i32_0 = arith.constant 0 : i32
    %c0_i32_1 = arith.constant 0 : i32
    return %c0_i32, %c0_i32_0 : i32, i32
  }
  func.func @transform_4(%arg0: i32) -> (i32, i32) {
    %c0_i32 = arith.constant 0 : i32
    %c0_i32_0 = arith.constant 0 : i32
    %c0_i32_1 = arith.constant 0 : i32
    return %c0_i32, %c0_i32_0 : i32, i32
  }
  func.func @transform_5(%arg0: i32) -> (i32, i32) {
    %c0_i32 = arith.constant 0 : i32
    %c0_i32_0 = arith.constant 0 : i32
    %c0_i32_1 = arith.constant 0 : i32
    return %c0_i32, %c0_i32_0 : i32, i32
  }
  func.func @transform_6(%arg0: i32) -> (i32, i32) {
    %c0_i32 = arith.constant 0 : i32
    %c0_i32_0 = arith.constant 0 : i32
    %c0_i32_1 = arith.constant 0 : i32
    return %c0_i32, %c0_i32_0 : i32, i32
  }
  func.func @transform_7(%arg0: i32) -> (i32, i32) {
    %c0_i32 = arith.constant 0 : i32
    %c0_i32_0 = arith.constant 0 : i32
    return %arg0, %c0_i32 : i32, i32
  }
  func.func @transform_8(%arg0: i32) -> (i32, i32) {
    %c0_i32 = arith.constant 0 : i32
    %c0_i32_0 = arith.constant 0 : i32
    return %arg0, %c0_i32 : i32, i32
  }
}

</mosaic_0001>

<sc_bundles>
// kernel: kernel.4.cloned.1.call-start
scs
__scs_entry_jumppad:
0x0: {  	(pc) =	sbr.rel $0x88, $3  }
0x1: {  	(tag) =	ssettag $0x0;
	lr =	simm.s32 $0x1  }
0x2: {  	[smem:$0x3F99] =	sst lr;
	_ =	strace $0xD0000000  }
0x3: {  	_ = 	snop  }
0x4: {  	_ = 	snop  }
0x5: {  	_ = 	snop  }
0x6: {  	_ = 	snop  }
0x7: {  	_ = 	snop  }
__scs_overlays_trampoline_lowered:
0x8: {  	[smem:$0x3FA8] =	sst s0  }
0x9: {  	[smem:$0x3FA9] =	sst s1  }
0xa: {  	[smem:$0x3FAA] =	sst s2  }
0xb: {  	[smem:$0x3FAB] =	sst s3  }
0xc: {  	[smem:$0x3FAC] =	sst s4  }
0xd: {  	[smem:$0x3FAD] =	sst s5  }
0xe: {  	[smem:$0x3FAE] =	sst s6  }
0xf: {  	[smem:$0x3FAF] =	sst s7  }
0x10: {  	[smem:$0x3FB0] =	sst s8  }
0x11: {  	[smem:$0x3FB1] =	sst s9;
	s0 =	simm.s32 @!p0 $0x0  }
0x12: {  	s1 =	sld [smem:$0x3F97];
	s0 =	simm.s32 @p0 $0x1  }
0x13: {  	[smem:$0x3FB2] =	sst s0;
	s0 =	simm.s32 @!p1 $0x0  }
0x14: {  	s2 =	sld [smem:$0x3F96];
	s0 =	simm.s32 @p1 $0x1  }
0x15: {  	[smem:$0x3FB3] =	sst s0;
	s0 =	simm.s32 @!p2 $0x0  }
0x16: {  	s3 =	sld [smem:$0x3FDB];
	s0 =	simm.s32 @p2 $0x1  }
0x17: {  	s4 =	simm.s32 $0x1BF5;
	[smem:$0x3FB5] =	sst s0  }
0x18: {  	s0 =	sld [smem:$0x3F98];
	_ =	swait.ge [sflag:s4], $0x0  }
0x19: {  	s7 =	sld [smem:$0x3F99]  }
0x1a: {  	s8 =	sadd.s32 $0xFFFFE003, lr  }
0x1b: {  	s9 =	sadd.s32 $0xFFFFFEF7, lr;
	s5 =	simm.s32 $0xFFFFFFFF;
	p2 =	slt.u32 s8, $0xFFFFF086  }
0x1c: {  	p1 =	slt.u32 s9, $0xF7A;
	s5 =	simm.s32 @!p2 $0x0  }
0x1d: {  	s5 =	simm.s32 @p1 $0x1;
	p0 =	seq.s32 s7, s2  }
0x1e: {  	s7 =	smul.u32 @!p0 $0xF7A, s2;
	p2 =	seq.s32 @!p0 s5, $0x0  }
0x1f: {  	s9 =	smul.u32 $0xF7A, s1;
	s8 =	simm.s32 @!p0 $0x1BF5;
	p2 =	por !p2, p0  }
0x20: {  	[sflag:s8] =	ssyncset.s32 @!p0 $0xFFFFF086;
	s6 =	sadd.s32 @!p0 s3, s7;
	s7 =	simm.s32 @!p0 $0x108  }
0x21: {  	s3 =	sadd.s32 s3, s9;
	s6 =	sadd.s32 @!p0 $0x88, s6;
	s7 =	simm.s32 @p2 $0x1082  }
0x22: {  	[simem:s7], [sflag:s8] =	dma.local @!p0 [hbm:s6], $0xF7A  }
0x23: {  	s9 =	sor.u32 $0xD0000000, s2;
	s6 =	simm.s32 $0x108;
	_ =	swait.ge @!p0 [sflag:s8], $0x0  }
0x24: {  	s3 =	sadd.s32 $0x88, s3;
	s6 =	simm.s32 @!p1 $0x1082;
	[sflag:s4] =	ssyncset.s32 $0xFFFFF086  }
0x25: {  	[simem:s6], [sflag:s4] =	dma.local [hbm:s3], $0xF7A  }
0x26: {  	[smem:$0x3F99] =	sst s1;
	(tag) =	ssettag s2;
	_ =	strace s9  }
0x27: {  	s1 =	sld [smem:$0x3FA9]  }
0x28: {  	s2 =	sld [smem:$0x3FAA]  }
0x29: {  	s4 =	sld [smem:$0x3FAC]  }
0x2a: {  	p0 =	seq.s32 s5, $0x0;
	s5 =	sld [smem:$0x3FAD]  }
0x2b: {  	s6 =	sld [smem:$0x3FAE]  }
0x2c: {  	s7 =	sld [smem:$0x3FAF]  }
0x2d: {  	s3 =	simm.s32 $0x108;
	s8 =	sld [smem:$0x3FB0]  }
0x2e: {  	s3 =	simm.s32 @!p0 $0x1082;
	s9 =	sld [smem:$0x3FB1]  }
0x2f: {  	lr =	sadd.s32 s0, s3;
	s0 =	sld [smem:$0x3FA8]  }
0x30: {  	s3 =	sld [smem:$0x3FAB]  }
0x31: {  	[smem:$0x3FB4] =	sst s10  }
0x32: {  	s10 =	sld [smem:$0x3FB2];
	_ =	sdelay $0x3  }
0x33: {  	p0 =	seq.s32 s10, $0x1;
	s10 =	sld [smem:$0x3FB4];
	_ =	sdelay $0x3  }
0x34: {  	[smem:$0x3FB4] =	sst s10  }
0x35: {  	s10 =	sld [smem:$0x3FB3];
	_ =	sdelay $0x3  }
0x36: {  	p1 =	seq.s32 s10, $0x1;
	s10 =	sld [smem:$0x3FB4];
	_ =	sdelay $0x3  }
0x37: {  	[smem:$0x3FB4] =	sst s10  }
0x38: {  	s10 =	sld [smem:$0x3FB5]  }
0x39: {  	_ = 	snop;
	(pc) =	sbr.ind lr, $3  }
0x3a: {  	_ = 	snop  }
0x3b: {  	_ = 	snop  }
0x3c: {  	p2 =	seq.s32 s10, $0x1;
	s10 =	sld [smem:$0x3FB4]  }
0x3d: {  	_ =	shalt  }
0x3e: {  	_ =	shalt  }
0x3f: {  	_ =	shalt  }
0x40: {  	_ =	shalt  }
0x41: {  	_ =	shalt  }
0x42: {  	_ =	shalt  }
0x43: {  	_ =	shalt  }
0x44: {  	_ =	shalt  }
0x45: {  	_ =	shalt  }
0x46: {  	_ =	shalt  }
0x47: {  	_ =	shalt  }
0x48: {  	_ =	shalt  }
0x49: {  	_ =	shalt  }
0x4a: {  	_ =	shalt  }
0x4b: {  	_ =	shalt  }
0x4c: {  	_ =	shalt  }
0x4d: {  	_ =	shalt  }
0x4e: {  	_ =	shalt  }
0x4f: {  	_ =	shalt  }
0x50: {  	_ =	shalt  }
0x51: {  	_ =	shalt  }
0x52: {  	_ =	shalt  }
0x53: {  	_ =	shalt  }
0x54: {  	_ =	shalt  }
0x55: {  	_ =	shalt  }
0x56: {  	_ =	shalt  }
0x57: {  	_ =	shalt  }
0x58: {  	_ =	shalt  }
0x59: {  	_ =	shalt  }
0x5a: {  	_ =	shalt  }
0x5b: {  	_ =	shalt  }
0x5c: {  	_ =	shalt  }
0x5d: {  	_ =	shalt  }
0x5e: {  	_ =	shalt  }
0x5f: {  	_ =	shalt  }
0x60: {  	_ =	shalt  }
0x61: {  	_ =	shalt  }
0x62: {  	_ =	shalt  }
0x63: {  	_ =	shalt  }
0x64: {  	_ =	shalt  }
0x65: {  	_ =	shalt  }
0x66: {  	_ =	shalt  }
0x67: {  	_ =	shalt  }
0x68: {  	_ =	shalt  }
0x69: {  	_ =	shalt  }
0x6a: {  	_ =	shalt  }
0x6b: {  	_ =	shalt  }
0x6c: {  	_ =	shalt  }
0x6d: {  	_ =	shalt  }
0x6e: {  	_ =	shalt  }
0x6f: {  	_ =	shalt  }
0x70: {  	_ =	shalt  }
0x71: {  	_ =	shalt  }
0x72: {  	_ =	shalt  }
0x73: {  	_ =	shalt  }
0x74: {  	_ =	shalt  }
0x75: {  	_ =	shalt  }
0x76: {  	_ =	shalt  }
0x77: {  	_ =	shalt  }
0x78: {  	_ =	shalt  }
0x79: {  	_ =	shalt  }
0x7a: {  	_ =	shalt  }
0x7b: {  	_ =	shalt  }
0x7c: {  	_ =	shalt  }
0x7d: {  	_ =	shalt  }
0x7e: {  	_ =	shalt  }
0x7f: {  	_ =	shalt  }
0x80: {  	_ =	shalt  }
0x81: {  	_ =	shalt  }
0x82: {  	_ =	shalt  }
0x83: {  	_ =	shalt  }
0x84: {  	_ =	shalt  }
0x85: {  	_ =	shalt  }
0x86: {  	_ =	shalt  }
0x87: {  	_ =	shalt  }
.Lfunc_end0:
.L_simem_size_0:
called_computation_lowered:
.L_overlay_start_0:
0x88: {  	s2 =	sld [smem:$0x3FD9]  }
0x89: {  	s3 =	sld [smem:$0x3FFE];
	_ =	sdelay $0x1  }
0x8a: {  	s1 =	srdreg.scid  }
0x8b: {  	s0 =	sand.u32 $0x1, s1  }
0x8c: {  	s14 =	sshll.u32 s0, $0xA;
	s2 =	sadd.s32 s3, s2  }
0x8d: {  	s2 =	sadd.s32 s2, s14  }
0x8e: {  	[smem:$0x3FC0] =	sst s2  }
0x8f: {  	_ = 	snop  }
0x90: {  	s2 =	sld [smem:$0x3FD0];
	_ =	sdelay $0x1  }
0x91: {  	s15 =	sld [smem:$0x3FC8]  }
0x92: {  	s5 =	simm.s32 $0xA;
	s6 =	simm.s32 $0x10;
	s4 =	sld [smem:$0x3FC7]  }
0x93: {  	[smem:s6], [sflag:s5] =	dma.local [hbm:s2], $0x1  }
0x94: {  	_ =	swait.eq [sflag:s5], $0x1  }
0x95: {  	[sflag:s5] =	ssyncset.done $0x0  }
0x96: {  	[sflag:s5] =	ssyncadd.s32 $0xFFFFFFFF  }
0x97: {  	s16 =	sld [smem:$0x11];
	(tm) =	ssettm $0x1  }
0x98: {  	s17 =	sld [smem:$0x3FFB];
	_ =	sdelay $0x3  }
0x99: {  	_ =	strace s17  }
0x9a: {  	s5 =	sld [smem:$0x3FFC];
	_ =	sdelay $0x3  }
0x9b: {  	_ =	strace s5  }
0x9c: {  	s5 =	sld [smem:$0x3FFD];
	_ =	sdelay $0x3  }
0x9d: {  	_ =	strace s5  }
0x9e: {  	_ =	strace $0x8FFFFFFF  }
0x9f: {  	s18 =	sld [smem:$0x3FDB];
	_ =	sdelay $0x1  }
0xa0: {  	s19 =	simm.s32 $_scs_section_size  }
0xa1: {  	s7 =	simm.s32 $_size__tile_overlayer_lowered;
	s8 =	simm.s32 $_tile_overlayer_lowered  }
0xa2: {  	s22 =	simm.s32 $0x1BFF;
	s21 =	sshll.u32 s8, $0x1;
	s5 =	sadd.s32 s19, s18  }
0xa3: {  	s9 =	simm.s32 $0x0;
	s20 =	sshll.u32 s7, $0x1;
	s7 =	sadd.s32 s21, s5  }
0xa4: {  	[timem:s9], [sflag:s22] =	dma.local [hbm:s7], s20  }
0xa5: {  	_ =	swait.ge [sflag:s22], s20  }
0xa6: {  	s6 =	ssub.s32 $0x0, s20;
	[sflag:s22] =	ssyncset.done $0x0  }
0xa7: {  	[sflag:s22] =	ssyncadd.s32 s6;
	_ =	sdelay $0x1  }
0xa8: {  	s23 =	simm.s32 $0x1B8B  }
0xa9: {  	_ =	swait.ge [sflag:s23], $0x1  }
0xaa: {  	[sflag:s23] =	ssyncset.done $0x0  }
0xab: {  	s25 =	simm.s32 $0x1B8E;
	s24 =	sld [smem:$0x3FFE];
	[sflag:s23] =	ssyncadd.s32 $0xFFFFFFFF  }
0xac: {  	s26 =	simm.s32 $execute0_lowered;
	[smem:$0x3FD2] =	sst s25  }
0xad: {  	s7 =	sshll.u32 s26, $0x1;
	_ =	strace $0x80000046;
	[dreg:$0x1] =	wrdreg $0xFFFFFFFF  }
0xae: {  	s28 =	simm.s32 $_size_execute0_lowered;
	s5 =	sadd.s32 s5, s7;
	[dreg:$0x0] =	wrdreg $0x0  }
0xaf: {  	s7 =	sshll.u32 s28, $0x1;
	[dreg:$0x2] =	wrdreg s5  }
0xb0: {  	[dreg:$0x3] =	wrdreg s7  }
0xb1: {  	[dreg:$0x4] =	wrdreg $0xC0  }
0xb2: {  	_ =	task [dreg:s9], $0x5FFFF  }
0xb3: {  	[dreg:$0x1] =	wrdreg $0xFFFFFFFF  }
0xb4: {  	[dreg:$0x0] =	wrdreg $0x60  }
0xb5: {  	[dreg:$0x2] =	wrdreg s15  }
0xb6: {  	[dreg:$0x3] =	wrdreg s4  }
0xb7: {  	[dreg:$0x4] =	wrdreg s16  }
0xb8: {  	[dreg:$0x5] =	wrdreg s24  }
0xb9: {  	[dreg:$0x6] =	wrdreg $0xA2800  }
0xba: {  	[dreg:$0x7] =	wrdreg $0x9  }
0xbb: {  	_ =	task.clear_ibuf [dreg:s9], $0x8FFFF;
	_ =	strace $0x90000046  }
0xbc: {  	s29 =	simm.s32 $0x9;
	_ =	strace $0x80000048  }
0xbd: {  	_ =	swait.ge [sflag:s29], $0x1  }
0xbe: {  	[sflag:s29] =	ssyncadd.s32 $0xFFFFFFFF  }
0xbf: {  	_ =	strace $0x90000048  }
0xc0: {  	_ =	sfence  }
0xc1: {  	s30 =	sld [smem:$0x0];
	_ =	sdelay $0x2  }
0xc2: {  	s31 =	sshll.u32 s1, $0xD;
	s1 =	sshrl.u32 s1, $0x2  }
0xc3: {  	s3 =	sand.u32 $0x4000, s31;
	s1 =	sadd.s32 s1, s30  }
0xc4: {  	s0 =	sor.u32 s3, s0;
	s1 =	sshll.u32 s1, $0x11  }
0xc5: {  	s0 =	sor.u32 s1, s0  }
0xc6: {  	s0 =	sadd.s32 $0x8F2B, s0  }
0xc7: {  	[sflag:s0] =	ssyncadd.remote.s32 $0x1  }
0xc8: {  	_ =	sfence.sel $0xFFFF  }
0xc9: {  	[dreg:$0x0] =	wrdreg $0xFFFFFFFF;
	(pc) =	sbr.abs _section_cstart, $3  }
0xca: {  	[dreg:$0x1] =	wrdreg $0xFFFFFFFF  }
0xcb: {  	_ =	task.clear_ibuf [dreg:s9], $0x2FFFF;
	_ =	strace $0x9FFFFFFF  }
0xcc: {  	(tm) =	ssettm $0x7FFFFFFF  }
0xcd: {  	_ =	shalt  }
tec
execute0_lowered:
.L_overlay_start_1:
0x0: {  	(tag) =	ssettag $0x1  }
0x1: {  	s2 =	rddreg [dreg:$0x0]  }
0x2: {  	s1 =	rddreg [dreg:$0x1]  }
0x3: {  	s0 =	rddreg [dreg:$0x2]  }
0x4: {  	s3 =	rddreg [dreg:$0x3]  }
0x5: {  	s4 =	rddreg [dreg:$0x4]  }
0x6: {  	s22 =	simm.s32 $0x0;
	s6 =	srdreg.scid;
	s10 =	stileid.u32  }
0x7: {  	[smem:$0x7FF] =	sst s22;
	s6 =	sand.u32 $0x1, s6;
	s7 =	smul.u32 $0x4E20, s10  }
0x8: {  	s9 =	smul.u32 $0x50000, s10;
	s11 =	sadd.s32 $0x1C00, s3;
	s3 =	sadd.s32 $0x29C00, s3  }
0x9: {  	s25 =	smul.u32 $0x9C4, s10;
	_ =	strace $0x80000047;
	[dreg:$0x7] =	wrdreg s11  }
0xa: {  	s8 =	ssub.s32 $0x2, s6;
	[dreg:$0x8] =	wrdreg s3;
	s7 =	sshrl.u32 s7, $0x3  }
0xb: {  	s16 =	sshrl.u32 s9, $0x2;
	s9 =	sadd.s32 s0, s7;
	s0 =	sadd.s32 s25, s0  }
0xc: {  	s15 =	sshrl.u32 s8, $0x1;
	s17 =	sadd.s32 s16, s4;
	[dreg:$0x6] =	wrdreg s0  }
0xd: {  	s3 =	ssub.s32 s8, s15;
	s8 =	sadd.s32 $0x1400, s17;
	[dreg:$0x9] =	wrdreg s9  }
0xe: {  	s18 =	sadd.s32 $0x2800, s17;
	[dreg:$0xa] =	wrdreg s8  }
0xf: {  	s19 =	sadd.s32 $0x3C00, s17;
	[dreg:$0xb] =	wrdreg s18  }
0x10: {  	s20 =	sadd.s32 $0x5000, s17;
	[dreg:$0xc] =	wrdreg s19  }
0x11: {  	s21 =	sadd.s32 $0x6400, s17;
	[dreg:$0xd] =	wrdreg s20  }
0x12: {  	s23 =	sadd.s32 $0x7800, s17;
	[dreg:$0xe] =	wrdreg s21  }
0x13: {  	s24 =	sadd.s32 $0x8C00, s17;
	[dreg:$0xf] =	wrdreg s23  }
0x14: {  	s26 =	sadd.s32 $0xA000, s17;
	[dreg:$0x10] =	wrdreg s24  }
0x15: {  	s30 =	simm.s32 $0xE;
	s28 =	sadd.s32 $0xB400, s17;
	[dreg:$0x11] =	wrdreg s26  }
0x16: {  	s31 =	simm.s32 $0x7;
	s5 =	sadd.s32 $0xC800, s17;
	[dreg:$0x12] =	wrdreg s28  }
0x17: {  	s29 =	simm.s32 $0x9;
	s11 =	sadd.s32 $0xDC00, s17;
	[dreg:$0x13] =	wrdreg s5  }
0x18: {  	p0 =	seq.s32 s6, $0x1;
	s12 =	sadd.s32 $0xF000, s17;
	[dreg:$0x14] =	wrdreg s11  }
0x19: {  	s7 =	smul.u32 $0x14000, s10;
	s13 =	sadd.s32 $0x10400, s17;
	[dreg:$0x15] =	wrdreg s12  }
0x1a: {  	s10 =	simm.s32 $0x4;
	s14 =	sadd.s32 $0x11800, s17;
	[dreg:$0x16] =	wrdreg s13  }
0x1b: {  	s6 =	sadd.s32 $0x12C00, s17;
	s3 =	smax.u32 s3, $0x1;
	[dreg:$0x17] =	wrdreg s14  }
0x1c: {  	s15 =	sadd.s32 $0x4000, s7;
	[dreg:$0x18] =	wrdreg s6;
	s17 =	sadd.s32 $0x8000, s7  }
0x1d: {  	s19 =	sadd.s32 $0xC000, s7;
	s21 =	sshrl.u32 s7, $0x3;
	[dreg:$0x1f] =	wrdreg s3  }
0x1e: {  	s28 =	sadd.s32 $0x9C40, s9;
	s13 =	simm.s32 $0x28;
	s5 =	simm.s32 $0x1680  }
0x1f: {  	s3 =	simm.s32 $0x3;
	s9 =	simm.s32 $0xA;
	s16 =	sshrl.u32 s15, $0x3  }
0x20: {  	s0 =	sadd.s32 s15, s4;
	s18 =	sshrl.u32 s17, $0x3;
	[dreg:$0x1d] =	wrdreg s21  }
0x21: {  	s6 =	sadd.s32 s17, s4;
	s20 =	sshrl.u32 s19, $0x3;
	[smem:$0x7FD] =	sst s28  }
0x22: {  	s8 =	sadd.s32 s19, s4;
	s19 =	sadd.s32 s7, s4;
	[dreg:$0x19] =	wrdreg s16  }
0x23: {  	s7 =	sadd.s32 $0x10000, s7;
	s15 =	simm.s32 $0x13;
	[dreg:$0x1a] =	wrdreg s18  }
0x24: {  	[dreg:$0x1b] =	wrdreg s20;
	s23 =	sshrl.u32 s7, $0x3;
	s7 =	sadd.s32 s7, s4  }
0x25: {  	s0 =	sshrl.u32 s0, $0x3;
	s24 =	sshrl.u32 s6, $0x3;
	[dreg:$0x1c] =	wrdreg s19  }
0x26: {  	s25 =	sshrl.u32 s8, $0x3;
	s8 =	simm.s32 $0x5;
	[dreg:$0x1e] =	wrdreg s23  }
.Ltmp0:
0x27: {  	s20 =	simm.s32 $0x6;
	[smem:$0x7F9] =	sst s0;
	(pc) =	sbr.rel .LBB2_1-.Ltmp0, $4  }
0x28: {  	s6 =	simm.s32 $0x2;
	s16 =	simm.s32 $0xB;
	[smem:$0x7FA] =	sst s24  }
0x29: {  	s18 =	simm.s32 $0xC;
	[smem:$0x7FB] =	sst s25;
	s26 =	sshrl.u32 s7, $0x3  }
0x2a: {  	s23 =	simm.s32 $0x50;
	s0 =	simm.s32 $0x1;
	s7 =	simm.s32 $0x8  }
0x2b: {  	v0 =	vimm.f32 $0.0e+00;
	s24 =	simm.s32 $0x0;
	[smem:$0x7FC] =	sst s26;
	s26 =	simm.s32 $0xD  }
.LBB2_6:
0x2c: {  	s3 =	simm.s32 $0x78;
	s5 =	simm.s32 $0x3E80;
	s12 =	simm.s32 @!p1 $0xF  }
0x2d: {  	[tilespmem:s5], [sflag:$0x6] =	stream.indirect.gather [hbm4b:s2+s13], $0x80, s3, s13, $0xb8;
	[tilespmem:$0x1E280] =	vst v63  }
0x2e: {  	_ =	swait.ge @!p1 [sflag:s12], $0x1400  }
0x2f: {  	[sflag:s12] =	ssyncset.done @!p1 $0x0  }
0x30: {  	[sflag:s12] =	ssyncadd.s32 @!p1 $0xFFFFEC00;
	s12 =	simm.s32 @!p1 $0x10  }
0x31: {  	_ =	swait.ge @!p1 [sflag:s12], $0x1400  }
0x32: {  	[sflag:s12] =	ssyncset.done @!p1 $0x0  }
0x33: {  	[sflag:s12] =	ssyncadd.s32 @!p1 $0xFFFFEC00;
	s12 =	simm.s32 @!p1 $0x11  }
0x34: {  	_ =	swait.ge @!p1 [sflag:s12], $0x1400  }
0x35: {  	[sflag:s12] =	ssyncset.done @!p1 $0x0  }
0x36: {  	[sflag:s12] =	ssyncadd.s32 @!p1 $0xFFFFEC00;
	s12 =	simm.s32 @!p1 $0x12  }
0x37: {  	_ =	swait.ge @!p1 [sflag:s12], $0x1400  }
0x38: {  	s3 =	rddreg [dreg:$0x6]  }
0x39: {  	[sflag:s12] =	ssyncset.done @!p1 $0x0;
	s14 =	sadd.s32 s21, s3  }
0x3a: {  	s11 =	simm.s32 $0xA0;
	[sflag:s12] =	ssyncadd.s32 @!p1 $0xFFFFEC00;
	s5 =	sadd.s32 $0x14, s14  }
0x3b: {  	[tilespmem:s11], [sflag:$0x1] =	stream.linear.gather [hbm4b:s5+s22], $0xA0, $0x38;
	[tilespmem:$0x1E280] =	vst v63  }
0x3c: {  	s3 =	simm.s32 $0x1E0;
	s10 =	sadd.s32 $0x9C54, s14  }
0x3d: {  	[tilespmem:s3], [sflag:$0x2] =	stream.linear.gather [hbm4b:s10+s22], $0xA0, $0x38;
	[tilespmem:$0x1E280] =	vst v63  }
0x3e: {  	_ =	swait.ge [sflag:s25], $0x1400  }
0x3f: {  	[sflag:s25] =	ssyncset.done $0x0  }
0x40: {  	s23 =	simm.s32 $0x280;
	[sflag:s25] =	ssyncadd.s32 $0xFFFFEC00  }
0x41: {  	[spmem:s4] =	stream.indirect.scatter.add.f32 [tilespmem:s23], [sflag:$0xB], $0x80, s17, s13, $0xb8;
	[tilespmem:$0x1E280] =	vst v63  }
0x42: {  	_ =	swait.ge [sflag:s28], $0x1400  }
0x43: {  	[sflag:s28] =	ssyncset.done $0x0  }
0x44: {  	s2 =	simm.s32 $0x1680;
	s10 =	simm.s32 $0x168;
	[sflag:s28] =	ssyncadd.s32 $0xFFFFEC00  }
0x45: {  	[spmem:s4] =	stream.indirect.scatter.add.f32 [tilespmem:s2], [sflag:$0xC], $0x80, s10, s13, $0xb8;
	[tilespmem:$0x1E280] =	vst v63  }
0x46: {  	_ =	swait.ge [sflag:s8], $0x1400  }
0x47: {  	[sflag:s8] =	ssyncset.done $0x0  }
0x48: {  	s16 =	simm.s32 $0x2A80;
	s12 =	simm.s32 $0x190;
	[sflag:s8] =	ssyncadd.s32 $0xFFFFEC00  }
0x49: {  	[spmem:s4] =	stream.indirect.scatter.add.f32 [tilespmem:s16], [sflag:$0xD], $0x80, s12, s13, $0xb8;
	[tilespmem:$0x1E280] =	vst v63  }
0x4a: {  	_ =	swait.ge [sflag:s20], $0x1400  }
0x4b: {  	[sflag:s20] =	ssyncset.done $0x0  }
0x4c: {  	s19 =	simm.s32 $0x3E80;
	s21 =	simm.s32 $0x1B8;
	[sflag:s20] =	ssyncadd.s32 $0xFFFFEC00  }
0x4d: {  	[spmem:s4] =	stream.indirect.scatter.add.f32 [tilespmem:s19], [sflag:$0xE], $0x80, s21, s13, $0xb8;
	[tilespmem:$0x1E280] =	vst v63  }
0x4e: {  	_ =	swait.ge [sflag:s0], $0xA0  }
0x4f: {  	[sflag:s0] =	ssyncset.done $0x0  }
0x50: {  	[sflag:s0] =	ssyncadd.s32 $0xFFFFFF60  }
0x51: {  	_ =	swait.ge [sflag:s6], $0xA0  }
0x52: {  	[sflag:s6] =	ssyncset.done $0x0  }
0x53: {  	s10 =	simm.s32 $0x5280;
	[sflag:s6] =	ssyncadd.s32 $0xFFFFFF60  }
0x54: {  	[tilespmem:s10], [sflag:$0x7] =	stream.indirect.gather [hbm4b:s1+s13], $0x80, s11, s13, $0xb8;
	[tilespmem:$0x1E280] =	vst v63  }
0x55: {  	s5 =	simm.s32 $0xC8;
	s21 =	simm.s32 $0x6680  }
0x56: {  	[tilespmem:s21], [sflag:$0x8] =	stream.indirect.gather [hbm4b:s1+s13], $0x80, s5, s13, $0xb8;
	[tilespmem:$0x1E280] =	vst v63  }
0x57: {  	s12 =	simm.s32 $0xF0;
	s19 =	simm.s32 $0x7A80  }
0x58: {  	[tilespmem:s19], [sflag:$0x9] =	stream.indirect.gather [hbm4b:s1+s13], $0x80, s12, s13, $0xb8;
	[tilespmem:$0x1E280] =	vst v63  }
0x59: {  	s11 =	simm.s32 $0x8E80;
	s5 =	simm.s32 $0x118  }
0x5a: {  	[tilespmem:s11], [sflag:$0xA] =	stream.indirect.gather [hbm4b:s1+s13], $0x80, s5, s13, $0xb8;
	[tilespmem:$0x1E280] =	vst v63  }
0x5b: {  	_ =	swait.ge [sflag:s18], $0x1400  }
0x5c: {  	[sflag:s18] =	ssyncset.done $0x0  }
0x5d: {  	[sflag:s18] =	ssyncadd.s32 $0xFFFFEC00  }
0x5e: {  	_ =	swait.ge [sflag:s26], $0x1400  }
0x5f: {  	[sflag:s26] =	ssyncset.done $0x0  }
0x60: {  	[sflag:s26] =	ssyncadd.s32 $0xFFFFEC00  }
0x61: {  	_ =	swait.ge [sflag:s31], $0x1400  }
0x62: {  	[sflag:s31] =	ssyncset.done $0x0  }
0x63: {  	[sflag:s31] =	ssyncadd.s32 $0xFFFFEC00  }
0x64: {  	_ =	swait.ge [sflag:s7], $0x1400  }
0x65: {  	[sflag:s7] =	ssyncset.done $0x0  }
0x66: {  	[sflag:s7] =	ssyncadd.s32 $0xFFFFEC00;
	s7 =	sadd.s32 $0x28, s14  }
0x67: {  	[tilespmem:s22], [sflag:$0x1] =	stream.linear.gather [hbm4b:s7+s22], $0xA0, $0x38;
	[tilespmem:$0x1E280] =	vst v63  }
0x68: {  	s14 =	sadd.s32 $0x9C68, s14  }
0x69: {  	[tilespmem:s17], [sflag:$0x2] =	stream.linear.gather [hbm4b:s14+s22], $0xA0, $0x38;
	[tilespmem:$0x1E280] =	vst v63  }
0x6a: {  	_ =	swait.ge [sflag:s30], $0x1400  }
0x6b: {  	[sflag:s30] =	ssyncset.done $0x0  }
0x6c: {  	[sflag:s30] =	ssyncadd.s32 $0xFFFFEC00  }
0x6d: {  	[spmem:s4] =	stream.indirect.scatter.add.f32 [tilespmem:s10], [sflag:$0xF], $0x80, s3, s13, $0xb8;
	[tilespmem:$0x1E280] =	vst v63  }
0x6e: {  	_ =	swait.ge [sflag:s29], $0x1400  }
0x6f: {  	[sflag:s29] =	ssyncset.done $0x0  }
0x70: {  	[sflag:s29] =	ssyncadd.s32 $0xFFFFEC00  }
0x71: {  	[spmem:s4] =	stream.indirect.scatter.add.f32 [tilespmem:s21], [sflag:$0x10], $0x80, s15, s13, $0xb8;
	[tilespmem:$0x1E280] =	vst v63  }
0x72: {  	_ =	swait.ge [sflag:s9], $0x1400  }
0x73: {  	[sflag:s9] =	ssyncset.done $0x0  }
0x74: {  	s18 =	simm.s32 $0x230;
	[sflag:s9] =	ssyncadd.s32 $0xFFFFEC00  }
0x75: {  	[spmem:s4] =	stream.indirect.scatter.add.f32 [tilespmem:s19], [sflag:$0x11], $0x80, s18, s13, $0xb8;
	[tilespmem:$0x1E280] =	vst v63  }
0x76: {  	_ =	swait.ge [sflag:s24], $0x1400  }
0x77: {  	[sflag:s24] =	ssyncset.done $0x0  }
0x78: {  	s21 =	simm.s32 $0x258;
	[sflag:s24] =	ssyncadd.s32 $0xFFFFEC00  }
0x79: {  	[spmem:s4] =	stream.indirect.scatter.add.f32 [tilespmem:s11], [sflag:$0x12], $0x80, s21, s13, $0xb8;
	[tilespmem:$0x1E280] =	vst v63  }
0x7a: {  	s5 =	simm.s32 $0x1680;
	_ =	swait.ge [sflag:s0], $0xA0  }
0x7b: {  	s26 =	simm.s32 $0x3E80;
	s31 =	simm.s32 $0x7;
	[sflag:s0] =	ssyncset.done $0x0  }
0x7c: {  	s7 =	simm.s32 $0x8;
	s14 =	simm.s32 $0x280;
	[sflag:s0] =	ssyncadd.s32 $0xFFFFFF60  }
0x7d: {  	s30 =	simm.s32 $0xE;
	s3 =	simm.s32 $0x3E80;
	_ =	swait.ge [sflag:s6], $0xA0  }
0x7e: {  	s10 =	simm.s32 $0x168;
	s29 =	simm.s32 $0x9;
	[sflag:s6] =	ssyncset.done $0x0  }
0x7f: {  	s15 =	simm.s32 $0x2A80;
	s9 =	simm.s32 $0xA;
	[sflag:s6] =	ssyncadd.s32 $0xFFFFFF60  }
0x80: {  	[tilespmem:s23], [sflag:$0x3] =	stream.indirect.gather [hbm4b:s1+s13], $0x80, s22, s13, $0xb8;
	[tilespmem:$0x1E280] =	vst v63  }
0x81: {  	s19 =	simm.s32 $0x1B8;
	s18 =	simm.s32 $0xC;
	s24 =	simm.s32 $0x78  }
0x82: {  	[tilespmem:s2], [sflag:$0x4] =	stream.indirect.gather [hbm4b:s1+s13], $0x80, s13, s13, $0xb8;
	[tilespmem:$0x1E280] =	vst v63  }
0x83: {  	s11 =	simm.s32 $0x190;
	s12 =	rddreg [dreg:$0x7];
	s23 =	simm.s32 $0x50  }
0x84: {  	[tilespmem:s16], [sflag:$0x5] =	stream.indirect.gather [hbm4b:s1+s13], $0x80, s23, s13, $0xb8;
	[tilespmem:$0x1E280] =	vst v63  }
0x85: {  	s2 =	smov.u32 s1;
	s23 =	simm.s32 $0x50;
	s1 =	rddreg [dreg:$0x1]  }
0x86: {  	[tilespmem:s26], [sflag:$0x6] =	stream.indirect.gather [hbm4b:s2+s13], $0x80, s24, s13, $0xb8;
	[tilespmem:$0x1E280] =	vst v63  }
0x87: {  	s16 =	simm.s32 $0xB;
	s24 =	sld [smem:$0x7F8];
	s26 =	simm.s32 $0xD  }
.LBB2_10:
0x88: {  	s21 =	simm.s32 $0xF  }
0x89: {  	_ =	swait.ge [sflag:s21], $0x1400  }
0x8a: {  	[sflag:s21] =	ssyncset.done $0x0  }
0x8b: {  	[sflag:s21] =	ssyncadd.s32 $0xFFFFEC00;
	s21 =	simm.s32 $0x10  }
0x8c: {  	_ =	swait.ge [sflag:s21], $0x1400  }
0x8d: {  	[sflag:s21] =	ssyncset.done $0x0  }
0x8e: {  	[sflag:s21] =	ssyncadd.s32 $0xFFFFEC00;
	s21 =	simm.s32 $0x11  }
0x8f: {  	_ =	swait.ge [sflag:s21], $0x1400  }
0x90: {  	[sflag:s21] =	ssyncset.done $0x0  }
0x91: {  	[sflag:s21] =	ssyncadd.s32 $0xFFFFEC00;
	s21 =	simm.s32 $0x12  }
0x92: {  	_ =	swait.ge [sflag:s21], $0x1400  }
0x93: {  	[sflag:s21] =	ssyncset.done $0x0  }
0x94: {  	[sflag:s21] =	ssyncadd.s32 $0xFFFFEC00  }
0x95: {  	_ =	swait.ge [sflag:s25], $0x1400  }
0x96: {  	[sflag:s25] =	ssyncset.done $0x0  }
0x97: {  	[sflag:s25] =	ssyncadd.s32 $0xFFFFEC00  }
0x98: {  	[spmem:s4] =	stream.indirect.scatter.add.f32 [tilespmem:s14], [sflag:$0xB], $0x80, s17, s13, $0xb8;
	[tilespmem:$0x1E280] =	vst v63  }
0x99: {  	_ =	swait.ge [sflag:s28], $0x1400  }
0x9a: {  	[sflag:s28] =	ssyncset.done $0x0  }
0x9b: {  	[sflag:s28] =	ssyncadd.s32 $0xFFFFEC00  }
0x9c: {  	[spmem:s4] =	stream.indirect.scatter.add.f32 [tilespmem:s5], [sflag:$0xC], $0x80, s10, s13, $0xb8;
	[tilespmem:$0x1E280] =	vst v63  }
0x9d: {  	_ =	swait.ge [sflag:s8], $0x1400  }
0x9e: {  	[sflag:s8] =	ssyncset.done $0x0  }
0x9f: {  	[sflag:s8] =	ssyncadd.s32 $0xFFFFEC00  }
0xa0: {  	[spmem:s4] =	stream.indirect.scatter.add.f32 [tilespmem:s15], [sflag:$0xD], $0x80, s11, s13, $0xb8;
	[tilespmem:$0x1E280] =	vst v63  }
0xa1: {  	_ =	swait.ge [sflag:s20], $0x1400  }
0xa2: {  	[sflag:s20] =	ssyncset.done $0x0  }
0xa3: {  	[sflag:s20] =	ssyncadd.s32 $0xFFFFEC00  }
0xa4: {  	[spmem:s4] =	stream.indirect.scatter.add.f32 [tilespmem:s3], [sflag:$0xE], $0x80, s19, s13, $0xb8;
	[tilespmem:$0x1E280] =	vst v63  }
0xa5: {  	_ =	swait.ge [sflag:s16], $0x1400  }
0xa6: {  	[sflag:s16] =	ssyncset.done $0x0  }
0xa7: {  	[sflag:s16] =	ssyncadd.s32 $0xFFFFEC00  }
0xa8: {  	_ =	swait.ge [sflag:s18], $0x1400  }
0xa9: {  	[sflag:s18] =	ssyncset.done $0x0  }
0xaa: {  	[sflag:s18] =	ssyncadd.s32 $0xFFFFEC00  }
0xab: {  	_ =	swait.ge [sflag:s26], $0x1400  }
0xac: {  	[sflag:s26] =	ssyncset.done $0x0  }
0xad: {  	[sflag:s26] =	ssyncadd.s32 $0xFFFFEC00  }
0xae: {  	_ =	swait.ge [sflag:s30], $0x1400  }
0xaf: {  	[sflag:s30] =	ssyncset.done $0x0  }
0xb0: {  	[sflag:s30] =	ssyncadd.s32 $0xFFFFEC00  }
0xb1: {  	s20 =	stileid.u32;
	s19 =	rddreg [dreg:$0x1d];
	[bflag:$0x0] =	sbarrier.arrive $0xFFFF  }
0xb2: {  	s15 =	sshll.u32 s20, $0x6;
	s14 =	sadd.s32 s12, s19;
	s19 =	rddreg [dreg:$0x1c]  }
0xb3: {  	s15 =	sor.u32 $0x1C13, s15;
	s21 =	sshrl.u32 s19, $0x3  }
0xb4: {  	[hbm:s14], [sflag:s15] =	dma.local [spmem:s21], $0x800  }
0xb5: {  	s21 =	simm.s32 $0x13  }
0xb6: {  	_ =	swait.ge [sflag:s21], $0x800  }
0xb7: {  	s28 =	sld [smem:$0x7F9]  }
0xb8: {  	[sflag:s21] =	ssyncset.done $0x0;
	s25 =	rddreg [dreg:$0x19]  }
0xb9: {  	s14 =	sadd.s32 s12, s25;
	[sflag:s21] =	ssyncadd.s32 $0xFFFFF800  }
0xba: {  	[hbm:s14], [sflag:s15] =	dma.local [spmem:s28], $0x800  }
0xbb: {  	_ =	swait.ge [sflag:s21], $0x800  }
0xbc: {  	s8 =	sld [smem:$0x7FA]  }
0xbd: {  	[sflag:s21] =	ssyncset.done $0x0;
	s3 =	rddreg [dreg:$0x1a]  }
0xbe: {  	s14 =	sadd.s32 s12, s3;
	[sflag:s21] =	ssyncadd.s32 $0xFFFFF800  }
0xbf: {  	[hbm:s14], [sflag:s15] =	dma.local [spmem:s8], $0x800  }
0xc0: {  	_ =	swait.ge [sflag:s21], $0x800  }
0xc1: {  	s11 =	sld [smem:$0x7FB]  }
0xc2: {  	[sflag:s21] =	ssyncset.done $0x0;
	s10 =	rddreg [dreg:$0x1b]  }
0xc3: {  	s14 =	sadd.s32 s12, s10;
	[sflag:s21] =	ssyncadd.s32 $0xFFFFF800  }
0xc4: {  	[hbm:s14], [sflag:s15] =	dma.local [spmem:s11], $0x800  }
0xc5: {  	_ =	swait.ge [sflag:s21], $0x800  }
0xc6: {  	s25 =	sld [smem:$0x7FC]  }
0xc7: {  	[sflag:s21] =	ssyncset.done $0x0;
	s17 =	rddreg [dreg:$0x1e]  }
0xc8: {  	s20 =	sadd.s32 s12, s17;
	[sflag:s21] =	ssyncadd.s32 $0xFFFFF800  }
0xc9: {  	[hbm:s20], [sflag:s15] =	dma.local [spmem:s25], $0x800  }
0xca: {  	s15 =	simm.s32 $0x13  }
0xcb: {  	_ =	swait.ge [sflag:s15], $0x800  }
0xcc: {  	s24 =	sadd.s32 $0x1, s24;
	s28 =	rddreg [dreg:$0x1f]  }
0xcd: {  	p1 =	sne.s32 s24, s28  }
.Ltmp1:
0xce: {  	_ = 	snop;
	(pc) =	sbr.rel @!p1 .LBB2_11-.Ltmp1, $3  }
0xcf: {  	_ =	sdelay $0x1  }
0xd0: {  	s3 =	simm.s32 $0x3;
	s8 =	simm.s32 $0x5;
	[sflag:s15] =	ssyncset.done $0x0  }
0xd1: {  	s10 =	simm.s32 $0x4;
	s20 =	simm.s32 $0x6;
	[sflag:s15] =	ssyncadd.s32 $0xFFFFF800  }
.LBB2_1:
0xd2: {  	s12 =	simm.s32 $0x0;
	s14 =	simm.s32 $0x200  }
.LBB2_2:
0xd3: {  	p1 =	sne.s32 s14, $0x4E00;
	[tilespmem:s12+$0x52F0] =	vst v0  }
0xd4: {  	[tilespmem:s12+$0x5280] =	vst v0  }
0xd5: {  	[tilespmem:s12+$0x5290] =	vst v0  }
.Ltmp2:
0xd6: {  	[tilespmem:s12+$0x52A0] =	vst v0;
	(pc) =	sbr.rel @p1 .LBB2_2-.Ltmp2, $4  }
0xd7: {  	[tilespmem:s12+$0x52B0] =	vst v0  }
0xd8: {  	[tilespmem:s12+$0x52C0] =	vst v0  }
0xd9: {  	[tilespmem:s12+$0x52D0] =	vst v0  }
0xda: {  	[tilespmem:s12+$0x52E0] =	vst v0;
	s12 =	sshra.s32 s14, $0x2;
	s14 =	sadd.s32 $0x200, s14  }
0xdb: {  	[tilespmem:s12+$0x52F0] =	vst v0  }
0xdc: {  	[tilespmem:s12+$0x5280] =	vst v0  }
0xdd: {  	[tilespmem:s12+$0x5290] =	vst v0  }
0xde: {  	[tilespmem:s12+$0x52A0] =	vst v0  }
0xdf: {  	[tilespmem:s12+$0x52B0] =	vst v0  }
0xe0: {  	[tilespmem:s12+$0x52C0] =	vst v0  }
0xe1: {  	[smem:$0x7F8] =	sst s24;
	[tilespmem:s12+$0x52D0] =	vst v0  }
0xe2: {  	[tilespmem:s12+$0x52E0] =	vst v0;
	s25 =	rddreg [dreg:$0x9]  }
0xe3: {  	[tilespmem:s22], [sflag:$0x13] =	stream.linear.gather [hbm4b:s25+s22], $0xA0, $0x38;
	[tilespmem:$0x1E280] =	vst v63  }
0xe4: {  	_ =	swait.ge [sflag:s15], $0xA0  }
0xe5: {  	s28 =	sld [smem:$0x7FD]  }
0xe6: {  	[sflag:s15] =	ssyncset.done $0x0  }
.Ltmp3:
0xe7: {  	s17 =	simm.s32 $0x140;
	[sflag:s15] =	ssyncadd.s32 $0xFFFFFF60;
	(pc) =	sbr.rel @!p0 .LBB2_4-.Ltmp3, $4  }
0xe8: {  	[tilespmem:s17], [sflag:$0x13] =	stream.linear.gather [hbm4b:s28+s22], $0xA0, $0x38;
	[tilespmem:$0x1E280] =	vst v63  }
0xe9: {  	_ =	swait.ge [sflag:s15], $0xA0  }
0xea: {  	[sflag:s15] =	ssyncset.done $0x0  }
0xeb: {  	s21 =	simm.s32 $0x280;
	s12 =	simm.s32 $0x0;
	[sflag:s15] =	ssyncadd.s32 $0xFFFFFF60  }
0xec: {  	[tilespmem:s21], [sflag:$0x3] =	stream.indirect.gather [hbm4b:s1+s13], $0x80, s12, s13, $0xb8;
	[tilespmem:$0x1E280] =	vst v63  }
0xed: {  	_ = 	snop  }
0xee: {  	[tilespmem:s5], [sflag:$0x4] =	stream.indirect.gather [hbm4b:s1+s13], $0x80, s13, s13, $0xb8;
	[tilespmem:$0x1E280] =	vst v63  }
0xef: {  	s11 =	simm.s32 $0x2A80  }
0xf0: {  	[tilespmem:s11], [sflag:$0x5] =	stream.indirect.gather [hbm4b:s1+s13], $0x80, s23, s13, $0xb8;
	[tilespmem:$0x1E280] =	vst v63  }
0xf1: {  	s12 =	simm.s32 $0x78;
	s24 =	simm.s32 $0x3E80  }
0xf2: {  	[tilespmem:s24], [sflag:$0x6] =	stream.indirect.gather [hbm4b:s1+s13], $0x80, s12, s13, $0xb8;
	[tilespmem:$0x1E280] =	vst v63  }
0xf3: {  	s21 =	simm.s32 $0x5280  }
0xf4: {  	[spmem:s19] =	stream.linear.scatter [tilespmem:s21], [sflag:$0x13], $0x1400, $0x38;
	[tilespmem:$0x1E280] =	vst v63  }
0xf5: {  	_ =	swait.ge [sflag:s15], $0x1400  }
0xf6: {  	[sflag:s15] =	ssyncset.done $0x0  }
0xf7: {  	s14 =	rddreg [dreg:$0xa];
	[sflag:s15] =	ssyncadd.s32 $0xFFFFEC00  }
0xf8: {  	[spmem:s14] =	stream.linear.scatter [tilespmem:s21], [sflag:$0x13], $0x1400, $0x38;
	[tilespmem:$0x1E280] =	vst v63  }
0xf9: {  	_ =	swait.ge [sflag:s15], $0x1400  }
0xfa: {  	[sflag:s15] =	ssyncset.done $0x0  }
0xfb: {  	s19 =	rddreg [dreg:$0xb];
	[sflag:s15] =	ssyncadd.s32 $0xFFFFEC00  }
0xfc: {  	[spmem:s19] =	stream.linear.scatter [tilespmem:s21], [sflag:$0x13], $0x1400, $0x38;
	[tilespmem:$0x1E280] =	vst v63  }
0xfd: {  	_ =	swait.ge [sflag:s15], $0x1400  }
0xfe: {  	[sflag:s15] =	ssyncset.done $0x0  }
0xff: {  	s11 =	rddreg [dreg:$0xc];
	[sflag:s15] =	ssyncadd.s32 $0xFFFFEC00  }
0x100: {  	[spmem:s11] =	stream.linear.scatter [tilespmem:s21], [sflag:$0x13], $0x1400, $0x38;
	[tilespmem:$0x1E280] =	vst v63  }
0x101: {  	_ =	swait.ge [sflag:s15], $0x1400  }
0x102: {  	[sflag:s15] =	ssyncset.done $0x0  }
0x103: {  	s14 =	rddreg [dreg:$0xd];
	[sflag:s15] =	ssyncadd.s32 $0xFFFFEC00  }
0x104: {  	[spmem:s14] =	stream.linear.scatter [tilespmem:s21], [sflag:$0x13], $0x1400, $0x38;
	[tilespmem:$0x1E280] =	vst v63  }
0x105: {  	_ =	swait.ge [sflag:s15], $0x1400  }
0x106: {  	[sflag:s15] =	ssyncset.done $0x0  }
0x107: {  	s19 =	rddreg [dreg:$0xe];
	[sflag:s15] =	ssyncadd.s32 $0xFFFFEC00  }
0x108: {  	[spmem:s19] =	stream.linear.scatter [tilespmem:s21], [sflag:$0x13], $0x1400, $0x38;
	[tilespmem:$0x1E280] =	vst v63  }
0x109: {  	_ =	swait.ge [sflag:s15], $0x1400  }
0x10a: {  	[sflag:s15] =	ssyncset.done $0x0  }
0x10b: {  	s11 =	rddreg [dreg:$0xf];
	[sflag:s15] =	ssyncadd.s32 $0xFFFFEC00  }
0x10c: {  	[spmem:s11] =	stream.linear.scatter [tilespmem:s21], [sflag:$0x13], $0x1400, $0x38;
	[tilespmem:$0x1E280] =	vst v63  }
0x10d: {  	_ =	swait.ge [sflag:s15], $0x1400  }
0x10e: {  	[sflag:s15] =	ssyncset.done $0x0  }
0x10f: {  	s14 =	rddreg [dreg:$0x10];
	[sflag:s15] =	ssyncadd.s32 $0xFFFFEC00  }
0x110: {  	[spmem:s14] =	stream.linear.scatter [tilespmem:s21], [sflag:$0x13], $0x1400, $0x38;
	[tilespmem:$0x1E280] =	vst v63  }
0x111: {  	_ =	swait.ge [sflag:s15], $0x1400  }
0x112: {  	[sflag:s15] =	ssyncset.done $0x0  }
0x113: {  	s19 =	rddreg [dreg:$0x11];
	[sflag:s15] =	ssyncadd.s32 $0xFFFFEC00  }
0x114: {  	[spmem:s19] =	stream.linear.scatter [tilespmem:s21], [sflag:$0x13], $0x1400, $0x38;
	[tilespmem:$0x1E280] =	vst v63  }
0x115: {  	_ =	swait.ge [sflag:s15], $0x1400  }
0x116: {  	[sflag:s15] =	ssyncset.done $0x0  }
0x117: {  	s11 =	rddreg [dreg:$0x12];
	[sflag:s15] =	ssyncadd.s32 $0xFFFFEC00  }
0x118: {  	[spmem:s11] =	stream.linear.scatter [tilespmem:s21], [sflag:$0x13], $0x1400, $0x38;
	[tilespmem:$0x1E280] =	vst v63  }
0x119: {  	_ =	swait.ge [sflag:s15], $0x1400  }
0x11a: {  	[sflag:s15] =	ssyncset.done $0x0  }
0x11b: {  	s14 =	rddreg [dreg:$0x13];
	[sflag:s15] =	ssyncadd.s32 $0xFFFFEC00  }
0x11c: {  	[spmem:s14] =	stream.linear.scatter [tilespmem:s21], [sflag:$0x13], $0x1400, $0x38;
	[tilespmem:$0x1E280] =	vst v63  }
0x11d: {  	_ =	swait.ge [sflag:s15], $0x1400  }
0x11e: {  	[sflag:s15] =	ssyncset.done $0x0  }
0x11f: {  	s19 =	rddreg [dreg:$0x14];
	[sflag:s15] =	ssyncadd.s32 $0xFFFFEC00  }
0x120: {  	[spmem:s19] =	stream.linear.scatter [tilespmem:s21], [sflag:$0x13], $0x1400, $0x38;
	[tilespmem:$0x1E280] =	vst v63  }
0x121: {  	_ =	swait.ge [sflag:s15], $0x1400  }
0x122: {  	[sflag:s15] =	ssyncset.done $0x0  }
0x123: {  	s11 =	rddreg [dreg:$0x15];
	[sflag:s15] =	ssyncadd.s32 $0xFFFFEC00  }
0x124: {  	[spmem:s11] =	stream.linear.scatter [tilespmem:s21], [sflag:$0x13], $0x1400, $0x38;
	[tilespmem:$0x1E280] =	vst v63  }
0x125: {  	_ =	swait.ge [sflag:s15], $0x1400  }
0x126: {  	[sflag:s15] =	ssyncset.done $0x0  }
0x127: {  	s14 =	rddreg [dreg:$0x16];
	[sflag:s15] =	ssyncadd.s32 $0xFFFFEC00  }
0x128: {  	[spmem:s14] =	stream.linear.scatter [tilespmem:s21], [sflag:$0x13], $0x1400, $0x38;
	[tilespmem:$0x1E280] =	vst v63  }
0x129: {  	_ =	swait.ge [sflag:s15], $0x1400  }
0x12a: {  	[sflag:s15] =	ssyncset.done $0x0  }
0x12b: {  	s19 =	rddreg [dreg:$0x17];
	[sflag:s15] =	ssyncadd.s32 $0xFFFFEC00  }
0x12c: {  	[spmem:s19] =	stream.linear.scatter [tilespmem:s21], [sflag:$0x13], $0x1400, $0x38;
	[tilespmem:$0x1E280] =	vst v63  }
0x12d: {  	_ =	swait.ge [sflag:s15], $0x1400  }
0x12e: {  	[sflag:s15] =	ssyncset.done $0x0  }
0x12f: {  	s11 =	rddreg [dreg:$0x18];
	[sflag:s15] =	ssyncadd.s32 $0xFFFFEC00  }
0x130: {  	[spmem:s11] =	stream.linear.scatter [tilespmem:s21], [sflag:$0x13], $0x1400, $0x38;
	[tilespmem:$0x1E280] =	vst v63  }
0x131: {  	_ =	swait.ge [sflag:s15], $0x1400  }
0x132: {  	p1 =	por $0x1, $0x1;
	[sflag:s15] =	ssyncset.done $0x0  }
0x133: {  	p1 =	por p1, p1;
	[sflag:s15] =	ssyncadd.s32 $0xFFFFEC00  }
0x134: {  	s12 =	simm.s32 @!p1 $0xF;
	[bflag:$0x0] =	sbarrier.arrive $0xFFFF  }
0x135: {  	_ =	swait.ge @!p1 [sflag:s12], $0x1400  }
0x136: {  	[sflag:s12] =	ssyncset.done @!p1 $0x0  }
0x137: {  	[sflag:s12] =	ssyncadd.s32 @!p1 $0xFFFFEC00;
	s12 =	simm.s32 @!p1 $0x10  }
0x138: {  	_ =	swait.ge @!p1 [sflag:s12], $0x1400  }
0x139: {  	[sflag:s12] =	ssyncset.done @!p1 $0x0  }
0x13a: {  	[sflag:s12] =	ssyncadd.s32 @!p1 $0xFFFFEC00;
	s12 =	simm.s32 @!p1 $0x11  }
0x13b: {  	_ =	swait.ge @!p1 [sflag:s12], $0x1400  }
0x13c: {  	[sflag:s12] =	ssyncset.done @!p1 $0x0  }
0x13d: {  	[sflag:s12] =	ssyncadd.s32 @!p1 $0xFFFFEC00;
	s12 =	simm.s32 @!p1 $0x12  }
0x13e: {  	_ =	swait.ge @!p1 [sflag:s12], $0x1400  }
0x13f: {  	s14 =	rddreg [dreg:$0x6]  }
0x140: {  	[sflag:s12] =	ssyncset.done @!p1 $0x0;
	s14 =	sadd.s32 $0x0, s14  }
0x141: {  	s11 =	simm.s32 $0xA0;
	[sflag:s12] =	ssyncadd.s32 @!p1 $0xFFFFEC00;
	s15 =	sadd.s32 $0x14, s14  }
0x142: {  	[tilespmem:s11], [sflag:$0x1] =	stream.linear.gather [hbm4b:s15+s22], $0xA0, $0x38;
	[tilespmem:$0x1E280] =	vst v63  }
0x143: {  	s19 =	sadd.s32 $0x9C54, s14;
	s15 =	simm.s32 $0x1E0  }
0x144: {  	[tilespmem:s15], [sflag:$0x2] =	stream.linear.gather [hbm4b:s19+s22], $0xA0, $0x38;
	[tilespmem:$0x1E280] =	vst v63  }
0x145: {  	_ =	swait.ge [sflag:s3], $0x1400  }
0x146: {  	[sflag:s3] =	ssyncset.done $0x0  }
0x147: {  	s25 =	simm.s32 $0x280;
	[sflag:s3] =	ssyncadd.s32 $0xFFFFEC00  }
0x148: {  	[spmem:s4] =	stream.indirect.scatter.add.f32 [tilespmem:s25], [sflag:$0xB], $0x80, s17, s13, $0xb8;
	[tilespmem:$0x1E280] =	vst v63  }
0x149: {  	_ =	swait.ge [sflag:s10], $0x1400  }
0x14a: {  	[sflag:s10] =	ssyncset.done $0x0  }
0x14b: {  	s25 =	simm.s32 $0x168;
	[sflag:s10] =	ssyncadd.s32 $0xFFFFEC00  }
0x14c: {  	[spmem:s4] =	stream.indirect.scatter.add.f32 [tilespmem:s5], [sflag:$0xC], $0x80, s25, s13, $0xb8;
	[tilespmem:$0x1E280] =	vst v63  }
0x14d: {  	_ =	swait.ge [sflag:s8], $0x1400  }
0x14e: {  	[sflag:s8] =	ssyncset.done $0x0  }
0x14f: {  	s19 =	simm.s32 $0x2A80;
	[sflag:s8] =	ssyncadd.s32 $0xFFFFEC00;
	s8 =	simm.s32 $0x190  }
0x150: {  	[spmem:s4] =	stream.indirect.scatter.add.f32 [tilespmem:s19], [sflag:$0xD], $0x80, s8, s13, $0xb8;
	[tilespmem:$0x1E280] =	vst v63  }
0x151: {  	_ =	swait.ge [sflag:s20], $0x1400  }
0x152: {  	[sflag:s20] =	ssyncset.done $0x0  }
0x153: {  	s10 =	simm.s32 $0x1B8;
	[sflag:s20] =	ssyncadd.s32 $0xFFFFEC00  }
0x154: {  	[spmem:s4] =	stream.indirect.scatter.add.f32 [tilespmem:s24], [sflag:$0xE], $0x80, s10, s13, $0xb8;
	[tilespmem:$0x1E280] =	vst v63  }
0x155: {  	_ =	swait.ge [sflag:s0], $0xA0  }
0x156: {  	[sflag:s0] =	ssyncset.done $0x0  }
0x157: {  	[sflag:s0] =	ssyncadd.s32 $0xFFFFFF60  }
0x158: {  	_ =	swait.ge [sflag:s6], $0xA0  }
0x159: {  	[sflag:s6] =	ssyncset.done $0x0  }
0x15a: {  	[sflag:s6] =	ssyncadd.s32 $0xFFFFFF60  }
0x15b: {  	[tilespmem:s21], [sflag:$0x7] =	stream.indirect.gather [hbm4b:s1+s13], $0x80, s11, s13, $0xb8;
	[tilespmem:$0x1E280] =	vst v63  }
0x15c: {  	s12 =	simm.s32 $0xC8;
	s11 =	simm.s32 $0x6680  }
0x15d: {  	[tilespmem:s11], [sflag:$0x8] =	stream.indirect.gather [hbm4b:s1+s13], $0x80, s12, s13, $0xb8;
	[tilespmem:$0x1E280] =	vst v63  }
0x15e: {  	s20 =	simm.s32 $0xF0;
	s10 =	simm.s32 $0x7A80  }
0x15f: {  	[tilespmem:s10], [sflag:$0x9] =	stream.indirect.gather [hbm4b:s1+s13], $0x80, s20, s13, $0xb8;
	[tilespmem:$0x1E280] =	vst v63  }
0x160: {  	s3 =	simm.s32 $0x8E80;
	s24 =	simm.s32 $0x118  }
0x161: {  	[tilespmem:s3], [sflag:$0xA] =	stream.indirect.gather [hbm4b:s1+s13], $0x80, s24, s13, $0xb8;
	[tilespmem:$0x1E280] =	vst v63  }
0x162: {  	_ =	swait.ge [sflag:s16], $0x1400  }
0x163: {  	[sflag:s16] =	ssyncset.done $0x0  }
0x164: {  	[sflag:s16] =	ssyncadd.s32 $0xFFFFEC00  }
0x165: {  	_ =	swait.ge [sflag:s18], $0x1400  }
0x166: {  	[sflag:s18] =	ssyncset.done $0x0  }
0x167: {  	[sflag:s18] =	ssyncadd.s32 $0xFFFFEC00  }
0x168: {  	_ =	swait.ge [sflag:s26], $0x1400  }
0x169: {  	[sflag:s26] =	ssyncset.done $0x0  }
0x16a: {  	[sflag:s26] =	ssyncadd.s32 $0xFFFFEC00  }
0x16b: {  	_ =	swait.ge [sflag:s30], $0x1400  }
0x16c: {  	[sflag:s30] =	ssyncset.done $0x0  }
0x16d: {  	s16 =	sadd.s32 $0x28, s14;
	[sflag:s30] =	ssyncadd.s32 $0xFFFFEC00  }
0x16e: {  	[tilespmem:s22], [sflag:$0x1] =	stream.linear.gather [hbm4b:s16+s22], $0xA0, $0x38;
	[tilespmem:$0x1E280] =	vst v63  }
0x16f: {  	s18 =	sadd.s32 $0x9C68, s14  }
0x170: {  	[tilespmem:s17], [sflag:$0x2] =	stream.linear.gather [hbm4b:s18+s22], $0xA0, $0x38;
	[tilespmem:$0x1E280] =	vst v63  }
0x171: {  	_ =	swait.ge [sflag:s31], $0x1400  }
0x172: {  	[sflag:s31] =	ssyncset.done $0x0  }
0x173: {  	[sflag:s31] =	ssyncadd.s32 $0xFFFFEC00  }
0x174: {  	[spmem:s4] =	stream.indirect.scatter.add.f32 [tilespmem:s21], [sflag:$0xF], $0x80, s15, s13, $0xb8;
	[tilespmem:$0x1E280] =	vst v63  }
0x175: {  	_ =	swait.ge [sflag:s7], $0x1400  }
0x176: {  	[sflag:s7] =	ssyncset.done $0x0  }
0x177: {  	s21 =	simm.s32 $0x208;
	[sflag:s7] =	ssyncadd.s32 $0xFFFFEC00  }
0x178: {  	[spmem:s4] =	stream.indirect.scatter.add.f32 [tilespmem:s11], [sflag:$0x10], $0x80, s21, s13, $0xb8;
	[tilespmem:$0x1E280] =	vst v63  }
0x179: {  	_ =	swait.ge [sflag:s29], $0x1400  }
0x17a: {  	[sflag:s29] =	ssyncset.done $0x0  }
0x17b: {  	s24 =	simm.s32 $0x230;
	[sflag:s29] =	ssyncadd.s32 $0xFFFFEC00  }
0x17c: {  	[spmem:s4] =	stream.indirect.scatter.add.f32 [tilespmem:s10], [sflag:$0x11], $0x80, s24, s13, $0xb8;
	[tilespmem:$0x1E280] =	vst v63  }
0x17d: {  	_ =	swait.ge [sflag:s9], $0x1400  }
0x17e: {  	[sflag:s9] =	ssyncset.done $0x0  }
0x17f: {  	s26 =	simm.s32 $0x258;
	[sflag:s9] =	ssyncadd.s32 $0xFFFFEC00  }
0x180: {  	[spmem:s4] =	stream.indirect.scatter.add.f32 [tilespmem:s3], [sflag:$0x12], $0x80, s26, s13, $0xb8;
	[tilespmem:$0x1E280] =	vst v63  }
0x181: {  	_ =	swait.ge [sflag:s0], $0xA0  }
0x182: {  	s28 =	simm.s32 $0x4;
	p6 =	por $0x0, $0x0;
	[sflag:s0] =	ssyncset.done $0x0  }
0x183: {  	p1 =	por p6, p6;
	s25 =	simm.s32 $0x3;
	[sflag:s0] =	ssyncadd.s32 $0xFFFFFF60  }
0x184: {  	s8 =	simm.s32 $0x5;
	s12 =	simm.s32 $0x50;
	_ =	swait.ge [sflag:s6], $0xA0  }
0x185: {  	s20 =	simm.s32 $0x6;
	s30 =	simm.s32 $0x7;
	[sflag:s6] =	ssyncset.done $0x0  }
0x186: {  	s16 =	simm.s32 $0xC;
	s29 =	simm.s32 $0x280;
	[sflag:s6] =	ssyncadd.s32 $0xFFFFFF60  }
0x187: {  	[tilespmem:s29], [sflag:$0x3] =	stream.indirect.gather [hbm4b:s1+s13], $0x80, s22, s13, $0xb8;
	[tilespmem:$0x1E280] =	vst v63  }
0x188: {  	s18 =	simm.s32 $0xD;
	s31 =	simm.s32 $0x8;
	s7 =	simm.s32 $0x9  }
0x189: {  	[tilespmem:s5], [sflag:$0x4] =	stream.indirect.gather [hbm4b:s1+s13], $0x80, s13, s13, $0xb8;
	[tilespmem:$0x1E280] =	vst v63  }
0x18a: {  	s21 =	simm.s32 $0x28;
	s26 =	simm.s32 $0xE;
	s5 =	simm.s32 $0xB  }
0x18b: {  	[tilespmem:s19], [sflag:$0x5] =	stream.indirect.gather [hbm4b:s1+s13], $0x80, s23, s13, $0xb8;
	[tilespmem:$0x1E280] =	vst v63  }
.LBB2_8:
0x18c: {  	s14 =	simm.s32 $0x78;
	s10 =	simm.s32 $0x3E80  }
0x18d: {  	[tilespmem:s10], [sflag:$0x6] =	stream.indirect.gather [hbm4b:s1+s13], $0x80, s14, s13, $0xb8;
	[tilespmem:$0x1E280] =	vst v63  }
0x18e: {  	s14 =	simm.s32 @!p1 $0xF  }
0x18f: {  	_ =	swait.ge @!p1 [sflag:s14], $0x1400  }
0x190: {  	[sflag:s14] =	ssyncset.done @!p1 $0x0  }
0x191: {  	[sflag:s14] =	ssyncadd.s32 @!p1 $0xFFFFEC00;
	s14 =	simm.s32 @!p1 $0x10  }
0x192: {  	_ =	swait.ge @!p1 [sflag:s14], $0x1400  }
0x193: {  	[sflag:s14] =	ssyncset.done @!p1 $0x0  }
0x194: {  	[sflag:s14] =	ssyncadd.s32 @!p1 $0xFFFFEC00;
	s14 =	simm.s32 @!p1 $0x11  }
0x195: {  	_ =	swait.ge @!p1 [sflag:s14], $0x1400  }
0x196: {  	[sflag:s14] =	ssyncset.done @!p1 $0x0  }
0x197: {  	s17 =	simm.s32 @!p1 $0x12;
	[sflag:s14] =	ssyncadd.s32 @!p1 $0xFFFFEC00  }
0x198: {  	_ =	swait.ge @!p1 [sflag:s17], $0x1400  }
0x199: {  	s3 =	rddreg [dreg:$0x6]  }
0x19a: {  	[sflag:s17] =	ssyncset.done @!p1 $0x0;
	s14 =	sadd.s32 s21, s3  }
0x19b: {  	s11 =	simm.s32 $0xA0;
	[sflag:s17] =	ssyncadd.s32 @!p1 $0xFFFFEC00;
	s19 =	sadd.s32 $0x14, s14  }
0x19c: {  	[tilespmem:s11], [sflag:$0x1] =	stream.linear.gather [hbm4b:s19+s22], $0xA0, $0x38;
	[tilespmem:$0x1E280] =	vst v63  }
0x19d: {  	s3 =	simm.s32 $0x1E0;
	s23 =	sadd.s32 $0x9C54, s14  }
0x19e: {  	[tilespmem:s3], [sflag:$0x2] =	stream.linear.gather [hbm4b:s23+s22], $0xA0, $0x38;
	[tilespmem:$0x1E280] =	vst v63  }
0x19f: {  	_ =	swait.ge [sflag:s25], $0x1400  }
0x1a0: {  	[sflag:s25] =	ssyncset.done $0x0  }
0x1a1: {  	s17 =	simm.s32 $0x140;
	s22 =	simm.s32 $0x280;
	[sflag:s25] =	ssyncadd.s32 $0xFFFFEC00  }
0x1a2: {  	[spmem:s4] =	stream.indirect.scatter.add.f32 [tilespmem:s22], [sflag:$0xB], $0x80, s17, s13, $0xb8;
	[tilespmem:$0x1E280] =	vst v63  }
0x1a3: {  	_ =	swait.ge [sflag:s28], $0x1400  }
0x1a4: {  	[sflag:s28] =	ssyncset.done $0x0  }
0x1a5: {  	s24 =	simm.s32 $0x168;
	s9 =	simm.s32 $0x1680;
	[sflag:s28] =	ssyncadd.s32 $0xFFFFEC00  }
0x1a6: {  	[spmem:s4] =	stream.indirect.scatter.add.f32 [tilespmem:s9], [sflag:$0xC], $0x80, s24, s13, $0xb8;
	[tilespmem:$0x1E280] =	vst v63  }
0x1a7: {  	_ =	swait.ge [sflag:s8], $0x1400  }
0x1a8: {  	[sflag:s8] =	ssyncset.done $0x0  }
0x1a9: {  	s19 =	simm.s32 $0x190;
	s24 =	simm.s32 $0x2A80;
	[sflag:s8] =	ssyncadd.s32 $0xFFFFEC00  }
0x1aa: {  	[spmem:s4] =	stream.indirect.scatter.add.f32 [tilespmem:s24], [sflag:$0xD], $0x80, s19, s13, $0xb8;
	[tilespmem:$0x1E280] =	vst v63  }
0x1ab: {  	_ =	swait.ge [sflag:s20], $0x1400  }
0x1ac: {  	[sflag:s20] =	ssyncset.done $0x0  }
0x1ad: {  	s23 =	simm.s32 $0x1B8;
	[sflag:s20] =	ssyncadd.s32 $0xFFFFEC00  }
0x1ae: {  	[spmem:s4] =	stream.indirect.scatter.add.f32 [tilespmem:s10], [sflag:$0xE], $0x80, s23, s13, $0xb8;
	[tilespmem:$0x1E280] =	vst v63  }
0x1af: {  	_ =	swait.ge [sflag:s0], $0xA0  }
0x1b0: {  	[sflag:s0] =	ssyncset.done $0x0  }
0x1b1: {  	[sflag:s0] =	ssyncadd.s32 $0xFFFFFF60  }
0x1b2: {  	_ =	swait.ge [sflag:s6], $0xA0  }
0x1b3: {  	[sflag:s6] =	ssyncset.done $0x0  }
0x1b4: {  	s15 =	smov.u32 s12;
	s10 =	simm.s32 $0x5280;
	[sflag:s6] =	ssyncadd.s32 $0xFFFFFF60  }
0x1b5: {  	[tilespmem:s10], [sflag:$0x7] =	stream.indirect.gather [hbm4b:s1+s13], $0x80, s11, s13, $0xb8;
	[tilespmem:$0x1E280] =	vst v63  }
0x1b6: {  	p3 =	seq.s32 s15, $0x0;
	s19 =	simm.s32 $0xC8;
	s23 =	simm.s32 $0x6680  }
0x1b7: {  	[tilespmem:s23], [sflag:$0x8] =	stream.indirect.gather [hbm4b:s1+s13], $0x80, s19, s13, $0xb8;
	[tilespmem:$0x1E280] =	vst v63  }
0x1b8: {  	s21 =	smov.u32 s15;
	s15 =	simm.s32 $0xF0;
	s19 =	simm.s32 $0x7A80  }
0x1b9: {  	[tilespmem:s19], [sflag:$0x9] =	stream.indirect.gather [hbm4b:s1+s13], $0x80, s15, s13, $0xb8;
	[tilespmem:$0x1E280] =	vst v63  }
0x1ba: {  	s11 =	simm.s32 $0x8E80;
	s15 =	simm.s32 $0x118  }
0x1bb: {  	[tilespmem:s11], [sflag:$0xA] =	stream.indirect.gather [hbm4b:s1+s13], $0x80, s15, s13, $0xb8;
	[tilespmem:$0x1E280] =	vst v63  }
0x1bc: {  	_ =	swait.ge [sflag:s5], $0x1400  }
0x1bd: {  	[sflag:s5] =	ssyncset.done $0x0  }
0x1be: {  	[sflag:s5] =	ssyncadd.s32 $0xFFFFEC00  }
0x1bf: {  	_ =	swait.ge [sflag:s16], $0x1400  }
0x1c0: {  	[sflag:s16] =	ssyncset.done $0x0  }
0x1c1: {  	[sflag:s16] =	ssyncadd.s32 $0xFFFFEC00  }
0x1c2: {  	_ =	swait.ge [sflag:s18], $0x1400  }
0x1c3: {  	[sflag:s18] =	ssyncset.done $0x0  }
0x1c4: {  	[sflag:s18] =	ssyncadd.s32 $0xFFFFEC00  }
0x1c5: {  	_ =	swait.ge [sflag:s26], $0x1400  }
0x1c6: {  	[sflag:s26] =	ssyncset.done $0x0  }
0x1c7: {  	s29 =	simm.s32 $0x0;
	s15 =	sadd.s32 $0x28, s14;
	[sflag:s26] =	ssyncadd.s32 $0xFFFFEC00  }
0x1c8: {  	[tilespmem:s29], [sflag:$0x1] =	stream.linear.gather [hbm4b:s15+s29], $0xA0, $0x38;
	[tilespmem:$0x1E280] =	vst v63  }
0x1c9: {  	s14 =	sadd.s32 $0x9C68, s14  }
0x1ca: {  	[tilespmem:s17], [sflag:$0x2] =	stream.linear.gather [hbm4b:s14+s29], $0xA0, $0x38;
	[tilespmem:$0x1E280] =	vst v63  }
0x1cb: {  	_ =	swait.ge [sflag:s30], $0x1400  }
0x1cc: {  	[sflag:s30] =	ssyncset.done $0x0  }
0x1cd: {  	[sflag:s30] =	ssyncadd.s32 $0xFFFFEC00  }
0x1ce: {  	[spmem:s4] =	stream.indirect.scatter.add.f32 [tilespmem:s10], [sflag:$0xF], $0x80, s3, s13, $0xb8;
	[tilespmem:$0x1E280] =	vst v63  }
0x1cf: {  	_ =	swait.ge [sflag:s31], $0x1400  }
0x1d0: {  	[sflag:s31] =	ssyncset.done $0x0  }
0x1d1: {  	s15 =	simm.s32 $0x208;
	[sflag:s31] =	ssyncadd.s32 $0xFFFFEC00  }
0x1d2: {  	[spmem:s4] =	stream.indirect.scatter.add.f32 [tilespmem:s23], [sflag:$0x10], $0x80, s15, s13, $0xb8;
	[tilespmem:$0x1E280] =	vst v63  }
0x1d3: {  	_ =	swait.ge [sflag:s7], $0x1400  }
0x1d4: {  	[sflag:s7] =	ssyncset.done $0x0  }
0x1d5: {  	s14 =	simm.s32 $0x230;
	[sflag:s7] =	ssyncadd.s32 $0xFFFFEC00  }
0x1d6: {  	[spmem:s4] =	stream.indirect.scatter.add.f32 [tilespmem:s19], [sflag:$0x11], $0x80, s14, s13, $0xb8;
	[tilespmem:$0x1E280] =	vst v63  }
0x1d7: {  	s19 =	simm.s32 $0xA  }
0x1d8: {  	_ =	swait.ge [sflag:s19], $0x1400  }
0x1d9: {  	[sflag:s19] =	ssyncset.done $0x0  }
0x1da: {  	s23 =	simm.s32 $0x258;
	[sflag:s19] =	ssyncadd.s32 $0xFFFFEC00  }
0x1db: {  	[spmem:s4] =	stream.indirect.scatter.add.f32 [tilespmem:s11], [sflag:$0x12], $0x80, s23, s13, $0xb8;
	[tilespmem:$0x1E280] =	vst v63  }
0x1dc: {  	_ =	swait.ge [sflag:s0], $0xA0  }
0x1dd: {  	[sflag:s0] =	ssyncset.done $0x0  }
0x1de: {  	[sflag:s0] =	ssyncadd.s32 $0xFFFFFF60  }
0x1df: {  	_ =	swait.ge [sflag:s6], $0xA0  }
0x1e0: {  	s12 =	sadd.s32 $0x28, s12;
	[sflag:s6] =	ssyncset.done $0x0  }
0x1e1: {  	p2 =	sne.s32 s12, $0x9B0;
	[sflag:s6] =	ssyncadd.s32 $0xFFFFFF60  }
0x1e2: {  	[tilespmem:s22], [sflag:$0x3] =	stream.indirect.gather [hbm4b:s1+s13], $0x80, s29, s13, $0xb8;
	[tilespmem:$0x1E280] =	vst v63  }
.Ltmp4:
0x1e3: {  	_ = 	snop;
	(pc) =	sbr.rel @p2 .LBB2_8-.Ltmp4, $4  }
0x1e4: {  	_ = 	snop  }
0x1e5: {  	[tilespmem:s9], [sflag:$0x4] =	stream.indirect.gather [hbm4b:s1+s13], $0x80, s13, s13, $0xb8;
	[tilespmem:$0x1E280] =	vst v63  }
0x1e6: {  	p1 =	por p3, p3;
	s22 =	simm.s32 $0x0;
	s29 =	simm.s32 $0x50  }
0x1e7: {  	[tilespmem:s24], [sflag:$0x5] =	stream.indirect.gather [hbm4b:s1+s13], $0x80, s29, s13, $0xb8;
	[tilespmem:$0x1E280] =	vst v63  }
0x1e8: {  	s3 =	simm.s32 $0x78;
	s9 =	simm.s32 $0x3E80;
	s12 =	simm.s32 @!p1 $0xF  }
0x1e9: {  	[tilespmem:s9], [sflag:$0x6] =	stream.indirect.gather [hbm4b:s1+s13], $0x80, s3, s13, $0xb8;
	[tilespmem:$0x1E280] =	vst v63  }
0x1ea: {  	_ =	swait.ge @!p1 [sflag:s12], $0x1400  }
0x1eb: {  	[sflag:s12] =	ssyncset.done @!p1 $0x0  }
0x1ec: {  	[sflag:s12] =	ssyncadd.s32 @!p1 $0xFFFFEC00;
	s12 =	simm.s32 @!p1 $0x10  }
0x1ed: {  	_ =	swait.ge @!p1 [sflag:s12], $0x1400  }
0x1ee: {  	[sflag:s12] =	ssyncset.done @!p1 $0x0  }
0x1ef: {  	[sflag:s12] =	ssyncadd.s32 @!p1 $0xFFFFEC00;
	s12 =	simm.s32 @!p1 $0x11  }
0x1f0: {  	_ =	swait.ge @!p1 [sflag:s12], $0x1400  }
0x1f1: {  	[sflag:s12] =	ssyncset.done @!p1 $0x0  }
0x1f2: {  	[sflag:s12] =	ssyncadd.s32 @!p1 $0xFFFFEC00;
	s12 =	simm.s32 @!p1 $0x12  }
0x1f3: {  	_ =	swait.ge @!p1 [sflag:s12], $0x1400  }
0x1f4: {  	s3 =	rddreg [dreg:$0x6]  }
0x1f5: {  	[sflag:s12] =	ssyncset.done @!p1 $0x0;
	s14 =	sadd.s32 s21, s3  }
0x1f6: {  	s11 =	simm.s32 $0xA0;
	[sflag:s12] =	ssyncadd.s32 @!p1 $0xFFFFEC00;
	s9 =	sadd.s32 $0x14, s14  }
0x1f7: {  	[tilespmem:s11], [sflag:$0x1] =	stream.linear.gather [hbm4b:s9+s22], $0xA0, $0x38;
	[tilespmem:$0x1E280] =	vst v63  }
0x1f8: {  	s3 =	simm.s32 $0x1E0;
	s10 =	sadd.s32 $0x9C54, s14  }
0x1f9: {  	[tilespmem:s3], [sflag:$0x2] =	stream.linear.gather [hbm4b:s10+s22], $0xA0, $0x38;
	[tilespmem:$0x1E280] =	vst v63  }
0x1fa: {  	_ =	swait.ge [sflag:s25], $0x1400  }
0x1fb: {  	[sflag:s25] =	ssyncset.done $0x0  }
0x1fc: {  	s22 =	simm.s32 $0x280;
	[sflag:s25] =	ssyncadd.s32 $0xFFFFEC00  }
0x1fd: {  	[spmem:s4] =	stream.indirect.scatter.add.f32 [tilespmem:s22], [sflag:$0xB], $0x80, s17, s13, $0xb8;
	[tilespmem:$0x1E280] =	vst v63  }
0x1fe: {  	_ =	swait.ge [sflag:s28], $0x1400  }
0x1ff: {  	[sflag:s28] =	ssyncset.done $0x0  }
0x200: {  	s24 =	simm.s32 $0x1680;
	s10 =	simm.s32 $0x168;
	[sflag:s28] =	ssyncadd.s32 $0xFFFFEC00  }
0x201: {  	[spmem:s4] =	stream.indirect.scatter.add.f32 [tilespmem:s24], [sflag:$0xC], $0x80, s10, s13, $0xb8;
	[tilespmem:$0x1E280] =	vst v63  }
0x202: {  	_ =	swait.ge [sflag:s8], $0x1400  }
0x203: {  	[sflag:s8] =	ssyncset.done $0x0  }
0x204: {  	s21 =	simm.s32 $0x2A80;
	s12 =	simm.s32 $0x190;
	[sflag:s8] =	ssyncadd.s32 $0xFFFFEC00  }
0x205: {  	[spmem:s4] =	stream.indirect.scatter.add.f32 [tilespmem:s21], [sflag:$0xD], $0x80, s12, s13, $0xb8;
	[tilespmem:$0x1E280] =	vst v63  }
0x206: {  	_ =	swait.ge [sflag:s20], $0x1400  }
0x207: {  	[sflag:s20] =	ssyncset.done $0x0  }
0x208: {  	s19 =	simm.s32 $0x3E80;
	s23 =	simm.s32 $0x1B8;
	[sflag:s20] =	ssyncadd.s32 $0xFFFFEC00  }
0x209: {  	[spmem:s4] =	stream.indirect.scatter.add.f32 [tilespmem:s19], [sflag:$0xE], $0x80, s23, s13, $0xb8;
	[tilespmem:$0x1E280] =	vst v63  }
0x20a: {  	_ =	swait.ge [sflag:s0], $0xA0  }
0x20b: {  	[sflag:s0] =	ssyncset.done $0x0  }
0x20c: {  	[sflag:s0] =	ssyncadd.s32 $0xFFFFFF60  }
0x20d: {  	_ =	swait.ge [sflag:s6], $0xA0  }
0x20e: {  	[sflag:s6] =	ssyncset.done $0x0  }
0x20f: {  	s10 =	simm.s32 $0x5280;
	[sflag:s6] =	ssyncadd.s32 $0xFFFFFF60  }
0x210: {  	[tilespmem:s10], [sflag:$0x7] =	stream.indirect.gather [hbm4b:s1+s13], $0x80, s11, s13, $0xb8;
	[tilespmem:$0x1E280] =	vst v63  }
0x211: {  	s9 =	simm.s32 $0xC8;
	s23 =	simm.s32 $0x6680  }
0x212: {  	[tilespmem:s23], [sflag:$0x8] =	stream.indirect.gather [hbm4b:s1+s13], $0x80, s9, s13, $0xb8;
	[tilespmem:$0x1E280] =	vst v63  }
0x213: {  	s12 =	simm.s32 $0xF0;
	s19 =	simm.s32 $0x7A80  }
0x214: {  	[tilespmem:s19], [sflag:$0x9] =	stream.indirect.gather [hbm4b:s1+s13], $0x80, s12, s13, $0xb8;
	[tilespmem:$0x1E280] =	vst v63  }
0x215: {  	s11 =	simm.s32 $0x8E80;
	s9 =	simm.s32 $0x118  }
0x216: {  	[tilespmem:s11], [sflag:$0xA] =	stream.indirect.gather [hbm4b:s1+s13], $0x80, s9, s13, $0xb8;
	[tilespmem:$0x1E280] =	vst v63  }
0x217: {  	_ =	swait.ge [sflag:s5], $0x1400  }
0x218: {  	[sflag:s5] =	ssyncset.done $0x0  }
0x219: {  	[sflag:s5] =	ssyncadd.s32 $0xFFFFEC00  }
0x21a: {  	_ =	swait.ge [sflag:s16], $0x1400  }
0x21b: {  	[sflag:s16] =	ssyncset.done $0x0  }
0x21c: {  	[sflag:s16] =	ssyncadd.s32 $0xFFFFEC00  }
0x21d: {  	_ =	swait.ge [sflag:s18], $0x1400  }
0x21e: {  	[sflag:s18] =	ssyncset.done $0x0  }
0x21f: {  	[sflag:s18] =	ssyncadd.s32 $0xFFFFEC00  }
0x220: {  	_ =	swait.ge [sflag:s26], $0x1400  }
0x221: {  	[sflag:s26] =	ssyncset.done $0x0  }
0x222: {  	s29 =	simm.s32 $0x0;
	s9 =	sadd.s32 $0x28, s14;
	[sflag:s26] =	ssyncadd.s32 $0xFFFFEC00  }
0x223: {  	[tilespmem:s29], [sflag:$0x1] =	stream.linear.gather [hbm4b:s9+s29], $0xA0, $0x38;
	[tilespmem:$0x1E280] =	vst v63  }
0x224: {  	s14 =	sadd.s32 $0x9C68, s14  }
0x225: {  	[tilespmem:s17], [sflag:$0x2] =	stream.linear.gather [hbm4b:s14+s29], $0xA0, $0x38;
	[tilespmem:$0x1E280] =	vst v63  }
0x226: {  	_ =	swait.ge [sflag:s30], $0x1400  }
0x227: {  	[sflag:s30] =	ssyncset.done $0x0  }
0x228: {  	[sflag:s30] =	ssyncadd.s32 $0xFFFFEC00  }
0x229: {  	[spmem:s4] =	stream.indirect.scatter.add.f32 [tilespmem:s10], [sflag:$0xF], $0x80, s3, s13, $0xb8;
	[tilespmem:$0x1E280] =	vst v63  }
0x22a: {  	_ =	swait.ge [sflag:s31], $0x1400  }
0x22b: {  	[sflag:s31] =	ssyncset.done $0x0  }
0x22c: {  	[sflag:s31] =	ssyncadd.s32 $0xFFFFEC00  }
0x22d: {  	[spmem:s4] =	stream.indirect.scatter.add.f32 [tilespmem:s23], [sflag:$0x10], $0x80, s15, s13, $0xb8;
	[tilespmem:$0x1E280] =	vst v63  }
0x22e: {  	_ =	swait.ge [sflag:s7], $0x1400  }
0x22f: {  	[sflag:s7] =	ssyncset.done $0x0  }
0x230: {  	s16 =	simm.s32 $0x230;
	s18 =	simm.s32 $0xA;
	[sflag:s7] =	ssyncadd.s32 $0xFFFFEC00  }
0x231: {  	[spmem:s4] =	stream.indirect.scatter.add.f32 [tilespmem:s19], [sflag:$0x11], $0x80, s16, s13, $0xb8;
	[tilespmem:$0x1E280] =	vst v63  }
0x232: {  	_ =	swait.ge [sflag:s18], $0x1400  }
0x233: {  	[sflag:s18] =	ssyncset.done $0x0  }
0x234: {  	s19 =	simm.s32 $0x258;
	[sflag:s18] =	ssyncadd.s32 $0xFFFFEC00  }
0x235: {  	[spmem:s4] =	stream.indirect.scatter.add.f32 [tilespmem:s11], [sflag:$0x12], $0x80, s19, s13, $0xb8;
	[tilespmem:$0x1E280] =	vst v63  }
0x236: {  	s5 =	simm.s32 $0x1680;
	_ =	swait.ge [sflag:s0], $0xA0  }
0x237: {  	s26 =	simm.s32 $0x3E80;
	s9 =	simm.s32 $0xA;
	[sflag:s0] =	ssyncset.done $0x0  }
0x238: {  	s14 =	simm.s32 $0x280;
	s30 =	simm.s32 $0xE;
	[sflag:s0] =	ssyncadd.s32 $0xFFFFFF60  }
0x239: {  	s3 =	simm.s32 $0x3E80;
	s10 =	simm.s32 $0x168;
	_ =	swait.ge [sflag:s6], $0xA0  }
0x23a: {  	s31 =	simm.s32 $0x7;
	s23 =	simm.s32 $0x50;
	[sflag:s6] =	ssyncset.done $0x0  }
0x23b: {  	s15 =	simm.s32 $0x2A80;
	s7 =	simm.s32 $0x8;
	[sflag:s6] =	ssyncadd.s32 $0xFFFFFF60  }
0x23c: {  	[tilespmem:s22], [sflag:$0x3] =	stream.indirect.gather [hbm4b:s1+s13], $0x80, s29, s13, $0xb8;
	[tilespmem:$0x1E280] =	vst v63  }
0x23d: {  	s16 =	simm.s32 $0xB;
	s18 =	simm.s32 $0xC;
	s11 =	simm.s32 $0x190  }
0x23e: {  	[tilespmem:s24], [sflag:$0x4] =	stream.indirect.gather [hbm4b:s1+s13], $0x80, s13, s13, $0xb8;
	[tilespmem:$0x1E280] =	vst v63  }
.Ltmp5:
0x23f: {  	s19 =	simm.s32 $0x1B8;
	s12 =	rddreg [dreg:$0x8];
	(pc) =	sbr.rel .LBB2_10-.Ltmp5, $4  }
0x240: {  	[tilespmem:s21], [sflag:$0x5] =	stream.indirect.gather [hbm4b:s1+s13], $0x80, s23, s13, $0xb8;
	[tilespmem:$0x1E280] =	vst v63  }
0x241: {  	s22 =	simm.s32 $0x0;
	s29 =	simm.s32 $0x9;
	s24 =	simm.s32 $0x78  }
0x242: {  	[tilespmem:s26], [sflag:$0x6] =	stream.indirect.gather [hbm4b:s1+s13], $0x80, s24, s13, $0xb8;
	[tilespmem:$0x1E280] =	vst v63  }
0x243: {  	s23 =	simm.s32 $0x50;
	s24 =	sld [smem:$0x7F8];
	s26 =	simm.s32 $0xD  }
.LBB2_4:
0x244: {  	[tilespmem:s21], [sflag:$0x3] =	stream.indirect.gather [hbm4b:s2+s13], $0x80, s12, s13, $0xb8;
	[tilespmem:$0x1E280] =	vst v63  }
0x245: {  	_ = 	snop  }
0x246: {  	[tilespmem:s5], [sflag:$0x4] =	stream.indirect.gather [hbm4b:s2+s13], $0x80, s13, s13, $0xb8;
	[tilespmem:$0x1E280] =	vst v63  }
0x247: {  	s1 =	simm.s32 $0x2A80  }
0x248: {  	[tilespmem:s1], [sflag:$0x5] =	stream.indirect.gather [hbm4b:s2+s13], $0x80, s23, s13, $0xb8;
	[tilespmem:$0x1E280] =	vst v63  }
0x249: {  	s11 =	simm.s32 $0x78;
	s25 =	simm.s32 $0x3E80  }
0x24a: {  	[tilespmem:s25], [sflag:$0x6] =	stream.indirect.gather [hbm4b:s2+s13], $0x80, s11, s13, $0xb8;
	[tilespmem:$0x1E280] =	vst v63  }
0x24b: {  	s24 =	simm.s32 $0x5280  }
0x24c: {  	[spmem:s19] =	stream.linear.scatter [tilespmem:s24], [sflag:$0x13], $0x1400, $0x38;
	[tilespmem:$0x1E280] =	vst v63  }
0x24d: {  	_ =	swait.ge [sflag:s15], $0x1400  }
0x24e: {  	[sflag:s15] =	ssyncset.done $0x0  }
0x24f: {  	s1 =	rddreg [dreg:$0xa];
	[sflag:s15] =	ssyncadd.s32 $0xFFFFEC00  }
0x250: {  	[spmem:s1] =	stream.linear.scatter [tilespmem:s24], [sflag:$0x13], $0x1400, $0x38;
	[tilespmem:$0x1E280] =	vst v63  }
0x251: {  	_ =	swait.ge [sflag:s15], $0x1400  }
0x252: {  	[sflag:s15] =	ssyncset.done $0x0  }
0x253: {  	s11 =	rddreg [dreg:$0xb];
	[sflag:s15] =	ssyncadd.s32 $0xFFFFEC00  }
0x254: {  	[spmem:s11] =	stream.linear.scatter [tilespmem:s24], [sflag:$0x13], $0x1400, $0x38;
	[tilespmem:$0x1E280] =	vst v63  }
0x255: {  	_ =	swait.ge [sflag:s15], $0x1400  }
0x256: {  	[sflag:s15] =	ssyncset.done $0x0  }
0x257: {  	s14 =	rddreg [dreg:$0xc];
	[sflag:s15] =	ssyncadd.s32 $0xFFFFEC00  }
0x258: {  	[spmem:s14] =	stream.linear.scatter [tilespmem:s24], [sflag:$0x13], $0x1400, $0x38;
	[tilespmem:$0x1E280] =	vst v63  }
0x259: {  	_ =	swait.ge [sflag:s15], $0x1400  }
0x25a: {  	[sflag:s15] =	ssyncset.done $0x0  }
0x25b: {  	s19 =	rddreg [dreg:$0xd];
	[sflag:s15] =	ssyncadd.s32 $0xFFFFEC00  }
0x25c: {  	[spmem:s19] =	stream.linear.scatter [tilespmem:s24], [sflag:$0x13], $0x1400, $0x38;
	[tilespmem:$0x1E280] =	vst v63  }
0x25d: {  	_ =	swait.ge [sflag:s15], $0x1400  }
0x25e: {  	[sflag:s15] =	ssyncset.done $0x0  }
0x25f: {  	s1 =	rddreg [dreg:$0xe];
	[sflag:s15] =	ssyncadd.s32 $0xFFFFEC00  }
0x260: {  	[spmem:s1] =	stream.linear.scatter [tilespmem:s24], [sflag:$0x13], $0x1400, $0x38;
	[tilespmem:$0x1E280] =	vst v63  }
0x261: {  	_ =	swait.ge [sflag:s15], $0x1400  }
0x262: {  	[sflag:s15] =	ssyncset.done $0x0  }
0x263: {  	s11 =	rddreg [dreg:$0xf];
	[sflag:s15] =	ssyncadd.s32 $0xFFFFEC00  }
0x264: {  	[spmem:s11] =	stream.linear.scatter [tilespmem:s24], [sflag:$0x13], $0x1400, $0x38;
	[tilespmem:$0x1E280] =	vst v63  }
0x265: {  	_ =	swait.ge [sflag:s15], $0x1400  }
0x266: {  	[sflag:s15] =	ssyncset.done $0x0  }
0x267: {  	s14 =	rddreg [dreg:$0x10];
	[sflag:s15] =	ssyncadd.s32 $0xFFFFEC00  }
0x268: {  	[spmem:s14] =	stream.linear.scatter [tilespmem:s24], [sflag:$0x13], $0x1400, $0x38;
	[tilespmem:$0x1E280] =	vst v63  }
0x269: {  	_ =	swait.ge [sflag:s15], $0x1400  }
0x26a: {  	[sflag:s15] =	ssyncset.done $0x0  }
0x26b: {  	s19 =	rddreg [dreg:$0x11];
	[sflag:s15] =	ssyncadd.s32 $0xFFFFEC00  }
0x26c: {  	[spmem:s19] =	stream.linear.scatter [tilespmem:s24], [sflag:$0x13], $0x1400, $0x38;
	[tilespmem:$0x1E280] =	vst v63  }
0x26d: {  	_ =	swait.ge [sflag:s15], $0x1400  }
0x26e: {  	[sflag:s15] =	ssyncset.done $0x0  }
0x26f: {  	s1 =	rddreg [dreg:$0x12];
	[sflag:s15] =	ssyncadd.s32 $0xFFFFEC00  }
0x270: {  	[spmem:s1] =	stream.linear.scatter [tilespmem:s24], [sflag:$0x13], $0x1400, $0x38;
	[tilespmem:$0x1E280] =	vst v63  }
0x271: {  	_ =	swait.ge [sflag:s15], $0x1400  }
0x272: {  	[sflag:s15] =	ssyncset.done $0x0  }
0x273: {  	s11 =	rddreg [dreg:$0x13];
	[sflag:s15] =	ssyncadd.s32 $0xFFFFEC00  }
0x274: {  	[spmem:s11] =	stream.linear.scatter [tilespmem:s24], [sflag:$0x13], $0x1400, $0x38;
	[tilespmem:$0x1E280] =	vst v63  }
0x275: {  	_ =	swait.ge [sflag:s15], $0x1400  }
0x276: {  	[sflag:s15] =	ssyncset.done $0x0  }
0x277: {  	s14 =	rddreg [dreg:$0x14];
	[sflag:s15] =	ssyncadd.s32 $0xFFFFEC00  }
0x278: {  	[spmem:s14] =	stream.linear.scatter [tilespmem:s24], [sflag:$0x13], $0x1400, $0x38;
	[tilespmem:$0x1E280] =	vst v63  }
0x279: {  	_ =	swait.ge [sflag:s15], $0x1400  }
0x27a: {  	[sflag:s15] =	ssyncset.done $0x0  }
0x27b: {  	s19 =	rddreg [dreg:$0x15];
	[sflag:s15] =	ssyncadd.s32 $0xFFFFEC00  }
0x27c: {  	[spmem:s19] =	stream.linear.scatter [tilespmem:s24], [sflag:$0x13], $0x1400, $0x38;
	[tilespmem:$0x1E280] =	vst v63  }
0x27d: {  	_ =	swait.ge [sflag:s15], $0x1400  }
0x27e: {  	[sflag:s15] =	ssyncset.done $0x0  }
0x27f: {  	s1 =	rddreg [dreg:$0x16];
	[sflag:s15] =	ssyncadd.s32 $0xFFFFEC00  }
0x280: {  	[spmem:s1] =	stream.linear.scatter [tilespmem:s24], [sflag:$0x13], $0x1400, $0x38;
	[tilespmem:$0x1E280] =	vst v63  }
0x281: {  	_ =	swait.ge [sflag:s15], $0x1400  }
0x282: {  	[sflag:s15] =	ssyncset.done $0x0  }
0x283: {  	s11 =	rddreg [dreg:$0x17];
	[sflag:s15] =	ssyncadd.s32 $0xFFFFEC00  }
0x284: {  	[spmem:s11] =	stream.linear.scatter [tilespmem:s24], [sflag:$0x13], $0x1400, $0x38;
	[tilespmem:$0x1E280] =	vst v63  }
0x285: {  	_ =	swait.ge [sflag:s15], $0x1400  }
0x286: {  	[sflag:s15] =	ssyncset.done $0x0  }
0x287: {  	s14 =	rddreg [dreg:$0x18];
	[sflag:s15] =	ssyncadd.s32 $0xFFFFEC00  }
0x288: {  	[spmem:s14] =	stream.linear.scatter [tilespmem:s24], [sflag:$0x13], $0x1400, $0x38;
	[tilespmem:$0x1E280] =	vst v63  }
0x289: {  	_ =	swait.ge [sflag:s15], $0x1400  }
0x28a: {  	p1 =	por $0x1, $0x1;
	[sflag:s15] =	ssyncset.done $0x0  }
0x28b: {  	p1 =	por p1, p1;
	[sflag:s15] =	ssyncadd.s32 $0xFFFFEC00  }
0x28c: {  	s12 =	simm.s32 @!p1 $0xF;
	[bflag:$0x0] =	sbarrier.arrive $0xFFFF  }
0x28d: {  	_ =	swait.ge @!p1 [sflag:s12], $0x1400  }
0x28e: {  	[sflag:s12] =	ssyncset.done @!p1 $0x0  }
0x28f: {  	[sflag:s12] =	ssyncadd.s32 @!p1 $0xFFFFEC00;
	s12 =	simm.s32 @!p1 $0x10  }
0x290: {  	_ =	swait.ge @!p1 [sflag:s12], $0x1400  }
0x291: {  	[sflag:s12] =	ssyncset.done @!p1 $0x0  }
0x292: {  	[sflag:s12] =	ssyncadd.s32 @!p1 $0xFFFFEC00;
	s12 =	simm.s32 @!p1 $0x11  }
0x293: {  	_ =	swait.ge @!p1 [sflag:s12], $0x1400  }
0x294: {  	[sflag:s12] =	ssyncset.done @!p1 $0x0  }
0x295: {  	[sflag:s12] =	ssyncadd.s32 @!p1 $0xFFFFEC00;
	s12 =	simm.s32 @!p1 $0x12  }
0x296: {  	_ =	swait.ge @!p1 [sflag:s12], $0x1400  }
0x297: {  	s15 =	rddreg [dreg:$0x6]  }
0x298: {  	[sflag:s12] =	ssyncset.done @!p1 $0x0;
	s14 =	sadd.s32 $0x0, s15  }
0x299: {  	s11 =	simm.s32 $0xA0;
	[sflag:s12] =	ssyncadd.s32 @!p1 $0xFFFFEC00;
	s19 =	sadd.s32 $0x14, s14  }
0x29a: {  	[tilespmem:s11], [sflag:$0x1] =	stream.linear.gather [hbm4b:s19+s22], $0xA0, $0x38;
	[tilespmem:$0x1E280] =	vst v63  }
0x29b: {  	s15 =	simm.s32 $0x1E0;
	s1 =	sadd.s32 $0x9C54, s14  }
0x29c: {  	[tilespmem:s15], [sflag:$0x2] =	stream.linear.gather [hbm4b:s1+s22], $0xA0, $0x38;
	[tilespmem:$0x1E280] =	vst v63  }
0x29d: {  	_ =	swait.ge [sflag:s3], $0x1400  }
0x29e: {  	[sflag:s3] =	ssyncset.done $0x0  }
0x29f: {  	[sflag:s3] =	ssyncadd.s32 $0xFFFFEC00  }
0x2a0: {  	[spmem:s4] =	stream.indirect.scatter.add.f32 [tilespmem:s21], [sflag:$0xB], $0x80, s17, s13, $0xb8;
	[tilespmem:$0x1E280] =	vst v63  }
0x2a1: {  	_ =	swait.ge [sflag:s10], $0x1400  }
0x2a2: {  	[sflag:s10] =	ssyncset.done $0x0  }
0x2a3: {  	s12 =	simm.s32 $0x168;
	[sflag:s10] =	ssyncadd.s32 $0xFFFFEC00  }
0x2a4: {  	[spmem:s4] =	stream.indirect.scatter.add.f32 [tilespmem:s5], [sflag:$0xC], $0x80, s12, s13, $0xb8;
	[tilespmem:$0x1E280] =	vst v63  }
0x2a5: {  	_ =	swait.ge [sflag:s8], $0x1400  }
0x2a6: {  	[sflag:s8] =	ssyncset.done $0x0  }
0x2a7: {  	s19 =	simm.s32 $0x190;
	s1 =	simm.s32 $0x2A80;
	[sflag:s8] =	ssyncadd.s32 $0xFFFFEC00  }
0x2a8: {  	[spmem:s4] =	stream.indirect.scatter.add.f32 [tilespmem:s1], [sflag:$0xD], $0x80, s19, s13, $0xb8;
	[tilespmem:$0x1E280] =	vst v63  }
0x2a9: {  	_ =	swait.ge [sflag:s20], $0x1400  }
0x2aa: {  	[sflag:s20] =	ssyncset.done $0x0  }
0x2ab: {  	s8 =	simm.s32 $0x1B8;
	[sflag:s20] =	ssyncadd.s32 $0xFFFFEC00  }
0x2ac: {  	[spmem:s4] =	stream.indirect.scatter.add.f32 [tilespmem:s25], [sflag:$0xE], $0x80, s8, s13, $0xb8;
	[tilespmem:$0x1E280] =	vst v63  }
0x2ad: {  	_ =	swait.ge [sflag:s0], $0xA0  }
0x2ae: {  	[sflag:s0] =	ssyncset.done $0x0  }
0x2af: {  	[sflag:s0] =	ssyncadd.s32 $0xFFFFFF60  }
0x2b0: {  	_ =	swait.ge [sflag:s6], $0xA0  }
0x2b1: {  	[sflag:s6] =	ssyncset.done $0x0  }
0x2b2: {  	[sflag:s6] =	ssyncadd.s32 $0xFFFFFF60  }
0x2b3: {  	[tilespmem:s24], [sflag:$0x7] =	stream.indirect.gather [hbm4b:s2+s13], $0x80, s11, s13, $0xb8;
	[tilespmem:$0x1E280] =	vst v63  }
0x2b4: {  	s10 =	simm.s32 $0xC8;
	s11 =	simm.s32 $0x6680  }
0x2b5: {  	[tilespmem:s11], [sflag:$0x8] =	stream.indirect.gather [hbm4b:s2+s13], $0x80, s10, s13, $0xb8;
	[tilespmem:$0x1E280] =	vst v63  }
0x2b6: {  	s12 =	simm.s32 $0xF0;
	s10 =	simm.s32 $0x7A80  }
0x2b7: {  	[tilespmem:s10], [sflag:$0x9] =	stream.indirect.gather [hbm4b:s2+s13], $0x80, s12, s13, $0xb8;
	[tilespmem:$0x1E280] =	vst v63  }
0x2b8: {  	s3 =	simm.s32 $0x8E80;
	s19 =	simm.s32 $0x118  }
0x2b9: {  	[tilespmem:s3], [sflag:$0xA] =	stream.indirect.gather [hbm4b:s2+s13], $0x80, s19, s13, $0xb8;
	[tilespmem:$0x1E280] =	vst v63  }
0x2ba: {  	_ =	swait.ge [sflag:s16], $0x1400  }
0x2bb: {  	[sflag:s16] =	ssyncset.done $0x0  }
0x2bc: {  	[sflag:s16] =	ssyncadd.s32 $0xFFFFEC00  }
0x2bd: {  	_ =	swait.ge [sflag:s18], $0x1400  }
0x2be: {  	[sflag:s18] =	ssyncset.done $0x0  }
0x2bf: {  	[sflag:s18] =	ssyncadd.s32 $0xFFFFEC00  }
0x2c0: {  	_ =	swait.ge [sflag:s26], $0x1400  }
0x2c1: {  	[sflag:s26] =	ssyncset.done $0x0  }
0x2c2: {  	[sflag:s26] =	ssyncadd.s32 $0xFFFFEC00  }
0x2c3: {  	_ =	swait.ge [sflag:s30], $0x1400  }
0x2c4: {  	[sflag:s30] =	ssyncset.done $0x0  }
0x2c5: {  	s16 =	sadd.s32 $0x28, s14;
	[sflag:s30] =	ssyncadd.s32 $0xFFFFEC00  }
0x2c6: {  	[tilespmem:s22], [sflag:$0x1] =	stream.linear.gather [hbm4b:s16+s22], $0xA0, $0x38;
	[tilespmem:$0x1E280] =	vst v63  }
0x2c7: {  	s18 =	sadd.s32 $0x9C68, s14  }
0x2c8: {  	[tilespmem:s17], [sflag:$0x2] =	stream.linear.gather [hbm4b:s18+s22], $0xA0, $0x38;
	[tilespmem:$0x1E280] =	vst v63  }
0x2c9: {  	_ =	swait.ge [sflag:s31], $0x1400  }
0x2ca: {  	[sflag:s31] =	ssyncset.done $0x0  }
0x2cb: {  	[sflag:s31] =	ssyncadd.s32 $0xFFFFEC00  }
0x2cc: {  	[spmem:s4] =	stream.indirect.scatter.add.f32 [tilespmem:s24], [sflag:$0xF], $0x80, s15, s13, $0xb8;
	[tilespmem:$0x1E280] =	vst v63  }
0x2cd: {  	_ =	swait.ge [sflag:s7], $0x1400  }
0x2ce: {  	[sflag:s7] =	ssyncset.done $0x0  }
0x2cf: {  	s19 =	simm.s32 $0x208;
	[sflag:s7] =	ssyncadd.s32 $0xFFFFEC00  }
0x2d0: {  	[spmem:s4] =	stream.indirect.scatter.add.f32 [tilespmem:s11], [sflag:$0x10], $0x80, s19, s13, $0xb8;
	[tilespmem:$0x1E280] =	vst v63  }
0x2d1: {  	_ =	swait.ge [sflag:s29], $0x1400  }
0x2d2: {  	[sflag:s29] =	ssyncset.done $0x0  }
0x2d3: {  	s24 =	simm.s32 $0x230;
	[sflag:s29] =	ssyncadd.s32 $0xFFFFEC00  }
0x2d4: {  	[spmem:s4] =	stream.indirect.scatter.add.f32 [tilespmem:s10], [sflag:$0x11], $0x80, s24, s13, $0xb8;
	[tilespmem:$0x1E280] =	vst v63  }
0x2d5: {  	_ =	swait.ge [sflag:s9], $0x1400  }
0x2d6: {  	[sflag:s9] =	ssyncset.done $0x0  }
0x2d7: {  	s26 =	simm.s32 $0x258;
	[sflag:s9] =	ssyncadd.s32 $0xFFFFEC00  }
0x2d8: {  	[spmem:s4] =	stream.indirect.scatter.add.f32 [tilespmem:s3], [sflag:$0x12], $0x80, s26, s13, $0xb8;
	[tilespmem:$0x1E280] =	vst v63  }
0x2d9: {  	_ =	swait.ge [sflag:s0], $0xA0  }
0x2da: {  	s28 =	simm.s32 $0x4;
	p6 =	por $0x0, $0x0;
	[sflag:s0] =	ssyncset.done $0x0  }
0x2db: {  	p1 =	por p6, p6;
	s20 =	simm.s32 $0x6;
	[sflag:s0] =	ssyncadd.s32 $0xFFFFFF60  }
0x2dc: {  	s25 =	simm.s32 $0x3;
	s8 =	simm.s32 $0x5;
	_ =	swait.ge [sflag:s6], $0xA0  }
0x2dd: {  	s12 =	simm.s32 $0x50;
	s30 =	simm.s32 $0x7;
	[sflag:s6] =	ssyncset.done $0x0  }
0x2de: {  	s18 =	simm.s32 $0xB;
	s31 =	simm.s32 $0xD;
	[sflag:s6] =	ssyncadd.s32 $0xFFFFFF60  }
0x2df: {  	[tilespmem:s21], [sflag:$0x3] =	stream.indirect.gather [hbm4b:s2+s13], $0x80, s22, s13, $0xb8;
	[tilespmem:$0x1E280] =	vst v63  }
0x2e0: {  	s7 =	simm.s32 $0xE;
	s29 =	simm.s32 $0x8;
	s24 =	simm.s32 $0xA  }
0x2e1: {  	[tilespmem:s5], [sflag:$0x4] =	stream.indirect.gather [hbm4b:s2+s13], $0x80, s13, s13, $0xb8;
	[tilespmem:$0x1E280] =	vst v63  }
0x2e2: {  	s9 =	simm.s32 $0x9;
	s26 =	simm.s32 $0xC;
	s21 =	simm.s32 $0x28  }
0x2e3: {  	[tilespmem:s1], [sflag:$0x5] =	stream.indirect.gather [hbm4b:s2+s13], $0x80, s23, s13, $0xb8;
	[tilespmem:$0x1E280] =	vst v63  }
.LBB2_5:
0x2e4: {  	s14 =	simm.s32 $0x78;
	s10 =	simm.s32 $0x3E80  }
0x2e5: {  	[tilespmem:s10], [sflag:$0x6] =	stream.indirect.gather [hbm4b:s2+s13], $0x80, s14, s13, $0xb8;
	[tilespmem:$0x1E280] =	vst v63  }
0x2e6: {  	s14 =	simm.s32 @!p1 $0xF  }
0x2e7: {  	_ =	swait.ge @!p1 [sflag:s14], $0x1400  }
0x2e8: {  	[sflag:s14] =	ssyncset.done @!p1 $0x0  }
0x2e9: {  	[sflag:s14] =	ssyncadd.s32 @!p1 $0xFFFFEC00;
	s14 =	simm.s32 @!p1 $0x10  }
0x2ea: {  	_ =	swait.ge @!p1 [sflag:s14], $0x1400  }
0x2eb: {  	[sflag:s14] =	ssyncset.done @!p1 $0x0  }
0x2ec: {  	[sflag:s14] =	ssyncadd.s32 @!p1 $0xFFFFEC00;
	s14 =	simm.s32 @!p1 $0x11  }
0x2ed: {  	_ =	swait.ge @!p1 [sflag:s14], $0x1400  }
0x2ee: {  	[sflag:s14] =	ssyncset.done @!p1 $0x0  }
0x2ef: {  	s17 =	simm.s32 @!p1 $0x12;
	[sflag:s14] =	ssyncadd.s32 @!p1 $0xFFFFEC00  }
0x2f0: {  	_ =	swait.ge @!p1 [sflag:s17], $0x1400  }
0x2f1: {  	s1 =	rddreg [dreg:$0x6]  }
0x2f2: {  	[sflag:s17] =	ssyncset.done @!p1 $0x0;
	s14 =	sadd.s32 s21, s1  }
0x2f3: {  	s11 =	simm.s32 $0xA0;
	[sflag:s17] =	ssyncadd.s32 @!p1 $0xFFFFEC00;
	s3 =	sadd.s32 $0x14, s14  }
0x2f4: {  	[tilespmem:s11], [sflag:$0x1] =	stream.linear.gather [hbm4b:s3+s22], $0xA0, $0x38;
	[tilespmem:$0x1E280] =	vst v63  }
0x2f5: {  	s5 =	sadd.s32 $0x9C54, s14;
	s3 =	simm.s32 $0x1E0  }
0x2f6: {  	[tilespmem:s3], [sflag:$0x2] =	stream.linear.gather [hbm4b:s5+s22], $0xA0, $0x38;
	[tilespmem:$0x1E280] =	vst v63  }
0x2f7: {  	_ =	swait.ge [sflag:s25], $0x1400  }
0x2f8: {  	[sflag:s25] =	ssyncset.done $0x0  }
0x2f9: {  	s17 =	simm.s32 $0x140;
	s5 =	simm.s32 $0x280;
	[sflag:s25] =	ssyncadd.s32 $0xFFFFEC00  }
0x2fa: {  	[spmem:s4] =	stream.indirect.scatter.add.f32 [tilespmem:s5], [sflag:$0xB], $0x80, s17, s13, $0xb8;
	[tilespmem:$0x1E280] =	vst v63  }
0x2fb: {  	_ =	swait.ge [sflag:s28], $0x1400  }
0x2fc: {  	s16 =	simm.s32 $0x168;
	[sflag:s28] =	ssyncset.done $0x0  }
0x2fd: {  	s1 =	smov.u32 s2;
	s2 =	simm.s32 $0x1680;
	[sflag:s28] =	ssyncadd.s32 $0xFFFFEC00  }
0x2fe: {  	[spmem:s4] =	stream.indirect.scatter.add.f32 [tilespmem:s2], [sflag:$0xC], $0x80, s16, s13, $0xb8;
	[tilespmem:$0x1E280] =	vst v63  }
0x2ff: {  	_ =	swait.ge [sflag:s8], $0x1400  }
0x300: {  	[sflag:s8] =	ssyncset.done $0x0  }
0x301: {  	s19 =	simm.s32 $0x190;
	s16 =	simm.s32 $0x2A80;
	[sflag:s8] =	ssyncadd.s32 $0xFFFFEC00  }
0x302: {  	[spmem:s4] =	stream.indirect.scatter.add.f32 [tilespmem:s16], [sflag:$0xD], $0x80, s19, s13, $0xb8;
	[tilespmem:$0x1E280] =	vst v63  }
0x303: {  	_ =	swait.ge [sflag:s20], $0x1400  }
0x304: {  	[sflag:s20] =	ssyncset.done $0x0  }
0x305: {  	s23 =	simm.s32 $0x1B8;
	[sflag:s20] =	ssyncadd.s32 $0xFFFFEC00  }
0x306: {  	[spmem:s4] =	stream.indirect.scatter.add.f32 [tilespmem:s10], [sflag:$0xE], $0x80, s23, s13, $0xb8;
	[tilespmem:$0x1E280] =	vst v63  }
0x307: {  	_ =	swait.ge [sflag:s0], $0xA0  }
0x308: {  	[sflag:s0] =	ssyncset.done $0x0  }
0x309: {  	[sflag:s0] =	ssyncadd.s32 $0xFFFFFF60  }
0x30a: {  	_ =	swait.ge [sflag:s6], $0xA0  }
0x30b: {  	[sflag:s6] =	ssyncset.done $0x0  }
0x30c: {  	s15 =	smov.u32 s12;
	s10 =	simm.s32 $0x5280;
	[sflag:s6] =	ssyncadd.s32 $0xFFFFFF60  }
0x30d: {  	[tilespmem:s10], [sflag:$0x7] =	stream.indirect.gather [hbm4b:s1+s13], $0x80, s11, s13, $0xb8;
	[tilespmem:$0x1E280] =	vst v63  }
0x30e: {  	p3 =	seq.s32 s15, $0x0;
	s19 =	simm.s32 $0xC8;
	s23 =	simm.s32 $0x6680  }
0x30f: {  	[tilespmem:s23], [sflag:$0x8] =	stream.indirect.gather [hbm4b:s1+s13], $0x80, s19, s13, $0xb8;
	[tilespmem:$0x1E280] =	vst v63  }
0x310: {  	s21 =	smov.u32 s15;
	s15 =	simm.s32 $0xF0;
	s19 =	simm.s32 $0x7A80  }
0x311: {  	[tilespmem:s19], [sflag:$0x9] =	stream.indirect.gather [hbm4b:s1+s13], $0x80, s15, s13, $0xb8;
	[tilespmem:$0x1E280] =	vst v63  }
0x312: {  	s11 =	simm.s32 $0x8E80;
	s15 =	simm.s32 $0x118  }
0x313: {  	[tilespmem:s11], [sflag:$0xA] =	stream.indirect.gather [hbm4b:s1+s13], $0x80, s15, s13, $0xb8;
	[tilespmem:$0x1E280] =	vst v63  }
0x314: {  	_ =	swait.ge [sflag:s18], $0x1400  }
0x315: {  	[sflag:s18] =	ssyncset.done $0x0  }
0x316: {  	[sflag:s18] =	ssyncadd.s32 $0xFFFFEC00  }
0x317: {  	_ =	swait.ge [sflag:s26], $0x1400  }
0x318: {  	[sflag:s26] =	ssyncset.done $0x0  }
0x319: {  	[sflag:s26] =	ssyncadd.s32 $0xFFFFEC00  }
0x31a: {  	_ =	swait.ge [sflag:s31], $0x1400  }
0x31b: {  	[sflag:s31] =	ssyncset.done $0x0  }
0x31c: {  	[sflag:s31] =	ssyncadd.s32 $0xFFFFEC00  }
0x31d: {  	_ =	swait.ge [sflag:s7], $0x1400  }
0x31e: {  	[sflag:s7] =	ssyncset.done $0x0  }
0x31f: {  	s15 =	sadd.s32 $0x28, s14;
	[sflag:s7] =	ssyncadd.s32 $0xFFFFEC00  }
0x320: {  	[tilespmem:s22], [sflag:$0x1] =	stream.linear.gather [hbm4b:s15+s22], $0xA0, $0x38;
	[tilespmem:$0x1E280] =	vst v63  }
0x321: {  	s14 =	sadd.s32 $0x9C68, s14  }
0x322: {  	[tilespmem:s17], [sflag:$0x2] =	stream.linear.gather [hbm4b:s14+s22], $0xA0, $0x38;
	[tilespmem:$0x1E280] =	vst v63  }
0x323: {  	_ =	swait.ge [sflag:s30], $0x1400  }
0x324: {  	[sflag:s30] =	ssyncset.done $0x0  }
0x325: {  	[sflag:s30] =	ssyncadd.s32 $0xFFFFEC00  }
0x326: {  	[spmem:s4] =	stream.indirect.scatter.add.f32 [tilespmem:s10], [sflag:$0xF], $0x80, s3, s13, $0xb8;
	[tilespmem:$0x1E280] =	vst v63  }
0x327: {  	_ =	swait.ge [sflag:s29], $0x1400  }
0x328: {  	[sflag:s29] =	ssyncset.done $0x0  }
0x329: {  	s15 =	simm.s32 $0x208;
	[sflag:s29] =	ssyncadd.s32 $0xFFFFEC00  }
0x32a: {  	[spmem:s4] =	stream.indirect.scatter.add.f32 [tilespmem:s23], [sflag:$0x10], $0x80, s15, s13, $0xb8;
	[tilespmem:$0x1E280] =	vst v63  }
0x32b: {  	_ =	swait.ge [sflag:s9], $0x1400  }
0x32c: {  	[sflag:s9] =	ssyncset.done $0x0  }
0x32d: {  	s14 =	simm.s32 $0x230;
	[sflag:s9] =	ssyncadd.s32 $0xFFFFEC00  }
0x32e: {  	[spmem:s4] =	stream.indirect.scatter.add.f32 [tilespmem:s19], [sflag:$0x11], $0x80, s14, s13, $0xb8;
	[tilespmem:$0x1E280] =	vst v63  }
0x32f: {  	_ =	swait.ge [sflag:s24], $0x1400  }
0x330: {  	[sflag:s24] =	ssyncset.done $0x0  }
0x331: {  	s19 =	simm.s32 $0x258;
	[sflag:s24] =	ssyncadd.s32 $0xFFFFEC00  }
0x332: {  	[spmem:s4] =	stream.indirect.scatter.add.f32 [tilespmem:s11], [sflag:$0x12], $0x80, s19, s13, $0xb8;
	[tilespmem:$0x1E280] =	vst v63  }
0x333: {  	_ =	swait.ge [sflag:s0], $0xA0  }
0x334: {  	[sflag:s0] =	ssyncset.done $0x0  }
0x335: {  	[sflag:s0] =	ssyncadd.s32 $0xFFFFFF60  }
0x336: {  	_ =	swait.ge [sflag:s6], $0xA0  }
0x337: {  	s12 =	sadd.s32 $0x28, s12;
	[sflag:s6] =	ssyncset.done $0x0  }
0x338: {  	p2 =	seq.s32 s12, $0x9B0;
	[sflag:s6] =	ssyncadd.s32 $0xFFFFFF60  }
0x339: {  	[tilespmem:s5], [sflag:$0x3] =	stream.indirect.gather [hbm4b:s1+s13], $0x80, s22, s13, $0xb8;
	[tilespmem:$0x1E280] =	vst v63  }
.Ltmp6:
0x33a: {  	_ = 	snop;
	(pc) =	sbr.rel @!p2 .LBB2_5-.Ltmp6, $4  }
0x33b: {  	_ = 	snop  }
0x33c: {  	[tilespmem:s2], [sflag:$0x4] =	stream.indirect.gather [hbm4b:s1+s13], $0x80, s13, s13, $0xb8;
	[tilespmem:$0x1E280] =	vst v63  }
0x33d: {  	p1 =	por p3, p3;
	s23 =	simm.s32 $0x50;
	s2 =	smov.u32 s1  }
0x33e: {  	[tilespmem:s16], [sflag:$0x5] =	stream.indirect.gather [hbm4b:s1+s13], $0x80, s23, s13, $0xb8;
	[tilespmem:$0x1E280] =	vst v63  }
.Ltmp7:
0x33f: {  	_ = 	snop;
	(pc) =	sbr.rel .LBB2_6-.Ltmp7, $1  }
0x340: {  	_ =	sdelay $0x3  }
.LBB2_11:
0x341: {  	_ =	sfence.sel $0x180000  }
0x342: {  	[bflag:$0x0] =	sbarrier.arrive $0xFFFF  }
0x343: {  	_ =	strace $0x90000047  }
0x344: {  	s0 =	stileid.u32;
	[bflag:$0x2] =	sbarrier.arrive $0xFFFF  }
0x345: {  	p0 =	sne.s32 s0, $0x0;
	s0 =	rddreg [dreg:$0x5]  }
0x346: {  	s0 =	sadd.s32 @!p0 $0x100000, s0  }
0x347: {  	[sflag:s0] =	ssyncadd.tile.s32 @!p0 $0x1;
	_ =	shalt  }
.Lfunc_end2:
_tile_overlayer_lowered:
.L_overlay_start_2:
0x348: {  	(tag) =	ssettag $0x2  }
0x349: {  	s0 =	rddreg [dreg:$0x0];
	s2 =	stileid.u32  }
0x34a: {  	s1 =	rddreg [dreg:$0x1];
	p0 =	sne.s32 s2, $0x0  }
0x34b: {  	s3 =	rddreg [dreg:$0x2];
	[bflag:$0x3] =	sbarrier.arrive $0xFFFF;
	s2 =	simm.s32 @!p0 $0x1C13  }
0x34c: {  	[timem:s3], [sflag:s2] =	dma.local @!p0 [hbm:s0], s1  }
0x34d: {  	s0 =	simm.s32 @!p0 $0x13  }
0x34e: {  	_ =	swait.ge @!p0 [sflag:s0], s1  }
0x34f: {  	s1 =	ssub.s32 @!p0 $0x0, s1;
	[sflag:s0] =	ssyncset.done @!p0 $0x0  }
0x350: {  	[sflag:s0] =	ssyncadd.s32 @!p0 s1  }
0x351: {  	[bflag:$0x3] =	sbarrier.arrive $0xFFFF  }
0x352: {  	_ =	shalt  }

</sc_bundles>
